<compile_context>
chip_gen: v7x
topology: tpu7x:2x2x1
jax: 0.10.2.dev20260603
libtpu: 0.0.44.dev20260713+nightly
codegen_flags: <defaults>
</compile_context>

<pallas_src>
import functools

import jax
import jax.numpy as jnp
from jax import lax
from jax.experimental import pallas as pl
from jax.experimental.pallas import tpu as pltpu
from jax.experimental.pallas import tpu_sc as plsc

B = 1024
D = 512
N = 100000
K = 16
W = 2000
NB = N // W

NW = 32
QW = B // NW
CH = D // 16


def _topk_body(hc_ref, db_ref, ti_ref, mu_ref, r1_ref, q_ref, e_ref):
    j = pl.program_id(0)

    @pl.when(j == 0)
    def _init():
        ti_ref[...] = jnp.zeros((B, K), dtype=jnp.int32)

    h = hc_ref[...]
    hn = h * lax.rsqrt(jnp.maximum(jnp.sum(h * h, axis=1, keepdims=True), 1e-24))
    db = db_ref[...]
    inv = lax.rsqrt(jnp.maximum(jnp.sum(db * db, axis=1), 1e-24))
    s = lax.dot_general(hn.astype(jnp.bfloat16), db.astype(jnp.bfloat16),
                        (((1,), (1,)), ((), ())),
                        preferred_element_type=jnp.float32)
    s = s * inv[None, :]

    IDM = 131071
    sp = s + 3.0

    lane = lax.broadcasted_iota(jnp.int32, (B, K), 1)
    tk0 = ti_ref[...]

    NSL = (W + 127) // 128

    def slice_t(t):
        lo, hi = t * 128, min((t + 1) * 128, W)
        ub = lax.bitcast_convert_type(sp[:, lo:hi], jnp.int32)
        iw = lax.broadcasted_iota(jnp.int32, (B, hi - lo), 1)
        kk = ((((ub >> 9) & jnp.int32(0x3FFF)) << 17)
              | (IDM - j * W - lo - iw))
        if hi - lo < 128:
            kk = jnp.concatenate(
                [kk, jnp.zeros((B, 128 - (hi - lo)), jnp.int32)], axis=1)
        return kk

    def build(flo):
        leaves = []
        for t in range(NSL):
            st = slice_t(t)
            if flo is not None:
                st = jnp.where(st < flo, st, 0)
            leaves.append(st)
        his = leaves
        los = [jnp.zeros_like(leaves[0])] * len(leaves)
        while len(his) > 1:
            nh, nl = [], []
            for i in range(0, len(his) - 1, 2):
                h1, h2 = his[i], his[i + 1]
                l1, l2 = los[i], los[i + 1]
                nh.append(jnp.maximum(h1, h2))
                nl.append(jnp.maximum(jnp.minimum(h1, h2),
                                      jnp.maximum(l1, l2)))
            if len(his) % 2:
                nh.append(his[-1])
                nl.append(los[-1])
            his, los = nh, nl
        return his[0], los[0]

    def inner_body(c):
        _, tk = c
        r1 = r1_ref[...]
        vk = jnp.max(r1, axis=1, keepdims=True)
        need = vk > tk[:, K - 1:K]
        mask = r1 == vk
        q = q_ref[...]
        r1_ref[...] = jnp.where(mask, jnp.maximum(q, 0), r1)
        q_ref[...] = jnp.where(mask, -vk, q)
        rank = jnp.sum((tk > vk).astype(jnp.int32), axis=1, keepdims=True)
        sk = pltpu.roll(tk, shift=1, axis=1)
        nk = jnp.where(lane < rank, tk, jnp.where(lane == rank, vk, sk))
        tk2 = jnp.where(need, nk, tk)
        return jnp.any(need), tk2

    def outer_body(c):
        _, tk = c
        go0 = jnp.any(jnp.max(r1_ref[...], axis=1, keepdims=True)
                      > tk[:, K - 1:K])
        _, tk = lax.while_loop(lambda cc: cc[0], inner_body, (go0, tk))
        q = q_ref[...]
        refneed = jnp.any((r1_ref[...] == 0) & (e_ref[...] == 0)
                          & ((0 - q) > tk[:, K - 1:K]))

        @pl.when(refneed)
        def _refill():
            flo = jnp.where(q < 0, 0 - q, jnp.int32(0x7FFFFFFF))
            r1, r2 = build(flo)
            r1_ref[...] = r1
            q_ref[...] = jnp.where(q < 0, q, r2)
            e_ref[...] = (r1 == 0).astype(jnp.int32)

        return refneed, tk

    r1b, qb = build(None)
    r1_ref[...] = r1b
    q_ref[...] = qb
    e_ref[...] = jnp.zeros((B, 128), jnp.int32)

    _, tkf = lax.while_loop(lambda c: c[0], outer_body,
                            (jnp.bool_(True), tk0))

    @pl.when(j == NB - 1)
    def _fin():
        tvf = lax.bitcast_convert_type(
            jnp.int32(0x40000000) | (((tkf >> 17) & jnp.int32(0x3FFF)) << 9),
            jnp.float32) - 3.0
        m = jnp.max(tvf, axis=1, keepdims=True)
        e = jnp.exp(tvf - m)
        mu_ref[...] = e / jnp.sum(e, axis=1, keepdims=True)
        ti_ref[...] = IDM - (tkf & jnp.int32(IDM))

    @pl.when(j != NB - 1)
    def _mid():
        ti_ref[...] = tkf


_topk = pl.pallas_call(
    _topk_body,
    grid=(NB,),
    in_specs=[
        pl.BlockSpec((B, D), lambda j: (0, 0)),
        pl.BlockSpec((W, D), lambda j: (j, 0)),
    ],
    out_specs=[
        pl.BlockSpec((B, K), lambda j: (0, 0)),
        pl.BlockSpec((B, K), lambda j: (0, 0)),
    ],
    out_shape=[
        jax.ShapeDtypeStruct((B, K), jnp.int32),
        jax.ShapeDtypeStruct((B, K), jnp.float32),
    ],
    scratch_shapes=[
        pltpu.VMEM((B, 128), jnp.int32),
        pltpu.VMEM((B, 128), jnp.int32),
        pltpu.VMEM((B, 128), jnp.int32),
    ],
    compiler_params=pltpu.CompilerParams(dimension_semantics=("arbitrary",),
                                     vmem_limit_bytes=100 * 1024 * 1024),
)


def _gather_blend_body(db_hbm, ti_hbm, mu_hbm, hc_hbm, al_hbm, out_hbm,
                       ti_v, mu_v, hc_v, out_v, rows_v, al_v, sem):
    cid = lax.axis_index("c")
    sid = lax.axis_index("s")
    wid = sid * 2 + cid
    q0 = wid * QW
    pltpu.sync_copy(ti_hbm.at[pl.ds(q0, QW)], ti_v)
    pltpu.sync_copy(mu_hbm.at[pl.ds(q0, QW)], mu_v)
    pltpu.sync_copy(hc_hbm.at[pl.ds(q0, QW)], hc_v)
    pltpu.sync_copy(al_hbm, al_v)
    av = al_v[...]
    a = 1.0 / (1.0 + jnp.exp(-av))
    one_m_a = 1.0 - a

    def qloop(q, carry):
        pltpu.async_copy(db_hbm.at[ti_v.at[q]], rows_v, sem).wait()
        mks = [plsc.load_gather(mu_v.at[q], [jnp.full((16,), k, jnp.int32)])
               for k in range(K)]
        for c in range(CH):
            acc = mks[0] * rows_v[0, pl.ds(c * 16, 16)]
            for k in range(1, K):
                acc = acc + mks[k] * rows_v[k, pl.ds(c * 16, 16)]
            hcc = hc_v[q, pl.ds(c * 16, 16)]
            out_v[q, pl.ds(c * 16, 16)] = a * hcc + one_m_a * acc
        return carry

    lax.fori_loop(0, QW, qloop, 0)
    pltpu.sync_copy(out_v, out_hbm.at[pl.ds(q0, QW)])


@functools.cache
def _make_gather_blend():
    return pl.kernel(
        _gather_blend_body,
        out_type=jax.ShapeDtypeStruct((B, D), jnp.float32),
        mesh=plsc.VectorSubcoreMesh(core_axis_name="c", subcore_axis_name="s"),
        compiler_params=pltpu.CompilerParams(needs_layout_passes=False),
        scratch_types=[
            pltpu.VMEM((QW, K), jnp.int32),
            pltpu.VMEM((QW, K), jnp.float32),
            pltpu.VMEM((QW, D), jnp.float32),
            pltpu.VMEM((QW, D), jnp.float32),
            pltpu.VMEM((K, D), jnp.float32),
            pltpu.VMEM((16,), jnp.float32),
            pltpu.SemaphoreType.DMA,
        ],
    )


def kernel(h_current, history_db, alpha):
    ti, mu = _topk(h_current, history_db)
    al = jnp.broadcast_to(jnp.reshape(alpha, (1,)).astype(jnp.float32), (16,))
    return _make_gather_blend()(history_db, ti, mu, h_current, al)

# --- scband reference (transcript-rebuilt; emitter-appended) ---
"""Pipeline reference for scband-historical-retrieval-module-10866267259238 (READ-ONLY COPY).

The authoritative reference and input builder live on the scoring server;
editing this copy changes nothing except your own understanding.
"""

import jax, jax.numpy as jnp
import numpy as np

TOP_K = 16

def _l2_normalize(x, eps=1e-12):
    n = jnp.linalg.norm(x, ord=2, axis=-1, keepdims=True)
    return x / jnp.maximum(n, eps)

def setup_inputs(seed: int = 0) -> dict:
    key = jax.random.key(seed)
    k1, k2 = jax.random.split(key, 2)
    h_current = jax.random.normal(k1, (1024, 512), dtype=jnp.float32)
    history_db = jax.random.normal(k2, (100000, 512), dtype=jnp.float32) * 0.01
    alpha = jnp.array(0.5, dtype=jnp.float32)
    return {"h_current": h_current, "history_db": history_db, "alpha": alpha}

def reference(h_current, history_db, alpha):
    # db assumed fully filled (post preseed/update), filled = db_size
    h_norm = _l2_normalize(h_current)
    db_norm = _l2_normalize(history_db)
    similarity = jnp.matmul(h_norm, db_norm.T)  # (B, K)
    topk_sim, topk_idx = jax.lax.top_k(similarity, TOP_K)
    mu = jax.nn.softmax(topk_sim, axis=-1)
    topk_embeddings = jnp.take(history_db, topk_idx, axis=0)  # (B, k, d)
    h_retrieved = jnp.einsum('bk,bkd->bd', mu, topk_embeddings)
    a = jax.nn.sigmoid(alpha)
    h_f = a * h_current + (1.0 - a) * h_retrieved
    return h_f

if __name__ == "__main__":
    import jax
    _d = setup_inputs()
    print(jax.jit(kernel)(*tuple(_d.values())))

</pallas_src>

<mosaic_0001>
#map = affine_map<(d0, d1) -> (0, 0)>
#map1 = affine_map<(d0, d1) -> (0)>
module attributes {stable_mosaic.version = 14 : i64} {
  func.func @_gather_blend_body(%arg0: i32, %arg1: i32, %arg2: memref<100000x512xf32, #tpu.memory_space<hbm>>, %arg3: memref<1024x16xi32, #tpu.memory_space<hbm>>, %arg4: memref<1024x16xf32, #tpu.memory_space<hbm>>, %arg5: memref<1024x512xf32, #tpu.memory_space<hbm>>, %arg6: memref<16xf32, #tpu.memory_space<hbm>>, %arg7: memref<1024x512xf32, #tpu.memory_space<hbm>>, %arg8: memref<32x16xi32, #tpu.memory_space<vmem>>, %arg9: memref<32x16xf32, #tpu.memory_space<vmem>>, %arg10: memref<32x512xf32, #tpu.memory_space<vmem>>, %arg11: memref<32x512xf32, #tpu.memory_space<vmem>>, %arg12: memref<16x512xf32, #tpu.memory_space<vmem>>, %arg13: memref<16xf32, #tpu.memory_space<vmem>>, %arg14: memref<!tpu.dma_semaphore, #tpu.memory_space<semaphore_mem>>) attributes {dimension_semantics = [#tpu.dimension_semantics<core_parallel>, #tpu.dimension_semantics<subcore_parallel>], iteration_bounds = array<i64: 2, 16>, scalar_prefetch = 0 : i64, scratch_operands = 7 : i64, tpu.core_type = #tpu.core_type<sc_vector_subcore>, window_params = [{transform_indices = #map}, {transform_indices = #map}, {transform_indices = #map}, {transform_indices = #map}, {transform_indices = #map1}, {transform_indices = #map}]} {
    %mul3A = arith.constant 2 : i32
    %mul3A_0 = arith.muli %arg1, %mul3A : i32
    %add3A = arith.addi %mul3A_0, %arg0 : i32
    %mul3A_1 = arith.constant 32 : i32
    %mul3A_2 = arith.muli %add3A, %mul3A_1 : i32
    "tpu.region"() ({
      %run_scoped3A = tpu.sem_alloc : memref<!tpu.dma_semaphore, #tpu.memory_space<semaphore_mem>>
      %dma_start3A = arith.constant 0 : i32
      %dma_start3A_18 = tpu.memref_slice %arg3[%mul3A_2, %dma_start3A] : memref<1024x16xi32, #tpu.memory_space<hbm>> -> memref<32x16xi32, #tpu.memory_space<hbm>>
      %dma_start3A_19 = arith.constant 0 : i32
      %dma_start3A_20 = tpu.memref_slice %arg3[%mul3A_2, %dma_start3A_19] : memref<1024x16xi32, #tpu.memory_space<hbm>> -> memref<32x16xi32, #tpu.memory_space<hbm>>
      tpu.enqueue_dma source(%dma_start3A_20 : memref<32x16xi32, #tpu.memory_space<hbm>>) target(%arg8 : memref<32x16xi32, #tpu.memory_space<vmem>>) target_semaphore(%run_scoped3A : memref<!tpu.dma_semaphore, #tpu.memory_space<semaphore_mem>>)
      %dma_wait3A = arith.constant 0 : i32
      %dma_wait3A_21 = tpu.memref_slice %arg3[%mul3A_2, %dma_wait3A] : memref<1024x16xi32, #tpu.memory_space<hbm>> -> memref<32x16xi32, #tpu.memory_space<hbm>>
      %dma_wait3A_22 = arith.constant 0 : i32
      %dma_wait3A_23 = tpu.memref_slice %arg3[%mul3A_2, %dma_wait3A_22] : memref<1024x16xi32, #tpu.memory_space<hbm>> -> memref<32x16xi32, #tpu.memory_space<hbm>>
      tpu.wait_dma2 semaphore(%run_scoped3A : memref<!tpu.dma_semaphore, #tpu.memory_space<semaphore_mem>>) src(%dma_wait3A_23 : memref<32x16xi32, #tpu.memory_space<hbm>>) dst(%arg8 : memref<32x16xi32, #tpu.memory_space<vmem>>)
      tpu.yield
    }) : () -> ()
    "tpu.region"() ({
      %run_scoped3A = tpu.sem_alloc : memref<!tpu.dma_semaphore, #tpu.memory_space<semaphore_mem>>
      %dma_start3A = arith.constant 0 : i32
      %dma_start3A_18 = tpu.memref_slice %arg4[%mul3A_2, %dma_start3A] : memref<1024x16xf32, #tpu.memory_space<hbm>> -> memref<32x16xf32, #tpu.memory_space<hbm>>
      %dma_start3A_19 = arith.constant 0 : i32
      %dma_start3A_20 = tpu.memref_slice %arg4[%mul3A_2, %dma_start3A_19] : memref<1024x16xf32, #tpu.memory_space<hbm>> -> memref<32x16xf32, #tpu.memory_space<hbm>>
      tpu.enqueue_dma source(%dma_start3A_20 : memref<32x16xf32, #tpu.memory_space<hbm>>) target(%arg9 : memref<32x16xf32, #tpu.memory_space<vmem>>) target_semaphore(%run_scoped3A : memref<!tpu.dma_semaphore, #tpu.memory_space<semaphore_mem>>)
      %dma_wait3A = arith.constant 0 : i32
      %dma_wait3A_21 = tpu.memref_slice %arg4[%mul3A_2, %dma_wait3A] : memref<1024x16xf32, #tpu.memory_space<hbm>> -> memref<32x16xf32, #tpu.memory_space<hbm>>
      %dma_wait3A_22 = arith.constant 0 : i32
      %dma_wait3A_23 = tpu.memref_slice %arg4[%mul3A_2, %dma_wait3A_22] : memref<1024x16xf32, #tpu.memory_space<hbm>> -> memref<32x16xf32, #tpu.memory_space<hbm>>
      tpu.wait_dma2 semaphore(%run_scoped3A : memref<!tpu.dma_semaphore, #tpu.memory_space<semaphore_mem>>) src(%dma_wait3A_23 : memref<32x16xf32, #tpu.memory_space<hbm>>) dst(%arg9 : memref<32x16xf32, #tpu.memory_space<vmem>>)
      tpu.yield
    }) : () -> ()
    "tpu.region"() ({
      %run_scoped3A = tpu.sem_alloc : memref<!tpu.dma_semaphore, #tpu.memory_space<semaphore_mem>>
      %dma_start3A = arith.constant 0 : i32
      %dma_start3A_18 = tpu.memref_slice %arg5[%mul3A_2, %dma_start3A] : memref<1024x512xf32, #tpu.memory_space<hbm>> -> memref<32x512xf32, #tpu.memory_space<hbm>>
      %dma_start3A_19 = arith.constant 0 : i32
      %dma_start3A_20 = tpu.memref_slice %arg5[%mul3A_2, %dma_start3A_19] : memref<1024x512xf32, #tpu.memory_space<hbm>> -> memref<32x512xf32, #tpu.memory_space<hbm>>
      tpu.enqueue_dma source(%dma_start3A_20 : memref<32x512xf32, #tpu.memory_space<hbm>>) target(%arg10 : memref<32x512xf32, #tpu.memory_space<vmem>>) target_semaphore(%run_scoped3A : memref<!tpu.dma_semaphore, #tpu.memory_space<semaphore_mem>>)
      %dma_wait3A = arith.constant 0 : i32
      %dma_wait3A_21 = tpu.memref_slice %arg5[%mul3A_2, %dma_wait3A] : memref<1024x512xf32, #tpu.memory_space<hbm>> -> memref<32x512xf32, #tpu.memory_space<hbm>>
      %dma_wait3A_22 = arith.constant 0 : i32
      %dma_wait3A_23 = tpu.memref_slice %arg5[%mul3A_2, %dma_wait3A_22] : memref<1024x512xf32, #tpu.memory_space<hbm>> -> memref<32x512xf32, #tpu.memory_space<hbm>>
      tpu.wait_dma2 semaphore(%run_scoped3A : memref<!tpu.dma_semaphore, #tpu.memory_space<semaphore_mem>>) src(%dma_wait3A_23 : memref<32x512xf32, #tpu.memory_space<hbm>>) dst(%arg10 : memref<32x512xf32, #tpu.memory_space<vmem>>)
      tpu.yield
    }) : () -> ()
    "tpu.region"() ({
      %run_scoped3A = tpu.sem_alloc : memref<!tpu.dma_semaphore, #tpu.memory_space<semaphore_mem>>
      tpu.enqueue_dma source(%arg6 : memref<16xf32, #tpu.memory_space<hbm>>) target(%arg13 : memref<16xf32, #tpu.memory_space<vmem>>) target_semaphore(%run_scoped3A : memref<!tpu.dma_semaphore, #tpu.memory_space<semaphore_mem>>)
      tpu.wait_dma2 semaphore(%run_scoped3A : memref<!tpu.dma_semaphore, #tpu.memory_space<semaphore_mem>>) src(%arg6 : memref<16xf32, #tpu.memory_space<hbm>>) dst(%arg13 : memref<16xf32, #tpu.memory_space<vmem>>)
      tpu.yield
    }) : () -> ()
    %get3A = arith.constant 0 : index
    %get3A_3 = tpu.vector_load %arg13[%get3A] {strides = array<i32>} : memref<16xf32, #tpu.memory_space<vmem>>, vector<16xf32>,
    %neg3A = arith.constant 0.000000e+00 : f32
    %neg3A_4 = vector.broadcast %neg3A : f32 to vector<16xf32>
    %neg3A_5 = arith.subf %neg3A_4, %get3A_3 : vector<16xf32>
    %exp3A = math.exp %neg3A_5 : vector<16xf32>
    %add3A_6 = arith.constant 1.000000e+00 : f32
    %add3A_7 = vector.broadcast %add3A_6 : f32 to vector<16xf32>
    %add3A_8 = arith.addf %add3A_7, %exp3A : vector<16xf32>
    %div3A = arith.constant 1.000000e+00 : f32
    %div3A_9 = vector.broadcast %div3A : f32 to vector<16xf32>
    %div3A_10 = arith.divf %div3A_9, %add3A_8 : vector<16xf32>
    %sub3A = arith.constant 1.000000e+00 : f32
    %sub3A_11 = vector.broadcast %sub3A : f32 to vector<16xf32>
    %sub3A_12 = arith.subf %sub3A_11, %div3A_10 : vector<16xf32>
    %scan3A = arith.constant 0 : i32
    %scan3A_13 = arith.constant 0 : i32
    %scan3A_14 = arith.constant 32 : i32
    %scan3A_15 = arith.addi %scan3A_13, %scan3A_14 : i32
    %scan3A_16 = arith.constant 1 : i32
    scf.for %scan3A_18 = %scan3A_13 to %scan3A_15 step %scan3A_16  : i32 {
      %dma_start3A = arith.constant 0 : i32
      %dma_start3A_19 = tpu.memref_slice %arg8[%scan3A_18, %dma_start3A] : memref<32x16xi32, #tpu.memory_space<vmem>> -> memref<1x16xi32, #tpu.memory_space<vmem>>
      %dma_start3A_20 = tpu.memref_squeeze %dma_start3A_19 : memref<1x16xi32, #tpu.memory_space<vmem>> -> memref<16xi32, #tpu.memory_space<vmem>>
      %dma_start3A_21 = arith.constant 0 : i32
      %dma_start3A_22 = arith.constant 0 : i32
      %dma_start3A_23 = tpu.memref_slice %arg2[%dma_start3A_21, %dma_start3A_22] : memref<100000x512xf32, #tpu.memory_space<hbm>> -> memref<100000x512xf32, #tpu.memory_space<hbm>>
      tpu.enqueue_indirect_dma source(%dma_start3A_23 : memref<100000x512xf32, #tpu.memory_space<hbm>>) target(%arg12 : memref<16x512xf32, #tpu.memory_space<vmem>>) offsets(%dma_start3A_20 : memref<16xi32, #tpu.memory_space<vmem>>) semaphore(%arg14 : memref<!tpu.dma_semaphore, #tpu.memory_space<semaphore_mem>>)
      %dma_wait3A = arith.constant 0 : i32
      %dma_wait3A_24 = tpu.memref_slice %arg8[%scan3A_18, %dma_wait3A] : memref<32x16xi32, #tpu.memory_space<vmem>> -> memref<1x16xi32, #tpu.memory_space<vmem>>
      %dma_wait3A_25 = tpu.memref_squeeze %dma_wait3A_24 : memref<1x16xi32, #tpu.memory_space<vmem>> -> memref<16xi32, #tpu.memory_space<vmem>>
      %dma_wait3A_26 = arith.constant 0 : i32
      %dma_wait3A_27 = arith.constant 0 : i32
      %dma_wait3A_28 = tpu.memref_slice %arg2[%dma_wait3A_26, %dma_wait3A_27] : memref<100000x512xf32, #tpu.memory_space<hbm>> -> memref<100000x512xf32, #tpu.memory_space<hbm>>
      tpu.wait_indirect_dma semaphore(%arg14 : memref<!tpu.dma_semaphore, #tpu.memory_space<semaphore_mem>>) src(%dma_wait3A_28 : memref<100000x512xf32, #tpu.memory_space<hbm>>) dst(%arg12 : memref<16x512xf32, #tpu.memory_space<vmem>>)
      %broadcast_in_dim3A = arith.constant 0 : i32
      %broadcast_in_dim3A_29 = vector.broadcast %broadcast_in_dim3A : i32 to vector<16xi32>
      %gather3A = arith.constant 0 : i32
      %gather3A_30 = tpu.memref_slice %arg9[%scan3A_18, %gather3A] : memref<32x16xf32, #tpu.memory_space<vmem>> -> memref<1x16xf32, #tpu.memory_space<vmem>>
      %gather3A_31 = tpu.memref_squeeze %gather3A_30 : memref<1x16xf32, #tpu.memory_space<vmem>> -> memref<16xf32, #tpu.memory_space<vmem>>
      %gather3A_32 = tpu.vector_load_idx %gather3A_31[%broadcast_in_dim3A_29] : memref<16xf32, #tpu.memory_space<vmem>>[vector<16xi32>], vector<16xf32>,
      %broadcast_in_dim3A_33 = arith.constant 1 : i32
      %broadcast_in_dim3A_34 = vector.broadcast %broadcast_in_dim3A_33 : i32 to vector<16xi32>
      %gather3A_35 = arith.constant 0 : i32
      %gather3A_36 = tpu.memref_slice %arg9[%scan3A_18, %gather3A_35] : memref<32x16xf32, #tpu.memory_space<vmem>> -> memref<1x16xf32, #tpu.memory_space<vmem>>
      %gather3A_37 = tpu.memref_squeeze %gather3A_36 : memref<1x16xf32, #tpu.memory_space<vmem>> -> memref<16xf32, #tpu.memory_space<vmem>>
      %gather3A_38 = tpu.vector_load_idx %gather3A_37[%broadcast_in_dim3A_34] : memref<16xf32, #tpu.memory_space<vmem>>[vector<16xi32>], vector<16xf32>,
      %broadcast_in_dim3A_39 = arith.constant 2 : i32
      %broadcast_in_dim3A_40 = vector.broadcast %broadcast_in_dim3A_39 : i32 to vector<16xi32>
      %gather3A_41 = arith.constant 0 : i32
      %gather3A_42 = tpu.memref_slice %arg9[%scan3A_18, %gather3A_41] : memref<32x16xf32, #tpu.memory_space<vmem>> -> memref<1x16xf32, #tpu.memory_space<vmem>>
      %gather3A_43 = tpu.memref_squeeze %gather3A_42 : memref<1x16xf32, #tpu.memory_space<vmem>> -> memref<16xf32, #tpu.memory_space<vmem>>
      %gather3A_44 = tpu.vector_load_idx %gather3A_43[%broadcast_in_dim3A_40] : memref<16xf32, #tpu.memory_space<vmem>>[vector<16xi32>], vector<16xf32>,
      %broadcast_in_dim3A_45 = arith.constant 3 : i32
      %broadcast_in_dim3A_46 = vector.broadcast %broadcast_in_dim3A_45 : i32 to vector<16xi32>
      %gather3A_47 = arith.constant 0 : i32
      %gather3A_48 = tpu.memref_slice %arg9[%scan3A_18, %gather3A_47] : memref<32x16xf32, #tpu.memory_space<vmem>> -> memref<1x16xf32, #tpu.memory_space<vmem>>
      %gather3A_49 = tpu.memref_squeeze %gather3A_48 : memref<1x16xf32, #tpu.memory_space<vmem>> -> memref<16xf32, #tpu.memory_space<vmem>>
      %gather3A_50 = tpu.vector_load_idx %gather3A_49[%broadcast_in_dim3A_46] : memref<16xf32, #tpu.memory_space<vmem>>[vector<16xi32>], vector<16xf32>,
      %broadcast_in_dim3A_51 = arith.constant 4 : i32
      %broadcast_in_dim3A_52 = vector.broadcast %broadcast_in_dim3A_51 : i32 to vector<16xi32>
      %gather3A_53 = arith.constant 0 : i32
      %gather3A_54 = tpu.memref_slice %arg9[%scan3A_18, %gather3A_53] : memref<32x16xf32, #tpu.memory_space<vmem>> -> memref<1x16xf32, #tpu.memory_space<vmem>>
      %gather3A_55 = tpu.memref_squeeze %gather3A_54 : memref<1x16xf32, #tpu.memory_space<vmem>> -> memref<16xf32, #tpu.memory_space<vmem>>
      %gather3A_56 = tpu.vector_load_idx %gather3A_55[%broadcast_in_dim3A_52] : memref<16xf32, #tpu.memory_space<vmem>>[vector<16xi32>], vector<16xf32>,
      %broadcast_in_dim3A_57 = arith.constant 5 : i32
      %broadcast_in_dim3A_58 = vector.broadcast %broadcast_in_dim3A_57 : i32 to vector<16xi32>
      %gather3A_59 = arith.constant 0 : i32
      %gather3A_60 = tpu.memref_slice %arg9[%scan3A_18, %gather3A_59] : memref<32x16xf32, #tpu.memory_space<vmem>> -> memref<1x16xf32, #tpu.memory_space<vmem>>
      %gather3A_61 = tpu.memref_squeeze %gather3A_60 : memref<1x16xf32, #tpu.memory_space<vmem>> -> memref<16xf32, #tpu.memory_space<vmem>>
      %gather3A_62 = tpu.vector_load_idx %gather3A_61[%broadcast_in_dim3A_58] : memref<16xf32, #tpu.memory_space<vmem>>[vector<16xi32>], vector<16xf32>,
      %broadcast_in_dim3A_63 = arith.constant 6 : i32
      %broadcast_in_dim3A_64 = vector.broadcast %broadcast_in_dim3A_63 : i32 to vector<16xi32>
      %gather3A_65 = arith.constant 0 : i32
      %gather3A_66 = tpu.memref_slice %arg9[%scan3A_18, %gather3A_65] : memref<32x16xf32, #tpu.memory_space<vmem>> -> memref<1x16xf32, #tpu.memory_space<vmem>>
      %gather3A_67 = tpu.memref_squeeze %gather3A_66 : memref<1x16xf32, #tpu.memory_space<vmem>> -> memref<16xf32, #tpu.memory_space<vmem>>
      %gather3A_68 = tpu.vector_load_idx %gather3A_67[%broadcast_in_dim3A_64] : memref<16xf32, #tpu.memory_space<vmem>>[vector<16xi32>], vector<16xf32>,
      %broadcast_in_dim3A_69 = arith.constant 7 : i32
      %broadcast_in_dim3A_70 = vector.broadcast %broadcast_in_dim3A_69 : i32 to vector<16xi32>
      %gather3A_71 = arith.constant 0 : i32
      %gather3A_72 = tpu.memref_slice %arg9[%scan3A_18, %gather3A_71] : memref<32x16xf32, #tpu.memory_space<vmem>> -> memref<1x16xf32, #tpu.memory_space<vmem>>
      %gather3A_73 = tpu.memref_squeeze %gather3A_72 : memref<1x16xf32, #tpu.memory_space<vmem>> -> memref<16xf32, #tpu.memory_space<vmem>>
      %gather3A_74 = tpu.vector_load_idx %gather3A_73[%broadcast_in_dim3A_70] : memref<16xf32, #tpu.memory_space<vmem>>[vector<16xi32>], vector<16xf32>,
      %broadcast_in_dim3A_75 = arith.constant 8 : i32
      %broadcast_in_dim3A_76 = vector.broadcast %broadcast_in_dim3A_75 : i32 to vector<16xi32>
      %gather3A_77 = arith.constant 0 : i32
      %gather3A_78 = tpu.memref_slice %arg9[%scan3A_18, %gather3A_77] : memref<32x16xf32, #tpu.memory_space<vmem>> -> memref<1x16xf32, #tpu.memory_space<vmem>>
      %gather3A_79 = tpu.memref_squeeze %gather3A_78 : memref<1x16xf32, #tpu.memory_space<vmem>> -> memref<16xf32, #tpu.memory_space<vmem>>
      %gather3A_80 = tpu.vector_load_idx %gather3A_79[%broadcast_in_dim3A_76] : memref<16xf32, #tpu.memory_space<vmem>>[vector<16xi32>], vector<16xf32>,
      %broadcast_in_dim3A_81 = arith.constant 9 : i32
      %broadcast_in_dim3A_82 = vector.broadcast %broadcast_in_dim3A_81 : i32 to vector<16xi32>
      %gather3A_83 = arith.constant 0 : i32
      %gather3A_84 = tpu.memref_slice %arg9[%scan3A_18, %gather3A_83] : memref<32x16xf32, #tpu.memory_space<vmem>> -> memref<1x16xf32, #tpu.memory_space<vmem>>
      %gather3A_85 = tpu.memref_squeeze %gather3A_84 : memref<1x16xf32, #tpu.memory_space<vmem>> -> memref<16xf32, #tpu.memory_space<vmem>>
      %gather3A_86 = tpu.vector_load_idx %gather3A_85[%broadcast_in_dim3A_82] : memref<16xf32, #tpu.memory_space<vmem>>[vector<16xi32>], vector<16xf32>,
      %broadcast_in_dim3A_87 = arith.constant 10 : i32
      %broadcast_in_dim3A_88 = vector.broadcast %broadcast_in_dim3A_87 : i32 to vector<16xi32>
      %gather3A_89 = arith.constant 0 : i32
      %gather3A_90 = tpu.memref_slice %arg9[%scan3A_18, %gather3A_89] : memref<32x16xf32, #tpu.memory_space<vmem>> -> memref<1x16xf32, #tpu.memory_space<vmem>>
      %gather3A_91 = tpu.memref_squeeze %gather3A_90 : memref<1x16xf32, #tpu.memory_space<vmem>> -> memref<16xf32, #tpu.memory_space<vmem>>
      %gather3A_92 = tpu.vector_load_idx %gather3A_91[%broadcast_in_dim3A_88] : memref<16xf32, #tpu.memory_space<vmem>>[vector<16xi32>], vector<16xf32>,
      %broadcast_in_dim3A_93 = arith.constant 11 : i32
      %broadcast_in_dim3A_94 = vector.broadcast %broadcast_in_dim3A_93 : i32 to vector<16xi32>
      %gather3A_95 = arith.constant 0 : i32
      %gather3A_96 = tpu.memref_slice %arg9[%scan3A_18, %gather3A_95] : memref<32x16xf32, #tpu.memory_space<vmem>> -> memref<1x16xf32, #tpu.memory_space<vmem>>
      %gather3A_97 = tpu.memref_squeeze %gather3A_96 : memref<1x16xf32, #tpu.memory_space<vmem>> -> memref<16xf32, #tpu.memory_space<vmem>>
      %gather3A_98 = tpu.vector_load_idx %gather3A_97[%broadcast_in_dim3A_94] : memref<16xf32, #tpu.memory_space<vmem>>[vector<16xi32>], vector<16xf32>,
      %broadcast_in_dim3A_99 = arith.constant 12 : i32
      %broadcast_in_dim3A_100 = vector.broadcast %broadcast_in_dim3A_99 : i32 to vector<16xi32>
      %gather3A_101 = arith.constant 0 : i32
      %gather3A_102 = tpu.memref_slice %arg9[%scan3A_18, %gather3A_101] : memref<32x16xf32, #tpu.memory_space<vmem>> -> memref<1x16xf32, #tpu.memory_space<vmem>>
      %gather3A_103 = tpu.memref_squeeze %gather3A_102 : memref<1x16xf32, #tpu.memory_space<vmem>> -> memref<16xf32, #tpu.memory_space<vmem>>
      %gather3A_104 = tpu.vector_load_idx %gather3A_103[%broadcast_in_dim3A_100] : memref<16xf32, #tpu.memory_space<vmem>>[vector<16xi32>], vector<16xf32>,
      %broadcast_in_dim3A_105 = arith.constant 13 : i32
      %broadcast_in_dim3A_106 = vector.broadcast %broadcast_in_dim3A_105 : i32 to vector<16xi32>
      %gather3A_107 = arith.constant 0 : i32
      %gather3A_108 = tpu.memref_slice %arg9[%scan3A_18, %gather3A_107] : memref<32x16xf32, #tpu.memory_space<vmem>> -> memref<1x16xf32, #tpu.memory_space<vmem>>
      %gather3A_109 = tpu.memref_squeeze %gather3A_108 : memref<1x16xf32, #tpu.memory_space<vmem>> -> memref<16xf32, #tpu.memory_space<vmem>>
      %gather3A_110 = tpu.vector_load_idx %gather3A_109[%broadcast_in_dim3A_106] : memref<16xf32, #tpu.memory_space<vmem>>[vector<16xi32>], vector<16xf32>,
      %broadcast_in_dim3A_111 = arith.constant 14 : i32
      %broadcast_in_dim3A_112 = vector.broadcast %broadcast_in_dim3A_111 : i32 to vector<16xi32>
      %gather3A_113 = arith.constant 0 : i32
      %gather3A_114 = tpu.memref_slice %arg9[%scan3A_18, %gather3A_113] : memref<32x16xf32, #tpu.memory_space<vmem>> -> memref<1x16xf32, #tpu.memory_space<vmem>>
      %gather3A_115 = tpu.memref_squeeze %gather3A_114 : memref<1x16xf32, #tpu.memory_space<vmem>> -> memref<16xf32, #tpu.memory_space<vmem>>
      %gather3A_116 = tpu.vector_load_idx %gather3A_115[%broadcast_in_dim3A_112] : memref<16xf32, #tpu.memory_space<vmem>>[vector<16xi32>], vector<16xf32>,
      %broadcast_in_dim3A_117 = arith.constant 15 : i32
      %broadcast_in_dim3A_118 = vector.broadcast %broadcast_in_dim3A_117 : i32 to vector<16xi32>
      %gather3A_119 = arith.constant 0 : i32
      %gather3A_120 = tpu.memref_slice %arg9[%scan3A_18, %gather3A_119] : memref<32x16xf32, #tpu.memory_space<vmem>> -> memref<1x16xf32, #tpu.memory_space<vmem>>
      %gather3A_121 = tpu.memref_squeeze %gather3A_120 : memref<1x16xf32, #tpu.memory_space<vmem>> -> memref<16xf32, #tpu.memory_space<vmem>>
      %gather3A_122 = tpu.vector_load_idx %gather3A_121[%broadcast_in_dim3A_118] : memref<16xf32, #tpu.memory_space<vmem>>[vector<16xi32>], vector<16xf32>,
      %get3A_123 = arith.constant 0 : i32
      %get3A_124 = arith.index_cast %get3A_123 : i32 to index
      %get3A_125 = arith.constant 0 : index
      %get3A_126 = tpu.vector_load %arg12[%get3A_124, %get3A_125] {strides = array<i32>} : memref<16x512xf32, #tpu.memory_space<vmem>>, vector<16xf32>,
      %mul3A_127 = arith.mulf %gather3A_32, %get3A_126 : vector<16xf32>
      %get3A_128 = arith.constant 1 : i32
      %get3A_129 = arith.index_cast %get3A_128 : i32 to index
      %get3A_130 = arith.constant 0 : index
      %get3A_131 = tpu.vector_load %arg12[%get3A_129, %get3A_130] {strides = array<i32>} : memref<16x512xf32, #tpu.memory_space<vmem>>, vector<16xf32>,
      %mul3A_132 = arith.mulf %gather3A_38, %get3A_131 : vector<16xf32>
      %add3A_133 = arith.addf %mul3A_127, %mul3A_132 : vector<16xf32>
      %get3A_134 = arith.constant 2 : i32
      %get3A_135 = arith.index_cast %get3A_134 : i32 to index
      %get3A_136 = arith.constant 0 : index
      %get3A_137 = tpu.vector_load %arg12[%get3A_135, %get3A_136] {strides = array<i32>} : memref<16x512xf32, #tpu.memory_space<vmem>>, vector<16xf32>,
      %mul3A_138 = arith.mulf %gather3A_44, %get3A_137 : vector<16xf32>
      %add3A_139 = arith.addf %add3A_133, %mul3A_138 : vector<16xf32>
      %get3A_140 = arith.constant 3 : i32
      %get3A_141 = arith.index_cast %get3A_140 : i32 to index
      %get3A_142 = arith.constant 0 : index
      %get3A_143 = tpu.vector_load %arg12[%get3A_141, %get3A_142] {strides = array<i32>} : memref<16x512xf32, #tpu.memory_space<vmem>>, vector<16xf32>,
      %mul3A_144 = arith.mulf %gather3A_50, %get3A_143 : vector<16xf32>
      %add3A_145 = arith.addf %add3A_139, %mul3A_144 : vector<16xf32>
      %get3A_146 = arith.constant 4 : i32
      %get3A_147 = arith.index_cast %get3A_146 : i32 to index
      %get3A_148 = arith.constant 0 : index
      %get3A_149 = tpu.vector_load %arg12[%get3A_147, %get3A_148] {strides = array<i32>} : memref<16x512xf32, #tpu.memory_space<vmem>>, vector<16xf32>,
      %mul3A_150 = arith.mulf %gather3A_56, %get3A_149 : vector<16xf32>
      %add3A_151 = arith.addf %add3A_145, %mul3A_150 : vector<16xf32>
      %get3A_152 = arith.constant 5 : i32
      %get3A_153 = arith.index_cast %get3A_152 : i32 to index
      %get3A_154 = arith.constant 0 : index
      %get3A_155 = tpu.vector_load %arg12[%get3A_153, %get3A_154] {strides = array<i32>} : memref<16x512xf32, #tpu.memory_space<vmem>>, vector<16xf32>,
      %mul3A_156 = arith.mulf %gather3A_62, %get3A_155 : vector<16xf32>
      %add3A_157 = arith.addf %add3A_151, %mul3A_156 : vector<16xf32>
      %get3A_158 = arith.constant 6 : i32
      %get3A_159 = arith.index_cast %get3A_158 : i32 to index
      %get3A_160 = arith.constant 0 : index
      %get3A_161 = tpu.vector_load %arg12[%get3A_159, %get3A_160] {strides = array<i32>} : memref<16x512xf32, #tpu.memory_space<vmem>>, vector<16xf32>,
      %mul3A_162 = arith.mulf %gather3A_68, %get3A_161 : vector<16xf32>
      %add3A_163 = arith.addf %add3A_157, %mul3A_162 : vector<16xf32>
      %get3A_164 = arith.constant 7 : i32
      %get3A_165 = arith.index_cast %get3A_164 : i32 to index
      %get3A_166 = arith.constant 0 : index
      %get3A_167 = tpu.vector_load %arg12[%get3A_165, %get3A_166] {strides = array<i32>} : memref<16x512xf32, #tpu.memory_space<vmem>>, vector<16xf32>,
      %mul3A_168 = arith.mulf %gather3A_74, %get3A_167 : vector<16xf32>
      %add3A_169 = arith.addf %add3A_163, %mul3A_168 : vector<16xf32>
      %get3A_170 = arith.constant 8 : i32
      %get3A_171 = arith.index_cast %get3A_170 : i32 to index
      %get3A_172 = arith.constant 0 : index
      %get3A_173 = tpu.vector_load %arg12[%get3A_171, %get3A_172] {strides = array<i32>} : memref<16x512xf32, #tpu.memory_space<vmem>>, vector<16xf32>,
      %mul3A_174 = arith.mulf %gather3A_80, %get3A_173 : vector<16xf32>
      %add3A_175 = arith.addf %add3A_169, %mul3A_174 : vector<16xf32>
      %get3A_176 = arith.constant 9 : i32
      %get3A_177 = arith.index_cast %get3A_176 : i32 to index
      %get3A_178 = arith.constant 0 : index
      %get3A_179 = tpu.vector_load %arg12[%get3A_177, %get3A_178] {strides = array<i32>} : memref<16x512xf32, #tpu.memory_space<vmem>>, vector<16xf32>,
      %mul3A_180 = arith.mulf %gather3A_86, %get3A_179 : vector<16xf32>
      %add3A_181 = arith.addf %add3A_175, %mul3A_180 : vector<16xf32>
      %get3A_182 = arith.constant 10 : i32
      %get3A_183 = arith.index_cast %get3A_182 : i32 to index
      %get3A_184 = arith.constant 0 : index
      %get3A_185 = tpu.vector_load %arg12[%get3A_183, %get3A_184] {strides = array<i32>} : memref<16x512xf32, #tpu.memory_space<vmem>>, vector<16xf32>,
      %mul3A_186 = arith.mulf %gather3A_92, %get3A_185 : vector<16xf32>
      %add3A_187 = arith.addf %add3A_181, %mul3A_186 : vector<16xf32>
      %get3A_188 = arith.constant 11 : i32
      %get3A_189 = arith.index_cast %get3A_188 : i32 to index
      %get3A_190 = arith.constant 0 : index
      %get3A_191 = tpu.vector_load %arg12[%get3A_189, %get3A_190] {strides = array<i32>} : memref<16x512xf32, #tpu.memory_space<vmem>>, vector<16xf32>,
      %mul3A_192 = arith.mulf %gather3A_98, %get3A_191 : vector<16xf32>
      %add3A_193 = arith.addf %add3A_187, %mul3A_192 : vector<16xf32>
      %get3A_194 = arith.constant 12 : i32
      %get3A_195 = arith.index_cast %get3A_194 : i32 to index
      %get3A_196 = arith.constant 0 : index
      %get3A_197 = tpu.vector_load %arg12[%get3A_195, %get3A_196] {strides = array<i32>} : memref<16x512xf32, #tpu.memory_space<vmem>>, vector<16xf32>,
      %mul3A_198 = arith.mulf %gather3A_104, %get3A_197 : vector<16xf32>
      %add3A_199 = arith.addf %add3A_193, %mul3A_198 : vector<16xf32>
      %get3A_200 = arith.constant 13 : i32
      %get3A_201 = arith.index_cast %get3A_200 : i32 to index
      %get3A_202 = arith.constant 0 : index
      %get3A_203 = tpu.vector_load %arg12[%get3A_201, %get3A_202] {strides = array<i32>} : memref<16x512xf32, #tpu.memory_space<vmem>>, vector<16xf32>,
      %mul3A_204 = arith.mulf %gather3A_110, %get3A_203 : vector<16xf32>
      %add3A_205 = arith.addf %add3A_199, %mul3A_204 : vector<16xf32>
      %get3A_206 = arith.constant 14 : i32
      %get3A_207 = arith.index_cast %get3A_206 : i32 to index
      %get3A_208 = arith.constant 0 : index
      %get3A_209 = tpu.vector_load %arg12[%get3A_207, %get3A_208] {strides = array<i32>} : memref<16x512xf32, #tpu.memory_space<vmem>>, vector<16xf32>,
      %mul3A_210 = arith.mulf %gather3A_116, %get3A_209 : vector<16xf32>
      %add3A_211 = arith.addf %add3A_205, %mul3A_210 : vector<16xf32>
      %get3A_212 = arith.constant 15 : i32
      %get3A_213 = arith.index_cast %get3A_212 : i32 to index
      %get3A_214 = arith.constant 0 : index
      %get3A_215 = tpu.vector_load %arg12[%get3A_213, %get3A_214] {strides = array<i32>} : memref<16x512xf32, #tpu.memory_space<vmem>>, vector<16xf32>,
      %mul3A_216 = arith.mulf %gather3A_122, %get3A_215 : vector<16xf32>
      %add3A_217 = arith.addf %add3A_211, %mul3A_216 : vector<16xf32>
      %get3A_218 = arith.index_cast %scan3A_18 : i32 to index
      %get3A_219 = arith.constant 0 : index
      %get3A_220 = tpu.vector_load %arg10[%get3A_218, %get3A_219] {strides = array<i32>} : memref<32x512xf32, #tpu.memory_space<vmem>>, vector<16xf32>,
      %mul3A_221 = arith.mulf %div3A_10, %get3A_220 : vector<16xf32>
      %mul3A_222 = arith.mulf %sub3A_12, %add3A_217 : vector<16xf32>
      %add3A_223 = arith.addf %mul3A_221, %mul3A_222 : vector<16xf32>
      %swap3A = arith.index_cast %scan3A_18 : i32 to index
      %swap3A_224 = arith.constant 0 : index
      %swap3A_225 = tpu.vector_load %arg11[%swap3A, %swap3A_224] {strides = array<i32>} : memref<32x512xf32, #tpu.memory_space<vmem>>, vector<16xf32>,
      tpu.vector_store %arg11[%swap3A, %swap3A_224], %add3A_223 {strides = array<i32>} : memref<32x512xf32, #tpu.memory_space<vmem>>, vector<16xf32>,
      %get3A_226 = arith.constant 0 : i32
      %get3A_227 = arith.index_cast %get3A_226 : i32 to index
      %get3A_228 = arith.constant 16 : index
      %get3A_229 = tpu.vector_load %arg12[%get3A_227, %get3A_228] {strides = array<i32>} : memref<16x512xf32, #tpu.memory_space<vmem>>, vector<16xf32>,
      %mul3A_230 = arith.mulf %gather3A_32, %get3A_229 : vector<16xf32>
      %get3A_231 = arith.constant 1 : i32
      %get3A_232 = arith.index_cast %get3A_231 : i32 to index
      %get3A_233 = arith.constant 16 : index
      %get3A_234 = tpu.vector_load %arg12[%get3A_232, %get3A_233] {strides = array<i32>} : memref<16x512xf32, #tpu.memory_space<vmem>>, vector<16xf32>,
      %mul3A_235 = arith.mulf %gather3A_38, %get3A_234 : vector<16xf32>
      %add3A_236 = arith.addf %mul3A_230, %mul3A_235 : vector<16xf32>
      %get3A_237 = arith.constant 2 : i32
      %get3A_238 = arith.index_cast %get3A_237 : i32 to index
      %get3A_239 = arith.constant 16 : index
      %get3A_240 = tpu.vector_load %arg12[%get3A_238, %get3A_239] {strides = array<i32>} : memref<16x512xf32, #tpu.memory_space<vmem>>, vector<16xf32>,
      %mul3A_241 = arith.mulf %gather3A_44, %get3A_240 : vector<16xf32>
      %add3A_242 = arith.addf %add3A_236, %mul3A_241 : vector<16xf32>
      %get3A_243 = arith.constant 3 : i32
      %get3A_244 = arith.index_cast %get3A_243 : i32 to index
      %get3A_245 = arith.constant 16 : index
      %get3A_246 = tpu.vector_load %arg12[%get3A_244, %get3A_245] {strides = array<i32>} : memref<16x512xf32, #tpu.memory_space<vmem>>, vector<16xf32>,
      %mul3A_247 = arith.mulf %gather3A_50, %get3A_246 : vector<16xf32>
      %add3A_248 = arith.addf %add3A_242, %mul3A_247 : vector<16xf32>
      %get3A_249 = arith.constant 4 : i32
      %get3A_250 = arith.index_cast %get3A_249 : i32 to index
      %get3A_251 = arith.constant 16 : index
      %get3A_252 = tpu.vector_load %arg12[%get3A_250, %get3A_251] {strides = array<i32>} : memref<16x512xf32, #tpu.memory_space<vmem>>, vector<16xf32>,
      %mul3A_253 = arith.mulf %gather3A_56, %get3A_252 : vector<16xf32>
      %add3A_254 = arith.addf %add3A_248, %mul3A_253 : vector<16xf32>
      %get3A_255 = arith.constant 5 : i32
      %get3A_256 = arith.index_cast %get3A_255 : i32 to index
      %get3A_257 = arith.constant 16 : index
      %get3A_258 = tpu.vector_load %arg12[%get3A_256, %get3A_257] {strides = array<i32>} : memref<16x512xf32, #tpu.memory_space<vmem>>, vector<16xf32>,
      %mul3A_259 = arith.mulf %gather3A_62, %get3A_258 : vector<16xf32>
      %add3A_260 = arith.addf %add3A_254, %mul3A_259 : vector<16xf32>
      %get3A_261 = arith.constant 6 : i32
      %get3A_262 = arith.index_cast %get3A_261 : i32 to index
      %get3A_263 = arith.constant 16 : index
      %get3A_264 = tpu.vector_load %arg12[%get3A_262, %get3A_263] {strides = array<i32>} : memref<16x512xf32, #tpu.memory_space<vmem>>, vector<16xf32>,
      %mul3A_265 = arith.mulf %gather3A_68, %get3A_264 : vector<16xf32>
      %add3A_266 = arith.addf %add3A_260, %mul3A_265 : vector<16xf32>
      %get3A_267 = arith.constant 7 : i32
      %get3A_268 = arith.index_cast %get3A_267 : i32 to index
      %get3A_269 = arith.constant 16 : index
      %get3A_270 = tpu.vector_load %arg12[%get3A_268, %get3A_269] {strides = array<i32>} : memref<16x512xf32, #tpu.memory_space<vmem>>, vector<16xf32>,
      %mul3A_271 = arith.mulf %gather3A_74, %get3A_270 : vector<16xf32>
      %add3A_272 = arith.addf %add3A_266, %mul3A_271 : vector<16xf32>
      %get3A_273 = arith.constant 8 : i32
      %get3A_274 = arith.index_cast %get3A_273 : i32 to index
      %get3A_275 = arith.constant 16 : index
      %get3A_276 = tpu.vector_load %arg12[%get3A_274, %get3A_275] {strides = array<i32>} : memref<16x512xf32, #tpu.memory_space<vmem>>, vector<16xf32>,
      %mul3A_277 = arith.mulf %gather3A_80, %get3A_276 : vector<16xf32>
      %add3A_278 = arith.addf %add3A_272, %mul3A_277 : vector<16xf32>
      %get3A_279 = arith.constant 9 : i32
      %get3A_280 = arith.index_cast %get3A_279 : i32 to index
      %get3A_281 = arith.constant 16 : index
      %get3A_282 = tpu.vector_load %arg12[%get3A_280, %get3A_281] {strides = array<i32>} : memref<16x512xf32, #tpu.memory_space<vmem>>, vector<16xf32>,
      %mul3A_283 = arith.mulf %gather3A_86, %get3A_282 : vector<16xf32>
      %add3A_284 = arith.addf %add3A_278, %mul3A_283 : vector<16xf32>
      %get3A_285 = arith.constant 10 : i32
      %get3A_286 = arith.index_cast %get3A_285 : i32 to index
      %get3A_287 = arith.constant 16 : index
      %get3A_288 = tpu.vector_load %arg12[%get3A_286, %get3A_287] {strides = array<i32>} : memref<16x512xf32, #tpu.memory_space<vmem>>, vector<16xf32>,
      %mul3A_289 = arith.mulf %gather3A_92, %get3A_288 : vector<16xf32>
      %add3A_290 = arith.addf %add3A_284, %mul3A_289 : vector<16xf32>
      %get3A_291 = arith.constant 11 : i32
      %get3A_292 = arith.index_cast %get3A_291 : i32 to index
      %get3A_293 = arith.constant 16 : index
      %get3A_294 = tpu.vector_load %arg12[%get3A_292, %get3A_293] {strides = array<i32>} : memref<16x512xf32, #tpu.memory_space<vmem>>, vector<16xf32>,
      %mul3A_295 = arith.mulf %gather3A_98, %get3A_294 : vector<16xf32>
      %add3A_296 = arith.addf %add3A_290, %mul3A_295 : vector<16xf32>
      %get3A_297 = arith.constant 12 : i32
      %get3A_298 = arith.index_cast %get3A_297 : i32 to index
      %get3A_299 = arith.constant 16 : index
      %get3A_300 = tpu.vector_load %arg12[%get3A_298, %get3A_299] {strides = array<i32>} : memref<16x512xf32, #tpu.memory_space<vmem>>, vector<16xf32>,
      %mul3A_301 = arith.mulf %gather3A_104, %get3A_300 : vector<16xf32>
      %add3A_302 = arith.addf %add3A_296, %mul3A_301 : vector<16xf32>
      %get3A_303 = arith.constant 13 : i32
      %get3A_304 = arith.index_cast %get3A_303 : i32 to index
      %get3A_305 = arith.constant 16 : index
      %get3A_306 = tpu.vector_load %arg12[%get3A_304, %get3A_305] {strides = array<i32>} : memref<16x512xf32, #tpu.memory_space<vmem>>, vector<16xf32>,
      %mul3A_307 = arith.mulf %gather3A_110, %get3A_306 : vector<16xf32>
      %add3A_308 = arith.addf %add3A_302, %mul3A_307 : vector<16xf32>
      %get3A_309 = arith.constant 14 : i32
      %get3A_310 = arith.index_cast %get3A_309 : i32 to index
      %get3A_311 = arith.constant 16 : index
      %get3A_312 = tpu.vector_load %arg12[%get3A_310, %get3A_311] {strides = array<i32>} : memref<16x512xf32, #tpu.memory_space<vmem>>, vector<16xf32>,
      %mul3A_313 = arith.mulf %gather3A_116, %get3A_312 : vector<16xf32>
      %add3A_314 = arith.addf %add3A_308, %mul3A_313 : vector<16xf32>
      %get3A_315 = arith.constant 15 : i32
      %get3A_316 = arith.index_cast %get3A_315 : i32 to index
      %get3A_317 = arith.constant 16 : index
      %get3A_318 = tpu.vector_load %arg12[%get3A_316, %get3A_317] {strides = array<i32>} : memref<16x512xf32, #tpu.memory_space<vmem>>, vector<16xf32>,
      %mul3A_319 = arith.mulf %gather3A_122, %get3A_318 : vector<16xf32>
      %add3A_320 = arith.addf %add3A_314, %mul3A_319 : vector<16xf32>
      %get3A_321 = arith.index_cast %scan3A_18 : i32 to index
      %get3A_322 = arith.constant 16 : index
      %get3A_323 = tpu.vector_load %arg10[%get3A_321, %get3A_322] {strides = array<i32>} : memref<32x512xf32, #tpu.memory_space<vmem>>, vector<16xf32>,
      %mul3A_324 = arith.mulf %div3A_10, %get3A_323 : vector<16xf32>
      %mul3A_325 = arith.mulf %sub3A_12, %add3A_320 : vector<16xf32>
      %add3A_326 = arith.addf %mul3A_324, %mul3A_325 : vector<16xf32>
      %swap3A_327 = arith.index_cast %scan3A_18 : i32 to index
      %swap3A_328 = arith.constant 16 : index
      %swap3A_329 = tpu.vector_load %arg11[%swap3A_327, %swap3A_328] {strides = array<i32>} : memref<32x512xf32, #tpu.memory_space<vmem>>, vector<16xf32>,
      tpu.vector_store %arg11[%swap3A_327, %swap3A_328], %add3A_326 {strides = array<i32>} : memref<32x512xf32, #tpu.memory_space<vmem>>, vector<16xf32>,
      %get3A_330 = arith.constant 0 : i32
      %get3A_331 = arith.index_cast %get3A_330 : i32 to index
      %get3A_332 = arith.constant 32 : index
      %get3A_333 = tpu.vector_load %arg12[%get3A_331, %get3A_332] {strides = array<i32>} : memref<16x512xf32, #tpu.memory_space<vmem>>, vector<16xf32>,
      %mul3A_334 = arith.mulf %gather3A_32, %get3A_333 : vector<16xf32>
      %get3A_335 = arith.constant 1 : i32
      %get3A_336 = arith.index_cast %get3A_335 : i32 to index
      %get3A_337 = arith.constant 32 : index
      %get3A_338 = tpu.vector_load %arg12[%get3A_336, %get3A_337] {strides = array<i32>} : memref<16x512xf32, #tpu.memory_space<vmem>>, vector<16xf32>,
      %mul3A_339 = arith.mulf %gather3A_38, %get3A_338 : vector<16xf32>
      %add3A_340 = arith.addf %mul3A_334, %mul3A_339 : vector<16xf32>
      %get3A_341 = arith.constant 2 : i32
      %get3A_342 = arith.index_cast %get3A_341 : i32 to index
      %get3A_343 = arith.constant 32 : index
      %get3A_344 = tpu.vector_load %arg12[%get3A_342, %get3A_343] {strides = array<i32>} : memref<16x512xf32, #tpu.memory_space<vmem>>, vector<16xf32>,
      %mul3A_345 = arith.mulf %gather3A_44, %get3A_344 : vector<16xf32>
      %add3A_346 = arith.addf %add3A_340, %mul3A_345 : vector<16xf32>
      %get3A_347 = arith.constant 3 : i32
      %get3A_348 = arith.index_cast %get3A_347 : i32 to index
      %get3A_349 = arith.constant 32 : index
      %get3A_350 = tpu.vector_load %arg12[%get3A_348, %get3A_349] {strides = array<i32>} : memref<16x512xf32, #tpu.memory_space<vmem>>, vector<16xf32>,
      %mul3A_351 = arith.mulf %gather3A_50, %get3A_350 : vector<16xf32>
      %add3A_352 = arith.addf %add3A_346, %mul3A_351 : vector<16xf32>
      %get3A_353 = arith.constant 4 : i32
      %get3A_354 = arith.index_cast %get3A_353 : i32 to index
      %get3A_355 = arith.constant 32 : index
      %get3A_356 = tpu.vector_load %arg12[%get3A_354, %get3A_355] {strides = array<i32>} : memref<16x512xf32, #tpu.memory_space<vmem>>, vector<16xf32>,
      %mul3A_357 = arith.mulf %gather3A_56, %get3A_356 : vector<16xf32>
      %add3A_358 = arith.addf %add3A_352, %mul3A_357 : vector<16xf32>
      %get3A_359 = arith.constant 5 : i32
      %get3A_360 = arith.index_cast %get3A_359 : i32 to index
      %get3A_361 = arith.constant 32 : index
      %get3A_362 = tpu.vector_load %arg12[%get3A_360, %get3A_361] {strides = array<i32>} : memref<16x512xf32, #tpu.memory_space<vmem>>, vector<16xf32>,
      %mul3A_363 = arith.mulf %gather3A_62, %get3A_362 : vector<16xf32>
      %add3A_364 = arith.addf %add3A_358, %mul3A_363 : vector<16xf32>
      %get3A_365 = arith.constant 6 : i32
      %get3A_366 = arith.index_cast %get3A_365 : i32 to index
      %get3A_367 = arith.constant 32 : index
      %get3A_368 = tpu.vector_load %arg12[%get3A_366, %get3A_367] {strides = array<i32>} : memref<16x512xf32, #tpu.memory_space<vmem>>, vector<16xf32>,
      %mul3A_369 = arith.mulf %gather3A_68, %get3A_368 : vector<16xf32>
      %add3A_370 = arith.addf %add3A_364, %mul3A_369 : vector<16xf32>
      %get3A_371 = arith.constant 7 : i32
      %get3A_372 = arith.index_cast %get3A_371 : i32 to index
      %get3A_373 = arith.constant 32 : index
      %get3A_374 = tpu.vector_load %arg12[%get3A_372, %get3A_373] {strides = array<i32>} : memref<16x512xf32, #tpu.memory_space<vmem>>, vector<16xf32>,
      %mul3A_375 = arith.mulf %gather3A_74, %get3A_374 : vector<16xf32>
      %add3A_376 = arith.addf %add3A_370, %mul3A_375 : vector<16xf32>
      %get3A_377 = arith.constant 8 : i32
      %get3A_378 = arith.index_cast %get3A_377 : i32 to index
      %get3A_379 = arith.constant 32 : index
      %get3A_380 = tpu.vector_load %arg12[%get3A_378, %get3A_379] {strides = array<i32>} : memref<16x512xf32, #tpu.memory_space<vmem>>, vector<16xf32>,
      %mul3A_381 = arith.mulf %gather3A_80, %get3A_380 : vector<16xf32>
      %add3A_382 = arith.addf %add3A_376, %mul3A_381 : vector<16xf32>
      %get3A_383 = arith.constant 9 : i32
      %get3A_384 = arith.index_cast %get3A_383 : i32 to index
      %get3A_385 = arith.constant 32 : index
      %get3A_386 = tpu.vector_load %arg12[%get3A_384, %get3A_385] {strides = array<i32>} : memref<16x512xf32, #tpu.memory_space<vmem>>, vector<16xf32>,
      %mul3A_387 = arith.mulf %gather3A_86, %get3A_386 : vector<16xf32>
      %add3A_388 = arith.addf %add3A_382, %mul3A_387 : vector<16xf32>
      %get3A_389 = arith.constant 10 : i32
      %get3A_390 = arith.index_cast %get3A_389 : i32 to index
      %get3A_391 = arith.constant 32 : index
      %get3A_392 = tpu.vector_load %arg12[%get3A_390, %get3A_391] {strides = array<i32>} : memref<16x512xf32, #tpu.memory_space<vmem>>, vector<16xf32>,
      %mul3A_393 = arith.mulf %gather3A_92, %get3A_392 : vector<16xf32>
      %add3A_394 = arith.addf %add3A_388, %mul3A_393 : vector<16xf32>
      %get3A_395 = arith.constant 11 : i32
      %get3A_396 = arith.index_cast %get3A_395 : i32 to index
      %get3A_397 = arith.constant 32 : index
      %get3A_398 = tpu.vector_load %arg12[%get3A_396, %get3A_397] {strides = array<i32>} : memref<16x512xf32, #tpu.memory_space<vmem>>, vector<16xf32>,
      %mul3A_399 = arith.mulf %gather3A_98, %get3A_398 : vector<16xf32>
      %add3A_400 = arith.addf %add3A_394, %mul3A_399 : vector<16xf32>
      %get3A_401 = arith.constant 12 : i32
      %get3A_402 = arith.index_cast %get3A_401 : i32 to index
      %get3A_403 = arith.constant 32 : index
      %get3A_404 = tpu.vector_load %arg12[%get3A_402, %get3A_403] {strides = array<i32>} : memref<16x512xf32, #tpu.memory_space<vmem>>, vector<16xf32>,
      %mul3A_405 = arith.mulf %gather3A_104, %get3A_404 : vector<16xf32>
      %add3A_406 = arith.addf %add3A_400, %mul3A_405 : vector<16xf32>
      %get3A_407 = arith.constant 13 : i32
      %get3A_408 = arith.index_cast %get3A_407 : i32 to index
      %get3A_409 = arith.constant 32 : index
      %get3A_410 = tpu.vector_load %arg12[%get3A_408, %get3A_409] {strides = array<i32>} : memref<16x512xf32, #tpu.memory_space<vmem>>, vector<16xf32>,
      %mul3A_411 = arith.mulf %gather3A_110, %get3A_410 : vector<16xf32>
      %add3A_412 = arith.addf %add3A_406, %mul3A_411 : vector<16xf32>
      %get3A_413 = arith.constant 14 : i32
      %get3A_414 = arith.index_cast %get3A_413 : i32 to index
      %get3A_415 = arith.constant 32 : index
      %get3A_416 = tpu.vector_load %arg12[%get3A_414, %get3A_415] {strides = array<i32>} : memref<16x512xf32, #tpu.memory_space<vmem>>, vector<16xf32>,
      %mul3A_417 = arith.mulf %gather3A_116, %get3A_416 : vector<16xf32>
      %add3A_418 = arith.addf %add3A_412, %mul3A_417 : vector<16xf32>
      %get3A_419 = arith.constant 15 : i32
      %get3A_420 = arith.index_cast %get3A_419 : i32 to index
      %get3A_421 = arith.constant 32 : index
      %get3A_422 = tpu.vector_load %arg12[%get3A_420, %get3A_421] {strides = array<i32>} : memref<16x512xf32, #tpu.memory_space<vmem>>, vector<16xf32>,
      %mul3A_423 = arith.mulf %gather3A_122, %get3A_422 : vector<16xf32>
      %add3A_424 = arith.addf %add3A_418, %mul3A_423 : vector<16xf32>
      %get3A_425 = arith.index_cast %scan3A_18 : i32 to index
      %get3A_426 = arith.constant 32 : index
      %get3A_427 = tpu.vector_load %arg10[%get3A_425, %get3A_426] {strides = array<i32>} : memref<32x512xf32, #tpu.memory_space<vmem>>, vector<16xf32>,
      %mul3A_428 = arith.mulf %div3A_10, %get3A_427 : vector<16xf32>
      %mul3A_429 = arith.mulf %sub3A_12, %add3A_424 : vector<16xf32>
      %add3A_430 = arith.addf %mul3A_428, %mul3A_429 : vector<16xf32>
      %swap3A_431 = arith.index_cast %scan3A_18 : i32 to index
      %swap3A_432 = arith.constant 32 : index
      %swap3A_433 = tpu.vector_load %arg11[%swap3A_431, %swap3A_432] {strides = array<i32>} : memref<32x512xf32, #tpu.memory_space<vmem>>, vector<16xf32>,
      tpu.vector_store %arg11[%swap3A_431, %swap3A_432], %add3A_430 {strides = array<i32>} : memref<32x512xf32, #tpu.memory_space<vmem>>, vector<16xf32>,
      %get3A_434 = arith.constant 0 : i32
      %get3A_435 = arith.index_cast %get3A_434 : i32 to index
      %get3A_436 = arith.constant 48 : index
      %get3A_437 = tpu.vector_load %arg12[%get3A_435, %get3A_436] {strides = array<i32>} : memref<16x512xf32, #tpu.memory_space<vmem>>, vector<16xf32>,
      %mul3A_438 = arith.mulf %gather3A_32, %get3A_437 : vector<16xf32>
      %get3A_439 = arith.constant 1 : i32
      %get3A_440 = arith.index_cast %get3A_439 : i32 to index
      %get3A_441 = arith.constant 48 : index
      %get3A_442 = tpu.vector_load %arg12[%get3A_440, %get3A_441] {strides = array<i32>} : memref<16x512xf32, #tpu.memory_space<vmem>>, vector<16xf32>,
      %mul3A_443 = arith.mulf %gather3A_38, %get3A_442 : vector<16xf32>
      %add3A_444 = arith.addf %mul3A_438, %mul3A_443 : vector<16xf32>
      %get3A_445 = arith.constant 2 : i32
      %get3A_446 = arith.index_cast %get3A_445 : i32 to index
      %get3A_447 = arith.constant 48 : index
      %get3A_448 = tpu.vector_load %arg12[%get3A_446, %get3A_447] {strides = array<i32>} : memref<16x512xf32, #tpu.memory_space<vmem>>, vector<16xf32>,
      %mul3A_449 = arith.mulf %gather3A_44, %get3A_448 : vector<16xf32>
      %add3A_450 = arith.addf %add3A_444, %mul3A_449 : vector<16xf32>
      %get3A_451 = arith.constant 3 : i32
      %get3A_452 = arith.index_cast %get3A_451 : i32 to index
      %get3A_453 = arith.constant 48 : index
      %get3A_454 = tpu.vector_load %arg12[%get3A_452, %get3A_453] {strides = array<i32>} : memref<16x512xf32, #tpu.memory_space<vmem>>, vector<16xf32>,
      %mul3A_455 = arith.mulf %gather3A_50, %get3A_454 : vector<16xf32>
      %add3A_456 = arith.addf %add3A_450, %mul3A_455 : vector<16xf32>
      %get3A_457 = arith.constant 4 : i32
      %get3A_458 = arith.index_cast %get3A_457 : i32 to index
      %get3A_459 = arith.constant 48 : index
      %get3A_460 = tpu.vector_load %arg12[%get3A_458, %get3A_459] {strides = array<i32>} : memref<16x512xf32, #tpu.memory_space<vmem>>, vector<16xf32>,
      %mul3A_461 = arith.mulf %gather3A_56, %get3A_460 : vector<16xf32>
      %add3A_462 = arith.addf %add3A_456, %mul3A_461 : vector<16xf32>
      %get3A_463 = arith.constant 5 : i32
      %get3A_464 = arith.index_cast %get3A_463 : i32 to index
      %get3A_465 = arith.constant 48 : index
      %get3A_466 = tpu.vector_load %arg12[%get3A_464, %get3A_465] {strides = array<i32>} : memref<16x512xf32, #tpu.memory_space<vmem>>, vector<16xf32>,
      %mul3A_467 = arith.mulf %gather3A_62, %get3A_466 : vector<16xf32>
      %add3A_468 = arith.addf %add3A_462, %mul3A_467 : vector<16xf32>
      %get3A_469 = arith.constant 6 : i32
      %get3A_470 = arith.index_cast %get3A_469 : i32 to index
      %get3A_471 = arith.constant 48 : index
      %get3A_472 = tpu.vector_load %arg12[%get3A_470, %get3A_471] {strides = array<i32>} : memref<16x512xf32, #tpu.memory_space<vmem>>, vector<16xf32>,
      %mul3A_473 = arith.mulf %gather3A_68, %get3A_472 : vector<16xf32>
      %add3A_474 = arith.addf %add3A_468, %mul3A_473 : vector<16xf32>
      %get3A_475 = arith.constant 7 : i32
      %get3A_476 = arith.index_cast %get3A_475 : i32 to index
      %get3A_477 = arith.constant 48 : index
      %get3A_478 = tpu.vector_load %arg12[%get3A_476, %get3A_477] {strides = array<i32>} : memref<16x512xf32, #tpu.memory_space<vmem>>, vector<16xf32>,
      %mul3A_479 = arith.mulf %gather3A_74, %get3A_478 : vector<16xf32>
      %add3A_480 = arith.addf %add3A_474, %mul3A_479 : vector<16xf32>
      %get3A_481 = arith.constant 8 : i32
      %get3A_482 = arith.index_cast %get3A_481 : i32 to index
      %get3A_483 = arith.constant 48 : index
      %get3A_484 = tpu.vector_load %arg12[%get3A_482, %get3A_483] {strides = array<i32>} : memref<16x512xf32, #tpu.memory_space<vmem>>, vector<16xf32>,
      %mul3A_485 = arith.mulf %gather3A_80, %get3A_484 : vector<16xf32>
      %add3A_486 = arith.addf %add3A_480, %mul3A_485 : vector<16xf32>
      %get3A_487 = arith.constant 9 : i32
      %get3A_488 = arith.index_cast %get3A_487 : i32 to index
      %get3A_489 = arith.constant 48 : index
      %get3A_490 = tpu.vector_load %arg12[%get3A_488, %get3A_489] {strides = array<i32>} : memref<16x512xf32, #tpu.memory_space<vmem>>, vector<16xf32>,
      %mul3A_491 = arith.mulf %gather3A_86, %get3A_490 : vector<16xf32>
      %add3A_492 = arith.addf %add3A_486, %mul3A_491 : vector<16xf32>
      %get3A_493 = arith.constant 10 : i32
      %get3A_494 = arith.index_cast %get3A_493 : i32 to index
      %get3A_495 = arith.constant 48 : index
      %get3A_496 = tpu.vector_load %arg12[%get3A_494, %get3A_495] {strides = array<i32>} : memref<16x512xf32, #tpu.memory_space<vmem>>, vector<16xf32>,
      %mul3A_497 = arith.mulf %gather3A_92, %get3A_496 : vector<16xf32>
      %add3A_498 = arith.addf %add3A_492, %mul3A_497 : vector<16xf32>
      %get3A_499 = arith.constant 11 : i32
      %get3A_500 = arith.index_cast %get3A_499 : i32 to index
      %get3A_501 = arith.constant 48 : index
      %get3A_502 = tpu.vector_load %arg12[%get3A_500, %get3A_501] {strides = array<i32>} : memref<16x512xf32, #tpu.memory_space<vmem>>, vector<16xf32>,
      %mul3A_503 = arith.mulf %gather3A_98, %get3A_502 : vector<16xf32>
      %add3A_504 = arith.addf %add3A_498, %mul3A_503 : vector<16xf32>
      %get3A_505 = arith.constant 12 : i32
      %get3A_506 = arith.index_cast %get3A_505 : i32 to index
      %get3A_507 = arith.constant 48 : index
      %get3A_508 = tpu.vector_load %arg12[%get3A_506, %get3A_507] {strides = array<i32>} : memref<16x512xf32, #tpu.memory_space<vmem>>, vector<16xf32>,
      %mul3A_509 = arith.mulf %gather3A_104, %get3A_508 : vector<16xf32>
      %add3A_510 = arith.addf %add3A_504, %mul3A_509 : vector<16xf32>
      %get3A_511 = arith.constant 13 : i32
      %get3A_512 = arith.index_cast %get3A_511 : i32 to index
      %get3A_513 = arith.constant 48 : index
      %get3A_514 = tpu.vector_load %arg12[%get3A_512, %get3A_513] {strides = array<i32>} : memref<16x512xf32, #tpu.memory_space<vmem>>, vector<16xf32>,
      %mul3A_515 = arith.mulf %gather3A_110, %get3A_514 : vector<16xf32>
      %add3A_516 = arith.addf %add3A_510, %mul3A_515 : vector<16xf32>
      %get3A_517 = arith.constant 14 : i32
      %get3A_518 = arith.index_cast %get3A_517 : i32 to index
      %get3A_519 = arith.constant 48 : index
      %get3A_520 = tpu.vector_load %arg12[%get3A_518, %get3A_519] {strides = array<i32>} : memref<16x512xf32, #tpu.memory_space<vmem>>, vector<16xf32>,
      %mul3A_521 = arith.mulf %gather3A_116, %get3A_520 : vector<16xf32>
      %add3A_522 = arith.addf %add3A_516, %mul3A_521 : vector<16xf32>
      %get3A_523 = arith.constant 15 : i32
      %get3A_524 = arith.index_cast %get3A_523 : i32 to index
      %get3A_525 = arith.constant 48 : index
      %get3A_526 = tpu.vector_load %arg12[%get3A_524, %get3A_525] {strides = array<i32>} : memref<16x512xf32, #tpu.memory_space<vmem>>, vector<16xf32>,
      %mul3A_527 = arith.mulf %gather3A_122, %get3A_526 : vector<16xf32>
      %add3A_528 = arith.addf %add3A_522, %mul3A_527 : vector<16xf32>
      %get3A_529 = arith.index_cast %scan3A_18 : i32 to index
      %get3A_530 = arith.constant 48 : index
      %get3A_531 = tpu.vector_load %arg10[%get3A_529, %get3A_530] {strides = array<i32>} : memref<32x512xf32, #tpu.memory_space<vmem>>, vector<16xf32>,
      %mul3A_532 = arith.mulf %div3A_10, %get3A_531 : vector<16xf32>
      %mul3A_533 = arith.mulf %sub3A_12, %add3A_528 : vector<16xf32>
      %add3A_534 = arith.addf %mul3A_532, %mul3A_533 : vector<16xf32>
      %swap3A_535 = arith.index_cast %scan3A_18 : i32 to index
      %swap3A_536 = arith.constant 48 : index
      %swap3A_537 = tpu.vector_load %arg11[%swap3A_535, %swap3A_536] {strides = array<i32>} : memref<32x512xf32, #tpu.memory_space<vmem>>, vector<16xf32>,
      tpu.vector_store %arg11[%swap3A_535, %swap3A_536], %add3A_534 {strides = array<i32>} : memref<32x512xf32, #tpu.memory_space<vmem>>, vector<16xf32>,
      %get3A_538 = arith.constant 0 : i32
      %get3A_539 = arith.index_cast %get3A_538 : i32 to index
      %get3A_540 = arith.constant 64 : index
      %get3A_541 = tpu.vector_load %arg12[%get3A_539, %get3A_540] {strides = array<i32>} : memref<16x512xf32, #tpu.memory_space<vmem>>, vector<16xf32>,
      %mul3A_542 = arith.mulf %gather3A_32, %get3A_541 : vector<16xf32>
      %get3A_543 = arith.constant 1 : i32
      %get3A_544 = arith.index_cast %get3A_543 : i32 to index
      %get3A_545 = arith.constant 64 : index
      %get3A_546 = tpu.vector_load %arg12[%get3A_544, %get3A_545] {strides = array<i32>} : memref<16x512xf32, #tpu.memory_space<vmem>>, vector<16xf32>,
      %mul3A_547 = arith.mulf %gather3A_38, %get3A_546 : vector<16xf32>
      %add3A_548 = arith.addf %mul3A_542, %mul3A_547 : vector<16xf32>
      %get3A_549 = arith.constant 2 : i32
      %get3A_550 = arith.index_cast %get3A_549 : i32 to index
      %get3A_551 = arith.constant 64 : index
      %get3A_552 = tpu.vector_load %arg12[%get3A_550, %get3A_551] {strides = array<i32>} : memref<16x512xf32, #tpu.memory_space<vmem>>, vector<16xf32>,
      %mul3A_553 = arith.mulf %gather3A_44, %get3A_552 : vector<16xf32>
      %add3A_554 = arith.addf %add3A_548, %mul3A_553 : vector<16xf32>
      %get3A_555 = arith.constant 3 : i32
      %get3A_556 = arith.index_cast %get3A_555 : i32 to index
      %get3A_557 = arith.constant 64 : index
      %get3A_558 = tpu.vector_load %arg12[%get3A_556, %get3A_557] {strides = array<i32>} : memref<16x512xf32, #tpu.memory_space<vmem>>, vector<16xf32>,
      %mul3A_559 = arith.mulf %gather3A_50, %get3A_558 : vector<16xf32>
      %add3A_560 = arith.addf %add3A_554, %mul3A_559 : vector<16xf32>
      %get3A_561 = arith.constant 4 : i32
      %get3A_562 = arith.index_cast %get3A_561 : i32 to index
      %get3A_563 = arith.constant 64 : index
      %get3A_564 = tpu.vector_load %arg12[%get3A_562, %get3A_563] {strides = array<i32>} : memref<16x512xf32, #tpu.memory_space<vmem>>, vector<16xf32>,
      %mul3A_565 = arith.mulf %gather3A_56, %get3A_564 : vector<16xf32>
      %add3A_566 = arith.addf %add3A_560, %mul3A_565 : vector<16xf32>
      %get3A_567 = arith.constant 5 : i32
      %get3A_568 = arith.index_cast %get3A_567 : i32 to index
      %get3A_569 = arith.constant 64 : index
      %get3A_570 = tpu.vector_load %arg12[%get3A_568, %get3A_569] {strides = array<i32>} : memref<16x512xf32, #tpu.memory_space<vmem>>, vector<16xf32>,
      %mul3A_571 = arith.mulf %gather3A_62, %get3A_570 : vector<16xf32>
      %add3A_572 = arith.addf %add3A_566, %mul3A_571 : vector<16xf32>
      %get3A_573 = arith.constant 6 : i32
      %get3A_574 = arith.index_cast %get3A_573 : i32 to index
      %get3A_575 = arith.constant 64 : index
      %get3A_576 = tpu.vector_load %arg12[%get3A_574, %get3A_575] {strides = array<i32>} : memref<16x512xf32, #tpu.memory_space<vmem>>, vector<16xf32>,
      %mul3A_577 = arith.mulf %gather3A_68, %get3A_576 : vector<16xf32>
      %add3A_578 = arith.addf %add3A_572, %mul3A_577 : vector<16xf32>
      %get3A_579 = arith.constant 7 : i32
      %get3A_580 = arith.index_cast %get3A_579 : i32 to index
      %get3A_581 = arith.constant 64 : index
      %get3A_582 = tpu.vector_load %arg12[%get3A_580, %get3A_581] {strides = array<i32>} : memref<16x512xf32, #tpu.memory_space<vmem>>, vector<16xf32>,
      %mul3A_583 = arith.mulf %gather3A_74, %get3A_582 : vector<16xf32>
      %add3A_584 = arith.addf %add3A_578, %mul3A_583 : vector<16xf32>
      %get3A_585 = arith.constant 8 : i32
      %get3A_586 = arith.index_cast %get3A_585 : i32 to index
      %get3A_587 = arith.constant 64 : index
      %get3A_588 = tpu.vector_load %arg12[%get3A_586, %get3A_587] {strides = array<i32>} : memref<16x512xf32, #tpu.memory_space<vmem>>, vector<16xf32>,
      %mul3A_589 = arith.mulf %gather3A_80, %get3A_588 : vector<16xf32>
      %add3A_590 = arith.addf %add3A_584, %mul3A_589 : vector<16xf32>
      %get3A_591 = arith.constant 9 : i32
      %get3A_592 = arith.index_cast %get3A_591 : i32 to index
      %get3A_593 = arith.constant 64 : index
      %get3A_594 = tpu.vector_load %arg12[%get3A_592, %get3A_593] {strides = array<i32>} : memref<16x512xf32, #tpu.memory_space<vmem>>, vector<16xf32>,
      %mul3A_595 = arith.mulf %gather3A_86, %get3A_594 : vector<16xf32>
      %add3A_596 = arith.addf %add3A_590, %mul3A_595 : vector<16xf32>
      %get3A_597 = arith.constant 10 : i32
      %get3A_598 = arith.index_cast %get3A_597 : i32 to index
      %get3A_599 = arith.constant 64 : index
      %get3A_600 = tpu.vector_load %arg12[%get3A_598, %get3A_599] {strides = array<i32>} : memref<16x512xf32, #tpu.memory_space<vmem>>, vector<16xf32>,
      %mul3A_601 = arith.mulf %gather3A_92, %get3A_600 : vector<16xf32>
      %add3A_602 = arith.addf %add3A_596, %mul3A_601 : vector<16xf32>
      %get3A_603 = arith.constant 11 : i32
      %get3A_604 = arith.index_cast %get3A_603 : i32 to index
      %get3A_605 = arith.constant 64 : index
      %get3A_606 = tpu.vector_load %arg12[%get3A_604, %get3A_605] {strides = array<i32>} : memref<16x512xf32, #tpu.memory_space<vmem>>, vector<16xf32>,
      %mul3A_607 = arith.mulf %gather3A_98, %get3A_606 : vector<16xf32>
      %add3A_608 = arith.addf %add3A_602, %mul3A_607 : vector<16xf32>
      %get3A_609 = arith.constant 12 : i32
      %get3A_610 = arith.index_cast %get3A_609 : i32 to index
      %get3A_611 = arith.constant 64 : index
      %get3A_612 = tpu.vector_load %arg12[%get3A_610, %get3A_611] {strides = array<i32>} : memref<16x512xf32, #tpu.memory_space<vmem>>, vector<16xf32>,
      %mul3A_613 = arith.mulf %gather3A_104, %get3A_612 : vector<16xf32>
      %add3A_614 = arith.addf %add3A_608, %mul3A_613 : vector<16xf32>
      %get3A_615 = arith.constant 13 : i32
      %get3A_616 = arith.index_cast %get3A_615 : i32 to index
      %get3A_617 = arith.constant 64 : index
      %get3A_618 = tpu.vector_load %arg12[%get3A_616, %get3A_617] {strides = array<i32>} : memref<16x512xf32, #tpu.memory_space<vmem>>, vector<16xf32>,
      %mul3A_619 = arith.mulf %gather3A_110, %get3A_618 : vector<16xf32>
      %add3A_620 = arith.addf %add3A_614, %mul3A_619 : vector<16xf32>
      %get3A_621 = arith.constant 14 : i32
      %get3A_622 = arith.index_cast %get3A_621 : i32 to index
      %get3A_623 = arith.constant 64 : index
      %get3A_624 = tpu.vector_load %arg12[%get3A_622, %get3A_623] {strides = array<i32>} : memref<16x512xf32, #tpu.memory_space<vmem>>, vector<16xf32>,
      %mul3A_625 = arith.mulf %gather3A_116, %get3A_624 : vector<16xf32>
      %add3A_626 = arith.addf %add3A_620, %mul3A_625 : vector<16xf32>
      %get3A_627 = arith.constant 15 : i32
      %get3A_628 = arith.index_cast %get3A_627 : i32 to index
      %get3A_629 = arith.constant 64 : index
      %get3A_630 = tpu.vector_load %arg12[%get3A_628, %get3A_629] {strides = array<i32>} : memref<16x512xf32, #tpu.memory_space<vmem>>, vector<16xf32>,
      %mul3A_631 = arith.mulf %gather3A_122, %get3A_630 : vector<16xf32>
      %add3A_632 = arith.addf %add3A_626, %mul3A_631 : vector<16xf32>
      %get3A_633 = arith.index_cast %scan3A_18 : i32 to index
      %get3A_634 = arith.constant 64 : index
      %get3A_635 = tpu.vector_load %arg10[%get3A_633, %get3A_634] {strides = array<i32>} : memref<32x512xf32, #tpu.memory_space<vmem>>, vector<16xf32>,
      %mul3A_636 = arith.mulf %div3A_10, %get3A_635 : vector<16xf32>
      %mul3A_637 = arith.mulf %sub3A_12, %add3A_632 : vector<16xf32>
      %add3A_638 = arith.addf %mul3A_636, %mul3A_637 : vector<16xf32>
      %swap3A_639 = arith.index_cast %scan3A_18 : i32 to index
      %swap3A_640 = arith.constant 64 : index
      %swap3A_641 = tpu.vector_load %arg11[%swap3A_639, %swap3A_640] {strides = array<i32>} : memref<32x512xf32, #tpu.memory_space<vmem>>, vector<16xf32>,
      tpu.vector_store %arg11[%swap3A_639, %swap3A_640], %add3A_638 {strides = array<i32>} : memref<32x512xf32, #tpu.memory_space<vmem>>, vector<16xf32>,
      %get3A_642 = arith.constant 0 : i32
      %get3A_643 = arith.index_cast %get3A_642 : i32 to index
      %get3A_644 = arith.constant 80 : index
      %get3A_645 = tpu.vector_load %arg12[%get3A_643, %get3A_644] {strides = array<i32>} : memref<16x512xf32, #tpu.memory_space<vmem>>, vector<16xf32>,
      %mul3A_646 = arith.mulf %gather3A_32, %get3A_645 : vector<16xf32>
      %get3A_647 = arith.constant 1 : i32
      %get3A_648 = arith.index_cast %get3A_647 : i32 to index
      %get3A_649 = arith.constant 80 : index
      %get3A_650 = tpu.vector_load %arg12[%get3A_648, %get3A_649] {strides = array<i32>} : memref<16x512xf32, #tpu.memory_space<vmem>>, vector<16xf32>,
      %mul3A_651 = arith.mulf %gather3A_38, %get3A_650 : vector<16xf32>
      %add3A_652 = arith.addf %mul3A_646, %mul3A_651 : vector<16xf32>
      %get3A_653 = arith.constant 2 : i32
      %get3A_654 = arith.index_cast %get3A_653 : i32 to index
      %get3A_655 = arith.constant 80 : index
      %get3A_656 = tpu.vector_load %arg12[%get3A_654, %get3A_655] {strides = array<i32>} : memref<16x512xf32, #tpu.memory_space<vmem>>, vector<16xf32>,
      %mul3A_657 = arith.mulf %gather3A_44, %get3A_656 : vector<16xf32>
      %add3A_658 = arith.addf %add3A_652, %mul3A_657 : vector<16xf32>
      %get3A_659 = arith.constant 3 : i32
      %get3A_660 = arith.index_cast %get3A_659 : i32 to index
      %get3A_661 = arith.constant 80 : index
      %get3A_662 = tpu.vector_load %arg12[%get3A_660, %get3A_661] {strides = array<i32>} : memref<16x512xf32, #tpu.memory_space<vmem>>, vector<16xf32>,
      %mul3A_663 = arith.mulf %gather3A_50, %get3A_662 : vector<16xf32>
      %add3A_664 = arith.addf %add3A_658, %mul3A_663 : vector<16xf32>
      %get3A_665 = arith.constant 4 : i32
      %get3A_666 = arith.index_cast %get3A_665 : i32 to index
      %get3A_667 = arith.constant 80 : index
      %get3A_668 = tpu.vector_load %arg12[%get3A_666, %get3A_667] {strides = array<i32>} : memref<16x512xf32, #tpu.memory_space<vmem>>, vector<16xf32>,
      %mul3A_669 = arith.mulf %gather3A_56, %get3A_668 : vector<16xf32>
      %add3A_670 = arith.addf %add3A_664, %mul3A_669 : vector<16xf32>
      %get3A_671 = arith.constant 5 : i32
      %get3A_672 = arith.index_cast %get3A_671 : i32 to index
      %get3A_673 = arith.constant 80 : index
      %get3A_674 = tpu.vector_load %arg12[%get3A_672, %get3A_673] {strides = array<i32>} : memref<16x512xf32, #tpu.memory_space<vmem>>, vector<16xf32>,
      %mul3A_675 = arith.mulf %gather3A_62, %get3A_674 : vector<16xf32>
      %add3A_676 = arith.addf %add3A_670, %mul3A_675 : vector<16xf32>
      %get3A_677 = arith.constant 6 : i32
      %get3A_678 = arith.index_cast %get3A_677 : i32 to index
      %get3A_679 = arith.constant 80 : index
      %get3A_680 = tpu.vector_load %arg12[%get3A_678, %get3A_679] {strides = array<i32>} : memref<16x512xf32, #tpu.memory_space<vmem>>, vector<16xf32>,
      %mul3A_681 = arith.mulf %gather3A_68, %get3A_680 : vector<16xf32>
      %add3A_682 = arith.addf %add3A_676, %mul3A_681 : vector<16xf32>
      %get3A_683 = arith.constant 7 : i32
      %get3A_684 = arith.index_cast %get3A_683 : i32 to index
      %get3A_685 = arith.constant 80 : index
      %get3A_686 = tpu.vector_load %arg12[%get3A_684, %get3A_685] {strides = array<i32>} : memref<16x512xf32, #tpu.memory_space<vmem>>, vector<16xf32>,
      %mul3A_687 = arith.mulf %gather3A_74, %get3A_686 : vector<16xf32>
      %add3A_688 = arith.addf %add3A_682, %mul3A_687 : vector<16xf32>
      %get3A_689 = arith.constant 8 : i32
      %get3A_690 = arith.index_cast %get3A_689 : i32 to index
      %get3A_691 = arith.constant 80 : index
      %get3A_692 = tpu.vector_load %arg12[%get3A_690, %get3A_691] {strides = array<i32>} : memref<16x512xf32, #tpu.memory_space<vmem>>, vector<16xf32>,
      %mul3A_693 = arith.mulf %gather3A_80, %get3A_692 : vector<16xf32>
      %add3A_694 = arith.addf %add3A_688, %mul3A_693 : vector<16xf32>
      %get3A_695 = arith.constant 9 : i32
      %get3A_696 = arith.index_cast %get3A_695 : i32 to index
      %get3A_697 = arith.constant 80 : index
      %get3A_698 = tpu.vector_load %arg12[%get3A_696, %get3A_697] {strides = array<i32>} : memref<16x512xf32, #tpu.memory_space<vmem>>, vector<16xf32>,
      %mul3A_699 = arith.mulf %gather3A_86, %get3A_698 : vector<16xf32>
      %add3A_700 = arith.addf %add3A_694, %mul3A_699 : vector<16xf32>
      %get3A_701 = arith.constant 10 : i32
      %get3A_702 = arith.index_cast %get3A_701 : i32 to index
      %get3A_703 = arith.constant 80 : index
      %get3A_704 = tpu.vector_load %arg12[%get3A_702, %get3A_703] {strides = array<i32>} : memref<16x512xf32, #tpu.memory_space<vmem>>, vector<16xf32>,
      %mul3A_705 = arith.mulf %gather3A_92, %get3A_704 : vector<16xf32>
      %add3A_706 = arith.addf %add3A_700, %mul3A_705 : vector<16xf32>
      %get3A_707 = arith.constant 11 : i32
      %get3A_708 = arith.index_cast %get3A_707 : i32 to index
      %get3A_709 = arith.constant 80 : index
      %get3A_710 = tpu.vector_load %arg12[%get3A_708, %get3A_709] {strides = array<i32>} : memref<16x512xf32, #tpu.memory_space<vmem>>, vector<16xf32>,
      %mul3A_711 = arith.mulf %gather3A_98, %get3A_710 : vector<16xf32>
      %add3A_712 = arith.addf %add3A_706, %mul3A_711 : vector<16xf32>
      %get3A_713 = arith.constant 12 : i32
      %get3A_714 = arith.index_cast %get3A_713 : i32 to index
      %get3A_715 = arith.constant 80 : index
      %get3A_716 = tpu.vector_load %arg12[%get3A_714, %get3A_715] {strides = array<i32>} : memref<16x512xf32, #tpu.memory_space<vmem>>, vector<16xf32>,
      %mul3A_717 = arith.mulf %gather3A_104, %get3A_716 : vector<16xf32>
      %add3A_718 = arith.addf %add3A_712, %mul3A_717 : vector<16xf32>
      %get3A_719 = arith.constant 13 : i32
      %get3A_720 = arith.index_cast %get3A_719 : i32 to index
      %get3A_721 = arith.constant 80 : index
      %get3A_722 = tpu.vector_load %arg12[%get3A_720, %get3A_721] {strides = array<i32>} : memref<16x512xf32, #tpu.memory_space<vmem>>, vector<16xf32>,
      %mul3A_723 = arith.mulf %gather3A_110, %get3A_722 : vector<16xf32>
      %add3A_724 = arith.addf %add3A_718, %mul3A_723 : vector<16xf32>
      %get3A_725 = arith.constant 14 : i32
      %get3A_726 = arith.index_cast %get3A_725 : i32 to index
      %get3A_727 = arith.constant 80 : index
      %get3A_728 = tpu.vector_load %arg12[%get3A_726, %get3A_727] {strides = array<i32>} : memref<16x512xf32, #tpu.memory_space<vmem>>, vector<16xf32>,
      %mul3A_729 = arith.mulf %gather3A_116, %get3A_728 : vector<16xf32>
      %add3A_730 = arith.addf %add3A_724, %mul3A_729 : vector<16xf32>
      %get3A_731 = arith.constant 15 : i32
      %get3A_732 = arith.index_cast %get3A_731 : i32 to index
      %get3A_733 = arith.constant 80 : index
      %get3A_734 = tpu.vector_load %arg12[%get3A_732, %get3A_733] {strides = array<i32>} : memref<16x512xf32, #tpu.memory_space<vmem>>, vector<16xf32>,
      %mul3A_735 = arith.mulf %gather3A_122, %get3A_734 : vector<16xf32>
      %add3A_736 = arith.addf %add3A_730, %mul3A_735 : vector<16xf32>
      %get3A_737 = arith.index_cast %scan3A_18 : i32 to index
      %get3A_738 = arith.constant 80 : index
      %get3A_739 = tpu.vector_load %arg10[%get3A_737, %get3A_738] {strides = array<i32>} : memref<32x512xf32, #tpu.memory_space<vmem>>, vector<16xf32>,
      %mul3A_740 = arith.mulf %div3A_10, %get3A_739 : vector<16xf32>
      %mul3A_741 = arith.mulf %sub3A_12, %add3A_736 : vector<16xf32>
      %add3A_742 = arith.addf %mul3A_740, %mul3A_741 : vector<16xf32>
      %swap3A_743 = arith.index_cast %scan3A_18 : i32 to index
      %swap3A_744 = arith.constant 80 : index
      %swap3A_745 = tpu.vector_load %arg11[%swap3A_743, %swap3A_744] {strides = array<i32>} : memref<32x512xf32, #tpu.memory_space<vmem>>, vector<16xf32>,
      tpu.vector_store %arg11[%swap3A_743, %swap3A_744], %add3A_742 {strides = array<i32>} : memref<32x512xf32, #tpu.memory_space<vmem>>, vector<16xf32>,
      %get3A_746 = arith.constant 0 : i32
      %get3A_747 = arith.index_cast %get3A_746 : i32 to index
      %get3A_748 = arith.constant 96 : index
      %get3A_749 = tpu.vector_load %arg12[%get3A_747, %get3A_748] {strides = array<i32>} : memref<16x512xf32, #tpu.memory_space<vmem>>, vector<16xf32>,
      %mul3A_750 = arith.mulf %gather3A_32, %get3A_749 : vector<16xf32>
      %get3A_751 = arith.constant 1 : i32
      %get3A_752 = arith.index_cast %get3A_751 : i32 to index
      %get3A_753 = arith.constant 96 : index
      %get3A_754 = tpu.vector_load %arg12[%get3A_752, %get3A_753] {strides = array<i32>} : memref<16x512xf32, #tpu.memory_space<vmem>>, vector<16xf32>,
      %mul3A_755 = arith.mulf %gather3A_38, %get3A_754 : vector<16xf32>
      %add3A_756 = arith.addf %mul3A_750, %mul3A_755 : vector<16xf32>
      %get3A_757 = arith.constant 2 : i32
      %get3A_758 = arith.index_cast %get3A_757 : i32 to index
      %get3A_759 = arith.constant 96 : index
      %get3A_760 = tpu.vector_load %arg12[%get3A_758, %get3A_759] {strides = array<i32>} : memref<16x512xf32, #tpu.memory_space<vmem>>, vector<16xf32>,
      %mul3A_761 = arith.mulf %gather3A_44, %get3A_760 : vector<16xf32>
      %add3A_762 = arith.addf %add3A_756, %mul3A_761 : vector<16xf32>
      %get3A_763 = arith.constant 3 : i32
      %get3A_764 = arith.index_cast %get3A_763 : i32 to index
      %get3A_765 = arith.constant 96 : index
      %get3A_766 = tpu.vector_load %arg12[%get3A_764, %get3A_765] {strides = array<i32>} : memref<16x512xf32, #tpu.memory_space<vmem>>, vector<16xf32>,
      %mul3A_767 = arith.mulf %gather3A_50, %get3A_766 : vector<16xf32>
      %add3A_768 = arith.addf %add3A_762, %mul3A_767 : vector<16xf32>
      %get3A_769 = arith.constant 4 : i32
      %get3A_770 = arith.index_cast %get3A_769 : i32 to index
      %get3A_771 = arith.constant 96 : index
      %get3A_772 = tpu.vector_load %arg12[%get3A_770, %get3A_771] {strides = array<i32>} : memref<16x512xf32, #tpu.memory_space<vmem>>, vector<16xf32>,
      %mul3A_773 = arith.mulf %gather3A_56, %get3A_772 : vector<16xf32>
      %add3A_774 = arith.addf %add3A_768, %mul3A_773 : vector<16xf32>
      %get3A_775 = arith.constant 5 : i32
      %get3A_776 = arith.index_cast %get3A_775 : i32 to index
      %get3A_777 = arith.constant 96 : index
      %get3A_778 = tpu.vector_load %arg12[%get3A_776, %get3A_777] {strides = array<i32>} : memref<16x512xf32, #tpu.memory_space<vmem>>, vector<16xf32>,
      %mul3A_779 = arith.mulf %gather3A_62, %get3A_778 : vector<16xf32>
      %add3A_780 = arith.addf %add3A_774, %mul3A_779 : vector<16xf32>
      %get3A_781 = arith.constant 6 : i32
      %get3A_782 = arith.index_cast %get3A_781 : i32 to index
      %get3A_783 = arith.constant 96 : index
      %get3A_784 = tpu.vector_load %arg12[%get3A_782, %get3A_783] {strides = array<i32>} : memref<16x512xf32, #tpu.memory_space<vmem>>, vector<16xf32>,
      %mul3A_785 = arith.mulf %gather3A_68, %get3A_784 : vector<16xf32>
      %add3A_786 = arith.addf %add3A_780, %mul3A_785 : vector<16xf32>
      %get3A_787 = arith.constant 7 : i32
      %get3A_788 = arith.index_cast %get3A_787 : i32 to index
      %get3A_789 = arith.constant 96 : index
      %get3A_790 = tpu.vector_load %arg12[%get3A_788, %get3A_789] {strides = array<i32>} : memref<16x512xf32, #tpu.memory_space<vmem>>, vector<16xf32>,
      %mul3A_791 = arith.mulf %gather3A_74, %get3A_790 : vector<16xf32>
      %add3A_792 = arith.addf %add3A_786, %mul3A_791 : vector<16xf32>
      %get3A_793 = arith.constant 8 : i32
      %get3A_794 = arith.index_cast %get3A_793 : i32 to index
      %get3A_795 = arith.constant 96 : index
      %get3A_796 = tpu.vector_load %arg12[%get3A_794, %get3A_795] {strides = array<i32>} : memref<16x512xf32, #tpu.memory_space<vmem>>, vector<16xf32>,
      %mul3A_797 = arith.mulf %gather3A_80, %get3A_796 : vector<16xf32>
      %add3A_798 = arith.addf %add3A_792, %mul3A_797 : vector<16xf32>
      %get3A_799 = arith.constant 9 : i32
      %get3A_800 = arith.index_cast %get3A_799 : i32 to index
      %get3A_801 = arith.constant 96 : index
      %get3A_802 = tpu.vector_load %arg12[%get3A_800, %get3A_801] {strides = array<i32>} : memref<16x512xf32, #tpu.memory_space<vmem>>, vector<16xf32>,
      %mul3A_803 = arith.mulf %gather3A_86, %get3A_802 : vector<16xf32>
      %add3A_804 = arith.addf %add3A_798, %mul3A_803 : vector<16xf32>
      %get3A_805 = arith.constant 10 : i32
      %get3A_806 = arith.index_cast %get3A_805 : i32 to index
      %get3A_807 = arith.constant 96 : index
      %get3A_808 = tpu.vector_load %arg12[%get3A_806, %get3A_807] {strides = array<i32>} : memref<16x512xf32, #tpu.memory_space<vmem>>, vector<16xf32>,
      %mul3A_809 = arith.mulf %gather3A_92, %get3A_808 : vector<16xf32>
      %add3A_810 = arith.addf %add3A_804, %mul3A_809 : vector<16xf32>
      %get3A_811 = arith.constant 11 : i32
      %get3A_812 = arith.index_cast %get3A_811 : i32 to index
      %get3A_813 = arith.constant 96 : index
      %get3A_814 = tpu.vector_load %arg12[%get3A_812, %get3A_813] {strides = array<i32>} : memref<16x512xf32, #tpu.memory_space<vmem>>, vector<16xf32>,
      %mul3A_815 = arith.mulf %gather3A_98, %get3A_814 : vector<16xf32>
      %add3A_816 = arith.addf %add3A_810, %mul3A_815 : vector<16xf32>
      %get3A_817 = arith.constant 12 : i32
      %get3A_818 = arith.index_cast %get3A_817 : i32 to index
      %get3A_819 = arith.constant 96 : index
      %get3A_820 = tpu.vector_load %arg12[%get3A_818, %get3A_819] {strides = array<i32>} : memref<16x512xf32, #tpu.memory_space<vmem>>, vector<16xf32>,
      %mul3A_821 = arith.mulf %gather3A_104, %get3A_820 : vector<16xf32>
      %add3A_822 = arith.addf %add3A_816, %mul3A_821 : vector<16xf32>
      %get3A_823 = arith.constant 13 : i32
      %get3A_824 = arith.index_cast %get3A_823 : i32 to index
      %get3A_825 = arith.constant 96 : index
      %get3A_826 = tpu.vector_load %arg12[%get3A_824, %get3A_825] {strides = array<i32>} : memref<16x512xf32, #tpu.memory_space<vmem>>, vector<16xf32>,
      %mul3A_827 = arith.mulf %gather3A_110, %get3A_826 : vector<16xf32>
      %add3A_828 = arith.addf %add3A_822, %mul3A_827 : vector<16xf32>
      %get3A_829 = arith.constant 14 : i32
      %get3A_830 = arith.index_cast %get3A_829 : i32 to index
      %get3A_831 = arith.constant 96 : index
      %get3A_832 = tpu.vector_load %arg12[%get3A_830, %get3A_831] {strides = array<i32>} : memref<16x512xf32, #tpu.memory_space<vmem>>, vector<16xf32>,
      %mul3A_833 = arith.mulf %gather3A_116, %get3A_832 : vector<16xf32>
      %add3A_834 = arith.addf %add3A_828, %mul3A_833 : vector<16xf32>
      %get3A_835 = arith.constant 15 : i32
      %get3A_836 = arith.index_cast %get3A_835 : i32 to index
      %get3A_837 = arith.constant 96 : index
      %get3A_838 = tpu.vector_load %arg12[%get3A_836, %get3A_837] {strides = array<i32>} : memref<16x512xf32, #tpu.memory_space<vmem>>, vector<16xf32>,
      %mul3A_839 = arith.mulf %gather3A_122, %get3A_838 : vector<16xf32>
      %add3A_840 = arith.addf %add3A_834, %mul3A_839 : vector<16xf32>
      %get3A_841 = arith.index_cast %scan3A_18 : i32 to index
      %get3A_842 = arith.constant 96 : index
      %get3A_843 = tpu.vector_load %arg10[%get3A_841, %get3A_842] {strides = array<i32>} : memref<32x512xf32, #tpu.memory_space<vmem>>, vector<16xf32>,
      %mul3A_844 = arith.mulf %div3A_10, %get3A_843 : vector<16xf32>
      %mul3A_845 = arith.mulf %sub3A_12, %add3A_840 : vector<16xf32>
      %add3A_846 = arith.addf %mul3A_844, %mul3A_845 : vector<16xf32>
      %swap3A_847 = arith.index_cast %scan3A_18 : i32 to index
      %swap3A_848 = arith.constant 96 : index
      %swap3A_849 = tpu.vector_load %arg11[%swap3A_847, %swap3A_848] {strides = array<i32>} : memref<32x512xf32, #tpu.memory_space<vmem>>, vector<16xf32>,
      tpu.vector_store %arg11[%swap3A_847, %swap3A_848], %add3A_846 {strides = array<i32>} : memref<32x512xf32, #tpu.memory_space<vmem>>, vector<16xf32>,
      %get3A_850 = arith.constant 0 : i32
      %get3A_851 = arith.index_cast %get3A_850 : i32 to index
      %get3A_852 = arith.constant 112 : index
      %get3A_853 = tpu.vector_load %arg12[%get3A_851, %get3A_852] {strides = array<i32>} : memref<16x512xf32, #tpu.memory_space<vmem>>, vector<16xf32>,
      %mul3A_854 = arith.mulf %gather3A_32, %get3A_853 : vector<16xf32>
      %get3A_855 = arith.constant 1 : i32
      %get3A_856 = arith.index_cast %get3A_855 : i32 to index
      %get3A_857 = arith.constant 112 : index
      %get3A_858 = tpu.vector_load %arg12[%get3A_856, %get3A_857] {strides = array<i32>} : memref<16x512xf32, #tpu.memory_space<vmem>>, vector<16xf32>,
      %mul3A_859 = arith.mulf %gather3A_38, %get3A_858 : vector<16xf32>
      %add3A_860 = arith.addf %mul3A_854, %mul3A_859 : vector<16xf32>
      %get3A_861 = arith.constant 2 : i32
      %get3A_862 = arith.index_cast %get3A_861 : i32 to index
      %get3A_863 = arith.constant 112 : index
      %get3A_864 = tpu.vector_load %arg12[%get3A_862, %get3A_863] {strides = array<i32>} : memref<16x512xf32, #tpu.memory_space<vmem>>, vector<16xf32>,
      %mul3A_865 = arith.mulf %gather3A_44, %get3A_864 : vector<16xf32>
      %add3A_866 = arith.addf %add3A_860, %mul3A_865 : vector<16xf32>
      %get3A_867 = arith.constant 3 : i32
      %get3A_868 = arith.index_cast %get3A_867 : i32 to index
      %get3A_869 = arith.constant 112 : index
      %get3A_870 = tpu.vector_load %arg12[%get3A_868, %get3A_869] {strides = array<i32>} : memref<16x512xf32, #tpu.memory_space<vmem>>, vector<16xf32>,
      %mul3A_871 = arith.mulf %gather3A_50, %get3A_870 : vector<16xf32>
      %add3A_872 = arith.addf %add3A_866, %mul3A_871 : vector<16xf32>
      %get3A_873 = arith.constant 4 : i32
      %get3A_874 = arith.index_cast %get3A_873 : i32 to index
      %get3A_875 = arith.constant 112 : index
      %get3A_876 = tpu.vector_load %arg12[%get3A_874, %get3A_875] {strides = array<i32>} : memref<16x512xf32, #tpu.memory_space<vmem>>, vector<16xf32>,
      %mul3A_877 = arith.mulf %gather3A_56, %get3A_876 : vector<16xf32>
      %add3A_878 = arith.addf %add3A_872, %mul3A_877 : vector<16xf32>
      %get3A_879 = arith.constant 5 : i32
      %get3A_880 = arith.index_cast %get3A_879 : i32 to index
      %get3A_881 = arith.constant 112 : index
      %get3A_882 = tpu.vector_load %arg12[%get3A_880, %get3A_881] {strides = array<i32>} : memref<16x512xf32, #tpu.memory_space<vmem>>, vector<16xf32>,
      %mul3A_883 = arith.mulf %gather3A_62, %get3A_882 : vector<16xf32>
      %add3A_884 = arith.addf %add3A_878, %mul3A_883 : vector<16xf32>
      %get3A_885 = arith.constant 6 : i32
      %get3A_886 = arith.index_cast %get3A_885 : i32 to index
      %get3A_887 = arith.constant 112 : index
      %get3A_888 = tpu.vector_load %arg12[%get3A_886, %get3A_887] {strides = array<i32>} : memref<16x512xf32, #tpu.memory_space<vmem>>, vector<16xf32>,
      %mul3A_889 = arith.mulf %gather3A_68, %get3A_888 : vector<16xf32>
      %add3A_890 = arith.addf %add3A_884, %mul3A_889 : vector<16xf32>
      %get3A_891 = arith.constant 7 : i32
      %get3A_892 = arith.index_cast %get3A_891 : i32 to index
      %get3A_893 = arith.constant 112 : index
      %get3A_894 = tpu.vector_load %arg12[%get3A_892, %get3A_893] {strides = array<i32>} : memref<16x512xf32, #tpu.memory_space<vmem>>, vector<16xf32>,
      %mul3A_895 = arith.mulf %gather3A_74, %get3A_894 : vector<16xf32>
      %add3A_896 = arith.addf %add3A_890, %mul3A_895 : vector<16xf32>
      %get3A_897 = arith.constant 8 : i32
      %get3A_898 = arith.index_cast %get3A_897 : i32 to index
      %get3A_899 = arith.constant 112 : index
      %get3A_900 = tpu.vector_load %arg12[%get3A_898, %get3A_899] {strides = array<i32>} : memref<16x512xf32, #tpu.memory_space<vmem>>, vector<16xf32>,
      %mul3A_901 = arith.mulf %gather3A_80, %get3A_900 : vector<16xf32>
      %add3A_902 = arith.addf %add3A_896, %mul3A_901 : vector<16xf32>
      %get3A_903 = arith.constant 9 : i32
      %get3A_904 = arith.index_cast %get3A_903 : i32 to index
      %get3A_905 = arith.constant 112 : index
      %get3A_906 = tpu.vector_load %arg12[%get3A_904, %get3A_905] {strides = array<i32>} : memref<16x512xf32, #tpu.memory_space<vmem>>, vector<16xf32>,
      %mul3A_907 = arith.mulf %gather3A_86, %get3A_906 : vector<16xf32>
      %add3A_908 = arith.addf %add3A_902, %mul3A_907 : vector<16xf32>
      %get3A_909 = arith.constant 10 : i32
      %get3A_910 = arith.index_cast %get3A_909 : i32 to index
      %get3A_911 = arith.constant 112 : index
      %get3A_912 = tpu.vector_load %arg12[%get3A_910, %get3A_911] {strides = array<i32>} : memref<16x512xf32, #tpu.memory_space<vmem>>, vector<16xf32>,
      %mul3A_913 = arith.mulf %gather3A_92, %get3A_912 : vector<16xf32>
      %add3A_914 = arith.addf %add3A_908, %mul3A_913 : vector<16xf32>
      %get3A_915 = arith.constant 11 : i32
      %get3A_916 = arith.index_cast %get3A_915 : i32 to index
      %get3A_917 = arith.constant 112 : index
      %get3A_918 = tpu.vector_load %arg12[%get3A_916, %get3A_917] {strides = array<i32>} : memref<16x512xf32, #tpu.memory_space<vmem>>, vector<16xf32>,
      %mul3A_919 = arith.mulf %gather3A_98, %get3A_918 : vector<16xf32>
      %add3A_920 = arith.addf %add3A_914, %mul3A_919 : vector<16xf32>
      %get3A_921 = arith.constant 12 : i32
      %get3A_922 = arith.index_cast %get3A_921 : i32 to index
      %get3A_923 = arith.constant 112 : index
      %get3A_924 = tpu.vector_load %arg12[%get3A_922, %get3A_923] {strides = array<i32>} : memref<16x512xf32, #tpu.memory_space<vmem>>, vector<16xf32>,
      %mul3A_925 = arith.mulf %gather3A_104, %get3A_924 : vector<16xf32>
      %add3A_926 = arith.addf %add3A_920, %mul3A_925 : vector<16xf32>
      %get3A_927 = arith.constant 13 : i32
      %get3A_928 = arith.index_cast %get3A_927 : i32 to index
      %get3A_929 = arith.constant 112 : index
      %get3A_930 = tpu.vector_load %arg12[%get3A_928, %get3A_929] {strides = array<i32>} : memref<16x512xf32, #tpu.memory_space<vmem>>, vector<16xf32>,
      %mul3A_931 = arith.mulf %gather3A_110, %get3A_930 : vector<16xf32>
      %add3A_932 = arith.addf %add3A_926, %mul3A_931 : vector<16xf32>
      %get3A_933 = arith.constant 14 : i32
      %get3A_934 = arith.index_cast %get3A_933 : i32 to index
      %get3A_935 = arith.constant 112 : index
      %get3A_936 = tpu.vector_load %arg12[%get3A_934, %get3A_935] {strides = array<i32>} : memref<16x512xf32, #tpu.memory_space<vmem>>, vector<16xf32>,
      %mul3A_937 = arith.mulf %gather3A_116, %get3A_936 : vector<16xf32>
      %add3A_938 = arith.addf %add3A_932, %mul3A_937 : vector<16xf32>
      %get3A_939 = arith.constant 15 : i32
      %get3A_940 = arith.index_cast %get3A_939 : i32 to index
      %get3A_941 = arith.constant 112 : index
      %get3A_942 = tpu.vector_load %arg12[%get3A_940, %get3A_941] {strides = array<i32>} : memref<16x512xf32, #tpu.memory_space<vmem>>, vector<16xf32>,
      %mul3A_943 = arith.mulf %gather3A_122, %get3A_942 : vector<16xf32>
      %add3A_944 = arith.addf %add3A_938, %mul3A_943 : vector<16xf32>
      %get3A_945 = arith.index_cast %scan3A_18 : i32 to index
      %get3A_946 = arith.constant 112 : index
      %get3A_947 = tpu.vector_load %arg10[%get3A_945, %get3A_946] {strides = array<i32>} : memref<32x512xf32, #tpu.memory_space<vmem>>, vector<16xf32>,
      %mul3A_948 = arith.mulf %div3A_10, %get3A_947 : vector<16xf32>
      %mul3A_949 = arith.mulf %sub3A_12, %add3A_944 : vector<16xf32>
      %add3A_950 = arith.addf %mul3A_948, %mul3A_949 : vector<16xf32>
      %swap3A_951 = arith.index_cast %scan3A_18 : i32 to index
      %swap3A_952 = arith.constant 112 : index
      %swap3A_953 = tpu.vector_load %arg11[%swap3A_951, %swap3A_952] {strides = array<i32>} : memref<32x512xf32, #tpu.memory_space<vmem>>, vector<16xf32>,
      tpu.vector_store %arg11[%swap3A_951, %swap3A_952], %add3A_950 {strides = array<i32>} : memref<32x512xf32, #tpu.memory_space<vmem>>, vector<16xf32>,
      %get3A_954 = arith.constant 0 : i32
      %get3A_955 = arith.index_cast %get3A_954 : i32 to index
      %get3A_956 = arith.constant 128 : index
      %get3A_957 = tpu.vector_load %arg12[%get3A_955, %get3A_956] {strides = array<i32>} : memref<16x512xf32, #tpu.memory_space<vmem>>, vector<16xf32>,
      %mul3A_958 = arith.mulf %gather3A_32, %get3A_957 : vector<16xf32>
      %get3A_959 = arith.constant 1 : i32
      %get3A_960 = arith.index_cast %get3A_959 : i32 to index
      %get3A_961 = arith.constant 128 : index
      %get3A_962 = tpu.vector_load %arg12[%get3A_960, %get3A_961] {strides = array<i32>} : memref<16x512xf32, #tpu.memory_space<vmem>>, vector<16xf32>,
      %mul3A_963 = arith.mulf %gather3A_38, %get3A_962 : vector<16xf32>
      %add3A_964 = arith.addf %mul3A_958, %mul3A_963 : vector<16xf32>
      %get3A_965 = arith.constant 2 : i32
      %get3A_966 = arith.index_cast %get3A_965 : i32 to index
      %get3A_967 = arith.constant 128 : index
      %get3A_968 = tpu.vector_load %arg12[%get3A_966, %get3A_967] {strides = array<i32>} : memref<16x512xf32, #tpu.memory_space<vmem>>, vector<16xf32>,
      %mul3A_969 = arith.mulf %gather3A_44, %get3A_968 : vector<16xf32>
      %add3A_970 = arith.addf %add3A_964, %mul3A_969 : vector<16xf32>
      %get3A_971 = arith.constant 3 : i32
      %get3A_972 = arith.index_cast %get3A_971 : i32 to index
      %get3A_973 = arith.constant 128 : index
      %get3A_974 = tpu.vector_load %arg12[%get3A_972, %get3A_973] {strides = array<i32>} : memref<16x512xf32, #tpu.memory_space<vmem>>, vector<16xf32>,
      %mul3A_975 = arith.mulf %gather3A_50, %get3A_974 : vector<16xf32>
      %add3A_976 = arith.addf %add3A_970, %mul3A_975 : vector<16xf32>
      %get3A_977 = arith.constant 4 : i32
      %get3A_978 = arith.index_cast %get3A_977 : i32 to index
      %get3A_979 = arith.constant 128 : index
      %get3A_980 = tpu.vector_load %arg12[%get3A_978, %get3A_979] {strides = array<i32>} : memref<16x512xf32, #tpu.memory_space<vmem>>, vector<16xf32>,
      %mul3A_981 = arith.mulf %gather3A_56, %get3A_980 : vector<16xf32>
      %add3A_982 = arith.addf %add3A_976, %mul3A_981 : vector<16xf32>
      %get3A_983 = arith.constant 5 : i32
      %get3A_984 = arith.index_cast %get3A_983 : i32 to index
      %get3A_985 = arith.constant 128 : index
      %get3A_986 = tpu.vector_load %arg12[%get3A_984, %get3A_985] {strides = array<i32>} : memref<16x512xf32, #tpu.memory_space<vmem>>, vector<16xf32>,
      %mul3A_987 = arith.mulf %gather3A_62, %get3A_986 : vector<16xf32>
      %add3A_988 = arith.addf %add3A_982, %mul3A_987 : vector<16xf32>
      %get3A_989 = arith.constant 6 : i32
      %get3A_990 = arith.index_cast %get3A_989 : i32 to index
      %get3A_991 = arith.constant 128 : index
      %get3A_992 = tpu.vector_load %arg12[%get3A_990, %get3A_991] {strides = array<i32>} : memref<16x512xf32, #tpu.memory_space<vmem>>, vector<16xf32>,
      %mul3A_993 = arith.mulf %gather3A_68, %get3A_992 : vector<16xf32>
      %add3A_994 = arith.addf %add3A_988, %mul3A_993 : vector<16xf32>
      %get3A_995 = arith.constant 7 : i32
      %get3A_996 = arith.index_cast %get3A_995 : i32 to index
      %get3A_997 = arith.constant 128 : index
      %get3A_998 = tpu.vector_load %arg12[%get3A_996, %get3A_997] {strides = array<i32>} : memref<16x512xf32, #tpu.memory_space<vmem>>, vector<16xf32>,
      %mul3A_999 = arith.mulf %gather3A_74, %get3A_998 : vector<16xf32>
      %add3A_1000 = arith.addf %add3A_994, %mul3A_999 : vector<16xf32>
      %get3A_1001 = arith.constant 8 : i32
      %get3A_1002 = arith.index_cast %get3A_1001 : i32 to index
      %get3A_1003 = arith.constant 128 : index
      %get3A_1004 = tpu.vector_load %arg12[%get3A_1002, %get3A_1003] {strides = array<i32>} : memref<16x512xf32, #tpu.memory_space<vmem>>, vector<16xf32>,
      %mul3A_1005 = arith.mulf %gather3A_80, %get3A_1004 : vector<16xf32>
      %add3A_1006 = arith.addf %add3A_1000, %mul3A_1005 : vector<16xf32>
      %get3A_1007 = arith.constant 9 : i32
      %get3A_1008 = arith.index_cast %get3A_1007 : i32 to index
      %get3A_1009 = arith.constant 128 : index
      %get3A_1010 = tpu.vector_load %arg12[%get3A_1008, %get3A_1009] {strides = array<i32>} : memref<16x512xf32, #tpu.memory_space<vmem>>, vector<16xf32>,
      %mul3A_1011 = arith.mulf %gather3A_86, %get3A_1010 : vector<16xf32>
      %add3A_1012 = arith.addf %add3A_1006, %mul3A_1011 : vector<16xf32>
      %get3A_1013 = arith.constant 10 : i32
      %get3A_1014 = arith.index_cast %get3A_1013 : i32 to index
      %get3A_1015 = arith.constant 128 : index
      %get3A_1016 = tpu.vector_load %arg12[%get3A_1014, %get3A_1015] {strides = array<i32>} : memref<16x512xf32, #tpu.memory_space<vmem>>, vector<16xf32>,
      %mul3A_1017 = arith.mulf %gather3A_92, %get3A_1016 : vector<16xf32>
      %add3A_1018 = arith.addf %add3A_1012, %mul3A_1017 : vector<16xf32>
      %get3A_1019 = arith.constant 11 : i32
      %get3A_1020 = arith.index_cast %get3A_1019 : i32 to index
      %get3A_1021 = arith.constant 128 : index
      %get3A_1022 = tpu.vector_load %arg12[%get3A_1020, %get3A_1021] {strides = array<i32>} : memref<16x512xf32, #tpu.memory_space<vmem>>, vector<16xf32>,
      %mul3A_1023 = arith.mulf %gather3A_98, %get3A_1022 : vector<16xf32>
      %add3A_1024 = arith.addf %add3A_1018, %mul3A_1023 : vector<16xf32>
      %get3A_1025 = arith.constant 12 : i32
      %get3A_1026 = arith.index_cast %get3A_1025 : i32 to index
      %get3A_1027 = arith.constant 128 : index
      %get3A_1028 = tpu.vector_load %arg12[%get3A_1026, %get3A_1027] {strides = array<i32>} : memref<16x512xf32, #tpu.memory_space<vmem>>, vector<16xf32>,
      %mul3A_1029 = arith.mulf %gather3A_104, %get3A_1028 : vector<16xf32>
      %add3A_1030 = arith.addf %add3A_1024, %mul3A_1029 : vector<16xf32>
      %get3A_1031 = arith.constant 13 : i32
      %get3A_1032 = arith.index_cast %get3A_1031 : i32 to index
      %get3A_1033 = arith.constant 128 : index
      %get3A_1034 = tpu.vector_load %arg12[%get3A_1032, %get3A_1033] {strides = array<i32>} : memref<16x512xf32, #tpu.memory_space<vmem>>, vector<16xf32>,
      %mul3A_1035 = arith.mulf %gather3A_110, %get3A_1034 : vector<16xf32>
      %add3A_1036 = arith.addf %add3A_1030, %mul3A_1035 : vector<16xf32>
      %get3A_1037 = arith.constant 14 : i32
      %get3A_1038 = arith.index_cast %get3A_1037 : i32 to index
      %get3A_1039 = arith.constant 128 : index
      %get3A_1040 = tpu.vector_load %arg12[%get3A_1038, %get3A_1039] {strides = array<i32>} : memref<16x512xf32, #tpu.memory_space<vmem>>, vector<16xf32>,
      %mul3A_1041 = arith.mulf %gather3A_116, %get3A_1040 : vector<16xf32>
      %add3A_1042 = arith.addf %add3A_1036, %mul3A_1041 : vector<16xf32>
      %get3A_1043 = arith.constant 15 : i32
      %get3A_1044 = arith.index_cast %get3A_1043 : i32 to index
      %get3A_1045 = arith.constant 128 : index
      %get3A_1046 = tpu.vector_load %arg12[%get3A_1044, %get3A_1045] {strides = array<i32>} : memref<16x512xf32, #tpu.memory_space<vmem>>, vector<16xf32>,
      %mul3A_1047 = arith.mulf %gather3A_122, %get3A_1046 : vector<16xf32>
      %add3A_1048 = arith.addf %add3A_1042, %mul3A_1047 : vector<16xf32>
      %get3A_1049 = arith.index_cast %scan3A_18 : i32 to index
      %get3A_1050 = arith.constant 128 : index
      %get3A_1051 = tpu.vector_load %arg10[%get3A_1049, %get3A_1050] {strides = array<i32>} : memref<32x512xf32, #tpu.memory_space<vmem>>, vector<16xf32>,
      %mul3A_1052 = arith.mulf %div3A_10, %get3A_1051 : vector<16xf32>
      %mul3A_1053 = arith.mulf %sub3A_12, %add3A_1048 : vector<16xf32>
      %add3A_1054 = arith.addf %mul3A_1052, %mul3A_1053 : vector<16xf32>
      %swap3A_1055 = arith.index_cast %scan3A_18 : i32 to index
      %swap3A_1056 = arith.constant 128 : index
      %swap3A_1057 = tpu.vector_load %arg11[%swap3A_1055, %swap3A_1056] {strides = array<i32>} : memref<32x512xf32, #tpu.memory_space<vmem>>, vector<16xf32>,
      tpu.vector_store %arg11[%swap3A_1055, %swap3A_1056], %add3A_1054 {strides = array<i32>} : memref<32x512xf32, #tpu.memory_space<vmem>>, vector<16xf32>,
      %get3A_1058 = arith.constant 0 : i32
      %get3A_1059 = arith.index_cast %get3A_1058 : i32 to index
      %get3A_1060 = arith.constant 144 : index
      %get3A_1061 = tpu.vector_load %arg12[%get3A_1059, %get3A_1060] {strides = array<i32>} : memref<16x512xf32, #tpu.memory_space<vmem>>, vector<16xf32>,
      %mul3A_1062 = arith.mulf %gather3A_32, %get3A_1061 : vector<16xf32>
      %get3A_1063 = arith.constant 1 : i32
      %get3A_1064 = arith.index_cast %get3A_1063 : i32 to index
      %get3A_1065 = arith.constant 144 : index
      %get3A_1066 = tpu.vector_load %arg12[%get3A_1064, %get3A_1065] {strides = array<i32>} : memref<16x512xf32, #tpu.memory_space<vmem>>, vector<16xf32>,
      %mul3A_1067 = arith.mulf %gather3A_38, %get3A_1066 : vector<16xf32>
      %add3A_1068 = arith.addf %mul3A_1062, %mul3A_1067 : vector<16xf32>
      %get3A_1069 = arith.constant 2 : i32
      %get3A_1070 = arith.index_cast %get3A_1069 : i32 to index
      %get3A_1071 = arith.constant 144 : index
      %get3A_1072 = tpu.vector_load %arg12[%get3A_1070, %get3A_1071] {strides = array<i32>} : memref<16x512xf32, #tpu.memory_space<vmem>>, vector<16xf32>,
      %mul3A_1073 = arith.mulf %gather3A_44, %get3A_1072 : vector<16xf32>
      %add3A_1074 = arith.addf %add3A_1068, %mul3A_1073 : vector<16xf32>
      %get3A_1075 = arith.constant 3 : i32
      %get3A_1076 = arith.index_cast %get3A_1075 : i32 to index
      %get3A_1077 = arith.constant 144 : index
      %get3A_1078 = tpu.vector_load %arg12[%get3A_1076, %get3A_1077] {strides = array<i32>} : memref<16x512xf32, #tpu.memory_space<vmem>>, vector<16xf32>,
      %mul3A_1079 = arith.mulf %gather3A_50, %get3A_1078 : vector<16xf32>
      %add3A_1080 = arith.addf %add3A_1074, %mul3A_1079 : vector<16xf32>
      %get3A_1081 = arith.constant 4 : i32
      %get3A_1082 = arith.index_cast %get3A_1081 : i32 to index
      %get3A_1083 = arith.constant 144 : index
      %get3A_1084 = tpu.vector_load %arg12[%get3A_1082, %get3A_1083] {strides = array<i32>} : memref<16x512xf32, #tpu.memory_space<vmem>>, vector<16xf32>,
      %mul3A_1085 = arith.mulf %gather3A_56, %get3A_1084 : vector<16xf32>
      %add3A_1086 = arith.addf %add3A_1080, %mul3A_1085 : vector<16xf32>
      %get3A_1087 = arith.constant 5 : i32
      %get3A_1088 = arith.index_cast %get3A_1087 : i32 to index
      %get3A_1089 = arith.constant 144 : index
      %get3A_1090 = tpu.vector_load %arg12[%get3A_1088, %get3A_1089] {strides = array<i32>} : memref<16x512xf32, #tpu.memory_space<vmem>>, vector<16xf32>,
      %mul3A_1091 = arith.mulf %gather3A_62, %get3A_1090 : vector<16xf32>
      %add3A_1092 = arith.addf %add3A_1086, %mul3A_1091 : vector<16xf32>
      %get3A_1093 = arith.constant 6 : i32
      %get3A_1094 = arith.index_cast %get3A_1093 : i32 to index
      %get3A_1095 = arith.constant 144 : index
      %get3A_1096 = tpu.vector_load %arg12[%get3A_1094, %get3A_1095] {strides = array<i32>} : memref<16x512xf32, #tpu.memory_space<vmem>>, vector<16xf32>,
      %mul3A_1097 = arith.mulf %gather3A_68, %get3A_1096 : vector<16xf32>
      %add3A_1098 = arith.addf %add3A_1092, %mul3A_1097 : vector<16xf32>
      %get3A_1099 = arith.constant 7 : i32
      %get3A_1100 = arith.index_cast %get3A_1099 : i32 to index
      %get3A_1101 = arith.constant 144 : index
      %get3A_1102 = tpu.vector_load %arg12[%get3A_1100, %get3A_1101] {strides = array<i32>} : memref<16x512xf32, #tpu.memory_space<vmem>>, vector<16xf32>,
      %mul3A_1103 = arith.mulf %gather3A_74, %get3A_1102 : vector<16xf32>
      %add3A_1104 = arith.addf %add3A_1098, %mul3A_1103 : vector<16xf32>
      %get3A_1105 = arith.constant 8 : i32
      %get3A_1106 = arith.index_cast %get3A_1105 : i32 to index
      %get3A_1107 = arith.constant 144 : index
      %get3A_1108 = tpu.vector_load %arg12[%get3A_1106, %get3A_1107] {strides = array<i32>} : memref<16x512xf32, #tpu.memory_space<vmem>>, vector<16xf32>,
      %mul3A_1109 = arith.mulf %gather3A_80, %get3A_1108 : vector<16xf32>
      %add3A_1110 = arith.addf %add3A_1104, %mul3A_1109 : vector<16xf32>
      %get3A_1111 = arith.constant 9 : i32
      %get3A_1112 = arith.index_cast %get3A_1111 : i32 to index
      %get3A_1113 = arith.constant 144 : index
      %get3A_1114 = tpu.vector_load %arg12[%get3A_1112, %get3A_1113] {strides = array<i32>} : memref<16x512xf32, #tpu.memory_space<vmem>>, vector<16xf32>,
      %mul3A_1115 = arith.mulf %gather3A_86, %get3A_1114 : vector<16xf32>
      %add3A_1116 = arith.addf %add3A_1110, %mul3A_1115 : vector<16xf32>
      %get3A_1117 = arith.constant 10 : i32
      %get3A_1118 = arith.index_cast %get3A_1117 : i32 to index
      %get3A_1119 = arith.constant 144 : index
      %get3A_1120 = tpu.vector_load %arg12[%get3A_1118, %get3A_1119] {strides = array<i32>} : memref<16x512xf32, #tpu.memory_space<vmem>>, vector<16xf32>,
      %mul3A_1121 = arith.mulf %gather3A_92, %get3A_1120 : vector<16xf32>
      %add3A_1122 = arith.addf %add3A_1116, %mul3A_1121 : vector<16xf32>
      %get3A_1123 = arith.constant 11 : i32
      %get3A_1124 = arith.index_cast %get3A_1123 : i32 to index
      %get3A_1125 = arith.constant 144 : index
      %get3A_1126 = tpu.vector_load %arg12[%get3A_1124, %get3A_1125] {strides = array<i32>} : memref<16x512xf32, #tpu.memory_space<vmem>>, vector<16xf32>,
      %mul3A_1127 = arith.mulf %gather3A_98, %get3A_1126 : vector<16xf32>
      %add3A_1128 = arith.addf %add3A_1122, %mul3A_1127 : vector<16xf32>
      %get3A_1129 = arith.constant 12 : i32
      %get3A_1130 = arith.index_cast %get3A_1129 : i32 to index
      %get3A_1131 = arith.constant 144 : index
      %get3A_1132 = tpu.vector_load %arg12[%get3A_1130, %get3A_1131] {strides = array<i32>} : memref<16x512xf32, #tpu.memory_space<vmem>>, vector<16xf32>,
      %mul3A_1133 = arith.mulf %gather3A_104, %get3A_1132 : vector<16xf32>
      %add3A_1134 = arith.addf %add3A_1128, %mul3A_1133 : vector<16xf32>
      %get3A_1135 = arith.constant 13 : i32
      %get3A_1136 = arith.index_cast %get3A_1135 : i32 to index
      %get3A_1137 = arith.constant 144 : index
      %get3A_1138 = tpu.vector_load %arg12[%get3A_1136, %get3A_1137] {strides = array<i32>} : memref<16x512xf32, #tpu.memory_space<vmem>>, vector<16xf32>,
      %mul3A_1139 = arith.mulf %gather3A_110, %get3A_1138 : vector<16xf32>
      %add3A_1140 = arith.addf %add3A_1134, %mul3A_1139 : vector<16xf32>
      %get3A_1141 = arith.constant 14 : i32
      %get3A_1142 = arith.index_cast %get3A_1141 : i32 to index
      %get3A_1143 = arith.constant 144 : index
      %get3A_1144 = tpu.vector_load %arg12[%get3A_1142, %get3A_1143] {strides = array<i32>} : memref<16x512xf32, #tpu.memory_space<vmem>>, vector<16xf32>,
      %mul3A_1145 = arith.mulf %gather3A_116, %get3A_1144 : vector<16xf32>
      %add3A_1146 = arith.addf %add3A_1140, %mul3A_1145 : vector<16xf32>
      %get3A_1147 = arith.constant 15 : i32
      %get3A_1148 = arith.index_cast %get3A_1147 : i32 to index
      %get3A_1149 = arith.constant 144 : index
      %get3A_1150 = tpu.vector_load %arg12[%get3A_1148, %get3A_1149] {strides = array<i32>} : memref<16x512xf32, #tpu.memory_space<vmem>>, vector<16xf32>,
      %mul3A_1151 = arith.mulf %gather3A_122, %get3A_1150 : vector<16xf32>
      %add3A_1152 = arith.addf %add3A_1146, %mul3A_1151 : vector<16xf32>
      %get3A_1153 = arith.index_cast %scan3A_18 : i32 to index
      %get3A_1154 = arith.constant 144 : index
      %get3A_1155 = tpu.vector_load %arg10[%get3A_1153, %get3A_1154] {strides = array<i32>} : memref<32x512xf32, #tpu.memory_space<vmem>>, vector<16xf32>,
      %mul3A_1156 = arith.mulf %div3A_10, %get3A_1155 : vector<16xf32>
      %mul3A_1157 = arith.mulf %sub3A_12, %add3A_1152 : vector<16xf32>
      %add3A_1158 = arith.addf %mul3A_1156, %mul3A_1157 : vector<16xf32>
      %swap3A_1159 = arith.index_cast %scan3A_18 : i32 to index
      %swap3A_1160 = arith.constant 144 : index
      %swap3A_1161 = tpu.vector_load %arg11[%swap3A_1159, %swap3A_1160] {strides = array<i32>} : memref<32x512xf32, #tpu.memory_space<vmem>>, vector<16xf32>,
      tpu.vector_store %arg11[%swap3A_1159, %swap3A_1160], %add3A_1158 {strides = array<i32>} : memref<32x512xf32, #tpu.memory_space<vmem>>, vector<16xf32>,
      %get3A_1162 = arith.constant 0 : i32
      %get3A_1163 = arith.index_cast %get3A_1162 : i32 to index
      %get3A_1164 = arith.constant 160 : index
      %get3A_1165 = tpu.vector_load %arg12[%get3A_1163, %get3A_1164] {strides = array<i32>} : memref<16x512xf32, #tpu.memory_space<vmem>>, vector<16xf32>,
      %mul3A_1166 = arith.mulf %gather3A_32, %get3A_1165 : vector<16xf32>
      %get3A_1167 = arith.constant 1 : i32
      %get3A_1168 = arith.index_cast %get3A_1167 : i32 to index
      %get3A_1169 = arith.constant 160 : index
      %get3A_1170 = tpu.vector_load %arg12[%get3A_1168, %get3A_1169] {strides = array<i32>} : memref<16x512xf32, #tpu.memory_space<vmem>>, vector<16xf32>,
      %mul3A_1171 = arith.mulf %gather3A_38, %get3A_1170 : vector<16xf32>
      %add3A_1172 = arith.addf %mul3A_1166, %mul3A_1171 : vector<16xf32>
      %get3A_1173 = arith.constant 2 : i32
      %get3A_1174 = arith.index_cast %get3A_1173 : i32 to index
      %get3A_1175 = arith.constant 160 : index
      %get3A_1176 = tpu.vector_load %arg12[%get3A_1174, %get3A_1175] {strides = array<i32>} : memref<16x512xf32, #tpu.memory_space<vmem>>, vector<16xf32>,
      %mul3A_1177 = arith.mulf %gather3A_44, %get3A_1176 : vector<16xf32>
      %add3A_1178 = arith.addf %add3A_1172, %mul3A_1177 : vector<16xf32>
      %get3A_1179 = arith.constant 3 : i32
      %get3A_1180 = arith.index_cast %get3A_1179 : i32 to index
      %get3A_1181 = arith.constant 160 : index
      %get3A_1182 = tpu.vector_load %arg12[%get3A_1180, %get3A_1181] {strides = array<i32>} : memref<16x512xf32, #tpu.memory_space<vmem>>, vector<16xf32>,
      %mul3A_1183 = arith.mulf %gather3A_50, %get3A_1182 : vector<16xf32>
      %add3A_1184 = arith.addf %add3A_1178, %mul3A_1183 : vector<16xf32>
      %get3A_1185 = arith.constant 4 : i32
      %get3A_1186 = arith.index_cast %get3A_1185 : i32 to index
      %get3A_1187 = arith.constant 160 : index
      %get3A_1188 = tpu.vector_load %arg12[%get3A_1186, %get3A_1187] {strides = array<i32>} : memref<16x512xf32, #tpu.memory_space<vmem>>, vector<16xf32>,
      %mul3A_1189 = arith.mulf %gather3A_56, %get3A_1188 : vector<16xf32>
      %add3A_1190 = arith.addf %add3A_1184, %mul3A_1189 : vector<16xf32>
      %get3A_1191 = arith.constant 5 : i32
      %get3A_1192 = arith.index_cast %get3A_1191 : i32 to index
      %get3A_1193 = arith.constant 160 : index
      %get3A_1194 = tpu.vector_load %arg12[%get3A_1192, %get3A_1193] {strides = array<i32>} : memref<16x512xf32, #tpu.memory_space<vmem>>, vector<16xf32>,
      %mul3A_1195 = arith.mulf %gather3A_62, %get3A_1194 : vector<16xf32>
      %add3A_1196 = arith.addf %add3A_1190, %mul3A_1195 : vector<16xf32>
      %get3A_1197 = arith.constant 6 : i32
      %get3A_1198 = arith.index_cast %get3A_1197 : i32 to index
      %get3A_1199 = arith.constant 160 : index
      %get3A_1200 = tpu.vector_load %arg12[%get3A_1198, %get3A_1199] {strides = array<i32>} : memref<16x512xf32, #tpu.memory_space<vmem>>, vector<16xf32>,
      %mul3A_1201 = arith.mulf %gather3A_68, %get3A_1200 : vector<16xf32>
      %add3A_1202 = arith.addf %add3A_1196, %mul3A_1201 : vector<16xf32>
      %get3A_1203 = arith.constant 7 : i32
      %get3A_1204 = arith.index_cast %get3A_1203 : i32 to index
      %get3A_1205 = arith.constant 160 : index
      %get3A_1206 = tpu.vector_load %arg12[%get3A_1204, %get3A_1205] {strides = array<i32>} : memref<16x512xf32, #tpu.memory_space<vmem>>, vector<16xf32>,
      %mul3A_1207 = arith.mulf %gather3A_74, %get3A_1206 : vector<16xf32>
      %add3A_1208 = arith.addf %add3A_1202, %mul3A_1207 : vector<16xf32>
      %get3A_1209 = arith.constant 8 : i32
      %get3A_1210 = arith.index_cast %get3A_1209 : i32 to index
      %get3A_1211 = arith.constant 160 : index
      %get3A_1212 = tpu.vector_load %arg12[%get3A_1210, %get3A_1211] {strides = array<i32>} : memref<16x512xf32, #tpu.memory_space<vmem>>, vector<16xf32>,
      %mul3A_1213 = arith.mulf %gather3A_80, %get3A_1212 : vector<16xf32>
      %add3A_1214 = arith.addf %add3A_1208, %mul3A_1213 : vector<16xf32>
      %get3A_1215 = arith.constant 9 : i32
      %get3A_1216 = arith.index_cast %get3A_1215 : i32 to index
      %get3A_1217 = arith.constant 160 : index
      %get3A_1218 = tpu.vector_load %arg12[%get3A_1216, %get3A_1217] {strides = array<i32>} : memref<16x512xf32, #tpu.memory_space<vmem>>, vector<16xf32>,
      %mul3A_1219 = arith.mulf %gather3A_86, %get3A_1218 : vector<16xf32>
      %add3A_1220 = arith.addf %add3A_1214, %mul3A_1219 : vector<16xf32>
      %get3A_1221 = arith.constant 10 : i32
      %get3A_1222 = arith.index_cast %get3A_1221 : i32 to index
      %get3A_1223 = arith.constant 160 : index
      %get3A_1224 = tpu.vector_load %arg12[%get3A_1222, %get3A_1223] {strides = array<i32>} : memref<16x512xf32, #tpu.memory_space<vmem>>, vector<16xf32>,
      %mul3A_1225 = arith.mulf %gather3A_92, %get3A_1224 : vector<16xf32>
      %add3A_1226 = arith.addf %add3A_1220, %mul3A_1225 : vector<16xf32>
      %get3A_1227 = arith.constant 11 : i32
      %get3A_1228 = arith.index_cast %get3A_1227 : i32 to index
      %get3A_1229 = arith.constant 160 : index
      %get3A_1230 = tpu.vector_load %arg12[%get3A_1228, %get3A_1229] {strides = array<i32>} : memref<16x512xf32, #tpu.memory_space<vmem>>, vector<16xf32>,
      %mul3A_1231 = arith.mulf %gather3A_98, %get3A_1230 : vector<16xf32>
      %add3A_1232 = arith.addf %add3A_1226, %mul3A_1231 : vector<16xf32>
      %get3A_1233 = arith.constant 12 : i32
      %get3A_1234 = arith.index_cast %get3A_1233 : i32 to index
      %get3A_1235 = arith.constant 160 : index
      %get3A_1236 = tpu.vector_load %arg12[%get3A_1234, %get3A_1235] {strides = array<i32>} : memref<16x512xf32, #tpu.memory_space<vmem>>, vector<16xf32>,
      %mul3A_1237 = arith.mulf %gather3A_104, %get3A_1236 : vector<16xf32>
      %add3A_1238 = arith.addf %add3A_1232, %mul3A_1237 : vector<16xf32>
      %get3A_1239 = arith.constant 13 : i32
      %get3A_1240 = arith.index_cast %get3A_1239 : i32 to index
      %get3A_1241 = arith.constant 160 : index
      %get3A_1242 = tpu.vector_load %arg12[%get3A_1240, %get3A_1241] {strides = array<i32>} : memref<16x512xf32, #tpu.memory_space<vmem>>, vector<16xf32>,
      %mul3A_1243 = arith.mulf %gather3A_110, %get3A_1242 : vector<16xf32>
      %add3A_1244 = arith.addf %add3A_1238, %mul3A_1243 : vector<16xf32>
      %get3A_1245 = arith.constant 14 : i32
      %get3A_1246 = arith.index_cast %get3A_1245 : i32 to index
      %get3A_1247 = arith.constant 160 : index
      %get3A_1248 = tpu.vector_load %arg12[%get3A_1246, %get3A_1247] {strides = array<i32>} : memref<16x512xf32, #tpu.memory_space<vmem>>, vector<16xf32>,
      %mul3A_1249 = arith.mulf %gather3A_116, %get3A_1248 : vector<16xf32>
      %add3A_1250 = arith.addf %add3A_1244, %mul3A_1249 : vector<16xf32>
      %get3A_1251 = arith.constant 15 : i32
      %get3A_1252 = arith.index_cast %get3A_1251 : i32 to index
      %get3A_1253 = arith.constant 160 : index
      %get3A_1254 = tpu.vector_load %arg12[%get3A_1252, %get3A_1253] {strides = array<i32>} : memref<16x512xf32, #tpu.memory_space<vmem>>, vector<16xf32>,
      %mul3A_1255 = arith.mulf %gather3A_122, %get3A_1254 : vector<16xf32>
      %add3A_1256 = arith.addf %add3A_1250, %mul3A_1255 : vector<16xf32>
      %get3A_1257 = arith.index_cast %scan3A_18 : i32 to index
      %get3A_1258 = arith.constant 160 : index
      %get3A_1259 = tpu.vector_load %arg10[%get3A_1257, %get3A_1258] {strides = array<i32>} : memref<32x512xf32, #tpu.memory_space<vmem>>, vector<16xf32>,
      %mul3A_1260 = arith.mulf %div3A_10, %get3A_1259 : vector<16xf32>
      %mul3A_1261 = arith.mulf %sub3A_12, %add3A_1256 : vector<16xf32>
      %add3A_1262 = arith.addf %mul3A_1260, %mul3A_1261 : vector<16xf32>
      %swap3A_1263 = arith.index_cast %scan3A_18 : i32 to index
      %swap3A_1264 = arith.constant 160 : index
      %swap3A_1265 = tpu.vector_load %arg11[%swap3A_1263, %swap3A_1264] {strides = array<i32>} : memref<32x512xf32, #tpu.memory_space<vmem>>, vector<16xf32>,
      tpu.vector_store %arg11[%swap3A_1263, %swap3A_1264], %add3A_1262 {strides = array<i32>} : memref<32x512xf32, #tpu.memory_space<vmem>>, vector<16xf32>,
      %get3A_1266 = arith.constant 0 : i32
      %get3A_1267 = arith.index_cast %get3A_1266 : i32 to index
      %get3A_1268 = arith.constant 176 : index
      %get3A_1269 = tpu.vector_load %arg12[%get3A_1267, %get3A_1268] {strides = array<i32>} : memref<16x512xf32, #tpu.memory_space<vmem>>, vector<16xf32>,
      %mul3A_1270 = arith.mulf %gather3A_32, %get3A_1269 : vector<16xf32>
      %get3A_1271 = arith.constant 1 : i32
      %get3A_1272 = arith.index_cast %get3A_1271 : i32 to index
      %get3A_1273 = arith.constant 176 : index
      %get3A_1274 = tpu.vector_load %arg12[%get3A_1272, %get3A_1273] {strides = array<i32>} : memref<16x512xf32, #tpu.memory_space<vmem>>, vector<16xf32>,
      %mul3A_1275 = arith.mulf %gather3A_38, %get3A_1274 : vector<16xf32>
      %add3A_1276 = arith.addf %mul3A_1270, %mul3A_1275 : vector<16xf32>
      %get3A_1277 = arith.constant 2 : i32
      %get3A_1278 = arith.index_cast %get3A_1277 : i32 to index
      %get3A_1279 = arith.constant 176 : index
      %get3A_1280 = tpu.vector_load %arg12[%get3A_1278, %get3A_1279] {strides = array<i32>} : memref<16x512xf32, #tpu.memory_space<vmem>>, vector<16xf32>,
      %mul3A_1281 = arith.mulf %gather3A_44, %get3A_1280 : vector<16xf32>
      %add3A_1282 = arith.addf %add3A_1276, %mul3A_1281 : vector<16xf32>
      %get3A_1283 = arith.constant 3 : i32
      %get3A_1284 = arith.index_cast %get3A_1283 : i32 to index
      %get3A_1285 = arith.constant 176 : index
      %get3A_1286 = tpu.vector_load %arg12[%get3A_1284, %get3A_1285] {strides = array<i32>} : memref<16x512xf32, #tpu.memory_space<vmem>>, vector<16xf32>,
      %mul3A_1287 = arith.mulf %gather3A_50, %get3A_1286 : vector<16xf32>
      %add3A_1288 = arith.addf %add3A_1282, %mul3A_1287 : vector<16xf32>
      %get3A_1289 = arith.constant 4 : i32
      %get3A_1290 = arith.index_cast %get3A_1289 : i32 to index
      %get3A_1291 = arith.constant 176 : index
      %get3A_1292 = tpu.vector_load %arg12[%get3A_1290, %get3A_1291] {strides = array<i32>} : memref<16x512xf32, #tpu.memory_space<vmem>>, vector<16xf32>,
      %mul3A_1293 = arith.mulf %gather3A_56, %get3A_1292 : vector<16xf32>
      %add3A_1294 = arith.addf %add3A_1288, %mul3A_1293 : vector<16xf32>
      %get3A_1295 = arith.constant 5 : i32
      %get3A_1296 = arith.index_cast %get3A_1295 : i32 to index
      %get3A_1297 = arith.constant 176 : index
      %get3A_1298 = tpu.vector_load %arg12[%get3A_1296, %get3A_1297] {strides = array<i32>} : memref<16x512xf32, #tpu.memory_space<vmem>>, vector<16xf32>,
      %mul3A_1299 = arith.mulf %gather3A_62, %get3A_1298 : vector<16xf32>
      %add3A_1300 = arith.addf %add3A_1294, %mul3A_1299 : vector<16xf32>
      %get3A_1301 = arith.constant 6 : i32
      %get3A_1302 = arith.index_cast %get3A_1301 : i32 to index
      %get3A_1303 = arith.constant 176 : index
      %get3A_1304 = tpu.vector_load %arg12[%get3A_1302, %get3A_1303] {strides = array<i32>} : memref<16x512xf32, #tpu.memory_space<vmem>>, vector<16xf32>,
      %mul3A_1305 = arith.mulf %gather3A_68, %get3A_1304 : vector<16xf32>
      %add3A_1306 = arith.addf %add3A_1300, %mul3A_1305 : vector<16xf32>
      %get3A_1307 = arith.constant 7 : i32
      %get3A_1308 = arith.index_cast %get3A_1307 : i32 to index
      %get3A_1309 = arith.constant 176 : index
      %get3A_1310 = tpu.vector_load %arg12[%get3A_1308, %get3A_1309] {strides = array<i32>} : memref<16x512xf32, #tpu.memory_space<vmem>>, vector<16xf32>,
      %mul3A_1311 = arith.mulf %gather3A_74, %get3A_1310 : vector<16xf32>
      %add3A_1312 = arith.addf %add3A_1306, %mul3A_1311 : vector<16xf32>
      %get3A_1313 = arith.constant 8 : i32
      %get3A_1314 = arith.index_cast %get3A_1313 : i32 to index
      %get3A_1315 = arith.constant 176 : index
      %get3A_1316 = tpu.vector_load %arg12[%get3A_1314, %get3A_1315] {strides = array<i32>} : memref<16x512xf32, #tpu.memory_space<vmem>>, vector<16xf32>,
      %mul3A_1317 = arith.mulf %gather3A_80, %get3A_1316 : vector<16xf32>
      %add3A_1318 = arith.addf %add3A_1312, %mul3A_1317 : vector<16xf32>
      %get3A_1319 = arith.constant 9 : i32
      %get3A_1320 = arith.index_cast %get3A_1319 : i32 to index
      %get3A_1321 = arith.constant 176 : index
      %get3A_1322 = tpu.vector_load %arg12[%get3A_1320, %get3A_1321] {strides = array<i32>} : memref<16x512xf32, #tpu.memory_space<vmem>>, vector<16xf32>,
      %mul3A_1323 = arith.mulf %gather3A_86, %get3A_1322 : vector<16xf32>
      %add3A_1324 = arith.addf %add3A_1318, %mul3A_1323 : vector<16xf32>
      %get3A_1325 = arith.constant 10 : i32
      %get3A_1326 = arith.index_cast %get3A_1325 : i32 to index
      %get3A_1327 = arith.constant 176 : index
      %get3A_1328 = tpu.vector_load %arg12[%get3A_1326, %get3A_1327] {strides = array<i32>} : memref<16x512xf32, #tpu.memory_space<vmem>>, vector<16xf32>,
      %mul3A_1329 = arith.mulf %gather3A_92, %get3A_1328 : vector<16xf32>
      %add3A_1330 = arith.addf %add3A_1324, %mul3A_1329 : vector<16xf32>
      %get3A_1331 = arith.constant 11 : i32
      %get3A_1332 = arith.index_cast %get3A_1331 : i32 to index
      %get3A_1333 = arith.constant 176 : index
      %get3A_1334 = tpu.vector_load %arg12[%get3A_1332, %get3A_1333] {strides = array<i32>} : memref<16x512xf32, #tpu.memory_space<vmem>>, vector<16xf32>,
      %mul3A_1335 = arith.mulf %gather3A_98, %get3A_1334 : vector<16xf32>
      %add3A_1336 = arith.addf %add3A_1330, %mul3A_1335 : vector<16xf32>
      %get3A_1337 = arith.constant 12 : i32
      %get3A_1338 = arith.index_cast %get3A_1337 : i32 to index
      %get3A_1339 = arith.constant 176 : index
      %get3A_1340 = tpu.vector_load %arg12[%get3A_1338, %get3A_1339] {strides = array<i32>} : memref<16x512xf32, #tpu.memory_space<vmem>>, vector<16xf32>,
      %mul3A_1341 = arith.mulf %gather3A_104, %get3A_1340 : vector<16xf32>
      %add3A_1342 = arith.addf %add3A_1336, %mul3A_1341 : vector<16xf32>
      %get3A_1343 = arith.constant 13 : i32
      %get3A_1344 = arith.index_cast %get3A_1343 : i32 to index
      %get3A_1345 = arith.constant 176 : index
      %get3A_1346 = tpu.vector_load %arg12[%get3A_1344, %get3A_1345] {strides = array<i32>} : memref<16x512xf32, #tpu.memory_space<vmem>>, vector<16xf32>,
      %mul3A_1347 = arith.mulf %gather3A_110, %get3A_1346 : vector<16xf32>
      %add3A_1348 = arith.addf %add3A_1342, %mul3A_1347 : vector<16xf32>
      %get3A_1349 = arith.constant 14 : i32
      %get3A_1350 = arith.index_cast %get3A_1349 : i32 to index
      %get3A_1351 = arith.constant 176 : index
      %get3A_1352 = tpu.vector_load %arg12[%get3A_1350, %get3A_1351] {strides = array<i32>} : memref<16x512xf32, #tpu.memory_space<vmem>>, vector<16xf32>,
      %mul3A_1353 = arith.mulf %gather3A_116, %get3A_1352 : vector<16xf32>
      %add3A_1354 = arith.addf %add3A_1348, %mul3A_1353 : vector<16xf32>
      %get3A_1355 = arith.constant 15 : i32
      %get3A_1356 = arith.index_cast %get3A_1355 : i32 to index
      %get3A_1357 = arith.constant 176 : index
      %get3A_1358 = tpu.vector_load %arg12[%get3A_1356, %get3A_1357] {strides = array<i32>} : memref<16x512xf32, #tpu.memory_space<vmem>>, vector<16xf32>,
      %mul3A_1359 = arith.mulf %gather3A_122, %get3A_1358 : vector<16xf32>
      %add3A_1360 = arith.addf %add3A_1354, %mul3A_1359 : vector<16xf32>
      %get3A_1361 = arith.index_cast %scan3A_18 : i32 to index
      %get3A_1362 = arith.constant 176 : index
      %get3A_1363 = tpu.vector_load %arg10[%get3A_1361, %get3A_1362] {strides = array<i32>} : memref<32x512xf32, #tpu.memory_space<vmem>>, vector<16xf32>,
      %mul3A_1364 = arith.mulf %div3A_10, %get3A_1363 : vector<16xf32>
      %mul3A_1365 = arith.mulf %sub3A_12, %add3A_1360 : vector<16xf32>
      %add3A_1366 = arith.addf %mul3A_1364, %mul3A_1365 : vector<16xf32>
      %swap3A_1367 = arith.index_cast %scan3A_18 : i32 to index
      %swap3A_1368 = arith.constant 176 : index
      %swap3A_1369 = tpu.vector_load %arg11[%swap3A_1367, %swap3A_1368] {strides = array<i32>} : memref<32x512xf32, #tpu.memory_space<vmem>>, vector<16xf32>,
      tpu.vector_store %arg11[%swap3A_1367, %swap3A_1368], %add3A_1366 {strides = array<i32>} : memref<32x512xf32, #tpu.memory_space<vmem>>, vector<16xf32>,
      %get3A_1370 = arith.constant 0 : i32
      %get3A_1371 = arith.index_cast %get3A_1370 : i32 to index
      %get3A_1372 = arith.constant 192 : index
      %get3A_1373 = tpu.vector_load %arg12[%get3A_1371, %get3A_1372] {strides = array<i32>} : memref<16x512xf32, #tpu.memory_space<vmem>>, vector<16xf32>,
      %mul3A_1374 = arith.mulf %gather3A_32, %get3A_1373 : vector<16xf32>
      %get3A_1375 = arith.constant 1 : i32
      %get3A_1376 = arith.index_cast %get3A_1375 : i32 to index
      %get3A_1377 = arith.constant 192 : index
      %get3A_1378 = tpu.vector_load %arg12[%get3A_1376, %get3A_1377] {strides = array<i32>} : memref<16x512xf32, #tpu.memory_space<vmem>>, vector<16xf32>,
      %mul3A_1379 = arith.mulf %gather3A_38, %get3A_1378 : vector<16xf32>
      %add3A_1380 = arith.addf %mul3A_1374, %mul3A_1379 : vector<16xf32>
      %get3A_1381 = arith.constant 2 : i32
      %get3A_1382 = arith.index_cast %get3A_1381 : i32 to index
      %get3A_1383 = arith.constant 192 : index
      %get3A_1384 = tpu.vector_load %arg12[%get3A_1382, %get3A_1383] {strides = array<i32>} : memref<16x512xf32, #tpu.memory_space<vmem>>, vector<16xf32>,
      %mul3A_1385 = arith.mulf %gather3A_44, %get3A_1384 : vector<16xf32>
      %add3A_1386 = arith.addf %add3A_1380, %mul3A_1385 : vector<16xf32>
      %get3A_1387 = arith.constant 3 : i32
      %get3A_1388 = arith.index_cast %get3A_1387 : i32 to index
      %get3A_1389 = arith.constant 192 : index
      %get3A_1390 = tpu.vector_load %arg12[%get3A_1388, %get3A_1389] {strides = array<i32>} : memref<16x512xf32, #tpu.memory_space<vmem>>, vector<16xf32>,
      %mul3A_1391 = arith.mulf %gather3A_50, %get3A_1390 : vector<16xf32>
      %add3A_1392 = arith.addf %add3A_1386, %mul3A_1391 : vector<16xf32>
      %get3A_1393 = arith.constant 4 : i32
      %get3A_1394 = arith.index_cast %get3A_1393 : i32 to index
      %get3A_1395 = arith.constant 192 : index
      %get3A_1396 = tpu.vector_load %arg12[%get3A_1394, %get3A_1395] {strides = array<i32>} : memref<16x512xf32, #tpu.memory_space<vmem>>, vector<16xf32>,
      %mul3A_1397 = arith.mulf %gather3A_56, %get3A_1396 : vector<16xf32>
      %add3A_1398 = arith.addf %add3A_1392, %mul3A_1397 : vector<16xf32>
      %get3A_1399 = arith.constant 5 : i32
      %get3A_1400 = arith.index_cast %get3A_1399 : i32 to index
      %get3A_1401 = arith.constant 192 : index
      %get3A_1402 = tpu.vector_load %arg12[%get3A_1400, %get3A_1401] {strides = array<i32>} : memref<16x512xf32, #tpu.memory_space<vmem>>, vector<16xf32>,
      %mul3A_1403 = arith.mulf %gather3A_62, %get3A_1402 : vector<16xf32>
      %add3A_1404 = arith.addf %add3A_1398, %mul3A_1403 : vector<16xf32>
      %get3A_1405 = arith.constant 6 : i32
      %get3A_1406 = arith.index_cast %get3A_1405 : i32 to index
      %get3A_1407 = arith.constant 192 : index
      %get3A_1408 = tpu.vector_load %arg12[%get3A_1406, %get3A_1407] {strides = array<i32>} : memref<16x512xf32, #tpu.memory_space<vmem>>, vector<16xf32>,
      %mul3A_1409 = arith.mulf %gather3A_68, %get3A_1408 : vector<16xf32>
      %add3A_1410 = arith.addf %add3A_1404, %mul3A_1409 : vector<16xf32>
      %get3A_1411 = arith.constant 7 : i32
      %get3A_1412 = arith.index_cast %get3A_1411 : i32 to index
      %get3A_1413 = arith.constant 192 : index
      %get3A_1414 = tpu.vector_load %arg12[%get3A_1412, %get3A_1413] {strides = array<i32>} : memref<16x512xf32, #tpu.memory_space<vmem>>, vector<16xf32>,
      %mul3A_1415 = arith.mulf %gather3A_74, %get3A_1414 : vector<16xf32>
      %add3A_1416 = arith.addf %add3A_1410, %mul3A_1415 : vector<16xf32>
      %get3A_1417 = arith.constant 8 : i32
      %get3A_1418 = arith.index_cast %get3A_1417 : i32 to index
      %get3A_1419 = arith.constant 192 : index
      %get3A_1420 = tpu.vector_load %arg12[%get3A_1418, %get3A_1419] {strides = array<i32>} : memref<16x512xf32, #tpu.memory_space<vmem>>, vector<16xf32>,
      %mul3A_1421 = arith.mulf %gather3A_80, %get3A_1420 : vector<16xf32>
      %add3A_1422 = arith.addf %add3A_1416, %mul3A_1421 : vector<16xf32>
      %get3A_1423 = arith.constant 9 : i32
      %get3A_1424 = arith.index_cast %get3A_1423 : i32 to index
      %get3A_1425 = arith.constant 192 : index
      %get3A_1426 = tpu.vector_load %arg12[%get3A_1424, %get3A_1425] {strides = array<i32>} : memref<16x512xf32, #tpu.memory_space<vmem>>, vector<16xf32>,
      %mul3A_1427 = arith.mulf %gather3A_86, %get3A_1426 : vector<16xf32>
      %add3A_1428 = arith.addf %add3A_1422, %mul3A_1427 : vector<16xf32>
      %get3A_1429 = arith.constant 10 : i32
      %get3A_1430 = arith.index_cast %get3A_1429 : i32 to index
      %get3A_1431 = arith.constant 192 : index
      %get3A_1432 = tpu.vector_load %arg12[%get3A_1430, %get3A_1431] {strides = array<i32>} : memref<16x512xf32, #tpu.memory_space<vmem>>, vector<16xf32>,
      %mul3A_1433 = arith.mulf %gather3A_92, %get3A_1432 : vector<16xf32>
      %add3A_1434 = arith.addf %add3A_1428, %mul3A_1433 : vector<16xf32>
      %get3A_1435 = arith.constant 11 : i32
      %get3A_1436 = arith.index_cast %get3A_1435 : i32 to index
      %get3A_1437 = arith.constant 192 : index
      %get3A_1438 = tpu.vector_load %arg12[%get3A_1436, %get3A_1437] {strides = array<i32>} : memref<16x512xf32, #tpu.memory_space<vmem>>, vector<16xf32>,
      %mul3A_1439 = arith.mulf %gather3A_98, %get3A_1438 : vector<16xf32>
      %add3A_1440 = arith.addf %add3A_1434, %mul3A_1439 : vector<16xf32>
      %get3A_1441 = arith.constant 12 : i32
      %get3A_1442 = arith.index_cast %get3A_1441 : i32 to index
      %get3A_1443 = arith.constant 192 : index
      %get3A_1444 = tpu.vector_load %arg12[%get3A_1442, %get3A_1443] {strides = array<i32>} : memref<16x512xf32, #tpu.memory_space<vmem>>, vector<16xf32>,
      %mul3A_1445 = arith.mulf %gather3A_104, %get3A_1444 : vector<16xf32>
      %add3A_1446 = arith.addf %add3A_1440, %mul3A_1445 : vector<16xf32>
      %get3A_1447 = arith.constant 13 : i32
      %get3A_1448 = arith.index_cast %get3A_1447 : i32 to index
      %get3A_1449 = arith.constant 192 : index
      %get3A_1450 = tpu.vector_load %arg12[%get3A_1448, %get3A_1449] {strides = array<i32>} : memref<16x512xf32, #tpu.memory_space<vmem>>, vector<16xf32>,
      %mul3A_1451 = arith.mulf %gather3A_110, %get3A_1450 : vector<16xf32>
      %add3A_1452 = arith.addf %add3A_1446, %mul3A_1451 : vector<16xf32>
      %get3A_1453 = arith.constant 14 : i32
      %get3A_1454 = arith.index_cast %get3A_1453 : i32 to index
      %get3A_1455 = arith.constant 192 : index
      %get3A_1456 = tpu.vector_load %arg12[%get3A_1454, %get3A_1455] {strides = array<i32>} : memref<16x512xf32, #tpu.memory_space<vmem>>, vector<16xf32>,
      %mul3A_1457 = arith.mulf %gather3A_116, %get3A_1456 : vector<16xf32>
      %add3A_1458 = arith.addf %add3A_1452, %mul3A_1457 : vector<16xf32>
      %get3A_1459 = arith.constant 15 : i32
      %get3A_1460 = arith.index_cast %get3A_1459 : i32 to index
      %get3A_1461 = arith.constant 192 : index
      %get3A_1462 = tpu.vector_load %arg12[%get3A_1460, %get3A_1461] {strides = array<i32>} : memref<16x512xf32, #tpu.memory_space<vmem>>, vector<16xf32>,
      %mul3A_1463 = arith.mulf %gather3A_122, %get3A_1462 : vector<16xf32>
      %add3A_1464 = arith.addf %add3A_1458, %mul3A_1463 : vector<16xf32>
      %get3A_1465 = arith.index_cast %scan3A_18 : i32 to index
      %get3A_1466 = arith.constant 192 : index
      %get3A_1467 = tpu.vector_load %arg10[%get3A_1465, %get3A_1466] {strides = array<i32>} : memref<32x512xf32, #tpu.memory_space<vmem>>, vector<16xf32>,
      %mul3A_1468 = arith.mulf %div3A_10, %get3A_1467 : vector<16xf32>
      %mul3A_1469 = arith.mulf %sub3A_12, %add3A_1464 : vector<16xf32>
      %add3A_1470 = arith.addf %mul3A_1468, %mul3A_1469 : vector<16xf32>
      %swap3A_1471 = arith.index_cast %scan3A_18 : i32 to index
      %swap3A_1472 = arith.constant 192 : index
      %swap3A_1473 = tpu.vector_load %arg11[%swap3A_1471, %swap3A_1472] {strides = array<i32>} : memref<32x512xf32, #tpu.memory_space<vmem>>, vector<16xf32>,
      tpu.vector_store %arg11[%swap3A_1471, %swap3A_1472], %add3A_1470 {strides = array<i32>} : memref<32x512xf32, #tpu.memory_space<vmem>>, vector<16xf32>,
      %get3A_1474 = arith.constant 0 : i32
      %get3A_1475 = arith.index_cast %get3A_1474 : i32 to index
      %get3A_1476 = arith.constant 208 : index
      %get3A_1477 = tpu.vector_load %arg12[%get3A_1475, %get3A_1476] {strides = array<i32>} : memref<16x512xf32, #tpu.memory_space<vmem>>, vector<16xf32>,
      %mul3A_1478 = arith.mulf %gather3A_32, %get3A_1477 : vector<16xf32>
      %get3A_1479 = arith.constant 1 : i32
      %get3A_1480 = arith.index_cast %get3A_1479 : i32 to index
      %get3A_1481 = arith.constant 208 : index
      %get3A_1482 = tpu.vector_load %arg12[%get3A_1480, %get3A_1481] {strides = array<i32>} : memref<16x512xf32, #tpu.memory_space<vmem>>, vector<16xf32>,
      %mul3A_1483 = arith.mulf %gather3A_38, %get3A_1482 : vector<16xf32>
      %add3A_1484 = arith.addf %mul3A_1478, %mul3A_1483 : vector<16xf32>
      %get3A_1485 = arith.constant 2 : i32
      %get3A_1486 = arith.index_cast %get3A_1485 : i32 to index
      %get3A_1487 = arith.constant 208 : index
      %get3A_1488 = tpu.vector_load %arg12[%get3A_1486, %get3A_1487] {strides = array<i32>} : memref<16x512xf32, #tpu.memory_space<vmem>>, vector<16xf32>,
      %mul3A_1489 = arith.mulf %gather3A_44, %get3A_1488 : vector<16xf32>
      %add3A_1490 = arith.addf %add3A_1484, %mul3A_1489 : vector<16xf32>
      %get3A_1491 = arith.constant 3 : i32
      %get3A_1492 = arith.index_cast %get3A_1491 : i32 to index
      %get3A_1493 = arith.constant 208 : index
      %get3A_1494 = tpu.vector_load %arg12[%get3A_1492, %get3A_1493] {strides = array<i32>} : memref<16x512xf32, #tpu.memory_space<vmem>>, vector<16xf32>,
      %mul3A_1495 = arith.mulf %gather3A_50, %get3A_1494 : vector<16xf32>
      %add3A_1496 = arith.addf %add3A_1490, %mul3A_1495 : vector<16xf32>
      %get3A_1497 = arith.constant 4 : i32
      %get3A_1498 = arith.index_cast %get3A_1497 : i32 to index
      %get3A_1499 = arith.constant 208 : index
      %get3A_1500 = tpu.vector_load %arg12[%get3A_1498, %get3A_1499] {strides = array<i32>} : memref<16x512xf32, #tpu.memory_space<vmem>>, vector<16xf32>,
      %mul3A_1501 = arith.mulf %gather3A_56, %get3A_1500 : vector<16xf32>
      %add3A_1502 = arith.addf %add3A_1496, %mul3A_1501 : vector<16xf32>
      %get3A_1503 = arith.constant 5 : i32
      %get3A_1504 = arith.index_cast %get3A_1503 : i32 to index
      %get3A_1505 = arith.constant 208 : index
      %get3A_1506 = tpu.vector_load %arg12[%get3A_1504, %get3A_1505] {strides = array<i32>} : memref<16x512xf32, #tpu.memory_space<vmem>>, vector<16xf32>,
      %mul3A_1507 = arith.mulf %gather3A_62, %get3A_1506 : vector<16xf32>
      %add3A_1508 = arith.addf %add3A_1502, %mul3A_1507 : vector<16xf32>
      %get3A_1509 = arith.constant 6 : i32
      %get3A_1510 = arith.index_cast %get3A_1509 : i32 to index
      %get3A_1511 = arith.constant 208 : index
      %get3A_1512 = tpu.vector_load %arg12[%get3A_1510, %get3A_1511] {strides = array<i32>} : memref<16x512xf32, #tpu.memory_space<vmem>>, vector<16xf32>,
      %mul3A_1513 = arith.mulf %gather3A_68, %get3A_1512 : vector<16xf32>
      %add3A_1514 = arith.addf %add3A_1508, %mul3A_1513 : vector<16xf32>
      %get3A_1515 = arith.constant 7 : i32
      %get3A_1516 = arith.index_cast %get3A_1515 : i32 to index
      %get3A_1517 = arith.constant 208 : index
      %get3A_1518 = tpu.vector_load %arg12[%get3A_1516, %get3A_1517] {strides = array<i32>} : memref<16x512xf32, #tpu.memory_space<vmem>>, vector<16xf32>,
      %mul3A_1519 = arith.mulf %gather3A_74, %get3A_1518 : vector<16xf32>
      %add3A_1520 = arith.addf %add3A_1514, %mul3A_1519 : vector<16xf32>
      %get3A_1521 = arith.constant 8 : i32
      %get3A_1522 = arith.index_cast %get3A_1521 : i32 to index
      %get3A_1523 = arith.constant 208 : index
      %get3A_1524 = tpu.vector_load %arg12[%get3A_1522, %get3A_1523] {strides = array<i32>} : memref<16x512xf32, #tpu.memory_space<vmem>>, vector<16xf32>,
      %mul3A_1525 = arith.mulf %gather3A_80, %get3A_1524 : vector<16xf32>
      %add3A_1526 = arith.addf %add3A_1520, %mul3A_1525 : vector<16xf32>
      %get3A_1527 = arith.constant 9 : i32
      %get3A_1528 = arith.index_cast %get3A_1527 : i32 to index
      %get3A_1529 = arith.constant 208 : index
      %get3A_1530 = tpu.vector_load %arg12[%get3A_1528, %get3A_1529] {strides = array<i32>} : memref<16x512xf32, #tpu.memory_space<vmem>>, vector<16xf32>,
      %mul3A_1531 = arith.mulf %gather3A_86, %get3A_1530 : vector<16xf32>
      %add3A_1532 = arith.addf %add3A_1526, %mul3A_1531 : vector<16xf32>
      %get3A_1533 = arith.constant 10 : i32
      %get3A_1534 = arith.index_cast %get3A_1533 : i32 to index
      %get3A_1535 = arith.constant 208 : index
      %get3A_1536 = tpu.vector_load %arg12[%get3A_1534, %get3A_1535] {strides = array<i32>} : memref<16x512xf32, #tpu.memory_space<vmem>>, vector<16xf32>,
      %mul3A_1537 = arith.mulf %gather3A_92, %get3A_1536 : vector<16xf32>
      %add3A_1538 = arith.addf %add3A_1532, %mul3A_1537 : vector<16xf32>
      %get3A_1539 = arith.constant 11 : i32
      %get3A_1540 = arith.index_cast %get3A_1539 : i32 to index
      %get3A_1541 = arith.constant 208 : index
      %get3A_1542 = tpu.vector_load %arg12[%get3A_1540, %get3A_1541] {strides = array<i32>} : memref<16x512xf32, #tpu.memory_space<vmem>>, vector<16xf32>,
      %mul3A_1543 = arith.mulf %gather3A_98, %get3A_1542 : vector<16xf32>
      %add3A_1544 = arith.addf %add3A_1538, %mul3A_1543 : vector<16xf32>
      %get3A_1545 = arith.constant 12 : i32
      %get3A_1546 = arith.index_cast %get3A_1545 : i32 to index
      %get3A_1547 = arith.constant 208 : index
      %get3A_1548 = tpu.vector_load %arg12[%get3A_1546, %get3A_1547] {strides = array<i32>} : memref<16x512xf32, #tpu.memory_space<vmem>>, vector<16xf32>,
      %mul3A_1549 = arith.mulf %gather3A_104, %get3A_1548 : vector<16xf32>
      %add3A_1550 = arith.addf %add3A_1544, %mul3A_1549 : vector<16xf32>
      %get3A_1551 = arith.constant 13 : i32
      %get3A_1552 = arith.index_cast %get3A_1551 : i32 to index
      %get3A_1553 = arith.constant 208 : index
      %get3A_1554 = tpu.vector_load %arg12[%get3A_1552, %get3A_1553] {strides = array<i32>} : memref<16x512xf32, #tpu.memory_space<vmem>>, vector<16xf32>,
      %mul3A_1555 = arith.mulf %gather3A_110, %get3A_1554 : vector<16xf32>
      %add3A_1556 = arith.addf %add3A_1550, %mul3A_1555 : vector<16xf32>
      %get3A_1557 = arith.constant 14 : i32
      %get3A_1558 = arith.index_cast %get3A_1557 : i32 to index
      %get3A_1559 = arith.constant 208 : index
      %get3A_1560 = tpu.vector_load %arg12[%get3A_1558, %get3A_1559] {strides = array<i32>} : memref<16x512xf32, #tpu.memory_space<vmem>>, vector<16xf32>,
      %mul3A_1561 = arith.mulf %gather3A_116, %get3A_1560 : vector<16xf32>
      %add3A_1562 = arith.addf %add3A_1556, %mul3A_1561 : vector<16xf32>
      %get3A_1563 = arith.constant 15 : i32
      %get3A_1564 = arith.index_cast %get3A_1563 : i32 to index
      %get3A_1565 = arith.constant 208 : index
      %get3A_1566 = tpu.vector_load %arg12[%get3A_1564, %get3A_1565] {strides = array<i32>} : memref<16x512xf32, #tpu.memory_space<vmem>>, vector<16xf32>,
      %mul3A_1567 = arith.mulf %gather3A_122, %get3A_1566 : vector<16xf32>
      %add3A_1568 = arith.addf %add3A_1562, %mul3A_1567 : vector<16xf32>
      %get3A_1569 = arith.index_cast %scan3A_18 : i32 to index
      %get3A_1570 = arith.constant 208 : index
      %get3A_1571 = tpu.vector_load %arg10[%get3A_1569, %get3A_1570] {strides = array<i32>} : memref<32x512xf32, #tpu.memory_space<vmem>>, vector<16xf32>,
      %mul3A_1572 = arith.mulf %div3A_10, %get3A_1571 : vector<16xf32>
      %mul3A_1573 = arith.mulf %sub3A_12, %add3A_1568 : vector<16xf32>
      %add3A_1574 = arith.addf %mul3A_1572, %mul3A_1573 : vector<16xf32>
      %swap3A_1575 = arith.index_cast %scan3A_18 : i32 to index
      %swap3A_1576 = arith.constant 208 : index
      %swap3A_1577 = tpu.vector_load %arg11[%swap3A_1575, %swap3A_1576] {strides = array<i32>} : memref<32x512xf32, #tpu.memory_space<vmem>>, vector<16xf32>,
      tpu.vector_store %arg11[%swap3A_1575, %swap3A_1576], %add3A_1574 {strides = array<i32>} : memref<32x512xf32, #tpu.memory_space<vmem>>, vector<16xf32>,
      %get3A_1578 = arith.constant 0 : i32
      %get3A_1579 = arith.index_cast %get3A_1578 : i32 to index
      %get3A_1580 = arith.constant 224 : index
      %get3A_1581 = tpu.vector_load %arg12[%get3A_1579, %get3A_1580] {strides = array<i32>} : memref<16x512xf32, #tpu.memory_space<vmem>>, vector<16xf32>,
      %mul3A_1582 = arith.mulf %gather3A_32, %get3A_1581 : vector<16xf32>
      %get3A_1583 = arith.constant 1 : i32
      %get3A_1584 = arith.index_cast %get3A_1583 : i32 to index
      %get3A_1585 = arith.constant 224 : index
      %get3A_1586 = tpu.vector_load %arg12[%get3A_1584, %get3A_1585] {strides = array<i32>} : memref<16x512xf32, #tpu.memory_space<vmem>>, vector<16xf32>,
      %mul3A_1587 = arith.mulf %gather3A_38, %get3A_1586 : vector<16xf32>
      %add3A_1588 = arith.addf %mul3A_1582, %mul3A_1587 : vector<16xf32>
      %get3A_1589 = arith.constant 2 : i32
      %get3A_1590 = arith.index_cast %get3A_1589 : i32 to index
      %get3A_1591 = arith.constant 224 : index
      %get3A_1592 = tpu.vector_load %arg12[%get3A_1590, %get3A_1591] {strides = array<i32>} : memref<16x512xf32, #tpu.memory_space<vmem>>, vector<16xf32>,
      %mul3A_1593 = arith.mulf %gather3A_44, %get3A_1592 : vector<16xf32>
      %add3A_1594 = arith.addf %add3A_1588, %mul3A_1593 : vector<16xf32>
      %get3A_1595 = arith.constant 3 : i32
      %get3A_1596 = arith.index_cast %get3A_1595 : i32 to index
      %get3A_1597 = arith.constant 224 : index
      %get3A_1598 = tpu.vector_load %arg12[%get3A_1596, %get3A_1597] {strides = array<i32>} : memref<16x512xf32, #tpu.memory_space<vmem>>, vector<16xf32>,
      %mul3A_1599 = arith.mulf %gather3A_50, %get3A_1598 : vector<16xf32>
      %add3A_1600 = arith.addf %add3A_1594, %mul3A_1599 : vector<16xf32>
      %get3A_1601 = arith.constant 4 : i32
      %get3A_1602 = arith.index_cast %get3A_1601 : i32 to index
      %get3A_1603 = arith.constant 224 : index
      %get3A_1604 = tpu.vector_load %arg12[%get3A_1602, %get3A_1603] {strides = array<i32>} : memref<16x512xf32, #tpu.memory_space<vmem>>, vector<16xf32>,
      %mul3A_1605 = arith.mulf %gather3A_56, %get3A_1604 : vector<16xf32>
      %add3A_1606 = arith.addf %add3A_1600, %mul3A_1605 : vector<16xf32>
      %get3A_1607 = arith.constant 5 : i32
      %get3A_1608 = arith.index_cast %get3A_1607 : i32 to index
      %get3A_1609 = arith.constant 224 : index
      %get3A_1610 = tpu.vector_load %arg12[%get3A_1608, %get3A_1609] {strides = array<i32>} : memref<16x512xf32, #tpu.memory_space<vmem>>, vector<16xf32>,
      %mul3A_1611 = arith.mulf %gather3A_62, %get3A_1610 : vector<16xf32>
      %add3A_1612 = arith.addf %add3A_1606, %mul3A_1611 : vector<16xf32>
      %get3A_1613 = arith.constant 6 : i32
      %get3A_1614 = arith.index_cast %get3A_1613 : i32 to index
      %get3A_1615 = arith.constant 224 : index
      %get3A_1616 = tpu.vector_load %arg12[%get3A_1614, %get3A_1615] {strides = array<i32>} : memref<16x512xf32, #tpu.memory_space<vmem>>, vector<16xf32>,
      %mul3A_1617 = arith.mulf %gather3A_68, %get3A_1616 : vector<16xf32>
      %add3A_1618 = arith.addf %add3A_1612, %mul3A_1617 : vector<16xf32>
      %get3A_1619 = arith.constant 7 : i32
      %get3A_1620 = arith.index_cast %get3A_1619 : i32 to index
      %get3A_1621 = arith.constant 224 : index
      %get3A_1622 = tpu.vector_load %arg12[%get3A_1620, %get3A_1621] {strides = array<i32>} : memref<16x512xf32, #tpu.memory_space<vmem>>, vector<16xf32>,
      %mul3A_1623 = arith.mulf %gather3A_74, %get3A_1622 : vector<16xf32>
      %add3A_1624 = arith.addf %add3A_1618, %mul3A_1623 : vector<16xf32>
      %get3A_1625 = arith.constant 8 : i32
      %get3A_1626 = arith.index_cast %get3A_1625 : i32 to index
      %get3A_1627 = arith.constant 224 : index
      %get3A_1628 = tpu.vector_load %arg12[%get3A_1626, %get3A_1627] {strides = array<i32>} : memref<16x512xf32, #tpu.memory_space<vmem>>, vector<16xf32>,
      %mul3A_1629 = arith.mulf %gather3A_80, %get3A_1628 : vector<16xf32>
      %add3A_1630 = arith.addf %add3A_1624, %mul3A_1629 : vector<16xf32>
      %get3A_1631 = arith.constant 9 : i32
      %get3A_1632 = arith.index_cast %get3A_1631 : i32 to index
      %get3A_1633 = arith.constant 224 : index
      %get3A_1634 = tpu.vector_load %arg12[%get3A_1632, %get3A_1633] {strides = array<i32>} : memref<16x512xf32, #tpu.memory_space<vmem>>, vector<16xf32>,
      %mul3A_1635 = arith.mulf %gather3A_86, %get3A_1634 : vector<16xf32>
      %add3A_1636 = arith.addf %add3A_1630, %mul3A_1635 : vector<16xf32>
      %get3A_1637 = arith.constant 10 : i32
      %get3A_1638 = arith.index_cast %get3A_1637 : i32 to index
      %get3A_1639 = arith.constant 224 : index
      %get3A_1640 = tpu.vector_load %arg12[%get3A_1638, %get3A_1639] {strides = array<i32>} : memref<16x512xf32, #tpu.memory_space<vmem>>, vector<16xf32>,
      %mul3A_1641 = arith.mulf %gather3A_92, %get3A_1640 : vector<16xf32>
      %add3A_1642 = arith.addf %add3A_1636, %mul3A_1641 : vector<16xf32>
      %get3A_1643 = arith.constant 11 : i32
      %get3A_1644 = arith.index_cast %get3A_1643 : i32 to index
      %get3A_1645 = arith.constant 224 : index
      %get3A_1646 = tpu.vector_load %arg12[%get3A_1644, %get3A_1645] {strides = array<i32>} : memref<16x512xf32, #tpu.memory_space<vmem>>, vector<16xf32>,
      %mul3A_1647 = arith.mulf %gather3A_98, %get3A_1646 : vector<16xf32>
      %add3A_1648 = arith.addf %add3A_1642, %mul3A_1647 : vector<16xf32>
      %get3A_1649 = arith.constant 12 : i32
      %get3A_1650 = arith.index_cast %get3A_1649 : i32 to index
      %get3A_1651 = arith.constant 224 : index
      %get3A_1652 = tpu.vector_load %arg12[%get3A_1650, %get3A_1651] {strides = array<i32>} : memref<16x512xf32, #tpu.memory_space<vmem>>, vector<16xf32>,
      %mul3A_1653 = arith.mulf %gather3A_104, %get3A_1652 : vector<16xf32>
      %add3A_1654 = arith.addf %add3A_1648, %mul3A_1653 : vector<16xf32>
      %get3A_1655 = arith.constant 13 : i32
      %get3A_1656 = arith.index_cast %get3A_1655 : i32 to index
      %get3A_1657 = arith.constant 224 : index
      %get3A_1658 = tpu.vector_load %arg12[%get3A_1656, %get3A_1657] {strides = array<i32>} : memref<16x512xf32, #tpu.memory_space<vmem>>, vector<16xf32>,
      %mul3A_1659 = arith.mulf %gather3A_110, %get3A_1658 : vector<16xf32>
      %add3A_1660 = arith.addf %add3A_1654, %mul3A_1659 : vector<16xf32>
      %get3A_1661 = arith.constant 14 : i32
      %get3A_1662 = arith.index_cast %get3A_1661 : i32 to index
      %get3A_1663 = arith.constant 224 : index
      %get3A_1664 = tpu.vector_load %arg12[%get3A_1662, %get3A_1663] {strides = array<i32>} : memref<16x512xf32, #tpu.memory_space<vmem>>, vector<16xf32>,
      %mul3A_1665 = arith.mulf %gather3A_116, %get3A_1664 : vector<16xf32>
      %add3A_1666 = arith.addf %add3A_1660, %mul3A_1665 : vector<16xf32>
      %get3A_1667 = arith.constant 15 : i32
      %get3A_1668 = arith.index_cast %get3A_1667 : i32 to index
      %get3A_1669 = arith.constant 224 : index
      %get3A_1670 = tpu.vector_load %arg12[%get3A_1668, %get3A_1669] {strides = array<i32>} : memref<16x512xf32, #tpu.memory_space<vmem>>, vector<16xf32>,
      %mul3A_1671 = arith.mulf %gather3A_122, %get3A_1670 : vector<16xf32>
      %add3A_1672 = arith.addf %add3A_1666, %mul3A_1671 : vector<16xf32>
      %get3A_1673 = arith.index_cast %scan3A_18 : i32 to index
      %get3A_1674 = arith.constant 224 : index
      %get3A_1675 = tpu.vector_load %arg10[%get3A_1673, %get3A_1674] {strides = array<i32>} : memref<32x512xf32, #tpu.memory_space<vmem>>, vector<16xf32>,
      %mul3A_1676 = arith.mulf %div3A_10, %get3A_1675 : vector<16xf32>
      %mul3A_1677 = arith.mulf %sub3A_12, %add3A_1672 : vector<16xf32>
      %add3A_1678 = arith.addf %mul3A_1676, %mul3A_1677 : vector<16xf32>
      %swap3A_1679 = arith.index_cast %scan3A_18 : i32 to index
      %swap3A_1680 = arith.constant 224 : index
      %swap3A_1681 = tpu.vector_load %arg11[%swap3A_1679, %swap3A_1680] {strides = array<i32>} : memref<32x512xf32, #tpu.memory_space<vmem>>, vector<16xf32>,
      tpu.vector_store %arg11[%swap3A_1679, %swap3A_1680], %add3A_1678 {strides = array<i32>} : memref<32x512xf32, #tpu.memory_space<vmem>>, vector<16xf32>,
      %get3A_1682 = arith.constant 0 : i32
      %get3A_1683 = arith.index_cast %get3A_1682 : i32 to index
      %get3A_1684 = arith.constant 240 : index
      %get3A_1685 = tpu.vector_load %arg12[%get3A_1683, %get3A_1684] {strides = array<i32>} : memref<16x512xf32, #tpu.memory_space<vmem>>, vector<16xf32>,
      %mul3A_1686 = arith.mulf %gather3A_32, %get3A_1685 : vector<16xf32>
      %get3A_1687 = arith.constant 1 : i32
      %get3A_1688 = arith.index_cast %get3A_1687 : i32 to index
      %get3A_1689 = arith.constant 240 : index
      %get3A_1690 = tpu.vector_load %arg12[%get3A_1688, %get3A_1689] {strides = array<i32>} : memref<16x512xf32, #tpu.memory_space<vmem>>, vector<16xf32>,
      %mul3A_1691 = arith.mulf %gather3A_38, %get3A_1690 : vector<16xf32>
      %add3A_1692 = arith.addf %mul3A_1686, %mul3A_1691 : vector<16xf32>
      %get3A_1693 = arith.constant 2 : i32
      %get3A_1694 = arith.index_cast %get3A_1693 : i32 to index
      %get3A_1695 = arith.constant 240 : index
      %get3A_1696 = tpu.vector_load %arg12[%get3A_1694, %get3A_1695] {strides = array<i32>} : memref<16x512xf32, #tpu.memory_space<vmem>>, vector<16xf32>,
      %mul3A_1697 = arith.mulf %gather3A_44, %get3A_1696 : vector<16xf32>
      %add3A_1698 = arith.addf %add3A_1692, %mul3A_1697 : vector<16xf32>
      %get3A_1699 = arith.constant 3 : i32
      %get3A_1700 = arith.index_cast %get3A_1699 : i32 to index
      %get3A_1701 = arith.constant 240 : index
      %get3A_1702 = tpu.vector_load %arg12[%get3A_1700, %get3A_1701] {strides = array<i32>} : memref<16x512xf32, #tpu.memory_space<vmem>>, vector<16xf32>,
      %mul3A_1703 = arith.mulf %gather3A_50, %get3A_1702 : vector<16xf32>
      %add3A_1704 = arith.addf %add3A_1698, %mul3A_1703 : vector<16xf32>
      %get3A_1705 = arith.constant 4 : i32
      %get3A_1706 = arith.index_cast %get3A_1705 : i32 to index
      %get3A_1707 = arith.constant 240 : index
      %get3A_1708 = tpu.vector_load %arg12[%get3A_1706, %get3A_1707] {strides = array<i32>} : memref<16x512xf32, #tpu.memory_space<vmem>>, vector<16xf32>,
      %mul3A_1709 = arith.mulf %gather3A_56, %get3A_1708 : vector<16xf32>
      %add3A_1710 = arith.addf %add3A_1704, %mul3A_1709 : vector<16xf32>
      %get3A_1711 = arith.constant 5 : i32
      %get3A_1712 = arith.index_cast %get3A_1711 : i32 to index
      %get3A_1713 = arith.constant 240 : index
      %get3A_1714 = tpu.vector_load %arg12[%get3A_1712, %get3A_1713] {strides = array<i32>} : memref<16x512xf32, #tpu.memory_space<vmem>>, vector<16xf32>,
      %mul3A_1715 = arith.mulf %gather3A_62, %get3A_1714 : vector<16xf32>
      %add3A_1716 = arith.addf %add3A_1710, %mul3A_1715 : vector<16xf32>
      %get3A_1717 = arith.constant 6 : i32
      %get3A_1718 = arith.index_cast %get3A_1717 : i32 to index
      %get3A_1719 = arith.constant 240 : index
      %get3A_1720 = tpu.vector_load %arg12[%get3A_1718, %get3A_1719] {strides = array<i32>} : memref<16x512xf32, #tpu.memory_space<vmem>>, vector<16xf32>,
      %mul3A_1721 = arith.mulf %gather3A_68, %get3A_1720 : vector<16xf32>
      %add3A_1722 = arith.addf %add3A_1716, %mul3A_1721 : vector<16xf32>
      %get3A_1723 = arith.constant 7 : i32
      %get3A_1724 = arith.index_cast %get3A_1723 : i32 to index
      %get3A_1725 = arith.constant 240 : index
      %get3A_1726 = tpu.vector_load %arg12[%get3A_1724, %get3A_1725] {strides = array<i32>} : memref<16x512xf32, #tpu.memory_space<vmem>>, vector<16xf32>,
      %mul3A_1727 = arith.mulf %gather3A_74, %get3A_1726 : vector<16xf32>
      %add3A_1728 = arith.addf %add3A_1722, %mul3A_1727 : vector<16xf32>
      %get3A_1729 = arith.constant 8 : i32
      %get3A_1730 = arith.index_cast %get3A_1729 : i32 to index
      %get3A_1731 = arith.constant 240 : index
      %get3A_1732 = tpu.vector_load %arg12[%get3A_1730, %get3A_1731] {strides = array<i32>} : memref<16x512xf32, #tpu.memory_space<vmem>>, vector<16xf32>,
      %mul3A_1733 = arith.mulf %gather3A_80, %get3A_1732 : vector<16xf32>
      %add3A_1734 = arith.addf %add3A_1728, %mul3A_1733 : vector<16xf32>
      %get3A_1735 = arith.constant 9 : i32
      %get3A_1736 = arith.index_cast %get3A_1735 : i32 to index
      %get3A_1737 = arith.constant 240 : index
      %get3A_1738 = tpu.vector_load %arg12[%get3A_1736, %get3A_1737] {strides = array<i32>} : memref<16x512xf32, #tpu.memory_space<vmem>>, vector<16xf32>,
      %mul3A_1739 = arith.mulf %gather3A_86, %get3A_1738 : vector<16xf32>
      %add3A_1740 = arith.addf %add3A_1734, %mul3A_1739 : vector<16xf32>
      %get3A_1741 = arith.constant 10 : i32
      %get3A_1742 = arith.index_cast %get3A_1741 : i32 to index
      %get3A_1743 = arith.constant 240 : index
      %get3A_1744 = tpu.vector_load %arg12[%get3A_1742, %get3A_1743] {strides = array<i32>} : memref<16x512xf32, #tpu.memory_space<vmem>>, vector<16xf32>,
      %mul3A_1745 = arith.mulf %gather3A_92, %get3A_1744 : vector<16xf32>
      %add3A_1746 = arith.addf %add3A_1740, %mul3A_1745 : vector<16xf32>
      %get3A_1747 = arith.constant 11 : i32
      %get3A_1748 = arith.index_cast %get3A_1747 : i32 to index
      %get3A_1749 = arith.constant 240 : index
      %get3A_1750 = tpu.vector_load %arg12[%get3A_1748, %get3A_1749] {strides = array<i32>} : memref<16x512xf32, #tpu.memory_space<vmem>>, vector<16xf32>,
      %mul3A_1751 = arith.mulf %gather3A_98, %get3A_1750 : vector<16xf32>
      %add3A_1752 = arith.addf %add3A_1746, %mul3A_1751 : vector<16xf32>
      %get3A_1753 = arith.constant 12 : i32
      %get3A_1754 = arith.index_cast %get3A_1753 : i32 to index
      %get3A_1755 = arith.constant 240 : index
      %get3A_1756 = tpu.vector_load %arg12[%get3A_1754, %get3A_1755] {strides = array<i32>} : memref<16x512xf32, #tpu.memory_space<vmem>>, vector<16xf32>,
      %mul3A_1757 = arith.mulf %gather3A_104, %get3A_1756 : vector<16xf32>
      %add3A_1758 = arith.addf %add3A_1752, %mul3A_1757 : vector<16xf32>
      %get3A_1759 = arith.constant 13 : i32
      %get3A_1760 = arith.index_cast %get3A_1759 : i32 to index
      %get3A_1761 = arith.constant 240 : index
      %get3A_1762 = tpu.vector_load %arg12[%get3A_1760, %get3A_1761] {strides = array<i32>} : memref<16x512xf32, #tpu.memory_space<vmem>>, vector<16xf32>,
      %mul3A_1763 = arith.mulf %gather3A_110, %get3A_1762 : vector<16xf32>
      %add3A_1764 = arith.addf %add3A_1758, %mul3A_1763 : vector<16xf32>
      %get3A_1765 = arith.constant 14 : i32
      %get3A_1766 = arith.index_cast %get3A_1765 : i32 to index
      %get3A_1767 = arith.constant 240 : index
      %get3A_1768 = tpu.vector_load %arg12[%get3A_1766, %get3A_1767] {strides = array<i32>} : memref<16x512xf32, #tpu.memory_space<vmem>>, vector<16xf32>,
      %mul3A_1769 = arith.mulf %gather3A_116, %get3A_1768 : vector<16xf32>
      %add3A_1770 = arith.addf %add3A_1764, %mul3A_1769 : vector<16xf32>
      %get3A_1771 = arith.constant 15 : i32
      %get3A_1772 = arith.index_cast %get3A_1771 : i32 to index
      %get3A_1773 = arith.constant 240 : index
      %get3A_1774 = tpu.vector_load %arg12[%get3A_1772, %get3A_1773] {strides = array<i32>} : memref<16x512xf32, #tpu.memory_space<vmem>>, vector<16xf32>,
      %mul3A_1775 = arith.mulf %gather3A_122, %get3A_1774 : vector<16xf32>
      %add3A_1776 = arith.addf %add3A_1770, %mul3A_1775 : vector<16xf32>
      %get3A_1777 = arith.index_cast %scan3A_18 : i32 to index
      %get3A_1778 = arith.constant 240 : index
      %get3A_1779 = tpu.vector_load %arg10[%get3A_1777, %get3A_1778] {strides = array<i32>} : memref<32x512xf32, #tpu.memory_space<vmem>>, vector<16xf32>,
      %mul3A_1780 = arith.mulf %div3A_10, %get3A_1779 : vector<16xf32>
      %mul3A_1781 = arith.mulf %sub3A_12, %add3A_1776 : vector<16xf32>
      %add3A_1782 = arith.addf %mul3A_1780, %mul3A_1781 : vector<16xf32>
      %swap3A_1783 = arith.index_cast %scan3A_18 : i32 to index
      %swap3A_1784 = arith.constant 240 : index
      %swap3A_1785 = tpu.vector_load %arg11[%swap3A_1783, %swap3A_1784] {strides = array<i32>} : memref<32x512xf32, #tpu.memory_space<vmem>>, vector<16xf32>,
      tpu.vector_store %arg11[%swap3A_1783, %swap3A_1784], %add3A_1782 {strides = array<i32>} : memref<32x512xf32, #tpu.memory_space<vmem>>, vector<16xf32>,
      %get3A_1786 = arith.constant 0 : i32
      %get3A_1787 = arith.index_cast %get3A_1786 : i32 to index
      %get3A_1788 = arith.constant 256 : index
      %get3A_1789 = tpu.vector_load %arg12[%get3A_1787, %get3A_1788] {strides = array<i32>} : memref<16x512xf32, #tpu.memory_space<vmem>>, vector<16xf32>,
      %mul3A_1790 = arith.mulf %gather3A_32, %get3A_1789 : vector<16xf32>
      %get3A_1791 = arith.constant 1 : i32
      %get3A_1792 = arith.index_cast %get3A_1791 : i32 to index
      %get3A_1793 = arith.constant 256 : index
      %get3A_1794 = tpu.vector_load %arg12[%get3A_1792, %get3A_1793] {strides = array<i32>} : memref<16x512xf32, #tpu.memory_space<vmem>>, vector<16xf32>,
      %mul3A_1795 = arith.mulf %gather3A_38, %get3A_1794 : vector<16xf32>
      %add3A_1796 = arith.addf %mul3A_1790, %mul3A_1795 : vector<16xf32>
      %get3A_1797 = arith.constant 2 : i32
      %get3A_1798 = arith.index_cast %get3A_1797 : i32 to index
      %get3A_1799 = arith.constant 256 : index
      %get3A_1800 = tpu.vector_load %arg12[%get3A_1798, %get3A_1799] {strides = array<i32>} : memref<16x512xf32, #tpu.memory_space<vmem>>, vector<16xf32>,
      %mul3A_1801 = arith.mulf %gather3A_44, %get3A_1800 : vector<16xf32>
      %add3A_1802 = arith.addf %add3A_1796, %mul3A_1801 : vector<16xf32>
      %get3A_1803 = arith.constant 3 : i32
      %get3A_1804 = arith.index_cast %get3A_1803 : i32 to index
      %get3A_1805 = arith.constant 256 : index
      %get3A_1806 = tpu.vector_load %arg12[%get3A_1804, %get3A_1805] {strides = array<i32>} : memref<16x512xf32, #tpu.memory_space<vmem>>, vector<16xf32>,
      %mul3A_1807 = arith.mulf %gather3A_50, %get3A_1806 : vector<16xf32>
      %add3A_1808 = arith.addf %add3A_1802, %mul3A_1807 : vector<16xf32>
      %get3A_1809 = arith.constant 4 : i32
      %get3A_1810 = arith.index_cast %get3A_1809 : i32 to index
      %get3A_1811 = arith.constant 256 : index
      %get3A_1812 = tpu.vector_load %arg12[%get3A_1810, %get3A_1811] {strides = array<i32>} : memref<16x512xf32, #tpu.memory_space<vmem>>, vector<16xf32>,
      %mul3A_1813 = arith.mulf %gather3A_56, %get3A_1812 : vector<16xf32>
      %add3A_1814 = arith.addf %add3A_1808, %mul3A_1813 : vector<16xf32>
      %get3A_1815 = arith.constant 5 : i32
      %get3A_1816 = arith.index_cast %get3A_1815 : i32 to index
      %get3A_1817 = arith.constant 256 : index
      %get3A_1818 = tpu.vector_load %arg12[%get3A_1816, %get3A_1817] {strides = array<i32>} : memref<16x512xf32, #tpu.memory_space<vmem>>, vector<16xf32>,
      %mul3A_1819 = arith.mulf %gather3A_62, %get3A_1818 : vector<16xf32>
      %add3A_1820 = arith.addf %add3A_1814, %mul3A_1819 : vector<16xf32>
      %get3A_1821 = arith.constant 6 : i32
      %get3A_1822 = arith.index_cast %get3A_1821 : i32 to index
      %get3A_1823 = arith.constant 256 : index
      %get3A_1824 = tpu.vector_load %arg12[%get3A_1822, %get3A_1823] {strides = array<i32>} : memref<16x512xf32, #tpu.memory_space<vmem>>, vector<16xf32>,
      %mul3A_1825 = arith.mulf %gather3A_68, %get3A_1824 : vector<16xf32>
      %add3A_1826 = arith.addf %add3A_1820, %mul3A_1825 : vector<16xf32>
      %get3A_1827 = arith.constant 7 : i32
      %get3A_1828 = arith.index_cast %get3A_1827 : i32 to index
      %get3A_1829 = arith.constant 256 : index
      %get3A_1830 = tpu.vector_load %arg12[%get3A_1828, %get3A_1829] {strides = array<i32>} : memref<16x512xf32, #tpu.memory_space<vmem>>, vector<16xf32>,
      %mul3A_1831 = arith.mulf %gather3A_74, %get3A_1830 : vector<16xf32>
      %add3A_1832 = arith.addf %add3A_1826, %mul3A_1831 : vector<16xf32>
      %get3A_1833 = arith.constant 8 : i32
      %get3A_1834 = arith.index_cast %get3A_1833 : i32 to index
      %get3A_1835 = arith.constant 256 : index
      %get3A_1836 = tpu.vector_load %arg12[%get3A_1834, %get3A_1835] {strides = array<i32>} : memref<16x512xf32, #tpu.memory_space<vmem>>, vector<16xf32>,
      %mul3A_1837 = arith.mulf %gather3A_80, %get3A_1836 : vector<16xf32>
      %add3A_1838 = arith.addf %add3A_1832, %mul3A_1837 : vector<16xf32>
      %get3A_1839 = arith.constant 9 : i32
      %get3A_1840 = arith.index_cast %get3A_1839 : i32 to index
      %get3A_1841 = arith.constant 256 : index
      %get3A_1842 = tpu.vector_load %arg12[%get3A_1840, %get3A_1841] {strides = array<i32>} : memref<16x512xf32, #tpu.memory_space<vmem>>, vector<16xf32>,
      %mul3A_1843 = arith.mulf %gather3A_86, %get3A_1842 : vector<16xf32>
      %add3A_1844 = arith.addf %add3A_1838, %mul3A_1843 : vector<16xf32>
      %get3A_1845 = arith.constant 10 : i32
      %get3A_1846 = arith.index_cast %get3A_1845 : i32 to index
      %get3A_1847 = arith.constant 256 : index
      %get3A_1848 = tpu.vector_load %arg12[%get3A_1846, %get3A_1847] {strides = array<i32>} : memref<16x512xf32, #tpu.memory_space<vmem>>, vector<16xf32>,
      %mul3A_1849 = arith.mulf %gather3A_92, %get3A_1848 : vector<16xf32>
      %add3A_1850 = arith.addf %add3A_1844, %mul3A_1849 : vector<16xf32>
      %get3A_1851 = arith.constant 11 : i32
      %get3A_1852 = arith.index_cast %get3A_1851 : i32 to index
      %get3A_1853 = arith.constant 256 : index
      %get3A_1854 = tpu.vector_load %arg12[%get3A_1852, %get3A_1853] {strides = array<i32>} : memref<16x512xf32, #tpu.memory_space<vmem>>, vector<16xf32>,
      %mul3A_1855 = arith.mulf %gather3A_98, %get3A_1854 : vector<16xf32>
      %add3A_1856 = arith.addf %add3A_1850, %mul3A_1855 : vector<16xf32>
      %get3A_1857 = arith.constant 12 : i32
      %get3A_1858 = arith.index_cast %get3A_1857 : i32 to index
      %get3A_1859 = arith.constant 256 : index
      %get3A_1860 = tpu.vector_load %arg12[%get3A_1858, %get3A_1859] {strides = array<i32>} : memref<16x512xf32, #tpu.memory_space<vmem>>, vector<16xf32>,
      %mul3A_1861 = arith.mulf %gather3A_104, %get3A_1860 : vector<16xf32>
      %add3A_1862 = arith.addf %add3A_1856, %mul3A_1861 : vector<16xf32>
      %get3A_1863 = arith.constant 13 : i32
      %get3A_1864 = arith.index_cast %get3A_1863 : i32 to index
      %get3A_1865 = arith.constant 256 : index
      %get3A_1866 = tpu.vector_load %arg12[%get3A_1864, %get3A_1865] {strides = array<i32>} : memref<16x512xf32, #tpu.memory_space<vmem>>, vector<16xf32>,
      %mul3A_1867 = arith.mulf %gather3A_110, %get3A_1866 : vector<16xf32>
      %add3A_1868 = arith.addf %add3A_1862, %mul3A_1867 : vector<16xf32>
      %get3A_1869 = arith.constant 14 : i32
      %get3A_1870 = arith.index_cast %get3A_1869 : i32 to index
      %get3A_1871 = arith.constant 256 : index
      %get3A_1872 = tpu.vector_load %arg12[%get3A_1870, %get3A_1871] {strides = array<i32>} : memref<16x512xf32, #tpu.memory_space<vmem>>, vector<16xf32>,
      %mul3A_1873 = arith.mulf %gather3A_116, %get3A_1872 : vector<16xf32>
      %add3A_1874 = arith.addf %add3A_1868, %mul3A_1873 : vector<16xf32>
      %get3A_1875 = arith.constant 15 : i32
      %get3A_1876 = arith.index_cast %get3A_1875 : i32 to index
      %get3A_1877 = arith.constant 256 : index
      %get3A_1878 = tpu.vector_load %arg12[%get3A_1876, %get3A_1877] {strides = array<i32>} : memref<16x512xf32, #tpu.memory_space<vmem>>, vector<16xf32>,
      %mul3A_1879 = arith.mulf %gather3A_122, %get3A_1878 : vector<16xf32>
      %add3A_1880 = arith.addf %add3A_1874, %mul3A_1879 : vector<16xf32>
      %get3A_1881 = arith.index_cast %scan3A_18 : i32 to index
      %get3A_1882 = arith.constant 256 : index
      %get3A_1883 = tpu.vector_load %arg10[%get3A_1881, %get3A_1882] {strides = array<i32>} : memref<32x512xf32, #tpu.memory_space<vmem>>, vector<16xf32>,
      %mul3A_1884 = arith.mulf %div3A_10, %get3A_1883 : vector<16xf32>
      %mul3A_1885 = arith.mulf %sub3A_12, %add3A_1880 : vector<16xf32>
      %add3A_1886 = arith.addf %mul3A_1884, %mul3A_1885 : vector<16xf32>
      %swap3A_1887 = arith.index_cast %scan3A_18 : i32 to index
      %swap3A_1888 = arith.constant 256 : index
      %swap3A_1889 = tpu.vector_load %arg11[%swap3A_1887, %swap3A_1888] {strides = array<i32>} : memref<32x512xf32, #tpu.memory_space<vmem>>, vector<16xf32>,
      tpu.vector_store %arg11[%swap3A_1887, %swap3A_1888], %add3A_1886 {strides = array<i32>} : memref<32x512xf32, #tpu.memory_space<vmem>>, vector<16xf32>,
      %get3A_1890 = arith.constant 0 : i32
      %get3A_1891 = arith.index_cast %get3A_1890 : i32 to index
      %get3A_1892 = arith.constant 272 : index
      %get3A_1893 = tpu.vector_load %arg12[%get3A_1891, %get3A_1892] {strides = array<i32>} : memref<16x512xf32, #tpu.memory_space<vmem>>, vector<16xf32>,
      %mul3A_1894 = arith.mulf %gather3A_32, %get3A_1893 : vector<16xf32>
      %get3A_1895 = arith.constant 1 : i32
      %get3A_1896 = arith.index_cast %get3A_1895 : i32 to index
      %get3A_1897 = arith.constant 272 : index
      %get3A_1898 = tpu.vector_load %arg12[%get3A_1896, %get3A_1897] {strides = array<i32>} : memref<16x512xf32, #tpu.memory_space<vmem>>, vector<16xf32>,
      %mul3A_1899 = arith.mulf %gather3A_38, %get3A_1898 : vector<16xf32>
      %add3A_1900 = arith.addf %mul3A_1894, %mul3A_1899 : vector<16xf32>
      %get3A_1901 = arith.constant 2 : i32
      %get3A_1902 = arith.index_cast %get3A_1901 : i32 to index
      %get3A_1903 = arith.constant 272 : index
      %get3A_1904 = tpu.vector_load %arg12[%get3A_1902, %get3A_1903] {strides = array<i32>} : memref<16x512xf32, #tpu.memory_space<vmem>>, vector<16xf32>,
      %mul3A_1905 = arith.mulf %gather3A_44, %get3A_1904 : vector<16xf32>
      %add3A_1906 = arith.addf %add3A_1900, %mul3A_1905 : vector<16xf32>
      %get3A_1907 = arith.constant 3 : i32
      %get3A_1908 = arith.index_cast %get3A_1907 : i32 to index
      %get3A_1909 = arith.constant 272 : index
      %get3A_1910 = tpu.vector_load %arg12[%get3A_1908, %get3A_1909] {strides = array<i32>} : memref<16x512xf32, #tpu.memory_space<vmem>>, vector<16xf32>,
      %mul3A_1911 = arith.mulf %gather3A_50, %get3A_1910 : vector<16xf32>
      %add3A_1912 = arith.addf %add3A_1906, %mul3A_1911 : vector<16xf32>
      %get3A_1913 = arith.constant 4 : i32
      %get3A_1914 = arith.index_cast %get3A_1913 : i32 to index
      %get3A_1915 = arith.constant 272 : index
      %get3A_1916 = tpu.vector_load %arg12[%get3A_1914, %get3A_1915] {strides = array<i32>} : memref<16x512xf32, #tpu.memory_space<vmem>>, vector<16xf32>,
      %mul3A_1917 = arith.mulf %gather3A_56, %get3A_1916 : vector<16xf32>
      %add3A_1918 = arith.addf %add3A_1912, %mul3A_1917 : vector<16xf32>
      %get3A_1919 = arith.constant 5 : i32
      %get3A_1920 = arith.index_cast %get3A_1919 : i32 to index
      %get3A_1921 = arith.constant 272 : index
      %get3A_1922 = tpu.vector_load %arg12[%get3A_1920, %get3A_1921] {strides = array<i32>} : memref<16x512xf32, #tpu.memory_space<vmem>>, vector<16xf32>,
      %mul3A_1923 = arith.mulf %gather3A_62, %get3A_1922 : vector<16xf32>
      %add3A_1924 = arith.addf %add3A_1918, %mul3A_1923 : vector<16xf32>
      %get3A_1925 = arith.constant 6 : i32
      %get3A_1926 = arith.index_cast %get3A_1925 : i32 to index
      %get3A_1927 = arith.constant 272 : index
      %get3A_1928 = tpu.vector_load %arg12[%get3A_1926, %get3A_1927] {strides = array<i32>} : memref<16x512xf32, #tpu.memory_space<vmem>>, vector<16xf32>,
      %mul3A_1929 = arith.mulf %gather3A_68, %get3A_1928 : vector<16xf32>
      %add3A_1930 = arith.addf %add3A_1924, %mul3A_1929 : vector<16xf32>
      %get3A_1931 = arith.constant 7 : i32
      %get3A_1932 = arith.index_cast %get3A_1931 : i32 to index
      %get3A_1933 = arith.constant 272 : index
      %get3A_1934 = tpu.vector_load %arg12[%get3A_1932, %get3A_1933] {strides = array<i32>} : memref<16x512xf32, #tpu.memory_space<vmem>>, vector<16xf32>,
      %mul3A_1935 = arith.mulf %gather3A_74, %get3A_1934 : vector<16xf32>
      %add3A_1936 = arith.addf %add3A_1930, %mul3A_1935 : vector<16xf32>
      %get3A_1937 = arith.constant 8 : i32
      %get3A_1938 = arith.index_cast %get3A_1937 : i32 to index
      %get3A_1939 = arith.constant 272 : index
      %get3A_1940 = tpu.vector_load %arg12[%get3A_1938, %get3A_1939] {strides = array<i32>} : memref<16x512xf32, #tpu.memory_space<vmem>>, vector<16xf32>,
      %mul3A_1941 = arith.mulf %gather3A_80, %get3A_1940 : vector<16xf32>
      %add3A_1942 = arith.addf %add3A_1936, %mul3A_1941 : vector<16xf32>
      %get3A_1943 = arith.constant 9 : i32
      %get3A_1944 = arith.index_cast %get3A_1943 : i32 to index
      %get3A_1945 = arith.constant 272 : index
      %get3A_1946 = tpu.vector_load %arg12[%get3A_1944, %get3A_1945] {strides = array<i32>} : memref<16x512xf32, #tpu.memory_space<vmem>>, vector<16xf32>,
      %mul3A_1947 = arith.mulf %gather3A_86, %get3A_1946 : vector<16xf32>
      %add3A_1948 = arith.addf %add3A_1942, %mul3A_1947 : vector<16xf32>
      %get3A_1949 = arith.constant 10 : i32
      %get3A_1950 = arith.index_cast %get3A_1949 : i32 to index
      %get3A_1951 = arith.constant 272 : index
      %get3A_1952 = tpu.vector_load %arg12[%get3A_1950, %get3A_1951] {strides = array<i32>} : memref<16x512xf32, #tpu.memory_space<vmem>>, vector<16xf32>,
      %mul3A_1953 = arith.mulf %gather3A_92, %get3A_1952 : vector<16xf32>
      %add3A_1954 = arith.addf %add3A_1948, %mul3A_1953 : vector<16xf32>
      %get3A_1955 = arith.constant 11 : i32
      %get3A_1956 = arith.index_cast %get3A_1955 : i32 to index
      %get3A_1957 = arith.constant 272 : index
      %get3A_1958 = tpu.vector_load %arg12[%get3A_1956, %get3A_1957] {strides = array<i32>} : memref<16x512xf32, #tpu.memory_space<vmem>>, vector<16xf32>,
      %mul3A_1959 = arith.mulf %gather3A_98, %get3A_1958 : vector<16xf32>
      %add3A_1960 = arith.addf %add3A_1954, %mul3A_1959 : vector<16xf32>
      %get3A_1961 = arith.constant 12 : i32
      %get3A_1962 = arith.index_cast %get3A_1961 : i32 to index
      %get3A_1963 = arith.constant 272 : index
      %get3A_1964 = tpu.vector_load %arg12[%get3A_1962, %get3A_1963] {strides = array<i32>} : memref<16x512xf32, #tpu.memory_space<vmem>>, vector<16xf32>,
      %mul3A_1965 = arith.mulf %gather3A_104, %get3A_1964 : vector<16xf32>
      %add3A_1966 = arith.addf %add3A_1960, %mul3A_1965 : vector<16xf32>
      %get3A_1967 = arith.constant 13 : i32
      %get3A_1968 = arith.index_cast %get3A_1967 : i32 to index
      %get3A_1969 = arith.constant 272 : index
      %get3A_1970 = tpu.vector_load %arg12[%get3A_1968, %get3A_1969] {strides = array<i32>} : memref<16x512xf32, #tpu.memory_space<vmem>>, vector<16xf32>,
      %mul3A_1971 = arith.mulf %gather3A_110, %get3A_1970 : vector<16xf32>
      %add3A_1972 = arith.addf %add3A_1966, %mul3A_1971 : vector<16xf32>
      %get3A_1973 = arith.constant 14 : i32
      %get3A_1974 = arith.index_cast %get3A_1973 : i32 to index
      %get3A_1975 = arith.constant 272 : index
      %get3A_1976 = tpu.vector_load %arg12[%get3A_1974, %get3A_1975] {strides = array<i32>} : memref<16x512xf32, #tpu.memory_space<vmem>>, vector<16xf32>,
      %mul3A_1977 = arith.mulf %gather3A_116, %get3A_1976 : vector<16xf32>
      %add3A_1978 = arith.addf %add3A_1972, %mul3A_1977 : vector<16xf32>
      %get3A_1979 = arith.constant 15 : i32
      %get3A_1980 = arith.index_cast %get3A_1979 : i32 to index
      %get3A_1981 = arith.constant 272 : index
      %get3A_1982 = tpu.vector_load %arg12[%get3A_1980, %get3A_1981] {strides = array<i32>} : memref<16x512xf32, #tpu.memory_space<vmem>>, vector<16xf32>,
      %mul3A_1983 = arith.mulf %gather3A_122, %get3A_1982 : vector<16xf32>
      %add3A_1984 = arith.addf %add3A_1978, %mul3A_1983 : vector<16xf32>
      %get3A_1985 = arith.index_cast %scan3A_18 : i32 to index
      %get3A_1986 = arith.constant 272 : index
      %get3A_1987 = tpu.vector_load %arg10[%get3A_1985, %get3A_1986] {strides = array<i32>} : memref<32x512xf32, #tpu.memory_space<vmem>>, vector<16xf32>,
      %mul3A_1988 = arith.mulf %div3A_10, %get3A_1987 : vector<16xf32>
      %mul3A_1989 = arith.mulf %sub3A_12, %add3A_1984 : vector<16xf32>
      %add3A_1990 = arith.addf %mul3A_1988, %mul3A_1989 : vector<16xf32>
      %swap3A_1991 = arith.index_cast %scan3A_18 : i32 to index
      %swap3A_1992 = arith.constant 272 : index
      %swap3A_1993 = tpu.vector_load %arg11[%swap3A_1991, %swap3A_1992] {strides = array<i32>} : memref<32x512xf32, #tpu.memory_space<vmem>>, vector<16xf32>,
      tpu.vector_store %arg11[%swap3A_1991, %swap3A_1992], %add3A_1990 {strides = array<i32>} : memref<32x512xf32, #tpu.memory_space<vmem>>, vector<16xf32>,
      %get3A_1994 = arith.constant 0 : i32
      %get3A_1995 = arith.index_cast %get3A_1994 : i32 to index
      %get3A_1996 = arith.constant 288 : index
      %get3A_1997 = tpu.vector_load %arg12[%get3A_1995, %get3A_1996] {strides = array<i32>} : memref<16x512xf32, #tpu.memory_space<vmem>>, vector<16xf32>,
      %mul3A_1998 = arith.mulf %gather3A_32, %get3A_1997 : vector<16xf32>
      %get3A_1999 = arith.constant 1 : i32
      %get3A_2000 = arith.index_cast %get3A_1999 : i32 to index
      %get3A_2001 = arith.constant 288 : index
      %get3A_2002 = tpu.vector_load %arg12[%get3A_2000, %get3A_2001] {strides = array<i32>} : memref<16x512xf32, #tpu.memory_space<vmem>>, vector<16xf32>,
      %mul3A_2003 = arith.mulf %gather3A_38, %get3A_2002 : vector<16xf32>
      %add3A_2004 = arith.addf %mul3A_1998, %mul3A_2003 : vector<16xf32>
      %get3A_2005 = arith.constant 2 : i32
      %get3A_2006 = arith.index_cast %get3A_2005 : i32 to index
      %get3A_2007 = arith.constant 288 : index
      %get3A_2008 = tpu.vector_load %arg12[%get3A_2006, %get3A_2007] {strides = array<i32>} : memref<16x512xf32, #tpu.memory_space<vmem>>, vector<16xf32>,
      %mul3A_2009 = arith.mulf %gather3A_44, %get3A_2008 : vector<16xf32>
      %add3A_2010 = arith.addf %add3A_2004, %mul3A_2009 : vector<16xf32>
      %get3A_2011 = arith.constant 3 : i32
      %get3A_2012 = arith.index_cast %get3A_2011 : i32 to index
      %get3A_2013 = arith.constant 288 : index
      %get3A_2014 = tpu.vector_load %arg12[%get3A_2012, %get3A_2013] {strides = array<i32>} : memref<16x512xf32, #tpu.memory_space<vmem>>, vector<16xf32>,
      %mul3A_2015 = arith.mulf %gather3A_50, %get3A_2014 : vector<16xf32>
      %add3A_2016 = arith.addf %add3A_2010, %mul3A_2015 : vector<16xf32>
      %get3A_2017 = arith.constant 4 : i32
      %get3A_2018 = arith.index_cast %get3A_2017 : i32 to index
      %get3A_2019 = arith.constant 288 : index
      %get3A_2020 = tpu.vector_load %arg12[%get3A_2018, %get3A_2019] {strides = array<i32>} : memref<16x512xf32, #tpu.memory_space<vmem>>, vector<16xf32>,
      %mul3A_2021 = arith.mulf %gather3A_56, %get3A_2020 : vector<16xf32>
      %add3A_2022 = arith.addf %add3A_2016, %mul3A_2021 : vector<16xf32>
      %get3A_2023 = arith.constant 5 : i32
      %get3A_2024 = arith.index_cast %get3A_2023 : i32 to index
      %get3A_2025 = arith.constant 288 : index
      %get3A_2026 = tpu.vector_load %arg12[%get3A_2024, %get3A_2025] {strides = array<i32>} : memref<16x512xf32, #tpu.memory_space<vmem>>, vector<16xf32>,
      %mul3A_2027 = arith.mulf %gather3A_62, %get3A_2026 : vector<16xf32>
      %add3A_2028 = arith.addf %add3A_2022, %mul3A_2027 : vector<16xf32>
      %get3A_2029 = arith.constant 6 : i32
      %get3A_2030 = arith.index_cast %get3A_2029 : i32 to index
      %get3A_2031 = arith.constant 288 : index
      %get3A_2032 = tpu.vector_load %arg12[%get3A_2030, %get3A_2031] {strides = array<i32>} : memref<16x512xf32, #tpu.memory_space<vmem>>, vector<16xf32>,
      %mul3A_2033 = arith.mulf %gather3A_68, %get3A_2032 : vector<16xf32>
      %add3A_2034 = arith.addf %add3A_2028, %mul3A_2033 : vector<16xf32>
      %get3A_2035 = arith.constant 7 : i32
      %get3A_2036 = arith.index_cast %get3A_2035 : i32 to index
      %get3A_2037 = arith.constant 288 : index
      %get3A_2038 = tpu.vector_load %arg12[%get3A_2036, %get3A_2037] {strides = array<i32>} : memref<16x512xf32, #tpu.memory_space<vmem>>, vector<16xf32>,
      %mul3A_2039 = arith.mulf %gather3A_74, %get3A_2038 : vector<16xf32>
      %add3A_2040 = arith.addf %add3A_2034, %mul3A_2039 : vector<16xf32>
      %get3A_2041 = arith.constant 8 : i32
      %get3A_2042 = arith.index_cast %get3A_2041 : i32 to index
      %get3A_2043 = arith.constant 288 : index
      %get3A_2044 = tpu.vector_load %arg12[%get3A_2042, %get3A_2043] {strides = array<i32>} : memref<16x512xf32, #tpu.memory_space<vmem>>, vector<16xf32>,
      %mul3A_2045 = arith.mulf %gather3A_80, %get3A_2044 : vector<16xf32>
      %add3A_2046 = arith.addf %add3A_2040, %mul3A_2045 : vector<16xf32>
      %get3A_2047 = arith.constant 9 : i32
      %get3A_2048 = arith.index_cast %get3A_2047 : i32 to index
      %get3A_2049 = arith.constant 288 : index
      %get3A_2050 = tpu.vector_load %arg12[%get3A_2048, %get3A_2049] {strides = array<i32>} : memref<16x512xf32, #tpu.memory_space<vmem>>, vector<16xf32>,
      %mul3A_2051 = arith.mulf %gather3A_86, %get3A_2050 : vector<16xf32>
      %add3A_2052 = arith.addf %add3A_2046, %mul3A_2051 : vector<16xf32>
      %get3A_2053 = arith.constant 10 : i32
      %get3A_2054 = arith.index_cast %get3A_2053 : i32 to index
      %get3A_2055 = arith.constant 288 : index
      %get3A_2056 = tpu.vector_load %arg12[%get3A_2054, %get3A_2055] {strides = array<i32>} : memref<16x512xf32, #tpu.memory_space<vmem>>, vector<16xf32>,
      %mul3A_2057 = arith.mulf %gather3A_92, %get3A_2056 : vector<16xf32>
      %add3A_2058 = arith.addf %add3A_2052, %mul3A_2057 : vector<16xf32>
      %get3A_2059 = arith.constant 11 : i32
      %get3A_2060 = arith.index_cast %get3A_2059 : i32 to index
      %get3A_2061 = arith.constant 288 : index
      %get3A_2062 = tpu.vector_load %arg12[%get3A_2060, %get3A_2061] {strides = array<i32>} : memref<16x512xf32, #tpu.memory_space<vmem>>, vector<16xf32>,
      %mul3A_2063 = arith.mulf %gather3A_98, %get3A_2062 : vector<16xf32>
      %add3A_2064 = arith.addf %add3A_2058, %mul3A_2063 : vector<16xf32>
      %get3A_2065 = arith.constant 12 : i32
      %get3A_2066 = arith.index_cast %get3A_2065 : i32 to index
      %get3A_2067 = arith.constant 288 : index
      %get3A_2068 = tpu.vector_load %arg12[%get3A_2066, %get3A_2067] {strides = array<i32>} : memref<16x512xf32, #tpu.memory_space<vmem>>, vector<16xf32>,
      %mul3A_2069 = arith.mulf %gather3A_104, %get3A_2068 : vector<16xf32>
      %add3A_2070 = arith.addf %add3A_2064, %mul3A_2069 : vector<16xf32>
      %get3A_2071 = arith.constant 13 : i32
      %get3A_2072 = arith.index_cast %get3A_2071 : i32 to index
      %get3A_2073 = arith.constant 288 : index
      %get3A_2074 = tpu.vector_load %arg12[%get3A_2072, %get3A_2073] {strides = array<i32>} : memref<16x512xf32, #tpu.memory_space<vmem>>, vector<16xf32>,
      %mul3A_2075 = arith.mulf %gather3A_110, %get3A_2074 : vector<16xf32>
      %add3A_2076 = arith.addf %add3A_2070, %mul3A_2075 : vector<16xf32>
      %get3A_2077 = arith.constant 14 : i32
      %get3A_2078 = arith.index_cast %get3A_2077 : i32 to index
      %get3A_2079 = arith.constant 288 : index
      %get3A_2080 = tpu.vector_load %arg12[%get3A_2078, %get3A_2079] {strides = array<i32>} : memref<16x512xf32, #tpu.memory_space<vmem>>, vector<16xf32>,
      %mul3A_2081 = arith.mulf %gather3A_116, %get3A_2080 : vector<16xf32>
      %add3A_2082 = arith.addf %add3A_2076, %mul3A_2081 : vector<16xf32>
      %get3A_2083 = arith.constant 15 : i32
      %get3A_2084 = arith.index_cast %get3A_2083 : i32 to index
      %get3A_2085 = arith.constant 288 : index
      %get3A_2086 = tpu.vector_load %arg12[%get3A_2084, %get3A_2085] {strides = array<i32>} : memref<16x512xf32, #tpu.memory_space<vmem>>, vector<16xf32>,
      %mul3A_2087 = arith.mulf %gather3A_122, %get3A_2086 : vector<16xf32>
      %add3A_2088 = arith.addf %add3A_2082, %mul3A_2087 : vector<16xf32>
      %get3A_2089 = arith.index_cast %scan3A_18 : i32 to index
      %get3A_2090 = arith.constant 288 : index
      %get3A_2091 = tpu.vector_load %arg10[%get3A_2089, %get3A_2090] {strides = array<i32>} : memref<32x512xf32, #tpu.memory_space<vmem>>, vector<16xf32>,
      %mul3A_2092 = arith.mulf %div3A_10, %get3A_2091 : vector<16xf32>
      %mul3A_2093 = arith.mulf %sub3A_12, %add3A_2088 : vector<16xf32>
      %add3A_2094 = arith.addf %mul3A_2092, %mul3A_2093 : vector<16xf32>
      %swap3A_2095 = arith.index_cast %scan3A_18 : i32 to index
      %swap3A_2096 = arith.constant 288 : index
      %swap3A_2097 = tpu.vector_load %arg11[%swap3A_2095, %swap3A_2096] {strides = array<i32>} : memref<32x512xf32, #tpu.memory_space<vmem>>, vector<16xf32>,
      tpu.vector_store %arg11[%swap3A_2095, %swap3A_2096], %add3A_2094 {strides = array<i32>} : memref<32x512xf32, #tpu.memory_space<vmem>>, vector<16xf32>,
      %get3A_2098 = arith.constant 0 : i32
      %get3A_2099 = arith.index_cast %get3A_2098 : i32 to index
      %get3A_2100 = arith.constant 304 : index
      %get3A_2101 = tpu.vector_load %arg12[%get3A_2099, %get3A_2100] {strides = array<i32>} : memref<16x512xf32, #tpu.memory_space<vmem>>, vector<16xf32>,
      %mul3A_2102 = arith.mulf %gather3A_32, %get3A_2101 : vector<16xf32>
      %get3A_2103 = arith.constant 1 : i32
      %get3A_2104 = arith.index_cast %get3A_2103 : i32 to index
      %get3A_2105 = arith.constant 304 : index
      %get3A_2106 = tpu.vector_load %arg12[%get3A_2104, %get3A_2105] {strides = array<i32>} : memref<16x512xf32, #tpu.memory_space<vmem>>, vector<16xf32>,
      %mul3A_2107 = arith.mulf %gather3A_38, %get3A_2106 : vector<16xf32>
      %add3A_2108 = arith.addf %mul3A_2102, %mul3A_2107 : vector<16xf32>
      %get3A_2109 = arith.constant 2 : i32
      %get3A_2110 = arith.index_cast %get3A_2109 : i32 to index
      %get3A_2111 = arith.constant 304 : index
      %get3A_2112 = tpu.vector_load %arg12[%get3A_2110, %get3A_2111] {strides = array<i32>} : memref<16x512xf32, #tpu.memory_space<vmem>>, vector<16xf32>,
      %mul3A_2113 = arith.mulf %gather3A_44, %get3A_2112 : vector<16xf32>
      %add3A_2114 = arith.addf %add3A_2108, %mul3A_2113 : vector<16xf32>
      %get3A_2115 = arith.constant 3 : i32
      %get3A_2116 = arith.index_cast %get3A_2115 : i32 to index
      %get3A_2117 = arith.constant 304 : index
      %get3A_2118 = tpu.vector_load %arg12[%get3A_2116, %get3A_2117] {strides = array<i32>} : memref<16x512xf32, #tpu.memory_space<vmem>>, vector<16xf32>,
      %mul3A_2119 = arith.mulf %gather3A_50, %get3A_2118 : vector<16xf32>
      %add3A_2120 = arith.addf %add3A_2114, %mul3A_2119 : vector<16xf32>
      %get3A_2121 = arith.constant 4 : i32
      %get3A_2122 = arith.index_cast %get3A_2121 : i32 to index
      %get3A_2123 = arith.constant 304 : index
      %get3A_2124 = tpu.vector_load %arg12[%get3A_2122, %get3A_2123] {strides = array<i32>} : memref<16x512xf32, #tpu.memory_space<vmem>>, vector<16xf32>,
      %mul3A_2125 = arith.mulf %gather3A_56, %get3A_2124 : vector<16xf32>
      %add3A_2126 = arith.addf %add3A_2120, %mul3A_2125 : vector<16xf32>
      %get3A_2127 = arith.constant 5 : i32
      %get3A_2128 = arith.index_cast %get3A_2127 : i32 to index
      %get3A_2129 = arith.constant 304 : index
      %get3A_2130 = tpu.vector_load %arg12[%get3A_2128, %get3A_2129] {strides = array<i32>} : memref<16x512xf32, #tpu.memory_space<vmem>>, vector<16xf32>,
      %mul3A_2131 = arith.mulf %gather3A_62, %get3A_2130 : vector<16xf32>
      %add3A_2132 = arith.addf %add3A_2126, %mul3A_2131 : vector<16xf32>
      %get3A_2133 = arith.constant 6 : i32
      %get3A_2134 = arith.index_cast %get3A_2133 : i32 to index
      %get3A_2135 = arith.constant 304 : index
      %get3A_2136 = tpu.vector_load %arg12[%get3A_2134, %get3A_2135] {strides = array<i32>} : memref<16x512xf32, #tpu.memory_space<vmem>>, vector<16xf32>,
      %mul3A_2137 = arith.mulf %gather3A_68, %get3A_2136 : vector<16xf32>
      %add3A_2138 = arith.addf %add3A_2132, %mul3A_2137 : vector<16xf32>
      %get3A_2139 = arith.constant 7 : i32
      %get3A_2140 = arith.index_cast %get3A_2139 : i32 to index
      %get3A_2141 = arith.constant 304 : index
      %get3A_2142 = tpu.vector_load %arg12[%get3A_2140, %get3A_2141] {strides = array<i32>} : memref<16x512xf32, #tpu.memory_space<vmem>>, vector<16xf32>,
      %mul3A_2143 = arith.mulf %gather3A_74, %get3A_2142 : vector<16xf32>
      %add3A_2144 = arith.addf %add3A_2138, %mul3A_2143 : vector<16xf32>
      %get3A_2145 = arith.constant 8 : i32
      %get3A_2146 = arith.index_cast %get3A_2145 : i32 to index
      %get3A_2147 = arith.constant 304 : index
      %get3A_2148 = tpu.vector_load %arg12[%get3A_2146, %get3A_2147] {strides = array<i32>} : memref<16x512xf32, #tpu.memory_space<vmem>>, vector<16xf32>,
      %mul3A_2149 = arith.mulf %gather3A_80, %get3A_2148 : vector<16xf32>
      %add3A_2150 = arith.addf %add3A_2144, %mul3A_2149 : vector<16xf32>
      %get3A_2151 = arith.constant 9 : i32
      %get3A_2152 = arith.index_cast %get3A_2151 : i32 to index
      %get3A_2153 = arith.constant 304 : index
      %get3A_2154 = tpu.vector_load %arg12[%get3A_2152, %get3A_2153] {strides = array<i32>} : memref<16x512xf32, #tpu.memory_space<vmem>>, vector<16xf32>,
      %mul3A_2155 = arith.mulf %gather3A_86, %get3A_2154 : vector<16xf32>
      %add3A_2156 = arith.addf %add3A_2150, %mul3A_2155 : vector<16xf32>
      %get3A_2157 = arith.constant 10 : i32
      %get3A_2158 = arith.index_cast %get3A_2157 : i32 to index
      %get3A_2159 = arith.constant 304 : index
      %get3A_2160 = tpu.vector_load %arg12[%get3A_2158, %get3A_2159] {strides = array<i32>} : memref<16x512xf32, #tpu.memory_space<vmem>>, vector<16xf32>,
      %mul3A_2161 = arith.mulf %gather3A_92, %get3A_2160 : vector<16xf32>
      %add3A_2162 = arith.addf %add3A_2156, %mul3A_2161 : vector<16xf32>
      %get3A_2163 = arith.constant 11 : i32
      %get3A_2164 = arith.index_cast %get3A_2163 : i32 to index
      %get3A_2165 = arith.constant 304 : index
      %get3A_2166 = tpu.vector_load %arg12[%get3A_2164, %get3A_2165] {strides = array<i32>} : memref<16x512xf32, #tpu.memory_space<vmem>>, vector<16xf32>,
      %mul3A_2167 = arith.mulf %gather3A_98, %get3A_2166 : vector<16xf32>
      %add3A_2168 = arith.addf %add3A_2162, %mul3A_2167 : vector<16xf32>
      %get3A_2169 = arith.constant 12 : i32
      %get3A_2170 = arith.index_cast %get3A_2169 : i32 to index
      %get3A_2171 = arith.constant 304 : index
      %get3A_2172 = tpu.vector_load %arg12[%get3A_2170, %get3A_2171] {strides = array<i32>} : memref<16x512xf32, #tpu.memory_space<vmem>>, vector<16xf32>,
      %mul3A_2173 = arith.mulf %gather3A_104, %get3A_2172 : vector<16xf32>
      %add3A_2174 = arith.addf %add3A_2168, %mul3A_2173 : vector<16xf32>
      %get3A_2175 = arith.constant 13 : i32
      %get3A_2176 = arith.index_cast %get3A_2175 : i32 to index
      %get3A_2177 = arith.constant 304 : index
      %get3A_2178 = tpu.vector_load %arg12[%get3A_2176, %get3A_2177] {strides = array<i32>} : memref<16x512xf32, #tpu.memory_space<vmem>>, vector<16xf32>,
      %mul3A_2179 = arith.mulf %gather3A_110, %get3A_2178 : vector<16xf32>
      %add3A_2180 = arith.addf %add3A_2174, %mul3A_2179 : vector<16xf32>
      %get3A_2181 = arith.constant 14 : i32
      %get3A_2182 = arith.index_cast %get3A_2181 : i32 to index
      %get3A_2183 = arith.constant 304 : index
      %get3A_2184 = tpu.vector_load %arg12[%get3A_2182, %get3A_2183] {strides = array<i32>} : memref<16x512xf32, #tpu.memory_space<vmem>>, vector<16xf32>,
      %mul3A_2185 = arith.mulf %gather3A_116, %get3A_2184 : vector<16xf32>
      %add3A_2186 = arith.addf %add3A_2180, %mul3A_2185 : vector<16xf32>
      %get3A_2187 = arith.constant 15 : i32
      %get3A_2188 = arith.index_cast %get3A_2187 : i32 to index
      %get3A_2189 = arith.constant 304 : index
      %get3A_2190 = tpu.vector_load %arg12[%get3A_2188, %get3A_2189] {strides = array<i32>} : memref<16x512xf32, #tpu.memory_space<vmem>>, vector<16xf32>,
      %mul3A_2191 = arith.mulf %gather3A_122, %get3A_2190 : vector<16xf32>
      %add3A_2192 = arith.addf %add3A_2186, %mul3A_2191 : vector<16xf32>
      %get3A_2193 = arith.index_cast %scan3A_18 : i32 to index
      %get3A_2194 = arith.constant 304 : index
      %get3A_2195 = tpu.vector_load %arg10[%get3A_2193, %get3A_2194] {strides = array<i32>} : memref<32x512xf32, #tpu.memory_space<vmem>>, vector<16xf32>,
      %mul3A_2196 = arith.mulf %div3A_10, %get3A_2195 : vector<16xf32>
      %mul3A_2197 = arith.mulf %sub3A_12, %add3A_2192 : vector<16xf32>
      %add3A_2198 = arith.addf %mul3A_2196, %mul3A_2197 : vector<16xf32>
      %swap3A_2199 = arith.index_cast %scan3A_18 : i32 to index
      %swap3A_2200 = arith.constant 304 : index
      %swap3A_2201 = tpu.vector_load %arg11[%swap3A_2199, %swap3A_2200] {strides = array<i32>} : memref<32x512xf32, #tpu.memory_space<vmem>>, vector<16xf32>,
      tpu.vector_store %arg11[%swap3A_2199, %swap3A_2200], %add3A_2198 {strides = array<i32>} : memref<32x512xf32, #tpu.memory_space<vmem>>, vector<16xf32>,
      %get3A_2202 = arith.constant 0 : i32
      %get3A_2203 = arith.index_cast %get3A_2202 : i32 to index
      %get3A_2204 = arith.constant 320 : index
      %get3A_2205 = tpu.vector_load %arg12[%get3A_2203, %get3A_2204] {strides = array<i32>} : memref<16x512xf32, #tpu.memory_space<vmem>>, vector<16xf32>,
      %mul3A_2206 = arith.mulf %gather3A_32, %get3A_2205 : vector<16xf32>
      %get3A_2207 = arith.constant 1 : i32
      %get3A_2208 = arith.index_cast %get3A_2207 : i32 to index
      %get3A_2209 = arith.constant 320 : index
      %get3A_2210 = tpu.vector_load %arg12[%get3A_2208, %get3A_2209] {strides = array<i32>} : memref<16x512xf32, #tpu.memory_space<vmem>>, vector<16xf32>,
      %mul3A_2211 = arith.mulf %gather3A_38, %get3A_2210 : vector<16xf32>
      %add3A_2212 = arith.addf %mul3A_2206, %mul3A_2211 : vector<16xf32>
      %get3A_2213 = arith.constant 2 : i32
      %get3A_2214 = arith.index_cast %get3A_2213 : i32 to index
      %get3A_2215 = arith.constant 320 : index
      %get3A_2216 = tpu.vector_load %arg12[%get3A_2214, %get3A_2215] {strides = array<i32>} : memref<16x512xf32, #tpu.memory_space<vmem>>, vector<16xf32>,
      %mul3A_2217 = arith.mulf %gather3A_44, %get3A_2216 : vector<16xf32>
      %add3A_2218 = arith.addf %add3A_2212, %mul3A_2217 : vector<16xf32>
      %get3A_2219 = arith.constant 3 : i32
      %get3A_2220 = arith.index_cast %get3A_2219 : i32 to index
      %get3A_2221 = arith.constant 320 : index
      %get3A_2222 = tpu.vector_load %arg12[%get3A_2220, %get3A_2221] {strides = array<i32>} : memref<16x512xf32, #tpu.memory_space<vmem>>, vector<16xf32>,
      %mul3A_2223 = arith.mulf %gather3A_50, %get3A_2222 : vector<16xf32>
      %add3A_2224 = arith.addf %add3A_2218, %mul3A_2223 : vector<16xf32>
      %get3A_2225 = arith.constant 4 : i32
      %get3A_2226 = arith.index_cast %get3A_2225 : i32 to index
      %get3A_2227 = arith.constant 320 : index
      %get3A_2228 = tpu.vector_load %arg12[%get3A_2226, %get3A_2227] {strides = array<i32>} : memref<16x512xf32, #tpu.memory_space<vmem>>, vector<16xf32>,
      %mul3A_2229 = arith.mulf %gather3A_56, %get3A_2228 : vector<16xf32>
      %add3A_2230 = arith.addf %add3A_2224, %mul3A_2229 : vector<16xf32>
      %get3A_2231 = arith.constant 5 : i32
      %get3A_2232 = arith.index_cast %get3A_2231 : i32 to index
      %get3A_2233 = arith.constant 320 : index
      %get3A_2234 = tpu.vector_load %arg12[%get3A_2232, %get3A_2233] {strides = array<i32>} : memref<16x512xf32, #tpu.memory_space<vmem>>, vector<16xf32>,
      %mul3A_2235 = arith.mulf %gather3A_62, %get3A_2234 : vector<16xf32>
      %add3A_2236 = arith.addf %add3A_2230, %mul3A_2235 : vector<16xf32>
      %get3A_2237 = arith.constant 6 : i32
      %get3A_2238 = arith.index_cast %get3A_2237 : i32 to index
      %get3A_2239 = arith.constant 320 : index
      %get3A_2240 = tpu.vector_load %arg12[%get3A_2238, %get3A_2239] {strides = array<i32>} : memref<16x512xf32, #tpu.memory_space<vmem>>, vector<16xf32>,
      %mul3A_2241 = arith.mulf %gather3A_68, %get3A_2240 : vector<16xf32>
      %add3A_2242 = arith.addf %add3A_2236, %mul3A_2241 : vector<16xf32>
      %get3A_2243 = arith.constant 7 : i32
      %get3A_2244 = arith.index_cast %get3A_2243 : i32 to index
      %get3A_2245 = arith.constant 320 : index
      %get3A_2246 = tpu.vector_load %arg12[%get3A_2244, %get3A_2245] {strides = array<i32>} : memref<16x512xf32, #tpu.memory_space<vmem>>, vector<16xf32>,
      %mul3A_2247 = arith.mulf %gather3A_74, %get3A_2246 : vector<16xf32>
      %add3A_2248 = arith.addf %add3A_2242, %mul3A_2247 : vector<16xf32>
      %get3A_2249 = arith.constant 8 : i32
      %get3A_2250 = arith.index_cast %get3A_2249 : i32 to index
      %get3A_2251 = arith.constant 320 : index
      %get3A_2252 = tpu.vector_load %arg12[%get3A_2250, %get3A_2251] {strides = array<i32>} : memref<16x512xf32, #tpu.memory_space<vmem>>, vector<16xf32>,
      %mul3A_2253 = arith.mulf %gather3A_80, %get3A_2252 : vector<16xf32>
      %add3A_2254 = arith.addf %add3A_2248, %mul3A_2253 : vector<16xf32>
      %get3A_2255 = arith.constant 9 : i32
      %get3A_2256 = arith.index_cast %get3A_2255 : i32 to index
      %get3A_2257 = arith.constant 320 : index
      %get3A_2258 = tpu.vector_load %arg12[%get3A_2256, %get3A_2257] {strides = array<i32>} : memref<16x512xf32, #tpu.memory_space<vmem>>, vector<16xf32>,
      %mul3A_2259 = arith.mulf %gather3A_86, %get3A_2258 : vector<16xf32>
      %add3A_2260 = arith.addf %add3A_2254, %mul3A_2259 : vector<16xf32>
      %get3A_2261 = arith.constant 10 : i32
      %get3A_2262 = arith.index_cast %get3A_2261 : i32 to index
      %get3A_2263 = arith.constant 320 : index
      %get3A_2264 = tpu.vector_load %arg12[%get3A_2262, %get3A_2263] {strides = array<i32>} : memref<16x512xf32, #tpu.memory_space<vmem>>, vector<16xf32>,
      %mul3A_2265 = arith.mulf %gather3A_92, %get3A_2264 : vector<16xf32>
      %add3A_2266 = arith.addf %add3A_2260, %mul3A_2265 : vector<16xf32>
      %get3A_2267 = arith.constant 11 : i32
      %get3A_2268 = arith.index_cast %get3A_2267 : i32 to index
      %get3A_2269 = arith.constant 320 : index
      %get3A_2270 = tpu.vector_load %arg12[%get3A_2268, %get3A_2269] {strides = array<i32>} : memref<16x512xf32, #tpu.memory_space<vmem>>, vector<16xf32>,
      %mul3A_2271 = arith.mulf %gather3A_98, %get3A_2270 : vector<16xf32>
      %add3A_2272 = arith.addf %add3A_2266, %mul3A_2271 : vector<16xf32>
      %get3A_2273 = arith.constant 12 : i32
      %get3A_2274 = arith.index_cast %get3A_2273 : i32 to index
      %get3A_2275 = arith.constant 320 : index
      %get3A_2276 = tpu.vector_load %arg12[%get3A_2274, %get3A_2275] {strides = array<i32>} : memref<16x512xf32, #tpu.memory_space<vmem>>, vector<16xf32>,
      %mul3A_2277 = arith.mulf %gather3A_104, %get3A_2276 : vector<16xf32>
      %add3A_2278 = arith.addf %add3A_2272, %mul3A_2277 : vector<16xf32>
      %get3A_2279 = arith.constant 13 : i32
      %get3A_2280 = arith.index_cast %get3A_2279 : i32 to index
      %get3A_2281 = arith.constant 320 : index
      %get3A_2282 = tpu.vector_load %arg12[%get3A_2280, %get3A_2281] {strides = array<i32>} : memref<16x512xf32, #tpu.memory_space<vmem>>, vector<16xf32>,
      %mul3A_2283 = arith.mulf %gather3A_110, %get3A_2282 : vector<16xf32>
      %add3A_2284 = arith.addf %add3A_2278, %mul3A_2283 : vector<16xf32>
      %get3A_2285 = arith.constant 14 : i32
      %get3A_2286 = arith.index_cast %get3A_2285 : i32 to index
      %get3A_2287 = arith.constant 320 : index
      %get3A_2288 = tpu.vector_load %arg12[%get3A_2286, %get3A_2287] {strides = array<i32>} : memref<16x512xf32, #tpu.memory_space<vmem>>, vector<16xf32>,
      %mul3A_2289 = arith.mulf %gather3A_116, %get3A_2288 : vector<16xf32>
      %add3A_2290 = arith.addf %add3A_2284, %mul3A_2289 : vector<16xf32>
      %get3A_2291 = arith.constant 15 : i32
      %get3A_2292 = arith.index_cast %get3A_2291 : i32 to index
      %get3A_2293 = arith.constant 320 : index
      %get3A_2294 = tpu.vector_load %arg12[%get3A_2292, %get3A_2293] {strides = array<i32>} : memref<16x512xf32, #tpu.memory_space<vmem>>, vector<16xf32>,
      %mul3A_2295 = arith.mulf %gather3A_122, %get3A_2294 : vector<16xf32>
      %add3A_2296 = arith.addf %add3A_2290, %mul3A_2295 : vector<16xf32>
      %get3A_2297 = arith.index_cast %scan3A_18 : i32 to index
      %get3A_2298 = arith.constant 320 : index
      %get3A_2299 = tpu.vector_load %arg10[%get3A_2297, %get3A_2298] {strides = array<i32>} : memref<32x512xf32, #tpu.memory_space<vmem>>, vector<16xf32>,
      %mul3A_2300 = arith.mulf %div3A_10, %get3A_2299 : vector<16xf32>
      %mul3A_2301 = arith.mulf %sub3A_12, %add3A_2296 : vector<16xf32>
      %add3A_2302 = arith.addf %mul3A_2300, %mul3A_2301 : vector<16xf32>
      %swap3A_2303 = arith.index_cast %scan3A_18 : i32 to index
      %swap3A_2304 = arith.constant 320 : index
      %swap3A_2305 = tpu.vector_load %arg11[%swap3A_2303, %swap3A_2304] {strides = array<i32>} : memref<32x512xf32, #tpu.memory_space<vmem>>, vector<16xf32>,
      tpu.vector_store %arg11[%swap3A_2303, %swap3A_2304], %add3A_2302 {strides = array<i32>} : memref<32x512xf32, #tpu.memory_space<vmem>>, vector<16xf32>,
      %get3A_2306 = arith.constant 0 : i32
      %get3A_2307 = arith.index_cast %get3A_2306 : i32 to index
      %get3A_2308 = arith.constant 336 : index
      %get3A_2309 = tpu.vector_load %arg12[%get3A_2307, %get3A_2308] {strides = array<i32>} : memref<16x512xf32, #tpu.memory_space<vmem>>, vector<16xf32>,
      %mul3A_2310 = arith.mulf %gather3A_32, %get3A_2309 : vector<16xf32>
      %get3A_2311 = arith.constant 1 : i32
      %get3A_2312 = arith.index_cast %get3A_2311 : i32 to index
      %get3A_2313 = arith.constant 336 : index
      %get3A_2314 = tpu.vector_load %arg12[%get3A_2312, %get3A_2313] {strides = array<i32>} : memref<16x512xf32, #tpu.memory_space<vmem>>, vector<16xf32>,
      %mul3A_2315 = arith.mulf %gather3A_38, %get3A_2314 : vector<16xf32>
      %add3A_2316 = arith.addf %mul3A_2310, %mul3A_2315 : vector<16xf32>
      %get3A_2317 = arith.constant 2 : i32
      %get3A_2318 = arith.index_cast %get3A_2317 : i32 to index
      %get3A_2319 = arith.constant 336 : index
      %get3A_2320 = tpu.vector_load %arg12[%get3A_2318, %get3A_2319] {strides = array<i32>} : memref<16x512xf32, #tpu.memory_space<vmem>>, vector<16xf32>,
      %mul3A_2321 = arith.mulf %gather3A_44, %get3A_2320 : vector<16xf32>
      %add3A_2322 = arith.addf %add3A_2316, %mul3A_2321 : vector<16xf32>
      %get3A_2323 = arith.constant 3 : i32
      %get3A_2324 = arith.index_cast %get3A_2323 : i32 to index
      %get3A_2325 = arith.constant 336 : index
      %get3A_2326 = tpu.vector_load %arg12[%get3A_2324, %get3A_2325] {strides = array<i32>} : memref<16x512xf32, #tpu.memory_space<vmem>>, vector<16xf32>,
      %mul3A_2327 = arith.mulf %gather3A_50, %get3A_2326 : vector<16xf32>
      %add3A_2328 = arith.addf %add3A_2322, %mul3A_2327 : vector<16xf32>
      %get3A_2329 = arith.constant 4 : i32
      %get3A_2330 = arith.index_cast %get3A_2329 : i32 to index
      %get3A_2331 = arith.constant 336 : index
      %get3A_2332 = tpu.vector_load %arg12[%get3A_2330, %get3A_2331] {strides = array<i32>} : memref<16x512xf32, #tpu.memory_space<vmem>>, vector<16xf32>,
      %mul3A_2333 = arith.mulf %gather3A_56, %get3A_2332 : vector<16xf32>
      %add3A_2334 = arith.addf %add3A_2328, %mul3A_2333 : vector<16xf32>
      %get3A_2335 = arith.constant 5 : i32
      %get3A_2336 = arith.index_cast %get3A_2335 : i32 to index
      %get3A_2337 = arith.constant 336 : index
      %get3A_2338 = tpu.vector_load %arg12[%get3A_2336, %get3A_2337] {strides = array<i32>} : memref<16x512xf32, #tpu.memory_space<vmem>>, vector<16xf32>,
      %mul3A_2339 = arith.mulf %gather3A_62, %get3A_2338 : vector<16xf32>
      %add3A_2340 = arith.addf %add3A_2334, %mul3A_2339 : vector<16xf32>
      %get3A_2341 = arith.constant 6 : i32
      %get3A_2342 = arith.index_cast %get3A_2341 : i32 to index
      %get3A_2343 = arith.constant 336 : index
      %get3A_2344 = tpu.vector_load %arg12[%get3A_2342, %get3A_2343] {strides = array<i32>} : memref<16x512xf32, #tpu.memory_space<vmem>>, vector<16xf32>,
      %mul3A_2345 = arith.mulf %gather3A_68, %get3A_2344 : vector<16xf32>
      %add3A_2346 = arith.addf %add3A_2340, %mul3A_2345 : vector<16xf32>
      %get3A_2347 = arith.constant 7 : i32
      %get3A_2348 = arith.index_cast %get3A_2347 : i32 to index
      %get3A_2349 = arith.constant 336 : index
      %get3A_2350 = tpu.vector_load %arg12[%get3A_2348, %get3A_2349] {strides = array<i32>} : memref<16x512xf32, #tpu.memory_space<vmem>>, vector<16xf32>,
      %mul3A_2351 = arith.mulf %gather3A_74, %get3A_2350 : vector<16xf32>
      %add3A_2352 = arith.addf %add3A_2346, %mul3A_2351 : vector<16xf32>
      %get3A_2353 = arith.constant 8 : i32
      %get3A_2354 = arith.index_cast %get3A_2353 : i32 to index
      %get3A_2355 = arith.constant 336 : index
      %get3A_2356 = tpu.vector_load %arg12[%get3A_2354, %get3A_2355] {strides = array<i32>} : memref<16x512xf32, #tpu.memory_space<vmem>>, vector<16xf32>,
      %mul3A_2357 = arith.mulf %gather3A_80, %get3A_2356 : vector<16xf32>
      %add3A_2358 = arith.addf %add3A_2352, %mul3A_2357 : vector<16xf32>
      %get3A_2359 = arith.constant 9 : i32
      %get3A_2360 = arith.index_cast %get3A_2359 : i32 to index
      %get3A_2361 = arith.constant 336 : index
      %get3A_2362 = tpu.vector_load %arg12[%get3A_2360, %get3A_2361] {strides = array<i32>} : memref<16x512xf32, #tpu.memory_space<vmem>>, vector<16xf32>,
      %mul3A_2363 = arith.mulf %gather3A_86, %get3A_2362 : vector<16xf32>
      %add3A_2364 = arith.addf %add3A_2358, %mul3A_2363 : vector<16xf32>
      %get3A_2365 = arith.constant 10 : i32
      %get3A_2366 = arith.index_cast %get3A_2365 : i32 to index
      %get3A_2367 = arith.constant 336 : index
      %get3A_2368 = tpu.vector_load %arg12[%get3A_2366, %get3A_2367] {strides = array<i32>} : memref<16x512xf32, #tpu.memory_space<vmem>>, vector<16xf32>,
      %mul3A_2369 = arith.mulf %gather3A_92, %get3A_2368 : vector<16xf32>
      %add3A_2370 = arith.addf %add3A_2364, %mul3A_2369 : vector<16xf32>
      %get3A_2371 = arith.constant 11 : i32
      %get3A_2372 = arith.index_cast %get3A_2371 : i32 to index
      %get3A_2373 = arith.constant 336 : index
      %get3A_2374 = tpu.vector_load %arg12[%get3A_2372, %get3A_2373] {strides = array<i32>} : memref<16x512xf32, #tpu.memory_space<vmem>>, vector<16xf32>,
      %mul3A_2375 = arith.mulf %gather3A_98, %get3A_2374 : vector<16xf32>
      %add3A_2376 = arith.addf %add3A_2370, %mul3A_2375 : vector<16xf32>
      %get3A_2377 = arith.constant 12 : i32
      %get3A_2378 = arith.index_cast %get3A_2377 : i32 to index
      %get3A_2379 = arith.constant 336 : index
      %get3A_2380 = tpu.vector_load %arg12[%get3A_2378, %get3A_2379] {strides = array<i32>} : memref<16x512xf32, #tpu.memory_space<vmem>>, vector<16xf32>,
      %mul3A_2381 = arith.mulf %gather3A_104, %get3A_2380 : vector<16xf32>
      %add3A_2382 = arith.addf %add3A_2376, %mul3A_2381 : vector<16xf32>
      %get3A_2383 = arith.constant 13 : i32
      %get3A_2384 = arith.index_cast %get3A_2383 : i32 to index
      %get3A_2385 = arith.constant 336 : index
      %get3A_2386 = tpu.vector_load %arg12[%get3A_2384, %get3A_2385] {strides = array<i32>} : memref<16x512xf32, #tpu.memory_space<vmem>>, vector<16xf32>,
      %mul3A_2387 = arith.mulf %gather3A_110, %get3A_2386 : vector<16xf32>
      %add3A_2388 = arith.addf %add3A_2382, %mul3A_2387 : vector<16xf32>
      %get3A_2389 = arith.constant 14 : i32
      %get3A_2390 = arith.index_cast %get3A_2389 : i32 to index
      %get3A_2391 = arith.constant 336 : index
      %get3A_2392 = tpu.vector_load %arg12[%get3A_2390, %get3A_2391] {strides = array<i32>} : memref<16x512xf32, #tpu.memory_space<vmem>>, vector<16xf32>,
      %mul3A_2393 = arith.mulf %gather3A_116, %get3A_2392 : vector<16xf32>
      %add3A_2394 = arith.addf %add3A_2388, %mul3A_2393 : vector<16xf32>
      %get3A_2395 = arith.constant 15 : i32
      %get3A_2396 = arith.index_cast %get3A_2395 : i32 to index
      %get3A_2397 = arith.constant 336 : index
      %get3A_2398 = tpu.vector_load %arg12[%get3A_2396, %get3A_2397] {strides = array<i32>} : memref<16x512xf32, #tpu.memory_space<vmem>>, vector<16xf32>,
      %mul3A_2399 = arith.mulf %gather3A_122, %get3A_2398 : vector<16xf32>
      %add3A_2400 = arith.addf %add3A_2394, %mul3A_2399 : vector<16xf32>
      %get3A_2401 = arith.index_cast %scan3A_18 : i32 to index
      %get3A_2402 = arith.constant 336 : index
      %get3A_2403 = tpu.vector_load %arg10[%get3A_2401, %get3A_2402] {strides = array<i32>} : memref<32x512xf32, #tpu.memory_space<vmem>>, vector<16xf32>,
      %mul3A_2404 = arith.mulf %div3A_10, %get3A_2403 : vector<16xf32>
      %mul3A_2405 = arith.mulf %sub3A_12, %add3A_2400 : vector<16xf32>
      %add3A_2406 = arith.addf %mul3A_2404, %mul3A_2405 : vector<16xf32>
      %swap3A_2407 = arith.index_cast %scan3A_18 : i32 to index
      %swap3A_2408 = arith.constant 336 : index
      %swap3A_2409 = tpu.vector_load %arg11[%swap3A_2407, %swap3A_2408] {strides = array<i32>} : memref<32x512xf32, #tpu.memory_space<vmem>>, vector<16xf32>,
      tpu.vector_store %arg11[%swap3A_2407, %swap3A_2408], %add3A_2406 {strides = array<i32>} : memref<32x512xf32, #tpu.memory_space<vmem>>, vector<16xf32>,
      %get3A_2410 = arith.constant 0 : i32
      %get3A_2411 = arith.index_cast %get3A_2410 : i32 to index
      %get3A_2412 = arith.constant 352 : index
      %get3A_2413 = tpu.vector_load %arg12[%get3A_2411, %get3A_2412] {strides = array<i32>} : memref<16x512xf32, #tpu.memory_space<vmem>>, vector<16xf32>,
      %mul3A_2414 = arith.mulf %gather3A_32, %get3A_2413 : vector<16xf32>
      %get3A_2415 = arith.constant 1 : i32
      %get3A_2416 = arith.index_cast %get3A_2415 : i32 to index
      %get3A_2417 = arith.constant 352 : index
      %get3A_2418 = tpu.vector_load %arg12[%get3A_2416, %get3A_2417] {strides = array<i32>} : memref<16x512xf32, #tpu.memory_space<vmem>>, vector<16xf32>,
      %mul3A_2419 = arith.mulf %gather3A_38, %get3A_2418 : vector<16xf32>
      %add3A_2420 = arith.addf %mul3A_2414, %mul3A_2419 : vector<16xf32>
      %get3A_2421 = arith.constant 2 : i32
      %get3A_2422 = arith.index_cast %get3A_2421 : i32 to index
      %get3A_2423 = arith.constant 352 : index
      %get3A_2424 = tpu.vector_load %arg12[%get3A_2422, %get3A_2423] {strides = array<i32>} : memref<16x512xf32, #tpu.memory_space<vmem>>, vector<16xf32>,
      %mul3A_2425 = arith.mulf %gather3A_44, %get3A_2424 : vector<16xf32>
      %add3A_2426 = arith.addf %add3A_2420, %mul3A_2425 : vector<16xf32>
      %get3A_2427 = arith.constant 3 : i32
      %get3A_2428 = arith.index_cast %get3A_2427 : i32 to index
      %get3A_2429 = arith.constant 352 : index
      %get3A_2430 = tpu.vector_load %arg12[%get3A_2428, %get3A_2429] {strides = array<i32>} : memref<16x512xf32, #tpu.memory_space<vmem>>, vector<16xf32>,
      %mul3A_2431 = arith.mulf %gather3A_50, %get3A_2430 : vector<16xf32>
      %add3A_2432 = arith.addf %add3A_2426, %mul3A_2431 : vector<16xf32>
      %get3A_2433 = arith.constant 4 : i32
      %get3A_2434 = arith.index_cast %get3A_2433 : i32 to index
      %get3A_2435 = arith.constant 352 : index
      %get3A_2436 = tpu.vector_load %arg12[%get3A_2434, %get3A_2435] {strides = array<i32>} : memref<16x512xf32, #tpu.memory_space<vmem>>, vector<16xf32>,
      %mul3A_2437 = arith.mulf %gather3A_56, %get3A_2436 : vector<16xf32>
      %add3A_2438 = arith.addf %add3A_2432, %mul3A_2437 : vector<16xf32>
      %get3A_2439 = arith.constant 5 : i32
      %get3A_2440 = arith.index_cast %get3A_2439 : i32 to index
      %get3A_2441 = arith.constant 352 : index
      %get3A_2442 = tpu.vector_load %arg12[%get3A_2440, %get3A_2441] {strides = array<i32>} : memref<16x512xf32, #tpu.memory_space<vmem>>, vector<16xf32>,
      %mul3A_2443 = arith.mulf %gather3A_62, %get3A_2442 : vector<16xf32>
      %add3A_2444 = arith.addf %add3A_2438, %mul3A_2443 : vector<16xf32>
      %get3A_2445 = arith.constant 6 : i32
      %get3A_2446 = arith.index_cast %get3A_2445 : i32 to index
      %get3A_2447 = arith.constant 352 : index
      %get3A_2448 = tpu.vector_load %arg12[%get3A_2446, %get3A_2447] {strides = array<i32>} : memref<16x512xf32, #tpu.memory_space<vmem>>, vector<16xf32>,
      %mul3A_2449 = arith.mulf %gather3A_68, %get3A_2448 : vector<16xf32>
      %add3A_2450 = arith.addf %add3A_2444, %mul3A_2449 : vector<16xf32>
      %get3A_2451 = arith.constant 7 : i32
      %get3A_2452 = arith.index_cast %get3A_2451 : i32 to index
      %get3A_2453 = arith.constant 352 : index
      %get3A_2454 = tpu.vector_load %arg12[%get3A_2452, %get3A_2453] {strides = array<i32>} : memref<16x512xf32, #tpu.memory_space<vmem>>, vector<16xf32>,
      %mul3A_2455 = arith.mulf %gather3A_74, %get3A_2454 : vector<16xf32>
      %add3A_2456 = arith.addf %add3A_2450, %mul3A_2455 : vector<16xf32>
      %get3A_2457 = arith.constant 8 : i32
      %get3A_2458 = arith.index_cast %get3A_2457 : i32 to index
      %get3A_2459 = arith.constant 352 : index
      %get3A_2460 = tpu.vector_load %arg12[%get3A_2458, %get3A_2459] {strides = array<i32>} : memref<16x512xf32, #tpu.memory_space<vmem>>, vector<16xf32>,
      %mul3A_2461 = arith.mulf %gather3A_80, %get3A_2460 : vector<16xf32>
      %add3A_2462 = arith.addf %add3A_2456, %mul3A_2461 : vector<16xf32>
      %get3A_2463 = arith.constant 9 : i32
      %get3A_2464 = arith.index_cast %get3A_2463 : i32 to index
      %get3A_2465 = arith.constant 352 : index
      %get3A_2466 = tpu.vector_load %arg12[%get3A_2464, %get3A_2465] {strides = array<i32>} : memref<16x512xf32, #tpu.memory_space<vmem>>, vector<16xf32>,
      %mul3A_2467 = arith.mulf %gather3A_86, %get3A_2466 : vector<16xf32>
      %add3A_2468 = arith.addf %add3A_2462, %mul3A_2467 : vector<16xf32>
      %get3A_2469 = arith.constant 10 : i32
      %get3A_2470 = arith.index_cast %get3A_2469 : i32 to index
      %get3A_2471 = arith.constant 352 : index
      %get3A_2472 = tpu.vector_load %arg12[%get3A_2470, %get3A_2471] {strides = array<i32>} : memref<16x512xf32, #tpu.memory_space<vmem>>, vector<16xf32>,
      %mul3A_2473 = arith.mulf %gather3A_92, %get3A_2472 : vector<16xf32>
      %add3A_2474 = arith.addf %add3A_2468, %mul3A_2473 : vector<16xf32>
      %get3A_2475 = arith.constant 11 : i32
      %get3A_2476 = arith.index_cast %get3A_2475 : i32 to index
      %get3A_2477 = arith.constant 352 : index
      %get3A_2478 = tpu.vector_load %arg12[%get3A_2476, %get3A_2477] {strides = array<i32>} : memref<16x512xf32, #tpu.memory_space<vmem>>, vector<16xf32>,
      %mul3A_2479 = arith.mulf %gather3A_98, %get3A_2478 : vector<16xf32>
      %add3A_2480 = arith.addf %add3A_2474, %mul3A_2479 : vector<16xf32>
      %get3A_2481 = arith.constant 12 : i32
      %get3A_2482 = arith.index_cast %get3A_2481 : i32 to index
      %get3A_2483 = arith.constant 352 : index
      %get3A_2484 = tpu.vector_load %arg12[%get3A_2482, %get3A_2483] {strides = array<i32>} : memref<16x512xf32, #tpu.memory_space<vmem>>, vector<16xf32>,
      %mul3A_2485 = arith.mulf %gather3A_104, %get3A_2484 : vector<16xf32>
      %add3A_2486 = arith.addf %add3A_2480, %mul3A_2485 : vector<16xf32>
      %get3A_2487 = arith.constant 13 : i32
      %get3A_2488 = arith.index_cast %get3A_2487 : i32 to index
      %get3A_2489 = arith.constant 352 : index
      %get3A_2490 = tpu.vector_load %arg12[%get3A_2488, %get3A_2489] {strides = array<i32>} : memref<16x512xf32, #tpu.memory_space<vmem>>, vector<16xf32>,
      %mul3A_2491 = arith.mulf %gather3A_110, %get3A_2490 : vector<16xf32>
      %add3A_2492 = arith.addf %add3A_2486, %mul3A_2491 : vector<16xf32>
      %get3A_2493 = arith.constant 14 : i32
      %get3A_2494 = arith.index_cast %get3A_2493 : i32 to index
      %get3A_2495 = arith.constant 352 : index
      %get3A_2496 = tpu.vector_load %arg12[%get3A_2494, %get3A_2495] {strides = array<i32>} : memref<16x512xf32, #tpu.memory_space<vmem>>, vector<16xf32>,
      %mul3A_2497 = arith.mulf %gather3A_116, %get3A_2496 : vector<16xf32>
      %add3A_2498 = arith.addf %add3A_2492, %mul3A_2497 : vector<16xf32>
      %get3A_2499 = arith.constant 15 : i32
      %get3A_2500 = arith.index_cast %get3A_2499 : i32 to index
      %get3A_2501 = arith.constant 352 : index
      %get3A_2502 = tpu.vector_load %arg12[%get3A_2500, %get3A_2501] {strides = array<i32>} : memref<16x512xf32, #tpu.memory_space<vmem>>, vector<16xf32>,
      %mul3A_2503 = arith.mulf %gather3A_122, %get3A_2502 : vector<16xf32>
      %add3A_2504 = arith.addf %add3A_2498, %mul3A_2503 : vector<16xf32>
      %get3A_2505 = arith.index_cast %scan3A_18 : i32 to index
      %get3A_2506 = arith.constant 352 : index
      %get3A_2507 = tpu.vector_load %arg10[%get3A_2505, %get3A_2506] {strides = array<i32>} : memref<32x512xf32, #tpu.memory_space<vmem>>, vector<16xf32>,
      %mul3A_2508 = arith.mulf %div3A_10, %get3A_2507 : vector<16xf32>
      %mul3A_2509 = arith.mulf %sub3A_12, %add3A_2504 : vector<16xf32>
      %add3A_2510 = arith.addf %mul3A_2508, %mul3A_2509 : vector<16xf32>
      %swap3A_2511 = arith.index_cast %scan3A_18 : i32 to index
      %swap3A_2512 = arith.constant 352 : index
      %swap3A_2513 = tpu.vector_load %arg11[%swap3A_2511, %swap3A_2512] {strides = array<i32>} : memref<32x512xf32, #tpu.memory_space<vmem>>, vector<16xf32>,
      tpu.vector_store %arg11[%swap3A_2511, %swap3A_2512], %add3A_2510 {strides = array<i32>} : memref<32x512xf32, #tpu.memory_space<vmem>>, vector<16xf32>,
      %get3A_2514 = arith.constant 0 : i32
      %get3A_2515 = arith.index_cast %get3A_2514 : i32 to index
      %get3A_2516 = arith.constant 368 : index
      %get3A_2517 = tpu.vector_load %arg12[%get3A_2515, %get3A_2516] {strides = array<i32>} : memref<16x512xf32, #tpu.memory_space<vmem>>, vector<16xf32>,
      %mul3A_2518 = arith.mulf %gather3A_32, %get3A_2517 : vector<16xf32>
      %get3A_2519 = arith.constant 1 : i32
      %get3A_2520 = arith.index_cast %get3A_2519 : i32 to index
      %get3A_2521 = arith.constant 368 : index
      %get3A_2522 = tpu.vector_load %arg12[%get3A_2520, %get3A_2521] {strides = array<i32>} : memref<16x512xf32, #tpu.memory_space<vmem>>, vector<16xf32>,
      %mul3A_2523 = arith.mulf %gather3A_38, %get3A_2522 : vector<16xf32>
      %add3A_2524 = arith.addf %mul3A_2518, %mul3A_2523 : vector<16xf32>
      %get3A_2525 = arith.constant 2 : i32
      %get3A_2526 = arith.index_cast %get3A_2525 : i32 to index
      %get3A_2527 = arith.constant 368 : index
      %get3A_2528 = tpu.vector_load %arg12[%get3A_2526, %get3A_2527] {strides = array<i32>} : memref<16x512xf32, #tpu.memory_space<vmem>>, vector<16xf32>,
      %mul3A_2529 = arith.mulf %gather3A_44, %get3A_2528 : vector<16xf32>
      %add3A_2530 = arith.addf %add3A_2524, %mul3A_2529 : vector<16xf32>
      %get3A_2531 = arith.constant 3 : i32
      %get3A_2532 = arith.index_cast %get3A_2531 : i32 to index
      %get3A_2533 = arith.constant 368 : index
      %get3A_2534 = tpu.vector_load %arg12[%get3A_2532, %get3A_2533] {strides = array<i32>} : memref<16x512xf32, #tpu.memory_space<vmem>>, vector<16xf32>,
      %mul3A_2535 = arith.mulf %gather3A_50, %get3A_2534 : vector<16xf32>
      %add3A_2536 = arith.addf %add3A_2530, %mul3A_2535 : vector<16xf32>
      %get3A_2537 = arith.constant 4 : i32
      %get3A_2538 = arith.index_cast %get3A_2537 : i32 to index
      %get3A_2539 = arith.constant 368 : index
      %get3A_2540 = tpu.vector_load %arg12[%get3A_2538, %get3A_2539] {strides = array<i32>} : memref<16x512xf32, #tpu.memory_space<vmem>>, vector<16xf32>,
      %mul3A_2541 = arith.mulf %gather3A_56, %get3A_2540 : vector<16xf32>
      %add3A_2542 = arith.addf %add3A_2536, %mul3A_2541 : vector<16xf32>
      %get3A_2543 = arith.constant 5 : i32
      %get3A_2544 = arith.index_cast %get3A_2543 : i32 to index
      %get3A_2545 = arith.constant 368 : index
      %get3A_2546 = tpu.vector_load %arg12[%get3A_2544, %get3A_2545] {strides = array<i32>} : memref<16x512xf32, #tpu.memory_space<vmem>>, vector<16xf32>,
      %mul3A_2547 = arith.mulf %gather3A_62, %get3A_2546 : vector<16xf32>
      %add3A_2548 = arith.addf %add3A_2542, %mul3A_2547 : vector<16xf32>
      %get3A_2549 = arith.constant 6 : i32
      %get3A_2550 = arith.index_cast %get3A_2549 : i32 to index
      %get3A_2551 = arith.constant 368 : index
      %get3A_2552 = tpu.vector_load %arg12[%get3A_2550, %get3A_2551] {strides = array<i32>} : memref<16x512xf32, #tpu.memory_space<vmem>>, vector<16xf32>,
      %mul3A_2553 = arith.mulf %gather3A_68, %get3A_2552 : vector<16xf32>
      %add3A_2554 = arith.addf %add3A_2548, %mul3A_2553 : vector<16xf32>
      %get3A_2555 = arith.constant 7 : i32
      %get3A_2556 = arith.index_cast %get3A_2555 : i32 to index
      %get3A_2557 = arith.constant 368 : index
      %get3A_2558 = tpu.vector_load %arg12[%get3A_2556, %get3A_2557] {strides = array<i32>} : memref<16x512xf32, #tpu.memory_space<vmem>>, vector<16xf32>,
      %mul3A_2559 = arith.mulf %gather3A_74, %get3A_2558 : vector<16xf32>
      %add3A_2560 = arith.addf %add3A_2554, %mul3A_2559 : vector<16xf32>
      %get3A_2561 = arith.constant 8 : i32
      %get3A_2562 = arith.index_cast %get3A_2561 : i32 to index
      %get3A_2563 = arith.constant 368 : index
      %get3A_2564 = tpu.vector_load %arg12[%get3A_2562, %get3A_2563] {strides = array<i32>} : memref<16x512xf32, #tpu.memory_space<vmem>>, vector<16xf32>,
      %mul3A_2565 = arith.mulf %gather3A_80, %get3A_2564 : vector<16xf32>
      %add3A_2566 = arith.addf %add3A_2560, %mul3A_2565 : vector<16xf32>
      %get3A_2567 = arith.constant 9 : i32
      %get3A_2568 = arith.index_cast %get3A_2567 : i32 to index
      %get3A_2569 = arith.constant 368 : index
      %get3A_2570 = tpu.vector_load %arg12[%get3A_2568, %get3A_2569] {strides = array<i32>} : memref<16x512xf32, #tpu.memory_space<vmem>>, vector<16xf32>,
      %mul3A_2571 = arith.mulf %gather3A_86, %get3A_2570 : vector<16xf32>
      %add3A_2572 = arith.addf %add3A_2566, %mul3A_2571 : vector<16xf32>
      %get3A_2573 = arith.constant 10 : i32
      %get3A_2574 = arith.index_cast %get3A_2573 : i32 to index
      %get3A_2575 = arith.constant 368 : index
      %get3A_2576 = tpu.vector_load %arg12[%get3A_2574, %get3A_2575] {strides = array<i32>} : memref<16x512xf32, #tpu.memory_space<vmem>>, vector<16xf32>,
      %mul3A_2577 = arith.mulf %gather3A_92, %get3A_2576 : vector<16xf32>
      %add3A_2578 = arith.addf %add3A_2572, %mul3A_2577 : vector<16xf32>
      %get3A_2579 = arith.constant 11 : i32
      %get3A_2580 = arith.index_cast %get3A_2579 : i32 to index
      %get3A_2581 = arith.constant 368 : index
      %get3A_2582 = tpu.vector_load %arg12[%get3A_2580, %get3A_2581] {strides = array<i32>} : memref<16x512xf32, #tpu.memory_space<vmem>>, vector<16xf32>,
      %mul3A_2583 = arith.mulf %gather3A_98, %get3A_2582 : vector<16xf32>
      %add3A_2584 = arith.addf %add3A_2578, %mul3A_2583 : vector<16xf32>
      %get3A_2585 = arith.constant 12 : i32
      %get3A_2586 = arith.index_cast %get3A_2585 : i32 to index
      %get3A_2587 = arith.constant 368 : index
      %get3A_2588 = tpu.vector_load %arg12[%get3A_2586, %get3A_2587] {strides = array<i32>} : memref<16x512xf32, #tpu.memory_space<vmem>>, vector<16xf32>,
      %mul3A_2589 = arith.mulf %gather3A_104, %get3A_2588 : vector<16xf32>
      %add3A_2590 = arith.addf %add3A_2584, %mul3A_2589 : vector<16xf32>
      %get3A_2591 = arith.constant 13 : i32
      %get3A_2592 = arith.index_cast %get3A_2591 : i32 to index
      %get3A_2593 = arith.constant 368 : index
      %get3A_2594 = tpu.vector_load %arg12[%get3A_2592, %get3A_2593] {strides = array<i32>} : memref<16x512xf32, #tpu.memory_space<vmem>>, vector<16xf32>,
      %mul3A_2595 = arith.mulf %gather3A_110, %get3A_2594 : vector<16xf32>
      %add3A_2596 = arith.addf %add3A_2590, %mul3A_2595 : vector<16xf32>
      %get3A_2597 = arith.constant 14 : i32
      %get3A_2598 = arith.index_cast %get3A_2597 : i32 to index
      %get3A_2599 = arith.constant 368 : index
      %get3A_2600 = tpu.vector_load %arg12[%get3A_2598, %get3A_2599] {strides = array<i32>} : memref<16x512xf32, #tpu.memory_space<vmem>>, vector<16xf32>,
      %mul3A_2601 = arith.mulf %gather3A_116, %get3A_2600 : vector<16xf32>
      %add3A_2602 = arith.addf %add3A_2596, %mul3A_2601 : vector<16xf32>
      %get3A_2603 = arith.constant 15 : i32
      %get3A_2604 = arith.index_cast %get3A_2603 : i32 to index
      %get3A_2605 = arith.constant 368 : index
      %get3A_2606 = tpu.vector_load %arg12[%get3A_2604, %get3A_2605] {strides = array<i32>} : memref<16x512xf32, #tpu.memory_space<vmem>>, vector<16xf32>,
      %mul3A_2607 = arith.mulf %gather3A_122, %get3A_2606 : vector<16xf32>
      %add3A_2608 = arith.addf %add3A_2602, %mul3A_2607 : vector<16xf32>
      %get3A_2609 = arith.index_cast %scan3A_18 : i32 to index
      %get3A_2610 = arith.constant 368 : index
      %get3A_2611 = tpu.vector_load %arg10[%get3A_2609, %get3A_2610] {strides = array<i32>} : memref<32x512xf32, #tpu.memory_space<vmem>>, vector<16xf32>,
      %mul3A_2612 = arith.mulf %div3A_10, %get3A_2611 : vector<16xf32>
      %mul3A_2613 = arith.mulf %sub3A_12, %add3A_2608 : vector<16xf32>
      %add3A_2614 = arith.addf %mul3A_2612, %mul3A_2613 : vector<16xf32>
      %swap3A_2615 = arith.index_cast %scan3A_18 : i32 to index
      %swap3A_2616 = arith.constant 368 : index
      %swap3A_2617 = tpu.vector_load %arg11[%swap3A_2615, %swap3A_2616] {strides = array<i32>} : memref<32x512xf32, #tpu.memory_space<vmem>>, vector<16xf32>,
      tpu.vector_store %arg11[%swap3A_2615, %swap3A_2616], %add3A_2614 {strides = array<i32>} : memref<32x512xf32, #tpu.memory_space<vmem>>, vector<16xf32>,
      %get3A_2618 = arith.constant 0 : i32
      %get3A_2619 = arith.index_cast %get3A_2618 : i32 to index
      %get3A_2620 = arith.constant 384 : index
      %get3A_2621 = tpu.vector_load %arg12[%get3A_2619, %get3A_2620] {strides = array<i32>} : memref<16x512xf32, #tpu.memory_space<vmem>>, vector<16xf32>,
      %mul3A_2622 = arith.mulf %gather3A_32, %get3A_2621 : vector<16xf32>
      %get3A_2623 = arith.constant 1 : i32
      %get3A_2624 = arith.index_cast %get3A_2623 : i32 to index
      %get3A_2625 = arith.constant 384 : index
      %get3A_2626 = tpu.vector_load %arg12[%get3A_2624, %get3A_2625] {strides = array<i32>} : memref<16x512xf32, #tpu.memory_space<vmem>>, vector<16xf32>,
      %mul3A_2627 = arith.mulf %gather3A_38, %get3A_2626 : vector<16xf32>
      %add3A_2628 = arith.addf %mul3A_2622, %mul3A_2627 : vector<16xf32>
      %get3A_2629 = arith.constant 2 : i32
      %get3A_2630 = arith.index_cast %get3A_2629 : i32 to index
      %get3A_2631 = arith.constant 384 : index
      %get3A_2632 = tpu.vector_load %arg12[%get3A_2630, %get3A_2631] {strides = array<i32>} : memref<16x512xf32, #tpu.memory_space<vmem>>, vector<16xf32>,
      %mul3A_2633 = arith.mulf %gather3A_44, %get3A_2632 : vector<16xf32>
      %add3A_2634 = arith.addf %add3A_2628, %mul3A_2633 : vector<16xf32>
      %get3A_2635 = arith.constant 3 : i32
      %get3A_2636 = arith.index_cast %get3A_2635 : i32 to index
      %get3A_2637 = arith.constant 384 : index
      %get3A_2638 = tpu.vector_load %arg12[%get3A_2636, %get3A_2637] {strides = array<i32>} : memref<16x512xf32, #tpu.memory_space<vmem>>, vector<16xf32>,
      %mul3A_2639 = arith.mulf %gather3A_50, %get3A_2638 : vector<16xf32>
      %add3A_2640 = arith.addf %add3A_2634, %mul3A_2639 : vector<16xf32>
      %get3A_2641 = arith.constant 4 : i32
      %get3A_2642 = arith.index_cast %get3A_2641 : i32 to index
      %get3A_2643 = arith.constant 384 : index
      %get3A_2644 = tpu.vector_load %arg12[%get3A_2642, %get3A_2643] {strides = array<i32>} : memref<16x512xf32, #tpu.memory_space<vmem>>, vector<16xf32>,
      %mul3A_2645 = arith.mulf %gather3A_56, %get3A_2644 : vector<16xf32>
      %add3A_2646 = arith.addf %add3A_2640, %mul3A_2645 : vector<16xf32>
      %get3A_2647 = arith.constant 5 : i32
      %get3A_2648 = arith.index_cast %get3A_2647 : i32 to index
      %get3A_2649 = arith.constant 384 : index
      %get3A_2650 = tpu.vector_load %arg12[%get3A_2648, %get3A_2649] {strides = array<i32>} : memref<16x512xf32, #tpu.memory_space<vmem>>, vector<16xf32>,
      %mul3A_2651 = arith.mulf %gather3A_62, %get3A_2650 : vector<16xf32>
      %add3A_2652 = arith.addf %add3A_2646, %mul3A_2651 : vector<16xf32>
      %get3A_2653 = arith.constant 6 : i32
      %get3A_2654 = arith.index_cast %get3A_2653 : i32 to index
      %get3A_2655 = arith.constant 384 : index
      %get3A_2656 = tpu.vector_load %arg12[%get3A_2654, %get3A_2655] {strides = array<i32>} : memref<16x512xf32, #tpu.memory_space<vmem>>, vector<16xf32>,
      %mul3A_2657 = arith.mulf %gather3A_68, %get3A_2656 : vector<16xf32>
      %add3A_2658 = arith.addf %add3A_2652, %mul3A_2657 : vector<16xf32>
      %get3A_2659 = arith.constant 7 : i32
      %get3A_2660 = arith.index_cast %get3A_2659 : i32 to index
      %get3A_2661 = arith.constant 384 : index
      %get3A_2662 = tpu.vector_load %arg12[%get3A_2660, %get3A_2661] {strides = array<i32>} : memref<16x512xf32, #tpu.memory_space<vmem>>, vector<16xf32>,
      %mul3A_2663 = arith.mulf %gather3A_74, %get3A_2662 : vector<16xf32>
      %add3A_2664 = arith.addf %add3A_2658, %mul3A_2663 : vector<16xf32>
      %get3A_2665 = arith.constant 8 : i32
      %get3A_2666 = arith.index_cast %get3A_2665 : i32 to index
      %get3A_2667 = arith.constant 384 : index
      %get3A_2668 = tpu.vector_load %arg12[%get3A_2666, %get3A_2667] {strides = array<i32>} : memref<16x512xf32, #tpu.memory_space<vmem>>, vector<16xf32>,
      %mul3A_2669 = arith.mulf %gather3A_80, %get3A_2668 : vector<16xf32>
      %add3A_2670 = arith.addf %add3A_2664, %mul3A_2669 : vector<16xf32>
      %get3A_2671 = arith.constant 9 : i32
      %get3A_2672 = arith.index_cast %get3A_2671 : i32 to index
      %get3A_2673 = arith.constant 384 : index
      %get3A_2674 = tpu.vector_load %arg12[%get3A_2672, %get3A_2673] {strides = array<i32>} : memref<16x512xf32, #tpu.memory_space<vmem>>, vector<16xf32>,
      %mul3A_2675 = arith.mulf %gather3A_86, %get3A_2674 : vector<16xf32>
      %add3A_2676 = arith.addf %add3A_2670, %mul3A_2675 : vector<16xf32>
      %get3A_2677 = arith.constant 10 : i32
      %get3A_2678 = arith.index_cast %get3A_2677 : i32 to index
      %get3A_2679 = arith.constant 384 : index
      %get3A_2680 = tpu.vector_load %arg12[%get3A_2678, %get3A_2679] {strides = array<i32>} : memref<16x512xf32, #tpu.memory_space<vmem>>, vector<16xf32>,
      %mul3A_2681 = arith.mulf %gather3A_92, %get3A_2680 : vector<16xf32>
      %add3A_2682 = arith.addf %add3A_2676, %mul3A_2681 : vector<16xf32>
      %get3A_2683 = arith.constant 11 : i32
      %get3A_2684 = arith.index_cast %get3A_2683 : i32 to index
      %get3A_2685 = arith.constant 384 : index
      %get3A_2686 = tpu.vector_load %arg12[%get3A_2684, %get3A_2685] {strides = array<i32>} : memref<16x512xf32, #tpu.memory_space<vmem>>, vector<16xf32>,
      %mul3A_2687 = arith.mulf %gather3A_98, %get3A_2686 : vector<16xf32>
      %add3A_2688 = arith.addf %add3A_2682, %mul3A_2687 : vector<16xf32>
      %get3A_2689 = arith.constant 12 : i32
      %get3A_2690 = arith.index_cast %get3A_2689 : i32 to index
      %get3A_2691 = arith.constant 384 : index
      %get3A_2692 = tpu.vector_load %arg12[%get3A_2690, %get3A_2691] {strides = array<i32>} : memref<16x512xf32, #tpu.memory_space<vmem>>, vector<16xf32>,
      %mul3A_2693 = arith.mulf %gather3A_104, %get3A_2692 : vector<16xf32>
      %add3A_2694 = arith.addf %add3A_2688, %mul3A_2693 : vector<16xf32>
      %get3A_2695 = arith.constant 13 : i32
      %get3A_2696 = arith.index_cast %get3A_2695 : i32 to index
      %get3A_2697 = arith.constant 384 : index
      %get3A_2698 = tpu.vector_load %arg12[%get3A_2696, %get3A_2697] {strides = array<i32>} : memref<16x512xf32, #tpu.memory_space<vmem>>, vector<16xf32>,
      %mul3A_2699 = arith.mulf %gather3A_110, %get3A_2698 : vector<16xf32>
      %add3A_2700 = arith.addf %add3A_2694, %mul3A_2699 : vector<16xf32>
      %get3A_2701 = arith.constant 14 : i32
      %get3A_2702 = arith.index_cast %get3A_2701 : i32 to index
      %get3A_2703 = arith.constant 384 : index
      %get3A_2704 = tpu.vector_load %arg12[%get3A_2702, %get3A_2703] {strides = array<i32>} : memref<16x512xf32, #tpu.memory_space<vmem>>, vector<16xf32>,
      %mul3A_2705 = arith.mulf %gather3A_116, %get3A_2704 : vector<16xf32>
      %add3A_2706 = arith.addf %add3A_2700, %mul3A_2705 : vector<16xf32>
      %get3A_2707 = arith.constant 15 : i32
      %get3A_2708 = arith.index_cast %get3A_2707 : i32 to index
      %get3A_2709 = arith.constant 384 : index
      %get3A_2710 = tpu.vector_load %arg12[%get3A_2708, %get3A_2709] {strides = array<i32>} : memref<16x512xf32, #tpu.memory_space<vmem>>, vector<16xf32>,
      %mul3A_2711 = arith.mulf %gather3A_122, %get3A_2710 : vector<16xf32>
      %add3A_2712 = arith.addf %add3A_2706, %mul3A_2711 : vector<16xf32>
      %get3A_2713 = arith.index_cast %scan3A_18 : i32 to index
      %get3A_2714 = arith.constant 384 : index
      %get3A_2715 = tpu.vector_load %arg10[%get3A_2713, %get3A_2714] {strides = array<i32>} : memref<32x512xf32, #tpu.memory_space<vmem>>, vector<16xf32>,
      %mul3A_2716 = arith.mulf %div3A_10, %get3A_2715 : vector<16xf32>
      %mul3A_2717 = arith.mulf %sub3A_12, %add3A_2712 : vector<16xf32>
      %add3A_2718 = arith.addf %mul3A_2716, %mul3A_2717 : vector<16xf32>
      %swap3A_2719 = arith.index_cast %scan3A_18 : i32 to index
      %swap3A_2720 = arith.constant 384 : index
      %swap3A_2721 = tpu.vector_load %arg11[%swap3A_2719, %swap3A_2720] {strides = array<i32>} : memref<32x512xf32, #tpu.memory_space<vmem>>, vector<16xf32>,
      tpu.vector_store %arg11[%swap3A_2719, %swap3A_2720], %add3A_2718 {strides = array<i32>} : memref<32x512xf32, #tpu.memory_space<vmem>>, vector<16xf32>,
      %get3A_2722 = arith.constant 0 : i32
      %get3A_2723 = arith.index_cast %get3A_2722 : i32 to index
      %get3A_2724 = arith.constant 400 : index
      %get3A_2725 = tpu.vector_load %arg12[%get3A_2723, %get3A_2724] {strides = array<i32>} : memref<16x512xf32, #tpu.memory_space<vmem>>, vector<16xf32>,
      %mul3A_2726 = arith.mulf %gather3A_32, %get3A_2725 : vector<16xf32>
      %get3A_2727 = arith.constant 1 : i32
      %get3A_2728 = arith.index_cast %get3A_2727 : i32 to index
      %get3A_2729 = arith.constant 400 : index
      %get3A_2730 = tpu.vector_load %arg12[%get3A_2728, %get3A_2729] {strides = array<i32>} : memref<16x512xf32, #tpu.memory_space<vmem>>, vector<16xf32>,
      %mul3A_2731 = arith.mulf %gather3A_38, %get3A_2730 : vector<16xf32>
      %add3A_2732 = arith.addf %mul3A_2726, %mul3A_2731 : vector<16xf32>
      %get3A_2733 = arith.constant 2 : i32
      %get3A_2734 = arith.index_cast %get3A_2733 : i32 to index
      %get3A_2735 = arith.constant 400 : index
      %get3A_2736 = tpu.vector_load %arg12[%get3A_2734, %get3A_2735] {strides = array<i32>} : memref<16x512xf32, #tpu.memory_space<vmem>>, vector<16xf32>,
      %mul3A_2737 = arith.mulf %gather3A_44, %get3A_2736 : vector<16xf32>
      %add3A_2738 = arith.addf %add3A_2732, %mul3A_2737 : vector<16xf32>
      %get3A_2739 = arith.constant 3 : i32
      %get3A_2740 = arith.index_cast %get3A_2739 : i32 to index
      %get3A_2741 = arith.constant 400 : index
      %get3A_2742 = tpu.vector_load %arg12[%get3A_2740, %get3A_2741] {strides = array<i32>} : memref<16x512xf32, #tpu.memory_space<vmem>>, vector<16xf32>,
      %mul3A_2743 = arith.mulf %gather3A_50, %get3A_2742 : vector<16xf32>
      %add3A_2744 = arith.addf %add3A_2738, %mul3A_2743 : vector<16xf32>
      %get3A_2745 = arith.constant 4 : i32
      %get3A_2746 = arith.index_cast %get3A_2745 : i32 to index
      %get3A_2747 = arith.constant 400 : index
      %get3A_2748 = tpu.vector_load %arg12[%get3A_2746, %get3A_2747] {strides = array<i32>} : memref<16x512xf32, #tpu.memory_space<vmem>>, vector<16xf32>,
      %mul3A_2749 = arith.mulf %gather3A_56, %get3A_2748 : vector<16xf32>
      %add3A_2750 = arith.addf %add3A_2744, %mul3A_2749 : vector<16xf32>
      %get3A_2751 = arith.constant 5 : i32
      %get3A_2752 = arith.index_cast %get3A_2751 : i32 to index
      %get3A_2753 = arith.constant 400 : index
      %get3A_2754 = tpu.vector_load %arg12[%get3A_2752, %get3A_2753] {strides = array<i32>} : memref<16x512xf32, #tpu.memory_space<vmem>>, vector<16xf32>,
      %mul3A_2755 = arith.mulf %gather3A_62, %get3A_2754 : vector<16xf32>
      %add3A_2756 = arith.addf %add3A_2750, %mul3A_2755 : vector<16xf32>
      %get3A_2757 = arith.constant 6 : i32
      %get3A_2758 = arith.index_cast %get3A_2757 : i32 to index
      %get3A_2759 = arith.constant 400 : index
      %get3A_2760 = tpu.vector_load %arg12[%get3A_2758, %get3A_2759] {strides = array<i32>} : memref<16x512xf32, #tpu.memory_space<vmem>>, vector<16xf32>,
      %mul3A_2761 = arith.mulf %gather3A_68, %get3A_2760 : vector<16xf32>
      %add3A_2762 = arith.addf %add3A_2756, %mul3A_2761 : vector<16xf32>
      %get3A_2763 = arith.constant 7 : i32
      %get3A_2764 = arith.index_cast %get3A_2763 : i32 to index
      %get3A_2765 = arith.constant 400 : index
      %get3A_2766 = tpu.vector_load %arg12[%get3A_2764, %get3A_2765] {strides = array<i32>} : memref<16x512xf32, #tpu.memory_space<vmem>>, vector<16xf32>,
      %mul3A_2767 = arith.mulf %gather3A_74, %get3A_2766 : vector<16xf32>
      %add3A_2768 = arith.addf %add3A_2762, %mul3A_2767 : vector<16xf32>
      %get3A_2769 = arith.constant 8 : i32
      %get3A_2770 = arith.index_cast %get3A_2769 : i32 to index
      %get3A_2771 = arith.constant 400 : index
      %get3A_2772 = tpu.vector_load %arg12[%get3A_2770, %get3A_2771] {strides = array<i32>} : memref<16x512xf32, #tpu.memory_space<vmem>>, vector<16xf32>,
      %mul3A_2773 = arith.mulf %gather3A_80, %get3A_2772 : vector<16xf32>
      %add3A_2774 = arith.addf %add3A_2768, %mul3A_2773 : vector<16xf32>
      %get3A_2775 = arith.constant 9 : i32
      %get3A_2776 = arith.index_cast %get3A_2775 : i32 to index
      %get3A_2777 = arith.constant 400 : index
      %get3A_2778 = tpu.vector_load %arg12[%get3A_2776, %get3A_2777] {strides = array<i32>} : memref<16x512xf32, #tpu.memory_space<vmem>>, vector<16xf32>,
      %mul3A_2779 = arith.mulf %gather3A_86, %get3A_2778 : vector<16xf32>
      %add3A_2780 = arith.addf %add3A_2774, %mul3A_2779 : vector<16xf32>
      %get3A_2781 = arith.constant 10 : i32
      %get3A_2782 = arith.index_cast %get3A_2781 : i32 to index
      %get3A_2783 = arith.constant 400 : index
      %get3A_2784 = tpu.vector_load %arg12[%get3A_2782, %get3A_2783] {strides = array<i32>} : memref<16x512xf32, #tpu.memory_space<vmem>>, vector<16xf32>,
      %mul3A_2785 = arith.mulf %gather3A_92, %get3A_2784 : vector<16xf32>
      %add3A_2786 = arith.addf %add3A_2780, %mul3A_2785 : vector<16xf32>
      %get3A_2787 = arith.constant 11 : i32
      %get3A_2788 = arith.index_cast %get3A_2787 : i32 to index
      %get3A_2789 = arith.constant 400 : index
      %get3A_2790 = tpu.vector_load %arg12[%get3A_2788, %get3A_2789] {strides = array<i32>} : memref<16x512xf32, #tpu.memory_space<vmem>>, vector<16xf32>,
      %mul3A_2791 = arith.mulf %gather3A_98, %get3A_2790 : vector<16xf32>
      %add3A_2792 = arith.addf %add3A_2786, %mul3A_2791 : vector<16xf32>
      %get3A_2793 = arith.constant 12 : i32
      %get3A_2794 = arith.index_cast %get3A_2793 : i32 to index
      %get3A_2795 = arith.constant 400 : index
      %get3A_2796 = tpu.vector_load %arg12[%get3A_2794, %get3A_2795] {strides = array<i32>} : memref<16x512xf32, #tpu.memory_space<vmem>>, vector<16xf32>,
      %mul3A_2797 = arith.mulf %gather3A_104, %get3A_2796 : vector<16xf32>
      %add3A_2798 = arith.addf %add3A_2792, %mul3A_2797 : vector<16xf32>
      %get3A_2799 = arith.constant 13 : i32
      %get3A_2800 = arith.index_cast %get3A_2799 : i32 to index
      %get3A_2801 = arith.constant 400 : index
      %get3A_2802 = tpu.vector_load %arg12[%get3A_2800, %get3A_2801] {strides = array<i32>} : memref<16x512xf32, #tpu.memory_space<vmem>>, vector<16xf32>,
      %mul3A_2803 = arith.mulf %gather3A_110, %get3A_2802 : vector<16xf32>
      %add3A_2804 = arith.addf %add3A_2798, %mul3A_2803 : vector<16xf32>
      %get3A_2805 = arith.constant 14 : i32
      %get3A_2806 = arith.index_cast %get3A_2805 : i32 to index
      %get3A_2807 = arith.constant 400 : index
      %get3A_2808 = tpu.vector_load %arg12[%get3A_2806, %get3A_2807] {strides = array<i32>} : memref<16x512xf32, #tpu.memory_space<vmem>>, vector<16xf32>,
      %mul3A_2809 = arith.mulf %gather3A_116, %get3A_2808 : vector<16xf32>
      %add3A_2810 = arith.addf %add3A_2804, %mul3A_2809 : vector<16xf32>
      %get3A_2811 = arith.constant 15 : i32
      %get3A_2812 = arith.index_cast %get3A_2811 : i32 to index
      %get3A_2813 = arith.constant 400 : index
      %get3A_2814 = tpu.vector_load %arg12[%get3A_2812, %get3A_2813] {strides = array<i32>} : memref<16x512xf32, #tpu.memory_space<vmem>>, vector<16xf32>,
      %mul3A_2815 = arith.mulf %gather3A_122, %get3A_2814 : vector<16xf32>
      %add3A_2816 = arith.addf %add3A_2810, %mul3A_2815 : vector<16xf32>
      %get3A_2817 = arith.index_cast %scan3A_18 : i32 to index
      %get3A_2818 = arith.constant 400 : index
      %get3A_2819 = tpu.vector_load %arg10[%get3A_2817, %get3A_2818] {strides = array<i32>} : memref<32x512xf32, #tpu.memory_space<vmem>>, vector<16xf32>,
      %mul3A_2820 = arith.mulf %div3A_10, %get3A_2819 : vector<16xf32>
      %mul3A_2821 = arith.mulf %sub3A_12, %add3A_2816 : vector<16xf32>
      %add3A_2822 = arith.addf %mul3A_2820, %mul3A_2821 : vector<16xf32>
      %swap3A_2823 = arith.index_cast %scan3A_18 : i32 to index
      %swap3A_2824 = arith.constant 400 : index
      %swap3A_2825 = tpu.vector_load %arg11[%swap3A_2823, %swap3A_2824] {strides = array<i32>} : memref<32x512xf32, #tpu.memory_space<vmem>>, vector<16xf32>,
      tpu.vector_store %arg11[%swap3A_2823, %swap3A_2824], %add3A_2822 {strides = array<i32>} : memref<32x512xf32, #tpu.memory_space<vmem>>, vector<16xf32>,
      %get3A_2826 = arith.constant 0 : i32
      %get3A_2827 = arith.index_cast %get3A_2826 : i32 to index
      %get3A_2828 = arith.constant 416 : index
      %get3A_2829 = tpu.vector_load %arg12[%get3A_2827, %get3A_2828] {strides = array<i32>} : memref<16x512xf32, #tpu.memory_space<vmem>>, vector<16xf32>,
      %mul3A_2830 = arith.mulf %gather3A_32, %get3A_2829 : vector<16xf32>
      %get3A_2831 = arith.constant 1 : i32
      %get3A_2832 = arith.index_cast %get3A_2831 : i32 to index
      %get3A_2833 = arith.constant 416 : index
      %get3A_2834 = tpu.vector_load %arg12[%get3A_2832, %get3A_2833] {strides = array<i32>} : memref<16x512xf32, #tpu.memory_space<vmem>>, vector<16xf32>,
      %mul3A_2835 = arith.mulf %gather3A_38, %get3A_2834 : vector<16xf32>
      %add3A_2836 = arith.addf %mul3A_2830, %mul3A_2835 : vector<16xf32>
      %get3A_2837 = arith.constant 2 : i32
      %get3A_2838 = arith.index_cast %get3A_2837 : i32 to index
      %get3A_2839 = arith.constant 416 : index
      %get3A_2840 = tpu.vector_load %arg12[%get3A_2838, %get3A_2839] {strides = array<i32>} : memref<16x512xf32, #tpu.memory_space<vmem>>, vector<16xf32>,
      %mul3A_2841 = arith.mulf %gather3A_44, %get3A_2840 : vector<16xf32>
      %add3A_2842 = arith.addf %add3A_2836, %mul3A_2841 : vector<16xf32>
      %get3A_2843 = arith.constant 3 : i32
      %get3A_2844 = arith.index_cast %get3A_2843 : i32 to index
      %get3A_2845 = arith.constant 416 : index
      %get3A_2846 = tpu.vector_load %arg12[%get3A_2844, %get3A_2845] {strides = array<i32>} : memref<16x512xf32, #tpu.memory_space<vmem>>, vector<16xf32>,
      %mul3A_2847 = arith.mulf %gather3A_50, %get3A_2846 : vector<16xf32>
      %add3A_2848 = arith.addf %add3A_2842, %mul3A_2847 : vector<16xf32>
      %get3A_2849 = arith.constant 4 : i32
      %get3A_2850 = arith.index_cast %get3A_2849 : i32 to index
      %get3A_2851 = arith.constant 416 : index
      %get3A_2852 = tpu.vector_load %arg12[%get3A_2850, %get3A_2851] {strides = array<i32>} : memref<16x512xf32, #tpu.memory_space<vmem>>, vector<16xf32>,
      %mul3A_2853 = arith.mulf %gather3A_56, %get3A_2852 : vector<16xf32>
      %add3A_2854 = arith.addf %add3A_2848, %mul3A_2853 : vector<16xf32>
      %get3A_2855 = arith.constant 5 : i32
      %get3A_2856 = arith.index_cast %get3A_2855 : i32 to index
      %get3A_2857 = arith.constant 416 : index
      %get3A_2858 = tpu.vector_load %arg12[%get3A_2856, %get3A_2857] {strides = array<i32>} : memref<16x512xf32, #tpu.memory_space<vmem>>, vector<16xf32>,
      %mul3A_2859 = arith.mulf %gather3A_62, %get3A_2858 : vector<16xf32>
      %add3A_2860 = arith.addf %add3A_2854, %mul3A_2859 : vector<16xf32>
      %get3A_2861 = arith.constant 6 : i32
      %get3A_2862 = arith.index_cast %get3A_2861 : i32 to index
      %get3A_2863 = arith.constant 416 : index
      %get3A_2864 = tpu.vector_load %arg12[%get3A_2862, %get3A_2863] {strides = array<i32>} : memref<16x512xf32, #tpu.memory_space<vmem>>, vector<16xf32>,
      %mul3A_2865 = arith.mulf %gather3A_68, %get3A_2864 : vector<16xf32>
      %add3A_2866 = arith.addf %add3A_2860, %mul3A_2865 : vector<16xf32>
      %get3A_2867 = arith.constant 7 : i32
      %get3A_2868 = arith.index_cast %get3A_2867 : i32 to index
      %get3A_2869 = arith.constant 416 : index
      %get3A_2870 = tpu.vector_load %arg12[%get3A_2868, %get3A_2869] {strides = array<i32>} : memref<16x512xf32, #tpu.memory_space<vmem>>, vector<16xf32>,
      %mul3A_2871 = arith.mulf %gather3A_74, %get3A_2870 : vector<16xf32>
      %add3A_2872 = arith.addf %add3A_2866, %mul3A_2871 : vector<16xf32>
      %get3A_2873 = arith.constant 8 : i32
      %get3A_2874 = arith.index_cast %get3A_2873 : i32 to index
      %get3A_2875 = arith.constant 416 : index
      %get3A_2876 = tpu.vector_load %arg12[%get3A_2874, %get3A_2875] {strides = array<i32>} : memref<16x512xf32, #tpu.memory_space<vmem>>, vector<16xf32>,
      %mul3A_2877 = arith.mulf %gather3A_80, %get3A_2876 : vector<16xf32>
      %add3A_2878 = arith.addf %add3A_2872, %mul3A_2877 : vector<16xf32>
      %get3A_2879 = arith.constant 9 : i32
      %get3A_2880 = arith.index_cast %get3A_2879 : i32 to index
      %get3A_2881 = arith.constant 416 : index
      %get3A_2882 = tpu.vector_load %arg12[%get3A_2880, %get3A_2881] {strides = array<i32>} : memref<16x512xf32, #tpu.memory_space<vmem>>, vector<16xf32>,
      %mul3A_2883 = arith.mulf %gather3A_86, %get3A_2882 : vector<16xf32>
      %add3A_2884 = arith.addf %add3A_2878, %mul3A_2883 : vector<16xf32>
      %get3A_2885 = arith.constant 10 : i32
      %get3A_2886 = arith.index_cast %get3A_2885 : i32 to index
      %get3A_2887 = arith.constant 416 : index
      %get3A_2888 = tpu.vector_load %arg12[%get3A_2886, %get3A_2887] {strides = array<i32>} : memref<16x512xf32, #tpu.memory_space<vmem>>, vector<16xf32>,
      %mul3A_2889 = arith.mulf %gather3A_92, %get3A_2888 : vector<16xf32>
      %add3A_2890 = arith.addf %add3A_2884, %mul3A_2889 : vector<16xf32>
      %get3A_2891 = arith.constant 11 : i32
      %get3A_2892 = arith.index_cast %get3A_2891 : i32 to index
      %get3A_2893 = arith.constant 416 : index
      %get3A_2894 = tpu.vector_load %arg12[%get3A_2892, %get3A_2893] {strides = array<i32>} : memref<16x512xf32, #tpu.memory_space<vmem>>, vector<16xf32>,
      %mul3A_2895 = arith.mulf %gather3A_98, %get3A_2894 : vector<16xf32>
      %add3A_2896 = arith.addf %add3A_2890, %mul3A_2895 : vector<16xf32>
      %get3A_2897 = arith.constant 12 : i32
      %get3A_2898 = arith.index_cast %get3A_2897 : i32 to index
      %get3A_2899 = arith.constant 416 : index
      %get3A_2900 = tpu.vector_load %arg12[%get3A_2898, %get3A_2899] {strides = array<i32>} : memref<16x512xf32, #tpu.memory_space<vmem>>, vector<16xf32>,
      %mul3A_2901 = arith.mulf %gather3A_104, %get3A_2900 : vector<16xf32>
      %add3A_2902 = arith.addf %add3A_2896, %mul3A_2901 : vector<16xf32>
      %get3A_2903 = arith.constant 13 : i32
      %get3A_2904 = arith.index_cast %get3A_2903 : i32 to index
      %get3A_2905 = arith.constant 416 : index
      %get3A_2906 = tpu.vector_load %arg12[%get3A_2904, %get3A_2905] {strides = array<i32>} : memref<16x512xf32, #tpu.memory_space<vmem>>, vector<16xf32>,
      %mul3A_2907 = arith.mulf %gather3A_110, %get3A_2906 : vector<16xf32>
      %add3A_2908 = arith.addf %add3A_2902, %mul3A_2907 : vector<16xf32>
      %get3A_2909 = arith.constant 14 : i32
      %get3A_2910 = arith.index_cast %get3A_2909 : i32 to index
      %get3A_2911 = arith.constant 416 : index
      %get3A_2912 = tpu.vector_load %arg12[%get3A_2910, %get3A_2911] {strides = array<i32>} : memref<16x512xf32, #tpu.memory_space<vmem>>, vector<16xf32>,
      %mul3A_2913 = arith.mulf %gather3A_116, %get3A_2912 : vector<16xf32>
      %add3A_2914 = arith.addf %add3A_2908, %mul3A_2913 : vector<16xf32>
      %get3A_2915 = arith.constant 15 : i32
      %get3A_2916 = arith.index_cast %get3A_2915 : i32 to index
      %get3A_2917 = arith.constant 416 : index
      %get3A_2918 = tpu.vector_load %arg12[%get3A_2916, %get3A_2917] {strides = array<i32>} : memref<16x512xf32, #tpu.memory_space<vmem>>, vector<16xf32>,
      %mul3A_2919 = arith.mulf %gather3A_122, %get3A_2918 : vector<16xf32>
      %add3A_2920 = arith.addf %add3A_2914, %mul3A_2919 : vector<16xf32>
      %get3A_2921 = arith.index_cast %scan3A_18 : i32 to index
      %get3A_2922 = arith.constant 416 : index
      %get3A_2923 = tpu.vector_load %arg10[%get3A_2921, %get3A_2922] {strides = array<i32>} : memref<32x512xf32, #tpu.memory_space<vmem>>, vector<16xf32>,
      %mul3A_2924 = arith.mulf %div3A_10, %get3A_2923 : vector<16xf32>
      %mul3A_2925 = arith.mulf %sub3A_12, %add3A_2920 : vector<16xf32>
      %add3A_2926 = arith.addf %mul3A_2924, %mul3A_2925 : vector<16xf32>
      %swap3A_2927 = arith.index_cast %scan3A_18 : i32 to index
      %swap3A_2928 = arith.constant 416 : index
      %swap3A_2929 = tpu.vector_load %arg11[%swap3A_2927, %swap3A_2928] {strides = array<i32>} : memref<32x512xf32, #tpu.memory_space<vmem>>, vector<16xf32>,
      tpu.vector_store %arg11[%swap3A_2927, %swap3A_2928], %add3A_2926 {strides = array<i32>} : memref<32x512xf32, #tpu.memory_space<vmem>>, vector<16xf32>,
      %get3A_2930 = arith.constant 0 : i32
      %get3A_2931 = arith.index_cast %get3A_2930 : i32 to index
      %get3A_2932 = arith.constant 432 : index
      %get3A_2933 = tpu.vector_load %arg12[%get3A_2931, %get3A_2932] {strides = array<i32>} : memref<16x512xf32, #tpu.memory_space<vmem>>, vector<16xf32>,
      %mul3A_2934 = arith.mulf %gather3A_32, %get3A_2933 : vector<16xf32>
      %get3A_2935 = arith.constant 1 : i32
      %get3A_2936 = arith.index_cast %get3A_2935 : i32 to index
      %get3A_2937 = arith.constant 432 : index
      %get3A_2938 = tpu.vector_load %arg12[%get3A_2936, %get3A_2937] {strides = array<i32>} : memref<16x512xf32, #tpu.memory_space<vmem>>, vector<16xf32>,
      %mul3A_2939 = arith.mulf %gather3A_38, %get3A_2938 : vector<16xf32>
      %add3A_2940 = arith.addf %mul3A_2934, %mul3A_2939 : vector<16xf32>
      %get3A_2941 = arith.constant 2 : i32
      %get3A_2942 = arith.index_cast %get3A_2941 : i32 to index
      %get3A_2943 = arith.constant 432 : index
      %get3A_2944 = tpu.vector_load %arg12[%get3A_2942, %get3A_2943] {strides = array<i32>} : memref<16x512xf32, #tpu.memory_space<vmem>>, vector<16xf32>,
      %mul3A_2945 = arith.mulf %gather3A_44, %get3A_2944 : vector<16xf32>
      %add3A_2946 = arith.addf %add3A_2940, %mul3A_2945 : vector<16xf32>
      %get3A_2947 = arith.constant 3 : i32
      %get3A_2948 = arith.index_cast %get3A_2947 : i32 to index
      %get3A_2949 = arith.constant 432 : index
      %get3A_2950 = tpu.vector_load %arg12[%get3A_2948, %get3A_2949] {strides = array<i32>} : memref<16x512xf32, #tpu.memory_space<vmem>>, vector<16xf32>,
      %mul3A_2951 = arith.mulf %gather3A_50, %get3A_2950 : vector<16xf32>
      %add3A_2952 = arith.addf %add3A_2946, %mul3A_2951 : vector<16xf32>
      %get3A_2953 = arith.constant 4 : i32
      %get3A_2954 = arith.index_cast %get3A_2953 : i32 to index
      %get3A_2955 = arith.constant 432 : index
      %get3A_2956 = tpu.vector_load %arg12[%get3A_2954, %get3A_2955] {strides = array<i32>} : memref<16x512xf32, #tpu.memory_space<vmem>>, vector<16xf32>,
      %mul3A_2957 = arith.mulf %gather3A_56, %get3A_2956 : vector<16xf32>
      %add3A_2958 = arith.addf %add3A_2952, %mul3A_2957 : vector<16xf32>
      %get3A_2959 = arith.constant 5 : i32
      %get3A_2960 = arith.index_cast %get3A_2959 : i32 to index
      %get3A_2961 = arith.constant 432 : index
      %get3A_2962 = tpu.vector_load %arg12[%get3A_2960, %get3A_2961] {strides = array<i32>} : memref<16x512xf32, #tpu.memory_space<vmem>>, vector<16xf32>,
      %mul3A_2963 = arith.mulf %gather3A_62, %get3A_2962 : vector<16xf32>
      %add3A_2964 = arith.addf %add3A_2958, %mul3A_2963 : vector<16xf32>
      %get3A_2965 = arith.constant 6 : i32
      %get3A_2966 = arith.index_cast %get3A_2965 : i32 to index
      %get3A_2967 = arith.constant 432 : index
      %get3A_2968 = tpu.vector_load %arg12[%get3A_2966, %get3A_2967] {strides = array<i32>} : memref<16x512xf32, #tpu.memory_space<vmem>>, vector<16xf32>,
      %mul3A_2969 = arith.mulf %gather3A_68, %get3A_2968 : vector<16xf32>
      %add3A_2970 = arith.addf %add3A_2964, %mul3A_2969 : vector<16xf32>
      %get3A_2971 = arith.constant 7 : i32
      %get3A_2972 = arith.index_cast %get3A_2971 : i32 to index
      %get3A_2973 = arith.constant 432 : index
      %get3A_2974 = tpu.vector_load %arg12[%get3A_2972, %get3A_2973] {strides = array<i32>} : memref<16x512xf32, #tpu.memory_space<vmem>>, vector<16xf32>,
      %mul3A_2975 = arith.mulf %gather3A_74, %get3A_2974 : vector<16xf32>
      %add3A_2976 = arith.addf %add3A_2970, %mul3A_2975 : vector<16xf32>
      %get3A_2977 = arith.constant 8 : i32
      %get3A_2978 = arith.index_cast %get3A_2977 : i32 to index
      %get3A_2979 = arith.constant 432 : index
      %get3A_2980 = tpu.vector_load %arg12[%get3A_2978, %get3A_2979] {strides = array<i32>} : memref<16x512xf32, #tpu.memory_space<vmem>>, vector<16xf32>,
      %mul3A_2981 = arith.mulf %gather3A_80, %get3A_2980 : vector<16xf32>
      %add3A_2982 = arith.addf %add3A_2976, %mul3A_2981 : vector<16xf32>
      %get3A_2983 = arith.constant 9 : i32
      %get3A_2984 = arith.index_cast %get3A_2983 : i32 to index
      %get3A_2985 = arith.constant 432 : index
      %get3A_2986 = tpu.vector_load %arg12[%get3A_2984, %get3A_2985] {strides = array<i32>} : memref<16x512xf32, #tpu.memory_space<vmem>>, vector<16xf32>,
      %mul3A_2987 = arith.mulf %gather3A_86, %get3A_2986 : vector<16xf32>
      %add3A_2988 = arith.addf %add3A_2982, %mul3A_2987 : vector<16xf32>
      %get3A_2989 = arith.constant 10 : i32
      %get3A_2990 = arith.index_cast %get3A_2989 : i32 to index
      %get3A_2991 = arith.constant 432 : index
      %get3A_2992 = tpu.vector_load %arg12[%get3A_2990, %get3A_2991] {strides = array<i32>} : memref<16x512xf32, #tpu.memory_space<vmem>>, vector<16xf32>,
      %mul3A_2993 = arith.mulf %gather3A_92, %get3A_2992 : vector<16xf32>
      %add3A_2994 = arith.addf %add3A_2988, %mul3A_2993 : vector<16xf32>
      %get3A_2995 = arith.constant 11 : i32
      %get3A_2996 = arith.index_cast %get3A_2995 : i32 to index
      %get3A_2997 = arith.constant 432 : index
      %get3A_2998 = tpu.vector_load %arg12[%get3A_2996, %get3A_2997] {strides = array<i32>} : memref<16x512xf32, #tpu.memory_space<vmem>>, vector<16xf32>,
      %mul3A_2999 = arith.mulf %gather3A_98, %get3A_2998 : vector<16xf32>
      %add3A_3000 = arith.addf %add3A_2994, %mul3A_2999 : vector<16xf32>
      %get3A_3001 = arith.constant 12 : i32
      %get3A_3002 = arith.index_cast %get3A_3001 : i32 to index
      %get3A_3003 = arith.constant 432 : index
      %get3A_3004 = tpu.vector_load %arg12[%get3A_3002, %get3A_3003] {strides = array<i32>} : memref<16x512xf32, #tpu.memory_space<vmem>>, vector<16xf32>,
      %mul3A_3005 = arith.mulf %gather3A_104, %get3A_3004 : vector<16xf32>
      %add3A_3006 = arith.addf %add3A_3000, %mul3A_3005 : vector<16xf32>
      %get3A_3007 = arith.constant 13 : i32
      %get3A_3008 = arith.index_cast %get3A_3007 : i32 to index
      %get3A_3009 = arith.constant 432 : index
      %get3A_3010 = tpu.vector_load %arg12[%get3A_3008, %get3A_3009] {strides = array<i32>} : memref<16x512xf32, #tpu.memory_space<vmem>>, vector<16xf32>,
      %mul3A_3011 = arith.mulf %gather3A_110, %get3A_3010 : vector<16xf32>
      %add3A_3012 = arith.addf %add3A_3006, %mul3A_3011 : vector<16xf32>
      %get3A_3013 = arith.constant 14 : i32
      %get3A_3014 = arith.index_cast %get3A_3013 : i32 to index
      %get3A_3015 = arith.constant 432 : index
      %get3A_3016 = tpu.vector_load %arg12[%get3A_3014, %get3A_3015] {strides = array<i32>} : memref<16x512xf32, #tpu.memory_space<vmem>>, vector<16xf32>,
      %mul3A_3017 = arith.mulf %gather3A_116, %get3A_3016 : vector<16xf32>
      %add3A_3018 = arith.addf %add3A_3012, %mul3A_3017 : vector<16xf32>
      %get3A_3019 = arith.constant 15 : i32
      %get3A_3020 = arith.index_cast %get3A_3019 : i32 to index
      %get3A_3021 = arith.constant 432 : index
      %get3A_3022 = tpu.vector_load %arg12[%get3A_3020, %get3A_3021] {strides = array<i32>} : memref<16x512xf32, #tpu.memory_space<vmem>>, vector<16xf32>,
      %mul3A_3023 = arith.mulf %gather3A_122, %get3A_3022 : vector<16xf32>
      %add3A_3024 = arith.addf %add3A_3018, %mul3A_3023 : vector<16xf32>
      %get3A_3025 = arith.index_cast %scan3A_18 : i32 to index
      %get3A_3026 = arith.constant 432 : index
      %get3A_3027 = tpu.vector_load %arg10[%get3A_3025, %get3A_3026] {strides = array<i32>} : memref<32x512xf32, #tpu.memory_space<vmem>>, vector<16xf32>,
      %mul3A_3028 = arith.mulf %div3A_10, %get3A_3027 : vector<16xf32>
      %mul3A_3029 = arith.mulf %sub3A_12, %add3A_3024 : vector<16xf32>
      %add3A_3030 = arith.addf %mul3A_3028, %mul3A_3029 : vector<16xf32>
      %swap3A_3031 = arith.index_cast %scan3A_18 : i32 to index
      %swap3A_3032 = arith.constant 432 : index
      %swap3A_3033 = tpu.vector_load %arg11[%swap3A_3031, %swap3A_3032] {strides = array<i32>} : memref<32x512xf32, #tpu.memory_space<vmem>>, vector<16xf32>,
      tpu.vector_store %arg11[%swap3A_3031, %swap3A_3032], %add3A_3030 {strides = array<i32>} : memref<32x512xf32, #tpu.memory_space<vmem>>, vector<16xf32>,
      %get3A_3034 = arith.constant 0 : i32
      %get3A_3035 = arith.index_cast %get3A_3034 : i32 to index
      %get3A_3036 = arith.constant 448 : index
      %get3A_3037 = tpu.vector_load %arg12[%get3A_3035, %get3A_3036] {strides = array<i32>} : memref<16x512xf32, #tpu.memory_space<vmem>>, vector<16xf32>,
      %mul3A_3038 = arith.mulf %gather3A_32, %get3A_3037 : vector<16xf32>
      %get3A_3039 = arith.constant 1 : i32
      %get3A_3040 = arith.index_cast %get3A_3039 : i32 to index
      %get3A_3041 = arith.constant 448 : index
      %get3A_3042 = tpu.vector_load %arg12[%get3A_3040, %get3A_3041] {strides = array<i32>} : memref<16x512xf32, #tpu.memory_space<vmem>>, vector<16xf32>,
      %mul3A_3043 = arith.mulf %gather3A_38, %get3A_3042 : vector<16xf32>
      %add3A_3044 = arith.addf %mul3A_3038, %mul3A_3043 : vector<16xf32>
      %get3A_3045 = arith.constant 2 : i32
      %get3A_3046 = arith.index_cast %get3A_3045 : i32 to index
      %get3A_3047 = arith.constant 448 : index
      %get3A_3048 = tpu.vector_load %arg12[%get3A_3046, %get3A_3047] {strides = array<i32>} : memref<16x512xf32, #tpu.memory_space<vmem>>, vector<16xf32>,
      %mul3A_3049 = arith.mulf %gather3A_44, %get3A_3048 : vector<16xf32>
      %add3A_3050 = arith.addf %add3A_3044, %mul3A_3049 : vector<16xf32>
      %get3A_3051 = arith.constant 3 : i32
      %get3A_3052 = arith.index_cast %get3A_3051 : i32 to index
      %get3A_3053 = arith.constant 448 : index
      %get3A_3054 = tpu.vector_load %arg12[%get3A_3052, %get3A_3053] {strides = array<i32>} : memref<16x512xf32, #tpu.memory_space<vmem>>, vector<16xf32>,
      %mul3A_3055 = arith.mulf %gather3A_50, %get3A_3054 : vector<16xf32>
      %add3A_3056 = arith.addf %add3A_3050, %mul3A_3055 : vector<16xf32>
      %get3A_3057 = arith.constant 4 : i32
      %get3A_3058 = arith.index_cast %get3A_3057 : i32 to index
      %get3A_3059 = arith.constant 448 : index
      %get3A_3060 = tpu.vector_load %arg12[%get3A_3058, %get3A_3059] {strides = array<i32>} : memref<16x512xf32, #tpu.memory_space<vmem>>, vector<16xf32>,
      %mul3A_3061 = arith.mulf %gather3A_56, %get3A_3060 : vector<16xf32>
      %add3A_3062 = arith.addf %add3A_3056, %mul3A_3061 : vector<16xf32>
      %get3A_3063 = arith.constant 5 : i32
      %get3A_3064 = arith.index_cast %get3A_3063 : i32 to index
      %get3A_3065 = arith.constant 448 : index
      %get3A_3066 = tpu.vector_load %arg12[%get3A_3064, %get3A_3065] {strides = array<i32>} : memref<16x512xf32, #tpu.memory_space<vmem>>, vector<16xf32>,
      %mul3A_3067 = arith.mulf %gather3A_62, %get3A_3066 : vector<16xf32>
      %add3A_3068 = arith.addf %add3A_3062, %mul3A_3067 : vector<16xf32>
      %get3A_3069 = arith.constant 6 : i32
      %get3A_3070 = arith.index_cast %get3A_3069 : i32 to index
      %get3A_3071 = arith.constant 448 : index
      %get3A_3072 = tpu.vector_load %arg12[%get3A_3070, %get3A_3071] {strides = array<i32>} : memref<16x512xf32, #tpu.memory_space<vmem>>, vector<16xf32>,
      %mul3A_3073 = arith.mulf %gather3A_68, %get3A_3072 : vector<16xf32>
      %add3A_3074 = arith.addf %add3A_3068, %mul3A_3073 : vector<16xf32>
      %get3A_3075 = arith.constant 7 : i32
      %get3A_3076 = arith.index_cast %get3A_3075 : i32 to index
      %get3A_3077 = arith.constant 448 : index
      %get3A_3078 = tpu.vector_load %arg12[%get3A_3076, %get3A_3077] {strides = array<i32>} : memref<16x512xf32, #tpu.memory_space<vmem>>, vector<16xf32>,
      %mul3A_3079 = arith.mulf %gather3A_74, %get3A_3078 : vector<16xf32>
      %add3A_3080 = arith.addf %add3A_3074, %mul3A_3079 : vector<16xf32>
      %get3A_3081 = arith.constant 8 : i32
      %get3A_3082 = arith.index_cast %get3A_3081 : i32 to index
      %get3A_3083 = arith.constant 448 : index
      %get3A_3084 = tpu.vector_load %arg12[%get3A_3082, %get3A_3083] {strides = array<i32>} : memref<16x512xf32, #tpu.memory_space<vmem>>, vector<16xf32>,
      %mul3A_3085 = arith.mulf %gather3A_80, %get3A_3084 : vector<16xf32>
      %add3A_3086 = arith.addf %add3A_3080, %mul3A_3085 : vector<16xf32>
      %get3A_3087 = arith.constant 9 : i32
      %get3A_3088 = arith.index_cast %get3A_3087 : i32 to index
      %get3A_3089 = arith.constant 448 : index
      %get3A_3090 = tpu.vector_load %arg12[%get3A_3088, %get3A_3089] {strides = array<i32>} : memref<16x512xf32, #tpu.memory_space<vmem>>, vector<16xf32>,
      %mul3A_3091 = arith.mulf %gather3A_86, %get3A_3090 : vector<16xf32>
      %add3A_3092 = arith.addf %add3A_3086, %mul3A_3091 : vector<16xf32>
      %get3A_3093 = arith.constant 10 : i32
      %get3A_3094 = arith.index_cast %get3A_3093 : i32 to index
      %get3A_3095 = arith.constant 448 : index
      %get3A_3096 = tpu.vector_load %arg12[%get3A_3094, %get3A_3095] {strides = array<i32>} : memref<16x512xf32, #tpu.memory_space<vmem>>, vector<16xf32>,
      %mul3A_3097 = arith.mulf %gather3A_92, %get3A_3096 : vector<16xf32>
      %add3A_3098 = arith.addf %add3A_3092, %mul3A_3097 : vector<16xf32>
      %get3A_3099 = arith.constant 11 : i32
      %get3A_3100 = arith.index_cast %get3A_3099 : i32 to index
      %get3A_3101 = arith.constant 448 : index
      %get3A_3102 = tpu.vector_load %arg12[%get3A_3100, %get3A_3101] {strides = array<i32>} : memref<16x512xf32, #tpu.memory_space<vmem>>, vector<16xf32>,
      %mul3A_3103 = arith.mulf %gather3A_98, %get3A_3102 : vector<16xf32>
      %add3A_3104 = arith.addf %add3A_3098, %mul3A_3103 : vector<16xf32>
      %get3A_3105 = arith.constant 12 : i32
      %get3A_3106 = arith.index_cast %get3A_3105 : i32 to index
      %get3A_3107 = arith.constant 448 : index
      %get3A_3108 = tpu.vector_load %arg12[%get3A_3106, %get3A_3107] {strides = array<i32>} : memref<16x512xf32, #tpu.memory_space<vmem>>, vector<16xf32>,
      %mul3A_3109 = arith.mulf %gather3A_104, %get3A_3108 : vector<16xf32>
      %add3A_3110 = arith.addf %add3A_3104, %mul3A_3109 : vector<16xf32>
      %get3A_3111 = arith.constant 13 : i32
      %get3A_3112 = arith.index_cast %get3A_3111 : i32 to index
      %get3A_3113 = arith.constant 448 : index
      %get3A_3114 = tpu.vector_load %arg12[%get3A_3112, %get3A_3113] {strides = array<i32>} : memref<16x512xf32, #tpu.memory_space<vmem>>, vector<16xf32>,
      %mul3A_3115 = arith.mulf %gather3A_110, %get3A_3114 : vector<16xf32>
      %add3A_3116 = arith.addf %add3A_3110, %mul3A_3115 : vector<16xf32>
      %get3A_3117 = arith.constant 14 : i32
      %get3A_3118 = arith.index_cast %get3A_3117 : i32 to index
      %get3A_3119 = arith.constant 448 : index
      %get3A_3120 = tpu.vector_load %arg12[%get3A_3118, %get3A_3119] {strides = array<i32>} : memref<16x512xf32, #tpu.memory_space<vmem>>, vector<16xf32>,
      %mul3A_3121 = arith.mulf %gather3A_116, %get3A_3120 : vector<16xf32>
      %add3A_3122 = arith.addf %add3A_3116, %mul3A_3121 : vector<16xf32>
      %get3A_3123 = arith.constant 15 : i32
      %get3A_3124 = arith.index_cast %get3A_3123 : i32 to index
      %get3A_3125 = arith.constant 448 : index
      %get3A_3126 = tpu.vector_load %arg12[%get3A_3124, %get3A_3125] {strides = array<i32>} : memref<16x512xf32, #tpu.memory_space<vmem>>, vector<16xf32>,
      %mul3A_3127 = arith.mulf %gather3A_122, %get3A_3126 : vector<16xf32>
      %add3A_3128 = arith.addf %add3A_3122, %mul3A_3127 : vector<16xf32>
      %get3A_3129 = arith.index_cast %scan3A_18 : i32 to index
      %get3A_3130 = arith.constant 448 : index
      %get3A_3131 = tpu.vector_load %arg10[%get3A_3129, %get3A_3130] {strides = array<i32>} : memref<32x512xf32, #tpu.memory_space<vmem>>, vector<16xf32>,
      %mul3A_3132 = arith.mulf %div3A_10, %get3A_3131 : vector<16xf32>
      %mul3A_3133 = arith.mulf %sub3A_12, %add3A_3128 : vector<16xf32>
      %add3A_3134 = arith.addf %mul3A_3132, %mul3A_3133 : vector<16xf32>
      %swap3A_3135 = arith.index_cast %scan3A_18 : i32 to index
      %swap3A_3136 = arith.constant 448 : index
      %swap3A_3137 = tpu.vector_load %arg11[%swap3A_3135, %swap3A_3136] {strides = array<i32>} : memref<32x512xf32, #tpu.memory_space<vmem>>, vector<16xf32>,
      tpu.vector_store %arg11[%swap3A_3135, %swap3A_3136], %add3A_3134 {strides = array<i32>} : memref<32x512xf32, #tpu.memory_space<vmem>>, vector<16xf32>,
      %get3A_3138 = arith.constant 0 : i32
      %get3A_3139 = arith.index_cast %get3A_3138 : i32 to index
      %get3A_3140 = arith.constant 464 : index
      %get3A_3141 = tpu.vector_load %arg12[%get3A_3139, %get3A_3140] {strides = array<i32>} : memref<16x512xf32, #tpu.memory_space<vmem>>, vector<16xf32>,
      %mul3A_3142 = arith.mulf %gather3A_32, %get3A_3141 : vector<16xf32>
      %get3A_3143 = arith.constant 1 : i32
      %get3A_3144 = arith.index_cast %get3A_3143 : i32 to index
      %get3A_3145 = arith.constant 464 : index
      %get3A_3146 = tpu.vector_load %arg12[%get3A_3144, %get3A_3145] {strides = array<i32>} : memref<16x512xf32, #tpu.memory_space<vmem>>, vector<16xf32>,
      %mul3A_3147 = arith.mulf %gather3A_38, %get3A_3146 : vector<16xf32>
      %add3A_3148 = arith.addf %mul3A_3142, %mul3A_3147 : vector<16xf32>
      %get3A_3149 = arith.constant 2 : i32
      %get3A_3150 = arith.index_cast %get3A_3149 : i32 to index
      %get3A_3151 = arith.constant 464 : index
      %get3A_3152 = tpu.vector_load %arg12[%get3A_3150, %get3A_3151] {strides = array<i32>} : memref<16x512xf32, #tpu.memory_space<vmem>>, vector<16xf32>,
      %mul3A_3153 = arith.mulf %gather3A_44, %get3A_3152 : vector<16xf32>
      %add3A_3154 = arith.addf %add3A_3148, %mul3A_3153 : vector<16xf32>
      %get3A_3155 = arith.constant 3 : i32
      %get3A_3156 = arith.index_cast %get3A_3155 : i32 to index
      %get3A_3157 = arith.constant 464 : index
      %get3A_3158 = tpu.vector_load %arg12[%get3A_3156, %get3A_3157] {strides = array<i32>} : memref<16x512xf32, #tpu.memory_space<vmem>>, vector<16xf32>,
      %mul3A_3159 = arith.mulf %gather3A_50, %get3A_3158 : vector<16xf32>
      %add3A_3160 = arith.addf %add3A_3154, %mul3A_3159 : vector<16xf32>
      %get3A_3161 = arith.constant 4 : i32
      %get3A_3162 = arith.index_cast %get3A_3161 : i32 to index
      %get3A_3163 = arith.constant 464 : index
      %get3A_3164 = tpu.vector_load %arg12[%get3A_3162, %get3A_3163] {strides = array<i32>} : memref<16x512xf32, #tpu.memory_space<vmem>>, vector<16xf32>,
      %mul3A_3165 = arith.mulf %gather3A_56, %get3A_3164 : vector<16xf32>
      %add3A_3166 = arith.addf %add3A_3160, %mul3A_3165 : vector<16xf32>
      %get3A_3167 = arith.constant 5 : i32
      %get3A_3168 = arith.index_cast %get3A_3167 : i32 to index
      %get3A_3169 = arith.constant 464 : index
      %get3A_3170 = tpu.vector_load %arg12[%get3A_3168, %get3A_3169] {strides = array<i32>} : memref<16x512xf32, #tpu.memory_space<vmem>>, vector<16xf32>,
      %mul3A_3171 = arith.mulf %gather3A_62, %get3A_3170 : vector<16xf32>
      %add3A_3172 = arith.addf %add3A_3166, %mul3A_3171 : vector<16xf32>
      %get3A_3173 = arith.constant 6 : i32
      %get3A_3174 = arith.index_cast %get3A_3173 : i32 to index
      %get3A_3175 = arith.constant 464 : index
      %get3A_3176 = tpu.vector_load %arg12[%get3A_3174, %get3A_3175] {strides = array<i32>} : memref<16x512xf32, #tpu.memory_space<vmem>>, vector<16xf32>,
      %mul3A_3177 = arith.mulf %gather3A_68, %get3A_3176 : vector<16xf32>
      %add3A_3178 = arith.addf %add3A_3172, %mul3A_3177 : vector<16xf32>
      %get3A_3179 = arith.constant 7 : i32
      %get3A_3180 = arith.index_cast %get3A_3179 : i32 to index
      %get3A_3181 = arith.constant 464 : index
      %get3A_3182 = tpu.vector_load %arg12[%get3A_3180, %get3A_3181] {strides = array<i32>} : memref<16x512xf32, #tpu.memory_space<vmem>>, vector<16xf32>,
      %mul3A_3183 = arith.mulf %gather3A_74, %get3A_3182 : vector<16xf32>
      %add3A_3184 = arith.addf %add3A_3178, %mul3A_3183 : vector<16xf32>
      %get3A_3185 = arith.constant 8 : i32
      %get3A_3186 = arith.index_cast %get3A_3185 : i32 to index
      %get3A_3187 = arith.constant 464 : index
      %get3A_3188 = tpu.vector_load %arg12[%get3A_3186, %get3A_3187] {strides = array<i32>} : memref<16x512xf32, #tpu.memory_space<vmem>>, vector<16xf32>,
      %mul3A_3189 = arith.mulf %gather3A_80, %get3A_3188 : vector<16xf32>
      %add3A_3190 = arith.addf %add3A_3184, %mul3A_3189 : vector<16xf32>
      %get3A_3191 = arith.constant 9 : i32
      %get3A_3192 = arith.index_cast %get3A_3191 : i32 to index
      %get3A_3193 = arith.constant 464 : index
      %get3A_3194 = tpu.vector_load %arg12[%get3A_3192, %get3A_3193] {strides = array<i32>} : memref<16x512xf32, #tpu.memory_space<vmem>>, vector<16xf32>,
      %mul3A_3195 = arith.mulf %gather3A_86, %get3A_3194 : vector<16xf32>
      %add3A_3196 = arith.addf %add3A_3190, %mul3A_3195 : vector<16xf32>
      %get3A_3197 = arith.constant 10 : i32
      %get3A_3198 = arith.index_cast %get3A_3197 : i32 to index
      %get3A_3199 = arith.constant 464 : index
      %get3A_3200 = tpu.vector_load %arg12[%get3A_3198, %get3A_3199] {strides = array<i32>} : memref<16x512xf32, #tpu.memory_space<vmem>>, vector<16xf32>,
      %mul3A_3201 = arith.mulf %gather3A_92, %get3A_3200 : vector<16xf32>
      %add3A_3202 = arith.addf %add3A_3196, %mul3A_3201 : vector<16xf32>
      %get3A_3203 = arith.constant 11 : i32
      %get3A_3204 = arith.index_cast %get3A_3203 : i32 to index
      %get3A_3205 = arith.constant 464 : index
      %get3A_3206 = tpu.vector_load %arg12[%get3A_3204, %get3A_3205] {strides = array<i32>} : memref<16x512xf32, #tpu.memory_space<vmem>>, vector<16xf32>,
      %mul3A_3207 = arith.mulf %gather3A_98, %get3A_3206 : vector<16xf32>
      %add3A_3208 = arith.addf %add3A_3202, %mul3A_3207 : vector<16xf32>
      %get3A_3209 = arith.constant 12 : i32
      %get3A_3210 = arith.index_cast %get3A_3209 : i32 to index
      %get3A_3211 = arith.constant 464 : index
      %get3A_3212 = tpu.vector_load %arg12[%get3A_3210, %get3A_3211] {strides = array<i32>} : memref<16x512xf32, #tpu.memory_space<vmem>>, vector<16xf32>,
      %mul3A_3213 = arith.mulf %gather3A_104, %get3A_3212 : vector<16xf32>
      %add3A_3214 = arith.addf %add3A_3208, %mul3A_3213 : vector<16xf32>
      %get3A_3215 = arith.constant 13 : i32
      %get3A_3216 = arith.index_cast %get3A_3215 : i32 to index
      %get3A_3217 = arith.constant 464 : index
      %get3A_3218 = tpu.vector_load %arg12[%get3A_3216, %get3A_3217] {strides = array<i32>} : memref<16x512xf32, #tpu.memory_space<vmem>>, vector<16xf32>,
      %mul3A_3219 = arith.mulf %gather3A_110, %get3A_3218 : vector<16xf32>
      %add3A_3220 = arith.addf %add3A_3214, %mul3A_3219 : vector<16xf32>
      %get3A_3221 = arith.constant 14 : i32
      %get3A_3222 = arith.index_cast %get3A_3221 : i32 to index
      %get3A_3223 = arith.constant 464 : index
      %get3A_3224 = tpu.vector_load %arg12[%get3A_3222, %get3A_3223] {strides = array<i32>} : memref<16x512xf32, #tpu.memory_space<vmem>>, vector<16xf32>,
      %mul3A_3225 = arith.mulf %gather3A_116, %get3A_3224 : vector<16xf32>
      %add3A_3226 = arith.addf %add3A_3220, %mul3A_3225 : vector<16xf32>
      %get3A_3227 = arith.constant 15 : i32
      %get3A_3228 = arith.index_cast %get3A_3227 : i32 to index
      %get3A_3229 = arith.constant 464 : index
      %get3A_3230 = tpu.vector_load %arg12[%get3A_3228, %get3A_3229] {strides = array<i32>} : memref<16x512xf32, #tpu.memory_space<vmem>>, vector<16xf32>,
      %mul3A_3231 = arith.mulf %gather3A_122, %get3A_3230 : vector<16xf32>
      %add3A_3232 = arith.addf %add3A_3226, %mul3A_3231 : vector<16xf32>
      %get3A_3233 = arith.index_cast %scan3A_18 : i32 to index
      %get3A_3234 = arith.constant 464 : index
      %get3A_3235 = tpu.vector_load %arg10[%get3A_3233, %get3A_3234] {strides = array<i32>} : memref<32x512xf32, #tpu.memory_space<vmem>>, vector<16xf32>,
      %mul3A_3236 = arith.mulf %div3A_10, %get3A_3235 : vector<16xf32>
      %mul3A_3237 = arith.mulf %sub3A_12, %add3A_3232 : vector<16xf32>
      %add3A_3238 = arith.addf %mul3A_3236, %mul3A_3237 : vector<16xf32>
      %swap3A_3239 = arith.index_cast %scan3A_18 : i32 to index
      %swap3A_3240 = arith.constant 464 : index
      %swap3A_3241 = tpu.vector_load %arg11[%swap3A_3239, %swap3A_3240] {strides = array<i32>} : memref<32x512xf32, #tpu.memory_space<vmem>>, vector<16xf32>,
      tpu.vector_store %arg11[%swap3A_3239, %swap3A_3240], %add3A_3238 {strides = array<i32>} : memref<32x512xf32, #tpu.memory_space<vmem>>, vector<16xf32>,
      %get3A_3242 = arith.constant 0 : i32
      %get3A_3243 = arith.index_cast %get3A_3242 : i32 to index
      %get3A_3244 = arith.constant 480 : index
      %get3A_3245 = tpu.vector_load %arg12[%get3A_3243, %get3A_3244] {strides = array<i32>} : memref<16x512xf32, #tpu.memory_space<vmem>>, vector<16xf32>,
      %mul3A_3246 = arith.mulf %gather3A_32, %get3A_3245 : vector<16xf32>
      %get3A_3247 = arith.constant 1 : i32
      %get3A_3248 = arith.index_cast %get3A_3247 : i32 to index
      %get3A_3249 = arith.constant 480 : index
      %get3A_3250 = tpu.vector_load %arg12[%get3A_3248, %get3A_3249] {strides = array<i32>} : memref<16x512xf32, #tpu.memory_space<vmem>>, vector<16xf32>,
      %mul3A_3251 = arith.mulf %gather3A_38, %get3A_3250 : vector<16xf32>
      %add3A_3252 = arith.addf %mul3A_3246, %mul3A_3251 : vector<16xf32>
      %get3A_3253 = arith.constant 2 : i32
      %get3A_3254 = arith.index_cast %get3A_3253 : i32 to index
      %get3A_3255 = arith.constant 480 : index
      %get3A_3256 = tpu.vector_load %arg12[%get3A_3254, %get3A_3255] {strides = array<i32>} : memref<16x512xf32, #tpu.memory_space<vmem>>, vector<16xf32>,
      %mul3A_3257 = arith.mulf %gather3A_44, %get3A_3256 : vector<16xf32>
      %add3A_3258 = arith.addf %add3A_3252, %mul3A_3257 : vector<16xf32>
      %get3A_3259 = arith.constant 3 : i32
      %get3A_3260 = arith.index_cast %get3A_3259 : i32 to index
      %get3A_3261 = arith.constant 480 : index
      %get3A_3262 = tpu.vector_load %arg12[%get3A_3260, %get3A_3261] {strides = array<i32>} : memref<16x512xf32, #tpu.memory_space<vmem>>, vector<16xf32>,
      %mul3A_3263 = arith.mulf %gather3A_50, %get3A_3262 : vector<16xf32>
      %add3A_3264 = arith.addf %add3A_3258, %mul3A_3263 : vector<16xf32>
      %get3A_3265 = arith.constant 4 : i32
      %get3A_3266 = arith.index_cast %get3A_3265 : i32 to index
      %get3A_3267 = arith.constant 480 : index
      %get3A_3268 = tpu.vector_load %arg12[%get3A_3266, %get3A_3267] {strides = array<i32>} : memref<16x512xf32, #tpu.memory_space<vmem>>, vector<16xf32>,
      %mul3A_3269 = arith.mulf %gather3A_56, %get3A_3268 : vector<16xf32>
      %add3A_3270 = arith.addf %add3A_3264, %mul3A_3269 : vector<16xf32>
      %get3A_3271 = arith.constant 5 : i32
      %get3A_3272 = arith.index_cast %get3A_3271 : i32 to index
      %get3A_3273 = arith.constant 480 : index
      %get3A_3274 = tpu.vector_load %arg12[%get3A_3272, %get3A_3273] {strides = array<i32>} : memref<16x512xf32, #tpu.memory_space<vmem>>, vector<16xf32>,
      %mul3A_3275 = arith.mulf %gather3A_62, %get3A_3274 : vector<16xf32>
      %add3A_3276 = arith.addf %add3A_3270, %mul3A_3275 : vector<16xf32>
      %get3A_3277 = arith.constant 6 : i32
      %get3A_3278 = arith.index_cast %get3A_3277 : i32 to index
      %get3A_3279 = arith.constant 480 : index
      %get3A_3280 = tpu.vector_load %arg12[%get3A_3278, %get3A_3279] {strides = array<i32>} : memref<16x512xf32, #tpu.memory_space<vmem>>, vector<16xf32>,
      %mul3A_3281 = arith.mulf %gather3A_68, %get3A_3280 : vector<16xf32>
      %add3A_3282 = arith.addf %add3A_3276, %mul3A_3281 : vector<16xf32>
      %get3A_3283 = arith.constant 7 : i32
      %get3A_3284 = arith.index_cast %get3A_3283 : i32 to index
      %get3A_3285 = arith.constant 480 : index
      %get3A_3286 = tpu.vector_load %arg12[%get3A_3284, %get3A_3285] {strides = array<i32>} : memref<16x512xf32, #tpu.memory_space<vmem>>, vector<16xf32>,
      %mul3A_3287 = arith.mulf %gather3A_74, %get3A_3286 : vector<16xf32>
      %add3A_3288 = arith.addf %add3A_3282, %mul3A_3287 : vector<16xf32>
      %get3A_3289 = arith.constant 8 : i32
      %get3A_3290 = arith.index_cast %get3A_3289 : i32 to index
      %get3A_3291 = arith.constant 480 : index
      %get3A_3292 = tpu.vector_load %arg12[%get3A_3290, %get3A_3291] {strides = array<i32>} : memref<16x512xf32, #tpu.memory_space<vmem>>, vector<16xf32>,
      %mul3A_3293 = arith.mulf %gather3A_80, %get3A_3292 : vector<16xf32>
      %add3A_3294 = arith.addf %add3A_3288, %mul3A_3293 : vector<16xf32>
      %get3A_3295 = arith.constant 9 : i32
      %get3A_3296 = arith.index_cast %get3A_3295 : i32 to index
      %get3A_3297 = arith.constant 480 : index
      %get3A_3298 = tpu.vector_load %arg12[%get3A_3296, %get3A_3297] {strides = array<i32>} : memref<16x512xf32, #tpu.memory_space<vmem>>, vector<16xf32>,
      %mul3A_3299 = arith.mulf %gather3A_86, %get3A_3298 : vector<16xf32>
      %add3A_3300 = arith.addf %add3A_3294, %mul3A_3299 : vector<16xf32>
      %get3A_3301 = arith.constant 10 : i32
      %get3A_3302 = arith.index_cast %get3A_3301 : i32 to index
      %get3A_3303 = arith.constant 480 : index
      %get3A_3304 = tpu.vector_load %arg12[%get3A_3302, %get3A_3303] {strides = array<i32>} : memref<16x512xf32, #tpu.memory_space<vmem>>, vector<16xf32>,
      %mul3A_3305 = arith.mulf %gather3A_92, %get3A_3304 : vector<16xf32>
      %add3A_3306 = arith.addf %add3A_3300, %mul3A_3305 : vector<16xf32>
      %get3A_3307 = arith.constant 11 : i32
      %get3A_3308 = arith.index_cast %get3A_3307 : i32 to index
      %get3A_3309 = arith.constant 480 : index
      %get3A_3310 = tpu.vector_load %arg12[%get3A_3308, %get3A_3309] {strides = array<i32>} : memref<16x512xf32, #tpu.memory_space<vmem>>, vector<16xf32>,
      %mul3A_3311 = arith.mulf %gather3A_98, %get3A_3310 : vector<16xf32>
      %add3A_3312 = arith.addf %add3A_3306, %mul3A_3311 : vector<16xf32>
      %get3A_3313 = arith.constant 12 : i32
      %get3A_3314 = arith.index_cast %get3A_3313 : i32 to index
      %get3A_3315 = arith.constant 480 : index
      %get3A_3316 = tpu.vector_load %arg12[%get3A_3314, %get3A_3315] {strides = array<i32>} : memref<16x512xf32, #tpu.memory_space<vmem>>, vector<16xf32>,
      %mul3A_3317 = arith.mulf %gather3A_104, %get3A_3316 : vector<16xf32>
      %add3A_3318 = arith.addf %add3A_3312, %mul3A_3317 : vector<16xf32>
      %get3A_3319 = arith.constant 13 : i32
      %get3A_3320 = arith.index_cast %get3A_3319 : i32 to index
      %get3A_3321 = arith.constant 480 : index
      %get3A_3322 = tpu.vector_load %arg12[%get3A_3320, %get3A_3321] {strides = array<i32>} : memref<16x512xf32, #tpu.memory_space<vmem>>, vector<16xf32>,
      %mul3A_3323 = arith.mulf %gather3A_110, %get3A_3322 : vector<16xf32>
      %add3A_3324 = arith.addf %add3A_3318, %mul3A_3323 : vector<16xf32>
      %get3A_3325 = arith.constant 14 : i32
      %get3A_3326 = arith.index_cast %get3A_3325 : i32 to index
      %get3A_3327 = arith.constant 480 : index
      %get3A_3328 = tpu.vector_load %arg12[%get3A_3326, %get3A_3327] {strides = array<i32>} : memref<16x512xf32, #tpu.memory_space<vmem>>, vector<16xf32>,
      %mul3A_3329 = arith.mulf %gather3A_116, %get3A_3328 : vector<16xf32>
      %add3A_3330 = arith.addf %add3A_3324, %mul3A_3329 : vector<16xf32>
      %get3A_3331 = arith.constant 15 : i32
      %get3A_3332 = arith.index_cast %get3A_3331 : i32 to index
      %get3A_3333 = arith.constant 480 : index
      %get3A_3334 = tpu.vector_load %arg12[%get3A_3332, %get3A_3333] {strides = array<i32>} : memref<16x512xf32, #tpu.memory_space<vmem>>, vector<16xf32>,
      %mul3A_3335 = arith.mulf %gather3A_122, %get3A_3334 : vector<16xf32>
      %add3A_3336 = arith.addf %add3A_3330, %mul3A_3335 : vector<16xf32>
      %get3A_3337 = arith.index_cast %scan3A_18 : i32 to index
      %get3A_3338 = arith.constant 480 : index
      %get3A_3339 = tpu.vector_load %arg10[%get3A_3337, %get3A_3338] {strides = array<i32>} : memref<32x512xf32, #tpu.memory_space<vmem>>, vector<16xf32>,
      %mul3A_3340 = arith.mulf %div3A_10, %get3A_3339 : vector<16xf32>
      %mul3A_3341 = arith.mulf %sub3A_12, %add3A_3336 : vector<16xf32>
      %add3A_3342 = arith.addf %mul3A_3340, %mul3A_3341 : vector<16xf32>
      %swap3A_3343 = arith.index_cast %scan3A_18 : i32 to index
      %swap3A_3344 = arith.constant 480 : index
      %swap3A_3345 = tpu.vector_load %arg11[%swap3A_3343, %swap3A_3344] {strides = array<i32>} : memref<32x512xf32, #tpu.memory_space<vmem>>, vector<16xf32>,
      tpu.vector_store %arg11[%swap3A_3343, %swap3A_3344], %add3A_3342 {strides = array<i32>} : memref<32x512xf32, #tpu.memory_space<vmem>>, vector<16xf32>,
      %get3A_3346 = arith.constant 0 : i32
      %get3A_3347 = arith.index_cast %get3A_3346 : i32 to index
      %get3A_3348 = arith.constant 496 : index
      %get3A_3349 = tpu.vector_load %arg12[%get3A_3347, %get3A_3348] {strides = array<i32>} : memref<16x512xf32, #tpu.memory_space<vmem>>, vector<16xf32>,
      %mul3A_3350 = arith.mulf %gather3A_32, %get3A_3349 : vector<16xf32>
      %get3A_3351 = arith.constant 1 : i32
      %get3A_3352 = arith.index_cast %get3A_3351 : i32 to index
      %get3A_3353 = arith.constant 496 : index
      %get3A_3354 = tpu.vector_load %arg12[%get3A_3352, %get3A_3353] {strides = array<i32>} : memref<16x512xf32, #tpu.memory_space<vmem>>, vector<16xf32>,
      %mul3A_3355 = arith.mulf %gather3A_38, %get3A_3354 : vector<16xf32>
      %add3A_3356 = arith.addf %mul3A_3350, %mul3A_3355 : vector<16xf32>
      %get3A_3357 = arith.constant 2 : i32
      %get3A_3358 = arith.index_cast %get3A_3357 : i32 to index
      %get3A_3359 = arith.constant 496 : index
      %get3A_3360 = tpu.vector_load %arg12[%get3A_3358, %get3A_3359] {strides = array<i32>} : memref<16x512xf32, #tpu.memory_space<vmem>>, vector<16xf32>,
      %mul3A_3361 = arith.mulf %gather3A_44, %get3A_3360 : vector<16xf32>
      %add3A_3362 = arith.addf %add3A_3356, %mul3A_3361 : vector<16xf32>
      %get3A_3363 = arith.constant 3 : i32
      %get3A_3364 = arith.index_cast %get3A_3363 : i32 to index
      %get3A_3365 = arith.constant 496 : index
      %get3A_3366 = tpu.vector_load %arg12[%get3A_3364, %get3A_3365] {strides = array<i32>} : memref<16x512xf32, #tpu.memory_space<vmem>>, vector<16xf32>,
      %mul3A_3367 = arith.mulf %gather3A_50, %get3A_3366 : vector<16xf32>
      %add3A_3368 = arith.addf %add3A_3362, %mul3A_3367 : vector<16xf32>
      %get3A_3369 = arith.constant 4 : i32
      %get3A_3370 = arith.index_cast %get3A_3369 : i32 to index
      %get3A_3371 = arith.constant 496 : index
      %get3A_3372 = tpu.vector_load %arg12[%get3A_3370, %get3A_3371] {strides = array<i32>} : memref<16x512xf32, #tpu.memory_space<vmem>>, vector<16xf32>,
      %mul3A_3373 = arith.mulf %gather3A_56, %get3A_3372 : vector<16xf32>
      %add3A_3374 = arith.addf %add3A_3368, %mul3A_3373 : vector<16xf32>
      %get3A_3375 = arith.constant 5 : i32
      %get3A_3376 = arith.index_cast %get3A_3375 : i32 to index
      %get3A_3377 = arith.constant 496 : index
      %get3A_3378 = tpu.vector_load %arg12[%get3A_3376, %get3A_3377] {strides = array<i32>} : memref<16x512xf32, #tpu.memory_space<vmem>>, vector<16xf32>,
      %mul3A_3379 = arith.mulf %gather3A_62, %get3A_3378 : vector<16xf32>
      %add3A_3380 = arith.addf %add3A_3374, %mul3A_3379 : vector<16xf32>
      %get3A_3381 = arith.constant 6 : i32
      %get3A_3382 = arith.index_cast %get3A_3381 : i32 to index
      %get3A_3383 = arith.constant 496 : index
      %get3A_3384 = tpu.vector_load %arg12[%get3A_3382, %get3A_3383] {strides = array<i32>} : memref<16x512xf32, #tpu.memory_space<vmem>>, vector<16xf32>,
      %mul3A_3385 = arith.mulf %gather3A_68, %get3A_3384 : vector<16xf32>
      %add3A_3386 = arith.addf %add3A_3380, %mul3A_3385 : vector<16xf32>
      %get3A_3387 = arith.constant 7 : i32
      %get3A_3388 = arith.index_cast %get3A_3387 : i32 to index
      %get3A_3389 = arith.constant 496 : index
      %get3A_3390 = tpu.vector_load %arg12[%get3A_3388, %get3A_3389] {strides = array<i32>} : memref<16x512xf32, #tpu.memory_space<vmem>>, vector<16xf32>,
      %mul3A_3391 = arith.mulf %gather3A_74, %get3A_3390 : vector<16xf32>
      %add3A_3392 = arith.addf %add3A_3386, %mul3A_3391 : vector<16xf32>
      %get3A_3393 = arith.constant 8 : i32
      %get3A_3394 = arith.index_cast %get3A_3393 : i32 to index
      %get3A_3395 = arith.constant 496 : index
      %get3A_3396 = tpu.vector_load %arg12[%get3A_3394, %get3A_3395] {strides = array<i32>} : memref<16x512xf32, #tpu.memory_space<vmem>>, vector<16xf32>,
      %mul3A_3397 = arith.mulf %gather3A_80, %get3A_3396 : vector<16xf32>
      %add3A_3398 = arith.addf %add3A_3392, %mul3A_3397 : vector<16xf32>
      %get3A_3399 = arith.constant 9 : i32
      %get3A_3400 = arith.index_cast %get3A_3399 : i32 to index
      %get3A_3401 = arith.constant 496 : index
      %get3A_3402 = tpu.vector_load %arg12[%get3A_3400, %get3A_3401] {strides = array<i32>} : memref<16x512xf32, #tpu.memory_space<vmem>>, vector<16xf32>,
      %mul3A_3403 = arith.mulf %gather3A_86, %get3A_3402 : vector<16xf32>
      %add3A_3404 = arith.addf %add3A_3398, %mul3A_3403 : vector<16xf32>
      %get3A_3405 = arith.constant 10 : i32
      %get3A_3406 = arith.index_cast %get3A_3405 : i32 to index
      %get3A_3407 = arith.constant 496 : index
      %get3A_3408 = tpu.vector_load %arg12[%get3A_3406, %get3A_3407] {strides = array<i32>} : memref<16x512xf32, #tpu.memory_space<vmem>>, vector<16xf32>,
      %mul3A_3409 = arith.mulf %gather3A_92, %get3A_3408 : vector<16xf32>
      %add3A_3410 = arith.addf %add3A_3404, %mul3A_3409 : vector<16xf32>
      %get3A_3411 = arith.constant 11 : i32
      %get3A_3412 = arith.index_cast %get3A_3411 : i32 to index
      %get3A_3413 = arith.constant 496 : index
      %get3A_3414 = tpu.vector_load %arg12[%get3A_3412, %get3A_3413] {strides = array<i32>} : memref<16x512xf32, #tpu.memory_space<vmem>>, vector<16xf32>,
      %mul3A_3415 = arith.mulf %gather3A_98, %get3A_3414 : vector<16xf32>
      %add3A_3416 = arith.addf %add3A_3410, %mul3A_3415 : vector<16xf32>
      %get3A_3417 = arith.constant 12 : i32
      %get3A_3418 = arith.index_cast %get3A_3417 : i32 to index
      %get3A_3419 = arith.constant 496 : index
      %get3A_3420 = tpu.vector_load %arg12[%get3A_3418, %get3A_3419] {strides = array<i32>} : memref<16x512xf32, #tpu.memory_space<vmem>>, vector<16xf32>,
      %mul3A_3421 = arith.mulf %gather3A_104, %get3A_3420 : vector<16xf32>
      %add3A_3422 = arith.addf %add3A_3416, %mul3A_3421 : vector<16xf32>
      %get3A_3423 = arith.constant 13 : i32
      %get3A_3424 = arith.index_cast %get3A_3423 : i32 to index
      %get3A_3425 = arith.constant 496 : index
      %get3A_3426 = tpu.vector_load %arg12[%get3A_3424, %get3A_3425] {strides = array<i32>} : memref<16x512xf32, #tpu.memory_space<vmem>>, vector<16xf32>,
      %mul3A_3427 = arith.mulf %gather3A_110, %get3A_3426 : vector<16xf32>
      %add3A_3428 = arith.addf %add3A_3422, %mul3A_3427 : vector<16xf32>
      %get3A_3429 = arith.constant 14 : i32
      %get3A_3430 = arith.index_cast %get3A_3429 : i32 to index
      %get3A_3431 = arith.constant 496 : index
      %get3A_3432 = tpu.vector_load %arg12[%get3A_3430, %get3A_3431] {strides = array<i32>} : memref<16x512xf32, #tpu.memory_space<vmem>>, vector<16xf32>,
      %mul3A_3433 = arith.mulf %gather3A_116, %get3A_3432 : vector<16xf32>
      %add3A_3434 = arith.addf %add3A_3428, %mul3A_3433 : vector<16xf32>
      %get3A_3435 = arith.constant 15 : i32
      %get3A_3436 = arith.index_cast %get3A_3435 : i32 to index
      %get3A_3437 = arith.constant 496 : index
      %get3A_3438 = tpu.vector_load %arg12[%get3A_3436, %get3A_3437] {strides = array<i32>} : memref<16x512xf32, #tpu.memory_space<vmem>>, vector<16xf32>,
      %mul3A_3439 = arith.mulf %gather3A_122, %get3A_3438 : vector<16xf32>
      %add3A_3440 = arith.addf %add3A_3434, %mul3A_3439 : vector<16xf32>
      %get3A_3441 = arith.index_cast %scan3A_18 : i32 to index
      %get3A_3442 = arith.constant 496 : index
      %get3A_3443 = tpu.vector_load %arg10[%get3A_3441, %get3A_3442] {strides = array<i32>} : memref<32x512xf32, #tpu.memory_space<vmem>>, vector<16xf32>,
      %mul3A_3444 = arith.mulf %div3A_10, %get3A_3443 : vector<16xf32>
      %mul3A_3445 = arith.mulf %sub3A_12, %add3A_3440 : vector<16xf32>
      %add3A_3446 = arith.addf %mul3A_3444, %mul3A_3445 : vector<16xf32>
      %swap3A_3447 = arith.index_cast %scan3A_18 : i32 to index
      %swap3A_3448 = arith.constant 496 : index
      %swap3A_3449 = tpu.vector_load %arg11[%swap3A_3447, %swap3A_3448] {strides = array<i32>} : memref<32x512xf32, #tpu.memory_space<vmem>>, vector<16xf32>,
      tpu.vector_store %arg11[%swap3A_3447, %swap3A_3448], %add3A_3446 {strides = array<i32>} : memref<32x512xf32, #tpu.memory_space<vmem>>, vector<16xf32>,
    }
    %scan3A_17 = arith.constant 32 : i32
    "tpu.region"() ({
      %run_scoped3A = tpu.sem_alloc : memref<!tpu.dma_semaphore, #tpu.memory_space<semaphore_mem>>
      %dma_start3A = arith.constant 0 : i32
      %dma_start3A_18 = tpu.memref_slice %arg7[%mul3A_2, %dma_start3A] : memref<1024x512xf32, #tpu.memory_space<hbm>> -> memref<32x512xf32, #tpu.memory_space<hbm>>
      %dma_start3A_19 = arith.constant 0 : i32
      %dma_start3A_20 = tpu.memref_slice %arg7[%mul3A_2, %dma_start3A_19] : memref<1024x512xf32, #tpu.memory_space<hbm>> -> memref<32x512xf32, #tpu.memory_space<hbm>>
      tpu.enqueue_dma source(%arg11 : memref<32x512xf32, #tpu.memory_space<vmem>>) target(%dma_start3A_20 : memref<32x512xf32, #tpu.memory_space<hbm>>) target_semaphore(%run_scoped3A : memref<!tpu.dma_semaphore, #tpu.memory_space<semaphore_mem>>)
      %dma_wait3A = arith.constant 0 : i32
      %dma_wait3A_21 = tpu.memref_slice %arg7[%mul3A_2, %dma_wait3A] : memref<1024x512xf32, #tpu.memory_space<hbm>> -> memref<32x512xf32, #tpu.memory_space<hbm>>
      %dma_wait3A_22 = arith.constant 0 : i32
      %dma_wait3A_23 = tpu.memref_slice %arg7[%mul3A_2, %dma_wait3A_22] : memref<1024x512xf32, #tpu.memory_space<hbm>> -> memref<32x512xf32, #tpu.memory_space<hbm>>
      tpu.wait_dma2 semaphore(%run_scoped3A : memref<!tpu.dma_semaphore, #tpu.memory_space<semaphore_mem>>) src(%arg11 : memref<32x512xf32, #tpu.memory_space<vmem>>) dst(%dma_wait3A_23 : memref<32x512xf32, #tpu.memory_space<hbm>>)
      tpu.yield
    }) : () -> ()
    return
  }
}

module attributes {stable_mosaic.version = 14 : i64} {
  func.func @_topk_body(%arg0: i32, %arg1: memref<1024x512xf32, #tpu.memory_space<vmem>>, %arg2: memref<2000x512xf32, #tpu.memory_space<vmem>>, %arg3: memref<1024x16xi32, #tpu.memory_space<vmem>>, %arg4: memref<1024x16xf32, #tpu.memory_space<vmem>>, %arg5: memref<1024x128xi32, #tpu.memory_space<vmem>>, %arg6: memref<1024x128xi32, #tpu.memory_space<vmem>>, %arg7: memref<1024x128xi32, #tpu.memory_space<vmem>>) attributes {dimension_semantics = [#tpu.dimension_semantics<arbitrary>], iteration_bounds = array<i64: 50>, scalar_prefetch = 0 : i64, scratch_operands = 3 : i64, tpu.core_type = #tpu.core_type<tc>, window_params = [{pipeline_mode = #tpu.pipeline_mode<synchronous>, transform_indices = @transform_0, window_bounds = array<i64: 1024, 512>}, {transform_indices = @transform_1, window_bounds = array<i64: 2000, 512>}, {pipeline_mode = #tpu.pipeline_mode<synchronous>, transform_indices = @transform_2, window_bounds = array<i64: 1024, 16>}, {pipeline_mode = #tpu.pipeline_mode<synchronous>, transform_indices = @transform_3, window_bounds = array<i64: 1024, 16>}]} {
    %eq3A = arith.constant 0 : i32
    %eq3A_0 = arith.cmpi eq, %arg0, %eq3A : i32
    %convert_element_type3A = arith.extui %eq3A_0 : i1 to i32
    %cond3A = arith.constant 0 : i32
    %cond3A_1 = arith.cmpi ne, %convert_element_type3A, %cond3A : i32
    scf.if %cond3A_1 {
      %broadcast_in_dim3A_442 = arith.constant 0 : i32
      %broadcast_in_dim3A_443 = vector.broadcast %broadcast_in_dim3A_442 : i32 to vector<1024x16xi32>
      %swap3A_444 = arith.constant 0 : index
      %swap3A_445 = arith.constant 0 : index
      %swap3A_446 = vector.load %arg3[%swap3A_444, %swap3A_445] : memref<1024x16xi32, #tpu.memory_space<vmem>>, vector<1024x16xi32>
      tpu.vector_store %arg3[%swap3A_444, %swap3A_445], %broadcast_in_dim3A_443 {strides = array<i32>} : memref<1024x16xi32, #tpu.memory_space<vmem>>, vector<1024x16xi32>,
    } else {
    }
    %get3A = arith.constant 0 : index
    %get3A_2 = arith.constant 0 : index
    %get3A_3 = vector.load %arg1[%get3A, %get3A_2] : memref<1024x512xf32, #tpu.memory_space<vmem>>, vector<1024x512xf32>
    %mul3A = arith.mulf %get3A_3, %get3A_3 : vector<1024x512xf32>
    %reduce_sum3A = arith.constant dense<0.000000e+00> : vector<1024xf32>
    %reduce_sum3A_4 = vector.multi_reduction <add>, %mul3A, %reduce_sum3A [1] : vector<1024x512xf32> to vector<1024xf32>
    %broadcast_in_dim3A = vector.shape_cast %reduce_sum3A_4 : vector<1024xf32> to vector<1024x1xf32>
    %max3A = arith.constant 1.000000e-24 : f32
    %max3A_5 = vector.broadcast %max3A : f32 to vector<1024x1xf32>
    %max3A_6 = arith.maximumf %broadcast_in_dim3A, %max3A_5 : vector<1024x1xf32>
    %rsqrt3A = math.rsqrt %max3A_6 : vector<1024x1xf32>
    %mul3A_7 = vector.broadcast %rsqrt3A : vector<1024x1xf32> to vector<1024x512xf32>
    %mul3A_8 = arith.mulf %get3A_3, %mul3A_7 : vector<1024x512xf32>
    %get3A_9 = arith.constant 0 : index
    %get3A_10 = arith.constant 0 : index
    %get3A_11 = vector.load %arg2[%get3A_9, %get3A_10] : memref<2000x512xf32, #tpu.memory_space<vmem>>, vector<2000x512xf32>
    %mul3A_12 = arith.mulf %get3A_11, %get3A_11 : vector<2000x512xf32>
    %reduce_sum3A_13 = arith.constant dense<0.000000e+00> : vector<2000xf32>
    %reduce_sum3A_14 = vector.multi_reduction <add>, %mul3A_12, %reduce_sum3A_13 [1] : vector<2000x512xf32> to vector<2000xf32>
    %max3A_15 = arith.constant 1.000000e-24 : f32
    %max3A_16 = vector.broadcast %max3A_15 : f32 to vector<2000xf32>
    %max3A_17 = arith.maximumf %reduce_sum3A_14, %max3A_16 : vector<2000xf32>
    %rsqrt3A_18 = math.rsqrt %max3A_17 : vector<2000xf32>
    %convert_element_type3A_19 = arith.truncf %mul3A_8 : vector<1024x512xf32> to vector<1024x512xbf16>
    %convert_element_type3A_20 = arith.truncf %get3A_11 : vector<2000x512xf32> to vector<2000x512xbf16>
    %dot_general3A = arith.constant dense<0.000000e+00> : vector<1024x2000xf32>
    %dot_general3A_21 = tpu.matmul %convert_element_type3A_19, %convert_element_type3A_20, %dot_general3A {dimension_numbers = #tpu.dot_dimension_numbers<[1], [1], [0], [0], [0, 0, 1, 0], [], []>, transpose_lhs_hint = false} : vector<1024x512xbf16>, vector<2000x512xbf16>, vector<1024x2000xf32> -> vector<1024x2000xf32>
    %broadcast_in_dim3A_22 = vector.shape_cast %rsqrt3A_18 : vector<2000xf32> to vector<1x2000xf32>
    %mul3A_23 = vector.broadcast %broadcast_in_dim3A_22 : vector<1x2000xf32> to vector<1024x2000xf32>
    %mul3A_24 = arith.mulf %dot_general3A_21, %mul3A_23 : vector<1024x2000xf32>
    %add3A = arith.constant 3.000000e+00 : f32
    %add3A_25 = vector.broadcast %add3A : f32 to vector<1024x2000xf32>
    %add3A_26 = arith.addf %mul3A_24, %add3A_25 : vector<1024x2000xf32>
    %iota3A = tpu.iota {dimensions = array<i32: 1>} : vector<1024x16xi32>
    %get3A_27 = arith.constant 0 : index
    %get3A_28 = arith.constant 0 : index
    %get3A_29 = vector.load %arg3[%get3A_27, %get3A_28] : memref<1024x16xi32, #tpu.memory_space<vmem>>, vector<1024x16xi32>
    %slice3A = vector.extract_strided_slice %add3A_26 {offsets = [0, 0], sizes = [1024, 128], strides = [1, 1]} : vector<1024x2000xf32> to vector<1024x128xf32>
    %bitcast_convert_type3A = tpu.bitcast %slice3A : vector<1024x128xf32> -> vector<1024x128xi32>
    %iota3A_30 = tpu.iota {dimensions = array<i32: 1>} : vector<1024x128xi32>
    %shift_right_arithmetic3A = arith.constant 9 : i32
    %shift_right_arithmetic3A_31 = vector.broadcast %shift_right_arithmetic3A : i32 to vector<1024x128xi32>
    %shift_right_arithmetic3A_32 = arith.shrsi %bitcast_convert_type3A, %shift_right_arithmetic3A_31 : vector<1024x128xi32>
    %and3A = arith.constant 16383 : i32
    %and3A_33 = vector.broadcast %and3A : i32 to vector<1024x128xi32>
    %and3A_34 = arith.andi %shift_right_arithmetic3A_32, %and3A_33 : vector<1024x128xi32>
    %shift_left3A = arith.constant 17 : i32
    %shift_left3A_35 = vector.broadcast %shift_left3A : i32 to vector<1024x128xi32>
    %shift_left3A_36 = arith.shli %and3A_34, %shift_left3A_35 : vector<1024x128xi32>
    %mul3A_37 = arith.constant 2000 : i32
    %mul3A_38 = arith.muli %arg0, %mul3A_37 : i32
    %sub3A = arith.constant 131071 : i32
    %sub3A_39 = arith.subi %sub3A, %mul3A_38 : i32
    %sub3A_40 = arith.constant 0 : i32
    %sub3A_41 = arith.subi %sub3A_39, %sub3A_40 : i32
    %sub3A_42 = vector.broadcast %sub3A_41 : i32 to vector<1024x128xi32>
    %sub3A_43 = arith.subi %sub3A_42, %iota3A_30 : vector<1024x128xi32>
    %or3A = arith.ori %shift_left3A_36, %sub3A_43 : vector<1024x128xi32>
    %slice3A_44 = vector.extract_strided_slice %add3A_26 {offsets = [0, 128], sizes = [1024, 128], strides = [1, 1]} : vector<1024x2000xf32> to vector<1024x128xf32>
    %bitcast_convert_type3A_45 = tpu.bitcast %slice3A_44 : vector<1024x128xf32> -> vector<1024x128xi32>
    %iota3A_46 = tpu.iota {dimensions = array<i32: 1>} : vector<1024x128xi32>
    %shift_right_arithmetic3A_47 = arith.constant 9 : i32
    %shift_right_arithmetic3A_48 = vector.broadcast %shift_right_arithmetic3A_47 : i32 to vector<1024x128xi32>
    %shift_right_arithmetic3A_49 = arith.shrsi %bitcast_convert_type3A_45, %shift_right_arithmetic3A_48 : vector<1024x128xi32>
    %and3A_50 = arith.constant 16383 : i32
    %and3A_51 = vector.broadcast %and3A_50 : i32 to vector<1024x128xi32>
    %and3A_52 = arith.andi %shift_right_arithmetic3A_49, %and3A_51 : vector<1024x128xi32>
    %shift_left3A_53 = arith.constant 17 : i32
    %shift_left3A_54 = vector.broadcast %shift_left3A_53 : i32 to vector<1024x128xi32>
    %shift_left3A_55 = arith.shli %and3A_52, %shift_left3A_54 : vector<1024x128xi32>
    %mul3A_56 = arith.constant 2000 : i32
    %mul3A_57 = arith.muli %arg0, %mul3A_56 : i32
    %sub3A_58 = arith.constant 131071 : i32
    %sub3A_59 = arith.subi %sub3A_58, %mul3A_57 : i32
    %sub3A_60 = arith.constant 128 : i32
    %sub3A_61 = arith.subi %sub3A_59, %sub3A_60 : i32
    %sub3A_62 = vector.broadcast %sub3A_61 : i32 to vector<1024x128xi32>
    %sub3A_63 = arith.subi %sub3A_62, %iota3A_46 : vector<1024x128xi32>
    %or3A_64 = arith.ori %shift_left3A_55, %sub3A_63 : vector<1024x128xi32>
    %slice3A_65 = vector.extract_strided_slice %add3A_26 {offsets = [0, 256], sizes = [1024, 128], strides = [1, 1]} : vector<1024x2000xf32> to vector<1024x128xf32>
    %bitcast_convert_type3A_66 = tpu.bitcast %slice3A_65 : vector<1024x128xf32> -> vector<1024x128xi32>
    %iota3A_67 = tpu.iota {dimensions = array<i32: 1>} : vector<1024x128xi32>
    %shift_right_arithmetic3A_68 = arith.constant 9 : i32
    %shift_right_arithmetic3A_69 = vector.broadcast %shift_right_arithmetic3A_68 : i32 to vector<1024x128xi32>
    %shift_right_arithmetic3A_70 = arith.shrsi %bitcast_convert_type3A_66, %shift_right_arithmetic3A_69 : vector<1024x128xi32>
    %and3A_71 = arith.constant 16383 : i32
    %and3A_72 = vector.broadcast %and3A_71 : i32 to vector<1024x128xi32>
    %and3A_73 = arith.andi %shift_right_arithmetic3A_70, %and3A_72 : vector<1024x128xi32>
    %shift_left3A_74 = arith.constant 17 : i32
    %shift_left3A_75 = vector.broadcast %shift_left3A_74 : i32 to vector<1024x128xi32>
    %shift_left3A_76 = arith.shli %and3A_73, %shift_left3A_75 : vector<1024x128xi32>
    %mul3A_77 = arith.constant 2000 : i32
    %mul3A_78 = arith.muli %arg0, %mul3A_77 : i32
    %sub3A_79 = arith.constant 131071 : i32
    %sub3A_80 = arith.subi %sub3A_79, %mul3A_78 : i32
    %sub3A_81 = arith.constant 256 : i32
    %sub3A_82 = arith.subi %sub3A_80, %sub3A_81 : i32
    %sub3A_83 = vector.broadcast %sub3A_82 : i32 to vector<1024x128xi32>
    %sub3A_84 = arith.subi %sub3A_83, %iota3A_67 : vector<1024x128xi32>
    %or3A_85 = arith.ori %shift_left3A_76, %sub3A_84 : vector<1024x128xi32>
    %slice3A_86 = vector.extract_strided_slice %add3A_26 {offsets = [0, 384], sizes = [1024, 128], strides = [1, 1]} : vector<1024x2000xf32> to vector<1024x128xf32>
    %bitcast_convert_type3A_87 = tpu.bitcast %slice3A_86 : vector<1024x128xf32> -> vector<1024x128xi32>
    %iota3A_88 = tpu.iota {dimensions = array<i32: 1>} : vector<1024x128xi32>
    %shift_right_arithmetic3A_89 = arith.constant 9 : i32
    %shift_right_arithmetic3A_90 = vector.broadcast %shift_right_arithmetic3A_89 : i32 to vector<1024x128xi32>
    %shift_right_arithmetic3A_91 = arith.shrsi %bitcast_convert_type3A_87, %shift_right_arithmetic3A_90 : vector<1024x128xi32>
    %and3A_92 = arith.constant 16383 : i32
    %and3A_93 = vector.broadcast %and3A_92 : i32 to vector<1024x128xi32>
    %and3A_94 = arith.andi %shift_right_arithmetic3A_91, %and3A_93 : vector<1024x128xi32>
    %shift_left3A_95 = arith.constant 17 : i32
    %shift_left3A_96 = vector.broadcast %shift_left3A_95 : i32 to vector<1024x128xi32>
    %shift_left3A_97 = arith.shli %and3A_94, %shift_left3A_96 : vector<1024x128xi32>
    %mul3A_98 = arith.constant 2000 : i32
    %mul3A_99 = arith.muli %arg0, %mul3A_98 : i32
    %sub3A_100 = arith.constant 131071 : i32
    %sub3A_101 = arith.subi %sub3A_100, %mul3A_99 : i32
    %sub3A_102 = arith.constant 384 : i32
    %sub3A_103 = arith.subi %sub3A_101, %sub3A_102 : i32
    %sub3A_104 = vector.broadcast %sub3A_103 : i32 to vector<1024x128xi32>
    %sub3A_105 = arith.subi %sub3A_104, %iota3A_88 : vector<1024x128xi32>
    %or3A_106 = arith.ori %shift_left3A_97, %sub3A_105 : vector<1024x128xi32>
    %slice3A_107 = vector.extract_strided_slice %add3A_26 {offsets = [0, 512], sizes = [1024, 128], strides = [1, 1]} : vector<1024x2000xf32> to vector<1024x128xf32>
    %bitcast_convert_type3A_108 = tpu.bitcast %slice3A_107 : vector<1024x128xf32> -> vector<1024x128xi32>
    %iota3A_109 = tpu.iota {dimensions = array<i32: 1>} : vector<1024x128xi32>
    %shift_right_arithmetic3A_110 = arith.constant 9 : i32
    %shift_right_arithmetic3A_111 = vector.broadcast %shift_right_arithmetic3A_110 : i32 to vector<1024x128xi32>
    %shift_right_arithmetic3A_112 = arith.shrsi %bitcast_convert_type3A_108, %shift_right_arithmetic3A_111 : vector<1024x128xi32>
    %and3A_113 = arith.constant 16383 : i32
    %and3A_114 = vector.broadcast %and3A_113 : i32 to vector<1024x128xi32>
    %and3A_115 = arith.andi %shift_right_arithmetic3A_112, %and3A_114 : vector<1024x128xi32>
    %shift_left3A_116 = arith.constant 17 : i32
    %shift_left3A_117 = vector.broadcast %shift_left3A_116 : i32 to vector<1024x128xi32>
    %shift_left3A_118 = arith.shli %and3A_115, %shift_left3A_117 : vector<1024x128xi32>
    %mul3A_119 = arith.constant 2000 : i32
    %mul3A_120 = arith.muli %arg0, %mul3A_119 : i32
    %sub3A_121 = arith.constant 131071 : i32
    %sub3A_122 = arith.subi %sub3A_121, %mul3A_120 : i32
    %sub3A_123 = arith.constant 512 : i32
    %sub3A_124 = arith.subi %sub3A_122, %sub3A_123 : i32
    %sub3A_125 = vector.broadcast %sub3A_124 : i32 to vector<1024x128xi32>
    %sub3A_126 = arith.subi %sub3A_125, %iota3A_109 : vector<1024x128xi32>
    %or3A_127 = arith.ori %shift_left3A_118, %sub3A_126 : vector<1024x128xi32>
    %slice3A_128 = vector.extract_strided_slice %add3A_26 {offsets = [0, 640], sizes = [1024, 128], strides = [1, 1]} : vector<1024x2000xf32> to vector<1024x128xf32>
    %bitcast_convert_type3A_129 = tpu.bitcast %slice3A_128 : vector<1024x128xf32> -> vector<1024x128xi32>
    %iota3A_130 = tpu.iota {dimensions = array<i32: 1>} : vector<1024x128xi32>
    %shift_right_arithmetic3A_131 = arith.constant 9 : i32
    %shift_right_arithmetic3A_132 = vector.broadcast %shift_right_arithmetic3A_131 : i32 to vector<1024x128xi32>
    %shift_right_arithmetic3A_133 = arith.shrsi %bitcast_convert_type3A_129, %shift_right_arithmetic3A_132 : vector<1024x128xi32>
    %and3A_134 = arith.constant 16383 : i32
    %and3A_135 = vector.broadcast %and3A_134 : i32 to vector<1024x128xi32>
    %and3A_136 = arith.andi %shift_right_arithmetic3A_133, %and3A_135 : vector<1024x128xi32>
    %shift_left3A_137 = arith.constant 17 : i32
    %shift_left3A_138 = vector.broadcast %shift_left3A_137 : i32 to vector<1024x128xi32>
    %shift_left3A_139 = arith.shli %and3A_136, %shift_left3A_138 : vector<1024x128xi32>
    %mul3A_140 = arith.constant 2000 : i32
    %mul3A_141 = arith.muli %arg0, %mul3A_140 : i32
    %sub3A_142 = arith.constant 131071 : i32
    %sub3A_143 = arith.subi %sub3A_142, %mul3A_141 : i32
    %sub3A_144 = arith.constant 640 : i32
    %sub3A_145 = arith.subi %sub3A_143, %sub3A_144 : i32
    %sub3A_146 = vector.broadcast %sub3A_145 : i32 to vector<1024x128xi32>
    %sub3A_147 = arith.subi %sub3A_146, %iota3A_130 : vector<1024x128xi32>
    %or3A_148 = arith.ori %shift_left3A_139, %sub3A_147 : vector<1024x128xi32>
    %slice3A_149 = vector.extract_strided_slice %add3A_26 {offsets = [0, 768], sizes = [1024, 128], strides = [1, 1]} : vector<1024x2000xf32> to vector<1024x128xf32>
    %bitcast_convert_type3A_150 = tpu.bitcast %slice3A_149 : vector<1024x128xf32> -> vector<1024x128xi32>
    %iota3A_151 = tpu.iota {dimensions = array<i32: 1>} : vector<1024x128xi32>
    %shift_right_arithmetic3A_152 = arith.constant 9 : i32
    %shift_right_arithmetic3A_153 = vector.broadcast %shift_right_arithmetic3A_152 : i32 to vector<1024x128xi32>
    %shift_right_arithmetic3A_154 = arith.shrsi %bitcast_convert_type3A_150, %shift_right_arithmetic3A_153 : vector<1024x128xi32>
    %and3A_155 = arith.constant 16383 : i32
    %and3A_156 = vector.broadcast %and3A_155 : i32 to vector<1024x128xi32>
    %and3A_157 = arith.andi %shift_right_arithmetic3A_154, %and3A_156 : vector<1024x128xi32>
    %shift_left3A_158 = arith.constant 17 : i32
    %shift_left3A_159 = vector.broadcast %shift_left3A_158 : i32 to vector<1024x128xi32>
    %shift_left3A_160 = arith.shli %and3A_157, %shift_left3A_159 : vector<1024x128xi32>
    %mul3A_161 = arith.constant 2000 : i32
    %mul3A_162 = arith.muli %arg0, %mul3A_161 : i32
    %sub3A_163 = arith.constant 131071 : i32
    %sub3A_164 = arith.subi %sub3A_163, %mul3A_162 : i32
    %sub3A_165 = arith.constant 768 : i32
    %sub3A_166 = arith.subi %sub3A_164, %sub3A_165 : i32
    %sub3A_167 = vector.broadcast %sub3A_166 : i32 to vector<1024x128xi32>
    %sub3A_168 = arith.subi %sub3A_167, %iota3A_151 : vector<1024x128xi32>
    %or3A_169 = arith.ori %shift_left3A_160, %sub3A_168 : vector<1024x128xi32>
    %slice3A_170 = vector.extract_strided_slice %add3A_26 {offsets = [0, 896], sizes = [1024, 128], strides = [1, 1]} : vector<1024x2000xf32> to vector<1024x128xf32>
    %bitcast_convert_type3A_171 = tpu.bitcast %slice3A_170 : vector<1024x128xf32> -> vector<1024x128xi32>
    %iota3A_172 = tpu.iota {dimensions = array<i32: 1>} : vector<1024x128xi32>
    %shift_right_arithmetic3A_173 = arith.constant 9 : i32
    %shift_right_arithmetic3A_174 = vector.broadcast %shift_right_arithmetic3A_173 : i32 to vector<1024x128xi32>
    %shift_right_arithmetic3A_175 = arith.shrsi %bitcast_convert_type3A_171, %shift_right_arithmetic3A_174 : vector<1024x128xi32>
    %and3A_176 = arith.constant 16383 : i32
    %and3A_177 = vector.broadcast %and3A_176 : i32 to vector<1024x128xi32>
    %and3A_178 = arith.andi %shift_right_arithmetic3A_175, %and3A_177 : vector<1024x128xi32>
    %shift_left3A_179 = arith.constant 17 : i32
    %shift_left3A_180 = vector.broadcast %shift_left3A_179 : i32 to vector<1024x128xi32>
    %shift_left3A_181 = arith.shli %and3A_178, %shift_left3A_180 : vector<1024x128xi32>
    %mul3A_182 = arith.constant 2000 : i32
    %mul3A_183 = arith.muli %arg0, %mul3A_182 : i32
    %sub3A_184 = arith.constant 131071 : i32
    %sub3A_185 = arith.subi %sub3A_184, %mul3A_183 : i32
    %sub3A_186 = arith.constant 896 : i32
    %sub3A_187 = arith.subi %sub3A_185, %sub3A_186 : i32
    %sub3A_188 = vector.broadcast %sub3A_187 : i32 to vector<1024x128xi32>
    %sub3A_189 = arith.subi %sub3A_188, %iota3A_172 : vector<1024x128xi32>
    %or3A_190 = arith.ori %shift_left3A_181, %sub3A_189 : vector<1024x128xi32>
    %slice3A_191 = vector.extract_strided_slice %add3A_26 {offsets = [0, 1024], sizes = [1024, 128], strides = [1, 1]} : vector<1024x2000xf32> to vector<1024x128xf32>
    %bitcast_convert_type3A_192 = tpu.bitcast %slice3A_191 : vector<1024x128xf32> -> vector<1024x128xi32>
    %iota3A_193 = tpu.iota {dimensions = array<i32: 1>} : vector<1024x128xi32>
    %shift_right_arithmetic3A_194 = arith.constant 9 : i32
    %shift_right_arithmetic3A_195 = vector.broadcast %shift_right_arithmetic3A_194 : i32 to vector<1024x128xi32>
    %shift_right_arithmetic3A_196 = arith.shrsi %bitcast_convert_type3A_192, %shift_right_arithmetic3A_195 : vector<1024x128xi32>
    %and3A_197 = arith.constant 16383 : i32
    %and3A_198 = vector.broadcast %and3A_197 : i32 to vector<1024x128xi32>
    %and3A_199 = arith.andi %shift_right_arithmetic3A_196, %and3A_198 : vector<1024x128xi32>
    %shift_left3A_200 = arith.constant 17 : i32
    %shift_left3A_201 = vector.broadcast %shift_left3A_200 : i32 to vector<1024x128xi32>
    %shift_left3A_202 = arith.shli %and3A_199, %shift_left3A_201 : vector<1024x128xi32>
    %mul3A_203 = arith.constant 2000 : i32
    %mul3A_204 = arith.muli %arg0, %mul3A_203 : i32
    %sub3A_205 = arith.constant 131071 : i32
    %sub3A_206 = arith.subi %sub3A_205, %mul3A_204 : i32
    %sub3A_207 = arith.constant 1024 : i32
    %sub3A_208 = arith.subi %sub3A_206, %sub3A_207 : i32
    %sub3A_209 = vector.broadcast %sub3A_208 : i32 to vector<1024x128xi32>
    %sub3A_210 = arith.subi %sub3A_209, %iota3A_193 : vector<1024x128xi32>
    %or3A_211 = arith.ori %shift_left3A_202, %sub3A_210 : vector<1024x128xi32>
    %slice3A_212 = vector.extract_strided_slice %add3A_26 {offsets = [0, 1152], sizes = [1024, 128], strides = [1, 1]} : vector<1024x2000xf32> to vector<1024x128xf32>
    %bitcast_convert_type3A_213 = tpu.bitcast %slice3A_212 : vector<1024x128xf32> -> vector<1024x128xi32>
    %iota3A_214 = tpu.iota {dimensions = array<i32: 1>} : vector<1024x128xi32>
    %shift_right_arithmetic3A_215 = arith.constant 9 : i32
    %shift_right_arithmetic3A_216 = vector.broadcast %shift_right_arithmetic3A_215 : i32 to vector<1024x128xi32>
    %shift_right_arithmetic3A_217 = arith.shrsi %bitcast_convert_type3A_213, %shift_right_arithmetic3A_216 : vector<1024x128xi32>
    %and3A_218 = arith.constant 16383 : i32
    %and3A_219 = vector.broadcast %and3A_218 : i32 to vector<1024x128xi32>
    %and3A_220 = arith.andi %shift_right_arithmetic3A_217, %and3A_219 : vector<1024x128xi32>
    %shift_left3A_221 = arith.constant 17 : i32
    %shift_left3A_222 = vector.broadcast %shift_left3A_221 : i32 to vector<1024x128xi32>
    %shift_left3A_223 = arith.shli %and3A_220, %shift_left3A_222 : vector<1024x128xi32>
    %mul3A_224 = arith.constant 2000 : i32
    %mul3A_225 = arith.muli %arg0, %mul3A_224 : i32
    %sub3A_226 = arith.constant 131071 : i32
    %sub3A_227 = arith.subi %sub3A_226, %mul3A_225 : i32
    %sub3A_228 = arith.constant 1152 : i32
    %sub3A_229 = arith.subi %sub3A_227, %sub3A_228 : i32
    %sub3A_230 = vector.broadcast %sub3A_229 : i32 to vector<1024x128xi32>
    %sub3A_231 = arith.subi %sub3A_230, %iota3A_214 : vector<1024x128xi32>
    %or3A_232 = arith.ori %shift_left3A_223, %sub3A_231 : vector<1024x128xi32>
    %slice3A_233 = vector.extract_strided_slice %add3A_26 {offsets = [0, 1280], sizes = [1024, 128], strides = [1, 1]} : vector<1024x2000xf32> to vector<1024x128xf32>
    %bitcast_convert_type3A_234 = tpu.bitcast %slice3A_233 : vector<1024x128xf32> -> vector<1024x128xi32>
    %iota3A_235 = tpu.iota {dimensions = array<i32: 1>} : vector<1024x128xi32>
    %shift_right_arithmetic3A_236 = arith.constant 9 : i32
    %shift_right_arithmetic3A_237 = vector.broadcast %shift_right_arithmetic3A_236 : i32 to vector<1024x128xi32>
    %shift_right_arithmetic3A_238 = arith.shrsi %bitcast_convert_type3A_234, %shift_right_arithmetic3A_237 : vector<1024x128xi32>
    %and3A_239 = arith.constant 16383 : i32
    %and3A_240 = vector.broadcast %and3A_239 : i32 to vector<1024x128xi32>
    %and3A_241 = arith.andi %shift_right_arithmetic3A_238, %and3A_240 : vector<1024x128xi32>
    %shift_left3A_242 = arith.constant 17 : i32
    %shift_left3A_243 = vector.broadcast %shift_left3A_242 : i32 to vector<1024x128xi32>
    %shift_left3A_244 = arith.shli %and3A_241, %shift_left3A_243 : vector<1024x128xi32>
    %mul3A_245 = arith.constant 2000 : i32
    %mul3A_246 = arith.muli %arg0, %mul3A_245 : i32
    %sub3A_247 = arith.constant 131071 : i32
    %sub3A_248 = arith.subi %sub3A_247, %mul3A_246 : i32
    %sub3A_249 = arith.constant 1280 : i32
    %sub3A_250 = arith.subi %sub3A_248, %sub3A_249 : i32
    %sub3A_251 = vector.broadcast %sub3A_250 : i32 to vector<1024x128xi32>
    %sub3A_252 = arith.subi %sub3A_251, %iota3A_235 : vector<1024x128xi32>
    %or3A_253 = arith.ori %shift_left3A_244, %sub3A_252 : vector<1024x128xi32>
    %slice3A_254 = vector.extract_strided_slice %add3A_26 {offsets = [0, 1408], sizes = [1024, 128], strides = [1, 1]} : vector<1024x2000xf32> to vector<1024x128xf32>
    %bitcast_convert_type3A_255 = tpu.bitcast %slice3A_254 : vector<1024x128xf32> -> vector<1024x128xi32>
    %iota3A_256 = tpu.iota {dimensions = array<i32: 1>} : vector<1024x128xi32>
    %shift_right_arithmetic3A_257 = arith.constant 9 : i32
    %shift_right_arithmetic3A_258 = vector.broadcast %shift_right_arithmetic3A_257 : i32 to vector<1024x128xi32>
    %shift_right_arithmetic3A_259 = arith.shrsi %bitcast_convert_type3A_255, %shift_right_arithmetic3A_258 : vector<1024x128xi32>
    %and3A_260 = arith.constant 16383 : i32
    %and3A_261 = vector.broadcast %and3A_260 : i32 to vector<1024x128xi32>
    %and3A_262 = arith.andi %shift_right_arithmetic3A_259, %and3A_261 : vector<1024x128xi32>
    %shift_left3A_263 = arith.constant 17 : i32
    %shift_left3A_264 = vector.broadcast %shift_left3A_263 : i32 to vector<1024x128xi32>
    %shift_left3A_265 = arith.shli %and3A_262, %shift_left3A_264 : vector<1024x128xi32>
    %mul3A_266 = arith.constant 2000 : i32
    %mul3A_267 = arith.muli %arg0, %mul3A_266 : i32
    %sub3A_268 = arith.constant 131071 : i32
    %sub3A_269 = arith.subi %sub3A_268, %mul3A_267 : i32
    %sub3A_270 = arith.constant 1408 : i32
    %sub3A_271 = arith.subi %sub3A_269, %sub3A_270 : i32
    %sub3A_272 = vector.broadcast %sub3A_271 : i32 to vector<1024x128xi32>
    %sub3A_273 = arith.subi %sub3A_272, %iota3A_256 : vector<1024x128xi32>
    %or3A_274 = arith.ori %shift_left3A_265, %sub3A_273 : vector<1024x128xi32>
    %slice3A_275 = vector.extract_strided_slice %add3A_26 {offsets = [0, 1536], sizes = [1024, 128], strides = [1, 1]} : vector<1024x2000xf32> to vector<1024x128xf32>
    %bitcast_convert_type3A_276 = tpu.bitcast %slice3A_275 : vector<1024x128xf32> -> vector<1024x128xi32>
    %iota3A_277 = tpu.iota {dimensions = array<i32: 1>} : vector<1024x128xi32>
    %shift_right_arithmetic3A_278 = arith.constant 9 : i32
    %shift_right_arithmetic3A_279 = vector.broadcast %shift_right_arithmetic3A_278 : i32 to vector<1024x128xi32>
    %shift_right_arithmetic3A_280 = arith.shrsi %bitcast_convert_type3A_276, %shift_right_arithmetic3A_279 : vector<1024x128xi32>
    %and3A_281 = arith.constant 16383 : i32
    %and3A_282 = vector.broadcast %and3A_281 : i32 to vector<1024x128xi32>
    %and3A_283 = arith.andi %shift_right_arithmetic3A_280, %and3A_282 : vector<1024x128xi32>
    %shift_left3A_284 = arith.constant 17 : i32
    %shift_left3A_285 = vector.broadcast %shift_left3A_284 : i32 to vector<1024x128xi32>
    %shift_left3A_286 = arith.shli %and3A_283, %shift_left3A_285 : vector<1024x128xi32>
    %mul3A_287 = arith.constant 2000 : i32
    %mul3A_288 = arith.muli %arg0, %mul3A_287 : i32
    %sub3A_289 = arith.constant 131071 : i32
    %sub3A_290 = arith.subi %sub3A_289, %mul3A_288 : i32
    %sub3A_291 = arith.constant 1536 : i32
    %sub3A_292 = arith.subi %sub3A_290, %sub3A_291 : i32
    %sub3A_293 = vector.broadcast %sub3A_292 : i32 to vector<1024x128xi32>
    %sub3A_294 = arith.subi %sub3A_293, %iota3A_277 : vector<1024x128xi32>
    %or3A_295 = arith.ori %shift_left3A_286, %sub3A_294 : vector<1024x128xi32>
    %slice3A_296 = vector.extract_strided_slice %add3A_26 {offsets = [0, 1664], sizes = [1024, 128], strides = [1, 1]} : vector<1024x2000xf32> to vector<1024x128xf32>
    %bitcast_convert_type3A_297 = tpu.bitcast %slice3A_296 : vector<1024x128xf32> -> vector<1024x128xi32>
    %iota3A_298 = tpu.iota {dimensions = array<i32: 1>} : vector<1024x128xi32>
    %shift_right_arithmetic3A_299 = arith.constant 9 : i32
    %shift_right_arithmetic3A_300 = vector.broadcast %shift_right_arithmetic3A_299 : i32 to vector<1024x128xi32>
    %shift_right_arithmetic3A_301 = arith.shrsi %bitcast_convert_type3A_297, %shift_right_arithmetic3A_300 : vector<1024x128xi32>
    %and3A_302 = arith.constant 16383 : i32
    %and3A_303 = vector.broadcast %and3A_302 : i32 to vector<1024x128xi32>
    %and3A_304 = arith.andi %shift_right_arithmetic3A_301, %and3A_303 : vector<1024x128xi32>
    %shift_left3A_305 = arith.constant 17 : i32
    %shift_left3A_306 = vector.broadcast %shift_left3A_305 : i32 to vector<1024x128xi32>
    %shift_left3A_307 = arith.shli %and3A_304, %shift_left3A_306 : vector<1024x128xi32>
    %mul3A_308 = arith.constant 2000 : i32
    %mul3A_309 = arith.muli %arg0, %mul3A_308 : i32
    %sub3A_310 = arith.constant 131071 : i32
    %sub3A_311 = arith.subi %sub3A_310, %mul3A_309 : i32
    %sub3A_312 = arith.constant 1664 : i32
    %sub3A_313 = arith.subi %sub3A_311, %sub3A_312 : i32
    %sub3A_314 = vector.broadcast %sub3A_313 : i32 to vector<1024x128xi32>
    %sub3A_315 = arith.subi %sub3A_314, %iota3A_298 : vector<1024x128xi32>
    %or3A_316 = arith.ori %shift_left3A_307, %sub3A_315 : vector<1024x128xi32>
    %slice3A_317 = vector.extract_strided_slice %add3A_26 {offsets = [0, 1792], sizes = [1024, 128], strides = [1, 1]} : vector<1024x2000xf32> to vector<1024x128xf32>
    %bitcast_convert_type3A_318 = tpu.bitcast %slice3A_317 : vector<1024x128xf32> -> vector<1024x128xi32>
    %iota3A_319 = tpu.iota {dimensions = array<i32: 1>} : vector<1024x128xi32>
    %shift_right_arithmetic3A_320 = arith.constant 9 : i32
    %shift_right_arithmetic3A_321 = vector.broadcast %shift_right_arithmetic3A_320 : i32 to vector<1024x128xi32>
    %shift_right_arithmetic3A_322 = arith.shrsi %bitcast_convert_type3A_318, %shift_right_arithmetic3A_321 : vector<1024x128xi32>
    %and3A_323 = arith.constant 16383 : i32
    %and3A_324 = vector.broadcast %and3A_323 : i32 to vector<1024x128xi32>
    %and3A_325 = arith.andi %shift_right_arithmetic3A_322, %and3A_324 : vector<1024x128xi32>
    %shift_left3A_326 = arith.constant 17 : i32
    %shift_left3A_327 = vector.broadcast %shift_left3A_326 : i32 to vector<1024x128xi32>
    %shift_left3A_328 = arith.shli %and3A_325, %shift_left3A_327 : vector<1024x128xi32>
    %mul3A_329 = arith.constant 2000 : i32
    %mul3A_330 = arith.muli %arg0, %mul3A_329 : i32
    %sub3A_331 = arith.constant 131071 : i32
    %sub3A_332 = arith.subi %sub3A_331, %mul3A_330 : i32
    %sub3A_333 = arith.constant 1792 : i32
    %sub3A_334 = arith.subi %sub3A_332, %sub3A_333 : i32
    %sub3A_335 = vector.broadcast %sub3A_334 : i32 to vector<1024x128xi32>
    %sub3A_336 = arith.subi %sub3A_335, %iota3A_319 : vector<1024x128xi32>
    %or3A_337 = arith.ori %shift_left3A_328, %sub3A_336 : vector<1024x128xi32>
    %slice3A_338 = vector.extract_strided_slice %add3A_26 {offsets = [0, 1920], sizes = [1024, 80], strides = [1, 1]} : vector<1024x2000xf32> to vector<1024x80xf32>
    %bitcast_convert_type3A_339 = tpu.bitcast %slice3A_338 : vector<1024x80xf32> -> vector<1024x80xi32>
    %iota3A_340 = tpu.iota {dimensions = array<i32: 1>} : vector<1024x80xi32>
    %shift_right_arithmetic3A_341 = arith.constant 9 : i32
    %shift_right_arithmetic3A_342 = vector.broadcast %shift_right_arithmetic3A_341 : i32 to vector<1024x80xi32>
    %shift_right_arithmetic3A_343 = arith.shrsi %bitcast_convert_type3A_339, %shift_right_arithmetic3A_342 : vector<1024x80xi32>
    %and3A_344 = arith.constant 16383 : i32
    %and3A_345 = vector.broadcast %and3A_344 : i32 to vector<1024x80xi32>
    %and3A_346 = arith.andi %shift_right_arithmetic3A_343, %and3A_345 : vector<1024x80xi32>
    %shift_left3A_347 = arith.constant 17 : i32
    %shift_left3A_348 = vector.broadcast %shift_left3A_347 : i32 to vector<1024x80xi32>
    %shift_left3A_349 = arith.shli %and3A_346, %shift_left3A_348 : vector<1024x80xi32>
    %mul3A_350 = arith.constant 2000 : i32
    %mul3A_351 = arith.muli %arg0, %mul3A_350 : i32
    %sub3A_352 = arith.constant 131071 : i32
    %sub3A_353 = arith.subi %sub3A_352, %mul3A_351 : i32
    %sub3A_354 = arith.constant 1920 : i32
    %sub3A_355 = arith.subi %sub3A_353, %sub3A_354 : i32
    %sub3A_356 = vector.broadcast %sub3A_355 : i32 to vector<1024x80xi32>
    %sub3A_357 = arith.subi %sub3A_356, %iota3A_340 : vector<1024x80xi32>
    %or3A_358 = arith.ori %shift_left3A_349, %sub3A_357 : vector<1024x80xi32>
    %broadcast_in_dim3A_359 = arith.constant 0 : i32
    %broadcast_in_dim3A_360 = vector.broadcast %broadcast_in_dim3A_359 : i32 to vector<1024x48xi32>
    %concatenate3A = tpu.concatenate %or3A_358, %broadcast_in_dim3A_360 in 1 : vector<1024x80xi32>, vector<1024x48xi32> -> vector<1024x128xi32>
    %broadcast_in_dim3A_361 = arith.constant 0 : i32
    %broadcast_in_dim3A_362 = vector.broadcast %broadcast_in_dim3A_361 : i32 to vector<1024x128xi32>
    %max3A_363 = arith.maxsi %or3A, %or3A_64 : vector<1024x128xi32>
    %min3A = arith.minsi %or3A, %or3A_64 : vector<1024x128xi32>
    %max3A_364 = arith.maxsi %broadcast_in_dim3A_362, %broadcast_in_dim3A_362 : vector<1024x128xi32>
    %max3A_365 = arith.maxsi %min3A, %max3A_364 : vector<1024x128xi32>
    %max3A_366 = arith.maxsi %or3A_85, %or3A_106 : vector<1024x128xi32>
    %min3A_367 = arith.minsi %or3A_85, %or3A_106 : vector<1024x128xi32>
    %max3A_368 = arith.maxsi %broadcast_in_dim3A_362, %broadcast_in_dim3A_362 : vector<1024x128xi32>
    %max3A_369 = arith.maxsi %min3A_367, %max3A_368 : vector<1024x128xi32>
    %max3A_370 = arith.maxsi %or3A_127, %or3A_148 : vector<1024x128xi32>
    %min3A_371 = arith.minsi %or3A_127, %or3A_148 : vector<1024x128xi32>
    %max3A_372 = arith.maxsi %broadcast_in_dim3A_362, %broadcast_in_dim3A_362 : vector<1024x128xi32>
    %max3A_373 = arith.maxsi %min3A_371, %max3A_372 : vector<1024x128xi32>
    %max3A_374 = arith.maxsi %or3A_169, %or3A_190 : vector<1024x128xi32>
    %min3A_375 = arith.minsi %or3A_169, %or3A_190 : vector<1024x128xi32>
    %max3A_376 = arith.maxsi %broadcast_in_dim3A_362, %broadcast_in_dim3A_362 : vector<1024x128xi32>
    %max3A_377 = arith.maxsi %min3A_375, %max3A_376 : vector<1024x128xi32>
    %max3A_378 = arith.maxsi %or3A_211, %or3A_232 : vector<1024x128xi32>
    %min3A_379 = arith.minsi %or3A_211, %or3A_232 : vector<1024x128xi32>
    %max3A_380 = arith.maxsi %broadcast_in_dim3A_362, %broadcast_in_dim3A_362 : vector<1024x128xi32>
    %max3A_381 = arith.maxsi %min3A_379, %max3A_380 : vector<1024x128xi32>
    %max3A_382 = arith.maxsi %or3A_253, %or3A_274 : vector<1024x128xi32>
    %min3A_383 = arith.minsi %or3A_253, %or3A_274 : vector<1024x128xi32>
    %max3A_384 = arith.maxsi %broadcast_in_dim3A_362, %broadcast_in_dim3A_362 : vector<1024x128xi32>
    %max3A_385 = arith.maxsi %min3A_383, %max3A_384 : vector<1024x128xi32>
    %max3A_386 = arith.maxsi %or3A_295, %or3A_316 : vector<1024x128xi32>
    %min3A_387 = arith.minsi %or3A_295, %or3A_316 : vector<1024x128xi32>
    %max3A_388 = arith.maxsi %broadcast_in_dim3A_362, %broadcast_in_dim3A_362 : vector<1024x128xi32>
    %max3A_389 = arith.maxsi %min3A_387, %max3A_388 : vector<1024x128xi32>
    %max3A_390 = arith.maxsi %or3A_337, %concatenate3A : vector<1024x128xi32>
    %min3A_391 = arith.minsi %or3A_337, %concatenate3A : vector<1024x128xi32>
    %max3A_392 = arith.maxsi %broadcast_in_dim3A_362, %broadcast_in_dim3A_362 : vector<1024x128xi32>
    %max3A_393 = arith.maxsi %min3A_391, %max3A_392 : vector<1024x128xi32>
    %max3A_394 = arith.maxsi %max3A_363, %max3A_366 : vector<1024x128xi32>
    %min3A_395 = arith.minsi %max3A_363, %max3A_366 : vector<1024x128xi32>
    %max3A_396 = arith.maxsi %max3A_365, %max3A_369 : vector<1024x128xi32>
    %max3A_397 = arith.maxsi %min3A_395, %max3A_396 : vector<1024x128xi32>
    %max3A_398 = arith.maxsi %max3A_370, %max3A_374 : vector<1024x128xi32>
    %min3A_399 = arith.minsi %max3A_370, %max3A_374 : vector<1024x128xi32>
    %max3A_400 = arith.maxsi %max3A_373, %max3A_377 : vector<1024x128xi32>
    %max3A_401 = arith.maxsi %min3A_399, %max3A_400 : vector<1024x128xi32>
    %max3A_402 = arith.maxsi %max3A_378, %max3A_382 : vector<1024x128xi32>
    %min3A_403 = arith.minsi %max3A_378, %max3A_382 : vector<1024x128xi32>
    %max3A_404 = arith.maxsi %max3A_381, %max3A_385 : vector<1024x128xi32>
    %max3A_405 = arith.maxsi %min3A_403, %max3A_404 : vector<1024x128xi32>
    %max3A_406 = arith.maxsi %max3A_386, %max3A_390 : vector<1024x128xi32>
    %min3A_407 = arith.minsi %max3A_386, %max3A_390 : vector<1024x128xi32>
    %max3A_408 = arith.maxsi %max3A_389, %max3A_393 : vector<1024x128xi32>
    %max3A_409 = arith.maxsi %min3A_407, %max3A_408 : vector<1024x128xi32>
    %max3A_410 = arith.maxsi %max3A_394, %max3A_398 : vector<1024x128xi32>
    %min3A_411 = arith.minsi %max3A_394, %max3A_398 : vector<1024x128xi32>
    %max3A_412 = arith.maxsi %max3A_397, %max3A_401 : vector<1024x128xi32>
    %max3A_413 = arith.maxsi %min3A_411, %max3A_412 : vector<1024x128xi32>
    %max3A_414 = arith.maxsi %max3A_402, %max3A_406 : vector<1024x128xi32>
    %min3A_415 = arith.minsi %max3A_402, %max3A_406 : vector<1024x128xi32>
    %max3A_416 = arith.maxsi %max3A_405, %max3A_409 : vector<1024x128xi32>
    %max3A_417 = arith.maxsi %min3A_415, %max3A_416 : vector<1024x128xi32>
    %max3A_418 = arith.maxsi %max3A_410, %max3A_414 : vector<1024x128xi32>
    %min3A_419 = arith.minsi %max3A_410, %max3A_414 : vector<1024x128xi32>
    %max3A_420 = arith.maxsi %max3A_413, %max3A_417 : vector<1024x128xi32>
    %max3A_421 = arith.maxsi %min3A_419, %max3A_420 : vector<1024x128xi32>
    %swap3A = arith.constant 0 : index
    %swap3A_422 = arith.constant 0 : index
    %swap3A_423 = vector.load %arg5[%swap3A, %swap3A_422] : memref<1024x128xi32, #tpu.memory_space<vmem>>, vector<1024x128xi32>
    tpu.vector_store %arg5[%swap3A, %swap3A_422], %max3A_418 {strides = array<i32>} : memref<1024x128xi32, #tpu.memory_space<vmem>>, vector<1024x128xi32>,
    %swap3A_424 = arith.constant 0 : index
    %swap3A_425 = arith.constant 0 : index
    %swap3A_426 = vector.load %arg6[%swap3A_424, %swap3A_425] : memref<1024x128xi32, #tpu.memory_space<vmem>>, vector<1024x128xi32>
    tpu.vector_store %arg6[%swap3A_424, %swap3A_425], %max3A_421 {strides = array<i32>} : memref<1024x128xi32, #tpu.memory_space<vmem>>, vector<1024x128xi32>,
    %broadcast_in_dim3A_427 = arith.constant 0 : i32
    %broadcast_in_dim3A_428 = vector.broadcast %broadcast_in_dim3A_427 : i32 to vector<1024x128xi32>
    %swap3A_429 = arith.constant 0 : index
    %swap3A_430 = arith.constant 0 : index
    %swap3A_431 = vector.load %arg7[%swap3A_429, %swap3A_430] : memref<1024x128xi32, #tpu.memory_space<vmem>>, vector<1024x128xi32>
    tpu.vector_store %arg7[%swap3A_429, %swap3A_430], %broadcast_in_dim3A_428 {strides = array<i32>} : memref<1024x128xi32, #tpu.memory_space<vmem>>, vector<1024x128xi32>,
    %while3A = arith.constant true
    %while3A_432:2 = scf.while (%while3A_442 = %while3A, %while3A_443 = %get3A_29) : (i1, vector<1024x16xi32>) -> (i1, vector<1024x16xi32>) {
      scf.condition(%while3A_442) %while3A_442, %while3A_443 : i1, vector<1024x16xi32>
    } do {
    ^bb0(%while3A_442: i1, %while3A_443: vector<1024x16xi32>):
      %get3A_444 = arith.constant 0 : index
      %get3A_445 = arith.constant 0 : index
      %get3A_446 = vector.load %arg5[%get3A_444, %get3A_445] : memref<1024x128xi32, #tpu.memory_space<vmem>>, vector<1024x128xi32>
      %reduce_max3A = arith.constant dense<-2147483648> : vector<1024xi32>
      %reduce_max3A_447 = vector.multi_reduction <maxsi>, %get3A_446, %reduce_max3A [1] : vector<1024x128xi32> to vector<1024xi32>
      %broadcast_in_dim3A_448 = vector.shape_cast %reduce_max3A_447 : vector<1024xi32> to vector<1024x1xi32>
      %slice3A_449 = vector.extract_strided_slice %while3A_443 {offsets = [0, 15], sizes = [1024, 1], strides = [1, 1]} : vector<1024x16xi32> to vector<1024x1xi32>
      %gt3A = arith.cmpi sgt, %broadcast_in_dim3A_448, %slice3A_449 : vector<1024x1xi32>
      %reduce_or3A = arith.constant 1.000000e+00 : f32
      %reduce_or3A_450 = arith.constant 0.000000e+00 : f32
      %reduce_or3A_451 = vector.broadcast %reduce_or3A : f32 to vector<1024x1xf32>
      %reduce_or3A_452 = vector.broadcast %reduce_or3A_450 : f32 to vector<1024x1xf32>
      %reduce_or3A_453 = arith.select %gt3A, %reduce_or3A_451, %reduce_or3A_452 : vector<1024x1xi1>, vector<1024x1xf32>
      %reduce_or3A_454 = vector.shape_cast %reduce_or3A_453 : vector<1024x1xf32> to vector<1x1024x1xf32>
      %reduce_or3A_455 = arith.constant dense<0xFF800000> : vector<1xf32>
      %reduce_or3A_456 = vector.multi_reduction <maximumf>, %reduce_or3A_454, %reduce_or3A_455 [1, 2] : vector<1x1024x1xf32> to vector<1xf32>
      %reduce_or3A_457 = vector.shape_cast %reduce_or3A_456 : vector<1xf32> to vector<1x1x1xf32>
      %reduce_or3A_458 = vector.extract %reduce_or3A_457[0, 0, 0] : f32 from vector<1x1x1xf32>
      %reduce_or3A_459 = arith.constant 0.000000e+00 : f32
      %reduce_or3A_460 = arith.cmpf ogt, %reduce_or3A_458, %reduce_or3A_459 : f32
      %while3A_461:2 = scf.while (%while3A_500 = %reduce_or3A_460, %while3A_501 = %while3A_443) : (i1, vector<1024x16xi32>) -> (i1, vector<1024x16xi32>) {
        scf.condition(%while3A_500) %while3A_500, %while3A_501 : i1, vector<1024x16xi32>
      } do {
      ^bb0(%while3A_500: i1, %while3A_501: vector<1024x16xi32>):
        %get3A_502 = arith.constant 0 : index
        %get3A_503 = arith.constant 0 : index
        %get3A_504 = vector.load %arg5[%get3A_502, %get3A_503] : memref<1024x128xi32, #tpu.memory_space<vmem>>, vector<1024x128xi32>
        %reduce_max3A_505 = arith.constant dense<-2147483648> : vector<1024xi32>
        %reduce_max3A_506 = vector.multi_reduction <maxsi>, %get3A_504, %reduce_max3A_505 [1] : vector<1024x128xi32> to vector<1024xi32>
        %broadcast_in_dim3A_507 = vector.shape_cast %reduce_max3A_506 : vector<1024xi32> to vector<1024x1xi32>
        %slice3A_508 = vector.extract_strided_slice %while3A_501 {offsets = [0, 15], sizes = [1024, 1], strides = [1, 1]} : vector<1024x16xi32> to vector<1024x1xi32>
        %gt3A_509 = arith.cmpi sgt, %broadcast_in_dim3A_507, %slice3A_508 : vector<1024x1xi32>
        %eq3A_510 = vector.broadcast %broadcast_in_dim3A_507 : vector<1024x1xi32> to vector<1024x128xi32>
        %eq3A_511 = arith.cmpi eq, %get3A_504, %eq3A_510 : vector<1024x128xi32>
        %get3A_512 = arith.constant 0 : index
        %get3A_513 = arith.constant 0 : index
        %get3A_514 = vector.load %arg6[%get3A_512, %get3A_513] : memref<1024x128xi32, #tpu.memory_space<vmem>>, vector<1024x128xi32>
        %max3A_515 = arith.constant 0 : i32
        %max3A_516 = vector.broadcast %max3A_515 : i32 to vector<1024x128xi32>
        %max3A_517 = arith.maxsi %get3A_514, %max3A_516 : vector<1024x128xi32>
        %select_n3A = arith.select %eq3A_511, %max3A_517, %get3A_504 : vector<1024x128xi1>, vector<1024x128xi32>
        %swap3A_518 = arith.constant 0 : index
        %swap3A_519 = arith.constant 0 : index
        %swap3A_520 = vector.load %arg5[%swap3A_518, %swap3A_519] : memref<1024x128xi32, #tpu.memory_space<vmem>>, vector<1024x128xi32>
        tpu.vector_store %arg5[%swap3A_518, %swap3A_519], %select_n3A {strides = array<i32>} : memref<1024x128xi32, #tpu.memory_space<vmem>>, vector<1024x128xi32>,
        %neg3A = arith.constant 0 : i32
        %neg3A_521 = vector.broadcast %neg3A : i32 to vector<1024x1xi32>
        %neg3A_522 = arith.subi %neg3A_521, %broadcast_in_dim3A_507 : vector<1024x1xi32>
        %broadcast_in_dim3A_523 = vector.shape_cast %neg3A_522 : vector<1024x1xi32> to vector<1024x1xi32>
        %broadcast_in_dim3A_524 = vector.broadcast %broadcast_in_dim3A_523 : vector<1024x1xi32> to vector<1024x128xi32>
        %select_n3A_525 = arith.select %eq3A_511, %broadcast_in_dim3A_524, %get3A_514 : vector<1024x128xi1>, vector<1024x128xi32>
        %swap3A_526 = arith.constant 0 : index
        %swap3A_527 = arith.constant 0 : index
        %swap3A_528 = vector.load %arg6[%swap3A_526, %swap3A_527] : memref<1024x128xi32, #tpu.memory_space<vmem>>, vector<1024x128xi32>
        tpu.vector_store %arg6[%swap3A_526, %swap3A_527], %select_n3A_525 {strides = array<i32>} : memref<1024x128xi32, #tpu.memory_space<vmem>>, vector<1024x128xi32>,
        %gt3A_529 = vector.broadcast %broadcast_in_dim3A_507 : vector<1024x1xi32> to vector<1024x16xi32>
        %gt3A_530 = arith.cmpi sgt, %while3A_501, %gt3A_529 : vector<1024x16xi32>
        %convert_element_type3A_531 = arith.extui %gt3A_530 : vector<1024x16xi1> to vector<1024x16xi32>
        %reduce_sum3A_532 = arith.constant dense<0> : vector<1024xi32>
        %reduce_sum3A_533 = vector.multi_reduction <add>, %convert_element_type3A_531, %reduce_sum3A_532 [1] : vector<1024x16xi32> to vector<1024xi32>
        %broadcast_in_dim3A_534 = vector.shape_cast %reduce_sum3A_533 : vector<1024xi32> to vector<1024x1xi32>
        %roll3A = arith.constant 1 : i32
        %roll3A_535 = tpu.dynamic_rotate %while3A_501 by %roll3A dim 1 : vector<1024x16xi32>, i32 -> vector<1024x16xi32>
        %lt3A = vector.broadcast %broadcast_in_dim3A_534 : vector<1024x1xi32> to vector<1024x16xi32>
        %lt3A_536 = arith.cmpi slt, %iota3A, %lt3A : vector<1024x16xi32>
        %eq3A_537 = vector.broadcast %broadcast_in_dim3A_534 : vector<1024x1xi32> to vector<1024x16xi32>
        %eq3A_538 = arith.cmpi eq, %iota3A, %eq3A_537 : vector<1024x16xi32>
        %broadcast_in_dim3A_539 = vector.shape_cast %broadcast_in_dim3A_507 : vector<1024x1xi32> to vector<1024x1xi32>
        %broadcast_in_dim3A_540 = vector.broadcast %broadcast_in_dim3A_539 : vector<1024x1xi32> to vector<1024x16xi32>
        %select_n3A_541 = arith.select %eq3A_538, %broadcast_in_dim3A_540, %roll3A_535 : vector<1024x16xi1>, vector<1024x16xi32>
        %select_n3A_542 = arith.select %lt3A_536, %while3A_501, %select_n3A_541 : vector<1024x16xi1>, vector<1024x16xi32>
        %broadcast_in_dim3A_543 = vector.shape_cast %gt3A_509 : vector<1024x1xi1> to vector<1024x1xi1>
        %broadcast_in_dim3A_544 = vector.broadcast %broadcast_in_dim3A_543 : vector<1024x1xi1> to vector<1024x16xi1>
        %select_n3A_545 = arith.select %broadcast_in_dim3A_544, %select_n3A_542, %while3A_501 : vector<1024x16xi1>, vector<1024x16xi32>
        %reduce_or3A_546 = arith.constant 1.000000e+00 : f32
        %reduce_or3A_547 = arith.constant 0.000000e+00 : f32
        %reduce_or3A_548 = vector.broadcast %reduce_or3A_546 : f32 to vector<1024x1xf32>
        %reduce_or3A_549 = vector.broadcast %reduce_or3A_547 : f32 to vector<1024x1xf32>
        %reduce_or3A_550 = arith.select %gt3A_509, %reduce_or3A_548, %reduce_or3A_549 : vector<1024x1xi1>, vector<1024x1xf32>
        %reduce_or3A_551 = vector.shape_cast %reduce_or3A_550 : vector<1024x1xf32> to vector<1x1024x1xf32>
        %reduce_or3A_552 = arith.constant dense<0xFF800000> : vector<1xf32>
        %reduce_or3A_553 = vector.multi_reduction <maximumf>, %reduce_or3A_551, %reduce_or3A_552 [1, 2] : vector<1x1024x1xf32> to vector<1xf32>
        %reduce_or3A_554 = vector.shape_cast %reduce_or3A_553 : vector<1xf32> to vector<1x1x1xf32>
        %reduce_or3A_555 = vector.extract %reduce_or3A_554[0, 0, 0] : f32 from vector<1x1x1xf32>
        %reduce_or3A_556 = arith.constant 0.000000e+00 : f32
        %reduce_or3A_557 = arith.cmpf ogt, %reduce_or3A_555, %reduce_or3A_556 : f32
        scf.yield %reduce_or3A_557, %select_n3A_545 : i1, vector<1024x16xi32>
      }
      %get3A_462 = arith.constant 0 : index
      %get3A_463 = arith.constant 0 : index
      %get3A_464 = vector.load %arg6[%get3A_462, %get3A_463] : memref<1024x128xi32, #tpu.memory_space<vmem>>, vector<1024x128xi32>
      %get3A_465 = arith.constant 0 : index
      %get3A_466 = arith.constant 0 : index
      %get3A_467 = vector.load %arg5[%get3A_465, %get3A_466] : memref<1024x128xi32, #tpu.memory_space<vmem>>, vector<1024x128xi32>
      %eq3A_468 = arith.constant 0 : i32
      %eq3A_469 = vector.broadcast %eq3A_468 : i32 to vector<1024x128xi32>
      %eq3A_470 = arith.cmpi eq, %get3A_467, %eq3A_469 : vector<1024x128xi32>
      %get3A_471 = arith.constant 0 : index
      %get3A_472 = arith.constant 0 : index
      %get3A_473 = vector.load %arg7[%get3A_471, %get3A_472] : memref<1024x128xi32, #tpu.memory_space<vmem>>, vector<1024x128xi32>
      %eq3A_474 = arith.constant 0 : i32
      %eq3A_475 = vector.broadcast %eq3A_474 : i32 to vector<1024x128xi32>
      %eq3A_476 = arith.cmpi eq, %get3A_473, %eq3A_475 : vector<1024x128xi32>
      %and3A_477 = arith.andi %eq3A_470, %eq3A_476 : vector<1024x128xi1>
      %sub3A_478 = arith.constant 0 : i32
      %sub3A_479 = vector.broadcast %sub3A_478 : i32 to vector<1024x128xi32>
      %sub3A_480 = arith.subi %sub3A_479, %get3A_464 : vector<1024x128xi32>
      %slice3A_481 = vector.extract_strided_slice %while3A_461#1 {offsets = [0, 15], sizes = [1024, 1], strides = [1, 1]} : vector<1024x16xi32> to vector<1024x1xi32>
      %gt3A_482 = vector.broadcast %slice3A_481 : vector<1024x1xi32> to vector<1024x128xi32>
      %gt3A_483 = arith.cmpi sgt, %sub3A_480, %gt3A_482 : vector<1024x128xi32>
      %and3A_484 = arith.andi %and3A_477, %gt3A_483 : vector<1024x128xi1>
      %reduce_or3A_485 = arith.constant 1.000000e+00 : f32
      %reduce_or3A_486 = arith.constant 0.000000e+00 : f32
      %reduce_or3A_487 = vector.broadcast %reduce_or3A_485 : f32 to vector<1024x128xf32>
      %reduce_or3A_488 = vector.broadcast %reduce_or3A_486 : f32 to vector<1024x128xf32>
      %reduce_or3A_489 = arith.select %and3A_484, %reduce_or3A_487, %reduce_or3A_488 : vector<1024x128xi1>, vector<1024x128xf32>
      %reduce_or3A_490 = vector.shape_cast %reduce_or3A_489 : vector<1024x128xf32> to vector<1x1024x128xf32>
      %reduce_or3A_491 = arith.constant dense<0xFF800000> : vector<1xf32>
      %reduce_or3A_492 = vector.multi_reduction <maximumf>, %reduce_or3A_490, %reduce_or3A_491 [1, 2] : vector<1x1024x128xf32> to vector<1xf32>
      %reduce_or3A_493 = vector.shape_cast %reduce_or3A_492 : vector<1xf32> to vector<1x1x1xf32>
      %reduce_or3A_494 = vector.extract %reduce_or3A_493[0, 0, 0] : f32 from vector<1x1x1xf32>
      %reduce_or3A_495 = arith.constant 0.000000e+00 : f32
      %reduce_or3A_496 = arith.cmpf ogt, %reduce_or3A_494, %reduce_or3A_495 : f32
      %convert_element_type3A_497 = arith.extui %reduce_or3A_496 : i1 to i32
      %cond3A_498 = arith.constant 0 : i32
      %cond3A_499 = arith.cmpi ne, %convert_element_type3A_497, %cond3A_498 : i32
      scf.if %cond3A_499 {
        %lt3A = arith.constant 0 : i32
        %lt3A_500 = vector.broadcast %lt3A : i32 to vector<1024x128xi32>
        %lt3A_501 = arith.cmpi slt, %get3A_464, %lt3A_500 : vector<1024x128xi32>
        %sub3A_502 = arith.constant 0 : i32
        %sub3A_503 = vector.broadcast %sub3A_502 : i32 to vector<1024x128xi32>
        %sub3A_504 = arith.subi %sub3A_503, %get3A_464 : vector<1024x128xi32>
        %jit3A = arith.constant 2147483647 : i32
        %broadcast_in_dim3A_505 = vector.broadcast %jit3A : i32 to vector<1024x128xi32>
        %select_n3A = arith.select %lt3A_501, %sub3A_504, %broadcast_in_dim3A_505 : vector<1024x128xi1>, vector<1024x128xi32>
        %slice3A_506 = vector.extract_strided_slice %add3A_26 {offsets = [0, 0], sizes = [1024, 128], strides = [1, 1]} : vector<1024x2000xf32> to vector<1024x128xf32>
        %bitcast_convert_type3A_507 = tpu.bitcast %slice3A_506 : vector<1024x128xf32> -> vector<1024x128xi32>
        %iota3A_508 = tpu.iota {dimensions = array<i32: 1>} : vector<1024x128xi32>
        %shift_right_arithmetic3A_509 = arith.constant 9 : i32
        %shift_right_arithmetic3A_510 = vector.broadcast %shift_right_arithmetic3A_509 : i32 to vector<1024x128xi32>
        %shift_right_arithmetic3A_511 = arith.shrsi %bitcast_convert_type3A_507, %shift_right_arithmetic3A_510 : vector<1024x128xi32>
        %and3A_512 = arith.constant 16383 : i32
        %and3A_513 = vector.broadcast %and3A_512 : i32 to vector<1024x128xi32>
        %and3A_514 = arith.andi %shift_right_arithmetic3A_511, %and3A_513 : vector<1024x128xi32>
        %shift_left3A_515 = arith.constant 17 : i32
        %shift_left3A_516 = vector.broadcast %shift_left3A_515 : i32 to vector<1024x128xi32>
        %shift_left3A_517 = arith.shli %and3A_514, %shift_left3A_516 : vector<1024x128xi32>
        %mul3A_518 = arith.constant 2000 : i32
        %mul3A_519 = arith.muli %arg0, %mul3A_518 : i32
        %sub3A_520 = arith.constant 131071 : i32
        %sub3A_521 = arith.subi %sub3A_520, %mul3A_519 : i32
        %sub3A_522 = arith.constant 0 : i32
        %sub3A_523 = arith.subi %sub3A_521, %sub3A_522 : i32
        %sub3A_524 = vector.broadcast %sub3A_523 : i32 to vector<1024x128xi32>
        %sub3A_525 = arith.subi %sub3A_524, %iota3A_508 : vector<1024x128xi32>
        %or3A_526 = arith.ori %shift_left3A_517, %sub3A_525 : vector<1024x128xi32>
        %lt3A_527 = arith.cmpi slt, %or3A_526, %select_n3A : vector<1024x128xi32>
        %jit3A_528 = arith.constant 0 : i32
        %broadcast_in_dim3A_529 = vector.broadcast %jit3A_528 : i32 to vector<1024x128xi32>
        %select_n3A_530 = arith.select %lt3A_527, %or3A_526, %broadcast_in_dim3A_529 : vector<1024x128xi1>, vector<1024x128xi32>
        %slice3A_531 = vector.extract_strided_slice %add3A_26 {offsets = [0, 128], sizes = [1024, 128], strides = [1, 1]} : vector<1024x2000xf32> to vector<1024x128xf32>
        %bitcast_convert_type3A_532 = tpu.bitcast %slice3A_531 : vector<1024x128xf32> -> vector<1024x128xi32>
        %iota3A_533 = tpu.iota {dimensions = array<i32: 1>} : vector<1024x128xi32>
        %shift_right_arithmetic3A_534 = arith.constant 9 : i32
        %shift_right_arithmetic3A_535 = vector.broadcast %shift_right_arithmetic3A_534 : i32 to vector<1024x128xi32>
        %shift_right_arithmetic3A_536 = arith.shrsi %bitcast_convert_type3A_532, %shift_right_arithmetic3A_535 : vector<1024x128xi32>
        %and3A_537 = arith.constant 16383 : i32
        %and3A_538 = vector.broadcast %and3A_537 : i32 to vector<1024x128xi32>
        %and3A_539 = arith.andi %shift_right_arithmetic3A_536, %and3A_538 : vector<1024x128xi32>
        %shift_left3A_540 = arith.constant 17 : i32
        %shift_left3A_541 = vector.broadcast %shift_left3A_540 : i32 to vector<1024x128xi32>
        %shift_left3A_542 = arith.shli %and3A_539, %shift_left3A_541 : vector<1024x128xi32>
        %mul3A_543 = arith.constant 2000 : i32
        %mul3A_544 = arith.muli %arg0, %mul3A_543 : i32
        %sub3A_545 = arith.constant 131071 : i32
        %sub3A_546 = arith.subi %sub3A_545, %mul3A_544 : i32
        %sub3A_547 = arith.constant 128 : i32
        %sub3A_548 = arith.subi %sub3A_546, %sub3A_547 : i32
        %sub3A_549 = vector.broadcast %sub3A_548 : i32 to vector<1024x128xi32>
        %sub3A_550 = arith.subi %sub3A_549, %iota3A_533 : vector<1024x128xi32>
        %or3A_551 = arith.ori %shift_left3A_542, %sub3A_550 : vector<1024x128xi32>
        %lt3A_552 = arith.cmpi slt, %or3A_551, %select_n3A : vector<1024x128xi32>
        %jit3A_553 = arith.constant 0 : i32
        %broadcast_in_dim3A_554 = vector.broadcast %jit3A_553 : i32 to vector<1024x128xi32>
        %select_n3A_555 = arith.select %lt3A_552, %or3A_551, %broadcast_in_dim3A_554 : vector<1024x128xi1>, vector<1024x128xi32>
        %slice3A_556 = vector.extract_strided_slice %add3A_26 {offsets = [0, 256], sizes = [1024, 128], strides = [1, 1]} : vector<1024x2000xf32> to vector<1024x128xf32>
        %bitcast_convert_type3A_557 = tpu.bitcast %slice3A_556 : vector<1024x128xf32> -> vector<1024x128xi32>
        %iota3A_558 = tpu.iota {dimensions = array<i32: 1>} : vector<1024x128xi32>
        %shift_right_arithmetic3A_559 = arith.constant 9 : i32
        %shift_right_arithmetic3A_560 = vector.broadcast %shift_right_arithmetic3A_559 : i32 to vector<1024x128xi32>
        %shift_right_arithmetic3A_561 = arith.shrsi %bitcast_convert_type3A_557, %shift_right_arithmetic3A_560 : vector<1024x128xi32>
        %and3A_562 = arith.constant 16383 : i32
        %and3A_563 = vector.broadcast %and3A_562 : i32 to vector<1024x128xi32>
        %and3A_564 = arith.andi %shift_right_arithmetic3A_561, %and3A_563 : vector<1024x128xi32>
        %shift_left3A_565 = arith.constant 17 : i32
        %shift_left3A_566 = vector.broadcast %shift_left3A_565 : i32 to vector<1024x128xi32>
        %shift_left3A_567 = arith.shli %and3A_564, %shift_left3A_566 : vector<1024x128xi32>
        %mul3A_568 = arith.constant 2000 : i32
        %mul3A_569 = arith.muli %arg0, %mul3A_568 : i32
        %sub3A_570 = arith.constant 131071 : i32
        %sub3A_571 = arith.subi %sub3A_570, %mul3A_569 : i32
        %sub3A_572 = arith.constant 256 : i32
        %sub3A_573 = arith.subi %sub3A_571, %sub3A_572 : i32
        %sub3A_574 = vector.broadcast %sub3A_573 : i32 to vector<1024x128xi32>
        %sub3A_575 = arith.subi %sub3A_574, %iota3A_558 : vector<1024x128xi32>
        %or3A_576 = arith.ori %shift_left3A_567, %sub3A_575 : vector<1024x128xi32>
        %lt3A_577 = arith.cmpi slt, %or3A_576, %select_n3A : vector<1024x128xi32>
        %jit3A_578 = arith.constant 0 : i32
        %broadcast_in_dim3A_579 = vector.broadcast %jit3A_578 : i32 to vector<1024x128xi32>
        %select_n3A_580 = arith.select %lt3A_577, %or3A_576, %broadcast_in_dim3A_579 : vector<1024x128xi1>, vector<1024x128xi32>
        %slice3A_581 = vector.extract_strided_slice %add3A_26 {offsets = [0, 384], sizes = [1024, 128], strides = [1, 1]} : vector<1024x2000xf32> to vector<1024x128xf32>
        %bitcast_convert_type3A_582 = tpu.bitcast %slice3A_581 : vector<1024x128xf32> -> vector<1024x128xi32>
        %iota3A_583 = tpu.iota {dimensions = array<i32: 1>} : vector<1024x128xi32>
        %shift_right_arithmetic3A_584 = arith.constant 9 : i32
        %shift_right_arithmetic3A_585 = vector.broadcast %shift_right_arithmetic3A_584 : i32 to vector<1024x128xi32>
        %shift_right_arithmetic3A_586 = arith.shrsi %bitcast_convert_type3A_582, %shift_right_arithmetic3A_585 : vector<1024x128xi32>
        %and3A_587 = arith.constant 16383 : i32
        %and3A_588 = vector.broadcast %and3A_587 : i32 to vector<1024x128xi32>
        %and3A_589 = arith.andi %shift_right_arithmetic3A_586, %and3A_588 : vector<1024x128xi32>
        %shift_left3A_590 = arith.constant 17 : i32
        %shift_left3A_591 = vector.broadcast %shift_left3A_590 : i32 to vector<1024x128xi32>
        %shift_left3A_592 = arith.shli %and3A_589, %shift_left3A_591 : vector<1024x128xi32>
        %mul3A_593 = arith.constant 2000 : i32
        %mul3A_594 = arith.muli %arg0, %mul3A_593 : i32
        %sub3A_595 = arith.constant 131071 : i32
        %sub3A_596 = arith.subi %sub3A_595, %mul3A_594 : i32
        %sub3A_597 = arith.constant 384 : i32
        %sub3A_598 = arith.subi %sub3A_596, %sub3A_597 : i32
        %sub3A_599 = vector.broadcast %sub3A_598 : i32 to vector<1024x128xi32>
        %sub3A_600 = arith.subi %sub3A_599, %iota3A_583 : vector<1024x128xi32>
        %or3A_601 = arith.ori %shift_left3A_592, %sub3A_600 : vector<1024x128xi32>
        %lt3A_602 = arith.cmpi slt, %or3A_601, %select_n3A : vector<1024x128xi32>
        %jit3A_603 = arith.constant 0 : i32
        %broadcast_in_dim3A_604 = vector.broadcast %jit3A_603 : i32 to vector<1024x128xi32>
        %select_n3A_605 = arith.select %lt3A_602, %or3A_601, %broadcast_in_dim3A_604 : vector<1024x128xi1>, vector<1024x128xi32>
        %slice3A_606 = vector.extract_strided_slice %add3A_26 {offsets = [0, 512], sizes = [1024, 128], strides = [1, 1]} : vector<1024x2000xf32> to vector<1024x128xf32>
        %bitcast_convert_type3A_607 = tpu.bitcast %slice3A_606 : vector<1024x128xf32> -> vector<1024x128xi32>
        %iota3A_608 = tpu.iota {dimensions = array<i32: 1>} : vector<1024x128xi32>
        %shift_right_arithmetic3A_609 = arith.constant 9 : i32
        %shift_right_arithmetic3A_610 = vector.broadcast %shift_right_arithmetic3A_609 : i32 to vector<1024x128xi32>
        %shift_right_arithmetic3A_611 = arith.shrsi %bitcast_convert_type3A_607, %shift_right_arithmetic3A_610 : vector<1024x128xi32>
        %and3A_612 = arith.constant 16383 : i32
        %and3A_613 = vector.broadcast %and3A_612 : i32 to vector<1024x128xi32>
        %and3A_614 = arith.andi %shift_right_arithmetic3A_611, %and3A_613 : vector<1024x128xi32>
        %shift_left3A_615 = arith.constant 17 : i32
        %shift_left3A_616 = vector.broadcast %shift_left3A_615 : i32 to vector<1024x128xi32>
        %shift_left3A_617 = arith.shli %and3A_614, %shift_left3A_616 : vector<1024x128xi32>
        %mul3A_618 = arith.constant 2000 : i32
        %mul3A_619 = arith.muli %arg0, %mul3A_618 : i32
        %sub3A_620 = arith.constant 131071 : i32
        %sub3A_621 = arith.subi %sub3A_620, %mul3A_619 : i32
        %sub3A_622 = arith.constant 512 : i32
        %sub3A_623 = arith.subi %sub3A_621, %sub3A_622 : i32
        %sub3A_624 = vector.broadcast %sub3A_623 : i32 to vector<1024x128xi32>
        %sub3A_625 = arith.subi %sub3A_624, %iota3A_608 : vector<1024x128xi32>
        %or3A_626 = arith.ori %shift_left3A_617, %sub3A_625 : vector<1024x128xi32>
        %lt3A_627 = arith.cmpi slt, %or3A_626, %select_n3A : vector<1024x128xi32>
        %jit3A_628 = arith.constant 0 : i32
        %broadcast_in_dim3A_629 = vector.broadcast %jit3A_628 : i32 to vector<1024x128xi32>
        %select_n3A_630 = arith.select %lt3A_627, %or3A_626, %broadcast_in_dim3A_629 : vector<1024x128xi1>, vector<1024x128xi32>
        %slice3A_631 = vector.extract_strided_slice %add3A_26 {offsets = [0, 640], sizes = [1024, 128], strides = [1, 1]} : vector<1024x2000xf32> to vector<1024x128xf32>
        %bitcast_convert_type3A_632 = tpu.bitcast %slice3A_631 : vector<1024x128xf32> -> vector<1024x128xi32>
        %iota3A_633 = tpu.iota {dimensions = array<i32: 1>} : vector<1024x128xi32>
        %shift_right_arithmetic3A_634 = arith.constant 9 : i32
        %shift_right_arithmetic3A_635 = vector.broadcast %shift_right_arithmetic3A_634 : i32 to vector<1024x128xi32>
        %shift_right_arithmetic3A_636 = arith.shrsi %bitcast_convert_type3A_632, %shift_right_arithmetic3A_635 : vector<1024x128xi32>
        %and3A_637 = arith.constant 16383 : i32
        %and3A_638 = vector.broadcast %and3A_637 : i32 to vector<1024x128xi32>
        %and3A_639 = arith.andi %shift_right_arithmetic3A_636, %and3A_638 : vector<1024x128xi32>
        %shift_left3A_640 = arith.constant 17 : i32
        %shift_left3A_641 = vector.broadcast %shift_left3A_640 : i32 to vector<1024x128xi32>
        %shift_left3A_642 = arith.shli %and3A_639, %shift_left3A_641 : vector<1024x128xi32>
        %mul3A_643 = arith.constant 2000 : i32
        %mul3A_644 = arith.muli %arg0, %mul3A_643 : i32
        %sub3A_645 = arith.constant 131071 : i32
        %sub3A_646 = arith.subi %sub3A_645, %mul3A_644 : i32
        %sub3A_647 = arith.constant 640 : i32
        %sub3A_648 = arith.subi %sub3A_646, %sub3A_647 : i32
        %sub3A_649 = vector.broadcast %sub3A_648 : i32 to vector<1024x128xi32>
        %sub3A_650 = arith.subi %sub3A_649, %iota3A_633 : vector<1024x128xi32>
        %or3A_651 = arith.ori %shift_left3A_642, %sub3A_650 : vector<1024x128xi32>
        %lt3A_652 = arith.cmpi slt, %or3A_651, %select_n3A : vector<1024x128xi32>
        %jit3A_653 = arith.constant 0 : i32
        %broadcast_in_dim3A_654 = vector.broadcast %jit3A_653 : i32 to vector<1024x128xi32>
        %select_n3A_655 = arith.select %lt3A_652, %or3A_651, %broadcast_in_dim3A_654 : vector<1024x128xi1>, vector<1024x128xi32>
        %slice3A_656 = vector.extract_strided_slice %add3A_26 {offsets = [0, 768], sizes = [1024, 128], strides = [1, 1]} : vector<1024x2000xf32> to vector<1024x128xf32>
        %bitcast_convert_type3A_657 = tpu.bitcast %slice3A_656 : vector<1024x128xf32> -> vector<1024x128xi32>
        %iota3A_658 = tpu.iota {dimensions = array<i32: 1>} : vector<1024x128xi32>
        %shift_right_arithmetic3A_659 = arith.constant 9 : i32
        %shift_right_arithmetic3A_660 = vector.broadcast %shift_right_arithmetic3A_659 : i32 to vector<1024x128xi32>
        %shift_right_arithmetic3A_661 = arith.shrsi %bitcast_convert_type3A_657, %shift_right_arithmetic3A_660 : vector<1024x128xi32>
        %and3A_662 = arith.constant 16383 : i32
        %and3A_663 = vector.broadcast %and3A_662 : i32 to vector<1024x128xi32>
        %and3A_664 = arith.andi %shift_right_arithmetic3A_661, %and3A_663 : vector<1024x128xi32>
        %shift_left3A_665 = arith.constant 17 : i32
        %shift_left3A_666 = vector.broadcast %shift_left3A_665 : i32 to vector<1024x128xi32>
        %shift_left3A_667 = arith.shli %and3A_664, %shift_left3A_666 : vector<1024x128xi32>
        %mul3A_668 = arith.constant 2000 : i32
        %mul3A_669 = arith.muli %arg0, %mul3A_668 : i32
        %sub3A_670 = arith.constant 131071 : i32
        %sub3A_671 = arith.subi %sub3A_670, %mul3A_669 : i32
        %sub3A_672 = arith.constant 768 : i32
        %sub3A_673 = arith.subi %sub3A_671, %sub3A_672 : i32
        %sub3A_674 = vector.broadcast %sub3A_673 : i32 to vector<1024x128xi32>
        %sub3A_675 = arith.subi %sub3A_674, %iota3A_658 : vector<1024x128xi32>
        %or3A_676 = arith.ori %shift_left3A_667, %sub3A_675 : vector<1024x128xi32>
        %lt3A_677 = arith.cmpi slt, %or3A_676, %select_n3A : vector<1024x128xi32>
        %jit3A_678 = arith.constant 0 : i32
        %broadcast_in_dim3A_679 = vector.broadcast %jit3A_678 : i32 to vector<1024x128xi32>
        %select_n3A_680 = arith.select %lt3A_677, %or3A_676, %broadcast_in_dim3A_679 : vector<1024x128xi1>, vector<1024x128xi32>
        %slice3A_681 = vector.extract_strided_slice %add3A_26 {offsets = [0, 896], sizes = [1024, 128], strides = [1, 1]} : vector<1024x2000xf32> to vector<1024x128xf32>
        %bitcast_convert_type3A_682 = tpu.bitcast %slice3A_681 : vector<1024x128xf32> -> vector<1024x128xi32>
        %iota3A_683 = tpu.iota {dimensions = array<i32: 1>} : vector<1024x128xi32>
        %shift_right_arithmetic3A_684 = arith.constant 9 : i32
        %shift_right_arithmetic3A_685 = vector.broadcast %shift_right_arithmetic3A_684 : i32 to vector<1024x128xi32>
        %shift_right_arithmetic3A_686 = arith.shrsi %bitcast_convert_type3A_682, %shift_right_arithmetic3A_685 : vector<1024x128xi32>
        %and3A_687 = arith.constant 16383 : i32
        %and3A_688 = vector.broadcast %and3A_687 : i32 to vector<1024x128xi32>
        %and3A_689 = arith.andi %shift_right_arithmetic3A_686, %and3A_688 : vector<1024x128xi32>
        %shift_left3A_690 = arith.constant 17 : i32
        %shift_left3A_691 = vector.broadcast %shift_left3A_690 : i32 to vector<1024x128xi32>
        %shift_left3A_692 = arith.shli %and3A_689, %shift_left3A_691 : vector<1024x128xi32>
        %mul3A_693 = arith.constant 2000 : i32
        %mul3A_694 = arith.muli %arg0, %mul3A_693 : i32
        %sub3A_695 = arith.constant 131071 : i32
        %sub3A_696 = arith.subi %sub3A_695, %mul3A_694 : i32
        %sub3A_697 = arith.constant 896 : i32
        %sub3A_698 = arith.subi %sub3A_696, %sub3A_697 : i32
        %sub3A_699 = vector.broadcast %sub3A_698 : i32 to vector<1024x128xi32>
        %sub3A_700 = arith.subi %sub3A_699, %iota3A_683 : vector<1024x128xi32>
        %or3A_701 = arith.ori %shift_left3A_692, %sub3A_700 : vector<1024x128xi32>
        %lt3A_702 = arith.cmpi slt, %or3A_701, %select_n3A : vector<1024x128xi32>
        %jit3A_703 = arith.constant 0 : i32
        %broadcast_in_dim3A_704 = vector.broadcast %jit3A_703 : i32 to vector<1024x128xi32>
        %select_n3A_705 = arith.select %lt3A_702, %or3A_701, %broadcast_in_dim3A_704 : vector<1024x128xi1>, vector<1024x128xi32>
        %slice3A_706 = vector.extract_strided_slice %add3A_26 {offsets = [0, 1024], sizes = [1024, 128], strides = [1, 1]} : vector<1024x2000xf32> to vector<1024x128xf32>
        %bitcast_convert_type3A_707 = tpu.bitcast %slice3A_706 : vector<1024x128xf32> -> vector<1024x128xi32>
        %iota3A_708 = tpu.iota {dimensions = array<i32: 1>} : vector<1024x128xi32>
        %shift_right_arithmetic3A_709 = arith.constant 9 : i32
        %shift_right_arithmetic3A_710 = vector.broadcast %shift_right_arithmetic3A_709 : i32 to vector<1024x128xi32>
        %shift_right_arithmetic3A_711 = arith.shrsi %bitcast_convert_type3A_707, %shift_right_arithmetic3A_710 : vector<1024x128xi32>
        %and3A_712 = arith.constant 16383 : i32
        %and3A_713 = vector.broadcast %and3A_712 : i32 to vector<1024x128xi32>
        %and3A_714 = arith.andi %shift_right_arithmetic3A_711, %and3A_713 : vector<1024x128xi32>
        %shift_left3A_715 = arith.constant 17 : i32
        %shift_left3A_716 = vector.broadcast %shift_left3A_715 : i32 to vector<1024x128xi32>
        %shift_left3A_717 = arith.shli %and3A_714, %shift_left3A_716 : vector<1024x128xi32>
        %mul3A_718 = arith.constant 2000 : i32
        %mul3A_719 = arith.muli %arg0, %mul3A_718 : i32
        %sub3A_720 = arith.constant 131071 : i32
        %sub3A_721 = arith.subi %sub3A_720, %mul3A_719 : i32
        %sub3A_722 = arith.constant 1024 : i32
        %sub3A_723 = arith.subi %sub3A_721, %sub3A_722 : i32
        %sub3A_724 = vector.broadcast %sub3A_723 : i32 to vector<1024x128xi32>
        %sub3A_725 = arith.subi %sub3A_724, %iota3A_708 : vector<1024x128xi32>
        %or3A_726 = arith.ori %shift_left3A_717, %sub3A_725 : vector<1024x128xi32>
        %lt3A_727 = arith.cmpi slt, %or3A_726, %select_n3A : vector<1024x128xi32>
        %jit3A_728 = arith.constant 0 : i32
        %broadcast_in_dim3A_729 = vector.broadcast %jit3A_728 : i32 to vector<1024x128xi32>
        %select_n3A_730 = arith.select %lt3A_727, %or3A_726, %broadcast_in_dim3A_729 : vector<1024x128xi1>, vector<1024x128xi32>
        %slice3A_731 = vector.extract_strided_slice %add3A_26 {offsets = [0, 1152], sizes = [1024, 128], strides = [1, 1]} : vector<1024x2000xf32> to vector<1024x128xf32>
        %bitcast_convert_type3A_732 = tpu.bitcast %slice3A_731 : vector<1024x128xf32> -> vector<1024x128xi32>
        %iota3A_733 = tpu.iota {dimensions = array<i32: 1>} : vector<1024x128xi32>
        %shift_right_arithmetic3A_734 = arith.constant 9 : i32
        %shift_right_arithmetic3A_735 = vector.broadcast %shift_right_arithmetic3A_734 : i32 to vector<1024x128xi32>
        %shift_right_arithmetic3A_736 = arith.shrsi %bitcast_convert_type3A_732, %shift_right_arithmetic3A_735 : vector<1024x128xi32>
        %and3A_737 = arith.constant 16383 : i32
        %and3A_738 = vector.broadcast %and3A_737 : i32 to vector<1024x128xi32>
        %and3A_739 = arith.andi %shift_right_arithmetic3A_736, %and3A_738 : vector<1024x128xi32>
        %shift_left3A_740 = arith.constant 17 : i32
        %shift_left3A_741 = vector.broadcast %shift_left3A_740 : i32 to vector<1024x128xi32>
        %shift_left3A_742 = arith.shli %and3A_739, %shift_left3A_741 : vector<1024x128xi32>
        %mul3A_743 = arith.constant 2000 : i32
        %mul3A_744 = arith.muli %arg0, %mul3A_743 : i32
        %sub3A_745 = arith.constant 131071 : i32
        %sub3A_746 = arith.subi %sub3A_745, %mul3A_744 : i32
        %sub3A_747 = arith.constant 1152 : i32
        %sub3A_748 = arith.subi %sub3A_746, %sub3A_747 : i32
        %sub3A_749 = vector.broadcast %sub3A_748 : i32 to vector<1024x128xi32>
        %sub3A_750 = arith.subi %sub3A_749, %iota3A_733 : vector<1024x128xi32>
        %or3A_751 = arith.ori %shift_left3A_742, %sub3A_750 : vector<1024x128xi32>
        %lt3A_752 = arith.cmpi slt, %or3A_751, %select_n3A : vector<1024x128xi32>
        %jit3A_753 = arith.constant 0 : i32
        %broadcast_in_dim3A_754 = vector.broadcast %jit3A_753 : i32 to vector<1024x128xi32>
        %select_n3A_755 = arith.select %lt3A_752, %or3A_751, %broadcast_in_dim3A_754 : vector<1024x128xi1>, vector<1024x128xi32>
        %slice3A_756 = vector.extract_strided_slice %add3A_26 {offsets = [0, 1280], sizes = [1024, 128], strides = [1, 1]} : vector<1024x2000xf32> to vector<1024x128xf32>
        %bitcast_convert_type3A_757 = tpu.bitcast %slice3A_756 : vector<1024x128xf32> -> vector<1024x128xi32>
        %iota3A_758 = tpu.iota {dimensions = array<i32: 1>} : vector<1024x128xi32>
        %shift_right_arithmetic3A_759 = arith.constant 9 : i32
        %shift_right_arithmetic3A_760 = vector.broadcast %shift_right_arithmetic3A_759 : i32 to vector<1024x128xi32>
        %shift_right_arithmetic3A_761 = arith.shrsi %bitcast_convert_type3A_757, %shift_right_arithmetic3A_760 : vector<1024x128xi32>
        %and3A_762 = arith.constant 16383 : i32
        %and3A_763 = vector.broadcast %and3A_762 : i32 to vector<1024x128xi32>
        %and3A_764 = arith.andi %shift_right_arithmetic3A_761, %and3A_763 : vector<1024x128xi32>
        %shift_left3A_765 = arith.constant 17 : i32
        %shift_left3A_766 = vector.broadcast %shift_left3A_765 : i32 to vector<1024x128xi32>
        %shift_left3A_767 = arith.shli %and3A_764, %shift_left3A_766 : vector<1024x128xi32>
        %mul3A_768 = arith.constant 2000 : i32
        %mul3A_769 = arith.muli %arg0, %mul3A_768 : i32
        %sub3A_770 = arith.constant 131071 : i32
        %sub3A_771 = arith.subi %sub3A_770, %mul3A_769 : i32
        %sub3A_772 = arith.constant 1280 : i32
        %sub3A_773 = arith.subi %sub3A_771, %sub3A_772 : i32
        %sub3A_774 = vector.broadcast %sub3A_773 : i32 to vector<1024x128xi32>
        %sub3A_775 = arith.subi %sub3A_774, %iota3A_758 : vector<1024x128xi32>
        %or3A_776 = arith.ori %shift_left3A_767, %sub3A_775 : vector<1024x128xi32>
        %lt3A_777 = arith.cmpi slt, %or3A_776, %select_n3A : vector<1024x128xi32>
        %jit3A_778 = arith.constant 0 : i32
        %broadcast_in_dim3A_779 = vector.broadcast %jit3A_778 : i32 to vector<1024x128xi32>
        %select_n3A_780 = arith.select %lt3A_777, %or3A_776, %broadcast_in_dim3A_779 : vector<1024x128xi1>, vector<1024x128xi32>
        %slice3A_781 = vector.extract_strided_slice %add3A_26 {offsets = [0, 1408], sizes = [1024, 128], strides = [1, 1]} : vector<1024x2000xf32> to vector<1024x128xf32>
        %bitcast_convert_type3A_782 = tpu.bitcast %slice3A_781 : vector<1024x128xf32> -> vector<1024x128xi32>
        %iota3A_783 = tpu.iota {dimensions = array<i32: 1>} : vector<1024x128xi32>
        %shift_right_arithmetic3A_784 = arith.constant 9 : i32
        %shift_right_arithmetic3A_785 = vector.broadcast %shift_right_arithmetic3A_784 : i32 to vector<1024x128xi32>
        %shift_right_arithmetic3A_786 = arith.shrsi %bitcast_convert_type3A_782, %shift_right_arithmetic3A_785 : vector<1024x128xi32>
        %and3A_787 = arith.constant 16383 : i32
        %and3A_788 = vector.broadcast %and3A_787 : i32 to vector<1024x128xi32>
        %and3A_789 = arith.andi %shift_right_arithmetic3A_786, %and3A_788 : vector<1024x128xi32>
        %shift_left3A_790 = arith.constant 17 : i32
        %shift_left3A_791 = vector.broadcast %shift_left3A_790 : i32 to vector<1024x128xi32>
        %shift_left3A_792 = arith.shli %and3A_789, %shift_left3A_791 : vector<1024x128xi32>
        %mul3A_793 = arith.constant 2000 : i32
        %mul3A_794 = arith.muli %arg0, %mul3A_793 : i32
        %sub3A_795 = arith.constant 131071 : i32
        %sub3A_796 = arith.subi %sub3A_795, %mul3A_794 : i32
        %sub3A_797 = arith.constant 1408 : i32
        %sub3A_798 = arith.subi %sub3A_796, %sub3A_797 : i32
        %sub3A_799 = vector.broadcast %sub3A_798 : i32 to vector<1024x128xi32>
        %sub3A_800 = arith.subi %sub3A_799, %iota3A_783 : vector<1024x128xi32>
        %or3A_801 = arith.ori %shift_left3A_792, %sub3A_800 : vector<1024x128xi32>
        %lt3A_802 = arith.cmpi slt, %or3A_801, %select_n3A : vector<1024x128xi32>
        %jit3A_803 = arith.constant 0 : i32
        %broadcast_in_dim3A_804 = vector.broadcast %jit3A_803 : i32 to vector<1024x128xi32>
        %select_n3A_805 = arith.select %lt3A_802, %or3A_801, %broadcast_in_dim3A_804 : vector<1024x128xi1>, vector<1024x128xi32>
        %slice3A_806 = vector.extract_strided_slice %add3A_26 {offsets = [0, 1536], sizes = [1024, 128], strides = [1, 1]} : vector<1024x2000xf32> to vector<1024x128xf32>
        %bitcast_convert_type3A_807 = tpu.bitcast %slice3A_806 : vector<1024x128xf32> -> vector<1024x128xi32>
        %iota3A_808 = tpu.iota {dimensions = array<i32: 1>} : vector<1024x128xi32>
        %shift_right_arithmetic3A_809 = arith.constant 9 : i32
        %shift_right_arithmetic3A_810 = vector.broadcast %shift_right_arithmetic3A_809 : i32 to vector<1024x128xi32>
        %shift_right_arithmetic3A_811 = arith.shrsi %bitcast_convert_type3A_807, %shift_right_arithmetic3A_810 : vector<1024x128xi32>
        %and3A_812 = arith.constant 16383 : i32
        %and3A_813 = vector.broadcast %and3A_812 : i32 to vector<1024x128xi32>
        %and3A_814 = arith.andi %shift_right_arithmetic3A_811, %and3A_813 : vector<1024x128xi32>
        %shift_left3A_815 = arith.constant 17 : i32
        %shift_left3A_816 = vector.broadcast %shift_left3A_815 : i32 to vector<1024x128xi32>
        %shift_left3A_817 = arith.shli %and3A_814, %shift_left3A_816 : vector<1024x128xi32>
        %mul3A_818 = arith.constant 2000 : i32
        %mul3A_819 = arith.muli %arg0, %mul3A_818 : i32
        %sub3A_820 = arith.constant 131071 : i32
        %sub3A_821 = arith.subi %sub3A_820, %mul3A_819 : i32
        %sub3A_822 = arith.constant 1536 : i32
        %sub3A_823 = arith.subi %sub3A_821, %sub3A_822 : i32
        %sub3A_824 = vector.broadcast %sub3A_823 : i32 to vector<1024x128xi32>
        %sub3A_825 = arith.subi %sub3A_824, %iota3A_808 : vector<1024x128xi32>
        %or3A_826 = arith.ori %shift_left3A_817, %sub3A_825 : vector<1024x128xi32>
        %lt3A_827 = arith.cmpi slt, %or3A_826, %select_n3A : vector<1024x128xi32>
        %jit3A_828 = arith.constant 0 : i32
        %broadcast_in_dim3A_829 = vector.broadcast %jit3A_828 : i32 to vector<1024x128xi32>
        %select_n3A_830 = arith.select %lt3A_827, %or3A_826, %broadcast_in_dim3A_829 : vector<1024x128xi1>, vector<1024x128xi32>
        %slice3A_831 = vector.extract_strided_slice %add3A_26 {offsets = [0, 1664], sizes = [1024, 128], strides = [1, 1]} : vector<1024x2000xf32> to vector<1024x128xf32>
        %bitcast_convert_type3A_832 = tpu.bitcast %slice3A_831 : vector<1024x128xf32> -> vector<1024x128xi32>
        %iota3A_833 = tpu.iota {dimensions = array<i32: 1>} : vector<1024x128xi32>
        %shift_right_arithmetic3A_834 = arith.constant 9 : i32
        %shift_right_arithmetic3A_835 = vector.broadcast %shift_right_arithmetic3A_834 : i32 to vector<1024x128xi32>
        %shift_right_arithmetic3A_836 = arith.shrsi %bitcast_convert_type3A_832, %shift_right_arithmetic3A_835 : vector<1024x128xi32>
        %and3A_837 = arith.constant 16383 : i32
        %and3A_838 = vector.broadcast %and3A_837 : i32 to vector<1024x128xi32>
        %and3A_839 = arith.andi %shift_right_arithmetic3A_836, %and3A_838 : vector<1024x128xi32>
        %shift_left3A_840 = arith.constant 17 : i32
        %shift_left3A_841 = vector.broadcast %shift_left3A_840 : i32 to vector<1024x128xi32>
        %shift_left3A_842 = arith.shli %and3A_839, %shift_left3A_841 : vector<1024x128xi32>
        %mul3A_843 = arith.constant 2000 : i32
        %mul3A_844 = arith.muli %arg0, %mul3A_843 : i32
        %sub3A_845 = arith.constant 131071 : i32
        %sub3A_846 = arith.subi %sub3A_845, %mul3A_844 : i32
        %sub3A_847 = arith.constant 1664 : i32
        %sub3A_848 = arith.subi %sub3A_846, %sub3A_847 : i32
        %sub3A_849 = vector.broadcast %sub3A_848 : i32 to vector<1024x128xi32>
        %sub3A_850 = arith.subi %sub3A_849, %iota3A_833 : vector<1024x128xi32>
        %or3A_851 = arith.ori %shift_left3A_842, %sub3A_850 : vector<1024x128xi32>
        %lt3A_852 = arith.cmpi slt, %or3A_851, %select_n3A : vector<1024x128xi32>
        %jit3A_853 = arith.constant 0 : i32
        %broadcast_in_dim3A_854 = vector.broadcast %jit3A_853 : i32 to vector<1024x128xi32>
        %select_n3A_855 = arith.select %lt3A_852, %or3A_851, %broadcast_in_dim3A_854 : vector<1024x128xi1>, vector<1024x128xi32>
        %slice3A_856 = vector.extract_strided_slice %add3A_26 {offsets = [0, 1792], sizes = [1024, 128], strides = [1, 1]} : vector<1024x2000xf32> to vector<1024x128xf32>
        %bitcast_convert_type3A_857 = tpu.bitcast %slice3A_856 : vector<1024x128xf32> -> vector<1024x128xi32>
        %iota3A_858 = tpu.iota {dimensions = array<i32: 1>} : vector<1024x128xi32>
        %shift_right_arithmetic3A_859 = arith.constant 9 : i32
        %shift_right_arithmetic3A_860 = vector.broadcast %shift_right_arithmetic3A_859 : i32 to vector<1024x128xi32>
        %shift_right_arithmetic3A_861 = arith.shrsi %bitcast_convert_type3A_857, %shift_right_arithmetic3A_860 : vector<1024x128xi32>
        %and3A_862 = arith.constant 16383 : i32
        %and3A_863 = vector.broadcast %and3A_862 : i32 to vector<1024x128xi32>
        %and3A_864 = arith.andi %shift_right_arithmetic3A_861, %and3A_863 : vector<1024x128xi32>
        %shift_left3A_865 = arith.constant 17 : i32
        %shift_left3A_866 = vector.broadcast %shift_left3A_865 : i32 to vector<1024x128xi32>
        %shift_left3A_867 = arith.shli %and3A_864, %shift_left3A_866 : vector<1024x128xi32>
        %mul3A_868 = arith.constant 2000 : i32
        %mul3A_869 = arith.muli %arg0, %mul3A_868 : i32
        %sub3A_870 = arith.constant 131071 : i32
        %sub3A_871 = arith.subi %sub3A_870, %mul3A_869 : i32
        %sub3A_872 = arith.constant 1792 : i32
        %sub3A_873 = arith.subi %sub3A_871, %sub3A_872 : i32
        %sub3A_874 = vector.broadcast %sub3A_873 : i32 to vector<1024x128xi32>
        %sub3A_875 = arith.subi %sub3A_874, %iota3A_858 : vector<1024x128xi32>
        %or3A_876 = arith.ori %shift_left3A_867, %sub3A_875 : vector<1024x128xi32>
        %lt3A_877 = arith.cmpi slt, %or3A_876, %select_n3A : vector<1024x128xi32>
        %jit3A_878 = arith.constant 0 : i32
        %broadcast_in_dim3A_879 = vector.broadcast %jit3A_878 : i32 to vector<1024x128xi32>
        %select_n3A_880 = arith.select %lt3A_877, %or3A_876, %broadcast_in_dim3A_879 : vector<1024x128xi1>, vector<1024x128xi32>
        %slice3A_881 = vector.extract_strided_slice %add3A_26 {offsets = [0, 1920], sizes = [1024, 80], strides = [1, 1]} : vector<1024x2000xf32> to vector<1024x80xf32>
        %bitcast_convert_type3A_882 = tpu.bitcast %slice3A_881 : vector<1024x80xf32> -> vector<1024x80xi32>
        %iota3A_883 = tpu.iota {dimensions = array<i32: 1>} : vector<1024x80xi32>
        %shift_right_arithmetic3A_884 = arith.constant 9 : i32
        %shift_right_arithmetic3A_885 = vector.broadcast %shift_right_arithmetic3A_884 : i32 to vector<1024x80xi32>
        %shift_right_arithmetic3A_886 = arith.shrsi %bitcast_convert_type3A_882, %shift_right_arithmetic3A_885 : vector<1024x80xi32>
        %and3A_887 = arith.constant 16383 : i32
        %and3A_888 = vector.broadcast %and3A_887 : i32 to vector<1024x80xi32>
        %and3A_889 = arith.andi %shift_right_arithmetic3A_886, %and3A_888 : vector<1024x80xi32>
        %shift_left3A_890 = arith.constant 17 : i32
        %shift_left3A_891 = vector.broadcast %shift_left3A_890 : i32 to vector<1024x80xi32>
        %shift_left3A_892 = arith.shli %and3A_889, %shift_left3A_891 : vector<1024x80xi32>
        %mul3A_893 = arith.constant 2000 : i32
        %mul3A_894 = arith.muli %arg0, %mul3A_893 : i32
        %sub3A_895 = arith.constant 131071 : i32
        %sub3A_896 = arith.subi %sub3A_895, %mul3A_894 : i32
        %sub3A_897 = arith.constant 1920 : i32
        %sub3A_898 = arith.subi %sub3A_896, %sub3A_897 : i32
        %sub3A_899 = vector.broadcast %sub3A_898 : i32 to vector<1024x80xi32>
        %sub3A_900 = arith.subi %sub3A_899, %iota3A_883 : vector<1024x80xi32>
        %or3A_901 = arith.ori %shift_left3A_892, %sub3A_900 : vector<1024x80xi32>
        %broadcast_in_dim3A_902 = arith.constant 0 : i32
        %broadcast_in_dim3A_903 = vector.broadcast %broadcast_in_dim3A_902 : i32 to vector<1024x48xi32>
        %concatenate3A_904 = tpu.concatenate %or3A_901, %broadcast_in_dim3A_903 in 1 : vector<1024x80xi32>, vector<1024x48xi32> -> vector<1024x128xi32>
        %lt3A_905 = arith.cmpi slt, %concatenate3A_904, %select_n3A : vector<1024x128xi32>
        %jit3A_906 = arith.constant 0 : i32
        %broadcast_in_dim3A_907 = vector.broadcast %jit3A_906 : i32 to vector<1024x128xi32>
        %select_n3A_908 = arith.select %lt3A_905, %concatenate3A_904, %broadcast_in_dim3A_907 : vector<1024x128xi1>, vector<1024x128xi32>
        %broadcast_in_dim3A_909 = arith.constant 0 : i32
        %broadcast_in_dim3A_910 = vector.broadcast %broadcast_in_dim3A_909 : i32 to vector<1024x128xi32>
        %max3A_911 = arith.maxsi %select_n3A_530, %select_n3A_555 : vector<1024x128xi32>
        %min3A_912 = arith.minsi %select_n3A_530, %select_n3A_555 : vector<1024x128xi32>
        %max3A_913 = arith.maxsi %broadcast_in_dim3A_910, %broadcast_in_dim3A_910 : vector<1024x128xi32>
        %max3A_914 = arith.maxsi %min3A_912, %max3A_913 : vector<1024x128xi32>
        %max3A_915 = arith.maxsi %select_n3A_580, %select_n3A_605 : vector<1024x128xi32>
        %min3A_916 = arith.minsi %select_n3A_580, %select_n3A_605 : vector<1024x128xi32>
        %max3A_917 = arith.maxsi %broadcast_in_dim3A_910, %broadcast_in_dim3A_910 : vector<1024x128xi32>
        %max3A_918 = arith.maxsi %min3A_916, %max3A_917 : vector<1024x128xi32>
        %max3A_919 = arith.maxsi %select_n3A_630, %select_n3A_655 : vector<1024x128xi32>
        %min3A_920 = arith.minsi %select_n3A_630, %select_n3A_655 : vector<1024x128xi32>
        %max3A_921 = arith.maxsi %broadcast_in_dim3A_910, %broadcast_in_dim3A_910 : vector<1024x128xi32>
        %max3A_922 = arith.maxsi %min3A_920, %max3A_921 : vector<1024x128xi32>
        %max3A_923 = arith.maxsi %select_n3A_680, %select_n3A_705 : vector<1024x128xi32>
        %min3A_924 = arith.minsi %select_n3A_680, %select_n3A_705 : vector<1024x128xi32>
        %max3A_925 = arith.maxsi %broadcast_in_dim3A_910, %broadcast_in_dim3A_910 : vector<1024x128xi32>
        %max3A_926 = arith.maxsi %min3A_924, %max3A_925 : vector<1024x128xi32>
        %max3A_927 = arith.maxsi %select_n3A_730, %select_n3A_755 : vector<1024x128xi32>
        %min3A_928 = arith.minsi %select_n3A_730, %select_n3A_755 : vector<1024x128xi32>
        %max3A_929 = arith.maxsi %broadcast_in_dim3A_910, %broadcast_in_dim3A_910 : vector<1024x128xi32>
        %max3A_930 = arith.maxsi %min3A_928, %max3A_929 : vector<1024x128xi32>
        %max3A_931 = arith.maxsi %select_n3A_780, %select_n3A_805 : vector<1024x128xi32>
        %min3A_932 = arith.minsi %select_n3A_780, %select_n3A_805 : vector<1024x128xi32>
        %max3A_933 = arith.maxsi %broadcast_in_dim3A_910, %broadcast_in_dim3A_910 : vector<1024x128xi32>
        %max3A_934 = arith.maxsi %min3A_932, %max3A_933 : vector<1024x128xi32>
        %max3A_935 = arith.maxsi %select_n3A_830, %select_n3A_855 : vector<1024x128xi32>
        %min3A_936 = arith.minsi %select_n3A_830, %select_n3A_855 : vector<1024x128xi32>
        %max3A_937 = arith.maxsi %broadcast_in_dim3A_910, %broadcast_in_dim3A_910 : vector<1024x128xi32>
        %max3A_938 = arith.maxsi %min3A_936, %max3A_937 : vector<1024x128xi32>
        %max3A_939 = arith.maxsi %select_n3A_880, %select_n3A_908 : vector<1024x128xi32>
        %min3A_940 = arith.minsi %select_n3A_880, %select_n3A_908 : vector<1024x128xi32>
        %max3A_941 = arith.maxsi %broadcast_in_dim3A_910, %broadcast_in_dim3A_910 : vector<1024x128xi32>
        %max3A_942 = arith.maxsi %min3A_940, %max3A_941 : vector<1024x128xi32>
        %max3A_943 = arith.maxsi %max3A_911, %max3A_915 : vector<1024x128xi32>
        %min3A_944 = arith.minsi %max3A_911, %max3A_915 : vector<1024x128xi32>
        %max3A_945 = arith.maxsi %max3A_914, %max3A_918 : vector<1024x128xi32>
        %max3A_946 = arith.maxsi %min3A_944, %max3A_945 : vector<1024x128xi32>
        %max3A_947 = arith.maxsi %max3A_919, %max3A_923 : vector<1024x128xi32>
        %min3A_948 = arith.minsi %max3A_919, %max3A_923 : vector<1024x128xi32>
        %max3A_949 = arith.maxsi %max3A_922, %max3A_926 : vector<1024x128xi32>
        %max3A_950 = arith.maxsi %min3A_948, %max3A_949 : vector<1024x128xi32>
        %max3A_951 = arith.maxsi %max3A_927, %max3A_931 : vector<1024x128xi32>
        %min3A_952 = arith.minsi %max3A_927, %max3A_931 : vector<1024x128xi32>
        %max3A_953 = arith.maxsi %max3A_930, %max3A_934 : vector<1024x128xi32>
        %max3A_954 = arith.maxsi %min3A_952, %max3A_953 : vector<1024x128xi32>
        %max3A_955 = arith.maxsi %max3A_935, %max3A_939 : vector<1024x128xi32>
        %min3A_956 = arith.minsi %max3A_935, %max3A_939 : vector<1024x128xi32>
        %max3A_957 = arith.maxsi %max3A_938, %max3A_942 : vector<1024x128xi32>
        %max3A_958 = arith.maxsi %min3A_956, %max3A_957 : vector<1024x128xi32>
        %max3A_959 = arith.maxsi %max3A_943, %max3A_947 : vector<1024x128xi32>
        %min3A_960 = arith.minsi %max3A_943, %max3A_947 : vector<1024x128xi32>
        %max3A_961 = arith.maxsi %max3A_946, %max3A_950 : vector<1024x128xi32>
        %max3A_962 = arith.maxsi %min3A_960, %max3A_961 : vector<1024x128xi32>
        %max3A_963 = arith.maxsi %max3A_951, %max3A_955 : vector<1024x128xi32>
        %min3A_964 = arith.minsi %max3A_951, %max3A_955 : vector<1024x128xi32>
        %max3A_965 = arith.maxsi %max3A_954, %max3A_958 : vector<1024x128xi32>
        %max3A_966 = arith.maxsi %min3A_964, %max3A_965 : vector<1024x128xi32>
        %max3A_967 = arith.maxsi %max3A_959, %max3A_963 : vector<1024x128xi32>
        %min3A_968 = arith.minsi %max3A_959, %max3A_963 : vector<1024x128xi32>
        %max3A_969 = arith.maxsi %max3A_962, %max3A_966 : vector<1024x128xi32>
        %max3A_970 = arith.maxsi %min3A_968, %max3A_969 : vector<1024x128xi32>
        %swap3A_971 = arith.constant 0 : index
        %swap3A_972 = arith.constant 0 : index
        %swap3A_973 = vector.load %arg5[%swap3A_971, %swap3A_972] : memref<1024x128xi32, #tpu.memory_space<vmem>>, vector<1024x128xi32>
        tpu.vector_store %arg5[%swap3A_971, %swap3A_972], %max3A_967 {strides = array<i32>} : memref<1024x128xi32, #tpu.memory_space<vmem>>, vector<1024x128xi32>,
        %lt3A_974 = arith.constant 0 : i32
        %lt3A_975 = vector.broadcast %lt3A_974 : i32 to vector<1024x128xi32>
        %lt3A_976 = arith.cmpi slt, %get3A_464, %lt3A_975 : vector<1024x128xi32>
        %select_n3A_977 = arith.select %lt3A_976, %get3A_464, %max3A_970 : vector<1024x128xi1>, vector<1024x128xi32>
        %swap3A_978 = arith.constant 0 : index
        %swap3A_979 = arith.constant 0 : index
        %swap3A_980 = vector.load %arg6[%swap3A_978, %swap3A_979] : memref<1024x128xi32, #tpu.memory_space<vmem>>, vector<1024x128xi32>
        tpu.vector_store %arg6[%swap3A_978, %swap3A_979], %select_n3A_977 {strides = array<i32>} : memref<1024x128xi32, #tpu.memory_space<vmem>>, vector<1024x128xi32>,
        %eq3A_981 = arith.constant 0 : i32
        %eq3A_982 = vector.broadcast %eq3A_981 : i32 to vector<1024x128xi32>
        %eq3A_983 = arith.cmpi eq, %max3A_967, %eq3A_982 : vector<1024x128xi32>
        %convert_element_type3A_984 = arith.extui %eq3A_983 : vector<1024x128xi1> to vector<1024x128xi32>
        %swap3A_985 = arith.constant 0 : index
        %swap3A_986 = arith.constant 0 : index
        %swap3A_987 = vector.load %arg7[%swap3A_985, %swap3A_986] : memref<1024x128xi32, #tpu.memory_space<vmem>>, vector<1024x128xi32>
        tpu.vector_store %arg7[%swap3A_985, %swap3A_986], %convert_element_type3A_984 {strides = array<i32>} : memref<1024x128xi32, #tpu.memory_space<vmem>>, vector<1024x128xi32>,
      } else {
      }
      scf.yield %reduce_or3A_496, %while3A_461#1 : i1, vector<1024x16xi32>
    }
    %eq3A_433 = arith.constant 49 : i32
    %eq3A_434 = arith.cmpi eq, %arg0, %eq3A_433 : i32
    %convert_element_type3A_435 = arith.extui %eq3A_434 : i1 to i32
    %cond3A_436 = arith.constant 0 : i32
    %cond3A_437 = arith.cmpi ne, %convert_element_type3A_435, %cond3A_436 : i32
    scf.if %cond3A_437 {
      %shift_right_arithmetic3A_442 = arith.constant 17 : i32
      %shift_right_arithmetic3A_443 = vector.broadcast %shift_right_arithmetic3A_442 : i32 to vector<1024x16xi32>
      %shift_right_arithmetic3A_444 = arith.shrsi %while3A_432#1, %shift_right_arithmetic3A_443 : vector<1024x16xi32>
      %and3A_445 = arith.constant 16383 : i32
      %and3A_446 = vector.broadcast %and3A_445 : i32 to vector<1024x16xi32>
      %and3A_447 = arith.andi %shift_right_arithmetic3A_444, %and3A_446 : vector<1024x16xi32>
      %shift_left3A_448 = arith.constant 9 : i32
      %shift_left3A_449 = vector.broadcast %shift_left3A_448 : i32 to vector<1024x16xi32>
      %shift_left3A_450 = arith.shli %and3A_447, %shift_left3A_449 : vector<1024x16xi32>
      %or3A_451 = arith.constant 1073741824 : i32
      %or3A_452 = vector.broadcast %or3A_451 : i32 to vector<1024x16xi32>
      %or3A_453 = arith.ori %or3A_452, %shift_left3A_450 : vector<1024x16xi32>
      %bitcast_convert_type3A_454 = tpu.bitcast %or3A_453 : vector<1024x16xi32> -> vector<1024x16xf32>
      %sub3A_455 = arith.constant 3.000000e+00 : f32
      %sub3A_456 = vector.broadcast %sub3A_455 : f32 to vector<1024x16xf32>
      %sub3A_457 = arith.subf %bitcast_convert_type3A_454, %sub3A_456 : vector<1024x16xf32>
      %reduce_max3A = arith.constant dense<0xFF800000> : vector<1024xf32>
      %reduce_max3A_458 = vector.multi_reduction <maximumf>, %sub3A_457, %reduce_max3A [1] : vector<1024x16xf32> to vector<1024xf32>
      %broadcast_in_dim3A_459 = vector.shape_cast %reduce_max3A_458 : vector<1024xf32> to vector<1024x1xf32>
      %sub3A_460 = vector.broadcast %broadcast_in_dim3A_459 : vector<1024x1xf32> to vector<1024x16xf32>
      %sub3A_461 = arith.subf %sub3A_457, %sub3A_460 : vector<1024x16xf32>
      %exp3A = math.exp %sub3A_461 : vector<1024x16xf32>
      %reduce_sum3A_462 = arith.constant dense<0.000000e+00> : vector<1024xf32>
      %reduce_sum3A_463 = vector.multi_reduction <add>, %exp3A, %reduce_sum3A_462 [1] : vector<1024x16xf32> to vector<1024xf32>
      %broadcast_in_dim3A_464 = vector.shape_cast %reduce_sum3A_463 : vector<1024xf32> to vector<1024x1xf32>
      %div3A = vector.broadcast %broadcast_in_dim3A_464 : vector<1024x1xf32> to vector<1024x16xf32>
      %div3A_465 = arith.divf %exp3A, %div3A : vector<1024x16xf32>
      %swap3A_466 = arith.constant 0 : index
      %swap3A_467 = arith.constant 0 : index
      %swap3A_468 = vector.load %arg4[%swap3A_466, %swap3A_467] : memref<1024x16xf32, #tpu.memory_space<vmem>>, vector<1024x16xf32>
      tpu.vector_store %arg4[%swap3A_466, %swap3A_467], %div3A_465 {strides = array<i32>} : memref<1024x16xf32, #tpu.memory_space<vmem>>, vector<1024x16xf32>,
      %and3A_469 = arith.constant 131071 : i32
      %and3A_470 = vector.broadcast %and3A_469 : i32 to vector<1024x16xi32>
      %and3A_471 = arith.andi %while3A_432#1, %and3A_470 : vector<1024x16xi32>
      %sub3A_472 = arith.constant 131071 : i32
      %sub3A_473 = vector.broadcast %sub3A_472 : i32 to vector<1024x16xi32>
      %sub3A_474 = arith.subi %sub3A_473, %and3A_471 : vector<1024x16xi32>
      %swap3A_475 = arith.constant 0 : index
      %swap3A_476 = arith.constant 0 : index
      %swap3A_477 = vector.load %arg3[%swap3A_475, %swap3A_476] : memref<1024x16xi32, #tpu.memory_space<vmem>>, vector<1024x16xi32>
      tpu.vector_store %arg3[%swap3A_475, %swap3A_476], %sub3A_474 {strides = array<i32>} : memref<1024x16xi32, #tpu.memory_space<vmem>>, vector<1024x16xi32>,
    } else {
    }
    %ne3A = arith.constant 49 : i32
    %ne3A_438 = arith.cmpi ne, %arg0, %ne3A : i32
    %convert_element_type3A_439 = arith.extui %ne3A_438 : i1 to i32
    %cond3A_440 = arith.constant 0 : i32
    %cond3A_441 = arith.cmpi ne, %convert_element_type3A_439, %cond3A_440 : i32
    scf.if %cond3A_441 {
      %swap3A_442 = arith.constant 0 : index
      %swap3A_443 = arith.constant 0 : index
      %swap3A_444 = vector.load %arg3[%swap3A_442, %swap3A_443] : memref<1024x16xi32, #tpu.memory_space<vmem>>, vector<1024x16xi32>
      tpu.vector_store %arg3[%swap3A_442, %swap3A_443], %while3A_432#1 {strides = array<i32>} : memref<1024x16xi32, #tpu.memory_space<vmem>>, vector<1024x16xi32>,
    } else {
    }
    return
  }
  func.func @transform_0(%arg0: i32) -> (i32, i32) {
    %c0_i32 = arith.constant 0 : i32
    %c0_i32_0 = arith.constant 0 : i32
    %c0_i32_1 = arith.constant 0 : i32
    return %c0_i32, %c0_i32_0 : i32, i32
  }
  func.func @transform_1(%arg0: i32) -> (i32, i32) {
    %c0_i32 = arith.constant 0 : i32
    %c0_i32_0 = arith.constant 0 : i32
    return %arg0, %c0_i32 : i32, i32
  }
  func.func @transform_2(%arg0: i32) -> (i32, i32) {
    %c0_i32 = arith.constant 0 : i32
    %c0_i32_0 = arith.constant 0 : i32
    %c0_i32_1 = arith.constant 0 : i32
    return %c0_i32, %c0_i32_0 : i32, i32
  }
  func.func @transform_3(%arg0: i32) -> (i32, i32) {
    %c0_i32 = arith.constant 0 : i32
    %c0_i32_0 = arith.constant 0 : i32
    %c0_i32_1 = arith.constant 0 : i32
    return %c0_i32, %c0_i32_0 : i32, i32
  }
}

</mosaic_0001>

<sc_bundles>
// kernel: kernel.4.cloned.1.call-start
scs
__scs_entry_jumppad:
0x0: {  	(pc) =	sbr.rel $0x88, $3  }
0x1: {  	(tag) =	ssettag $0x0;
	lr =	simm.s32 $0x1  }
0x2: {  	[smem:$0x3F9E] =	sst lr;
	_ =	strace $0xD0000000  }
0x3: {  	_ = 	snop  }
0x4: {  	_ = 	snop  }
0x5: {  	_ = 	snop  }
0x6: {  	_ = 	snop  }
0x7: {  	_ = 	snop  }
__scs_overlays_trampoline_lowered:
0x8: {  	[smem:$0x3FAD] =	sst s0  }
0x9: {  	[smem:$0x3FAE] =	sst s1  }
0xa: {  	[smem:$0x3FAF] =	sst s2  }
0xb: {  	[smem:$0x3FB0] =	sst s3  }
0xc: {  	[smem:$0x3FB1] =	sst s4  }
0xd: {  	[smem:$0x3FB2] =	sst s5  }
0xe: {  	[smem:$0x3FB3] =	sst s6  }
0xf: {  	[smem:$0x3FB4] =	sst s7  }
0x10: {  	[smem:$0x3FB5] =	sst s8  }
0x11: {  	[smem:$0x3FB6] =	sst s9;
	s0 =	simm.s32 @!p0 $0x0  }
0x12: {  	s1 =	sld [smem:$0x3F9C];
	s0 =	simm.s32 @p0 $0x1  }
0x13: {  	[smem:$0x3FB7] =	sst s0;
	s0 =	simm.s32 @!p1 $0x0  }
0x14: {  	s2 =	sld [smem:$0x3F9B];
	s0 =	simm.s32 @p1 $0x1  }
0x15: {  	[smem:$0x3FB8] =	sst s0;
	s0 =	simm.s32 @!p2 $0x0  }
0x16: {  	s3 =	sld [smem:$0x3FDB];
	s0 =	simm.s32 @p2 $0x1  }
0x17: {  	s4 =	simm.s32 $0x1BF5;
	[smem:$0x3FBA] =	sst s0  }
0x18: {  	s0 =	sld [smem:$0x3F9D];
	_ =	swait.ge [sflag:s4], $0x0  }
0x19: {  	s7 =	sld [smem:$0x3F9E]  }
0x1a: {  	s8 =	sadd.s32 $0xFFFFE003, lr  }
0x1b: {  	s9 =	sadd.s32 $0xFFFFFEF7, lr;
	s5 =	simm.s32 $0xFFFFFFFF;
	p2 =	slt.u32 s8, $0xFFFFF086  }
0x1c: {  	p1 =	slt.u32 s9, $0xF7A;
	s5 =	simm.s32 @!p2 $0x0  }
0x1d: {  	s5 =	simm.s32 @p1 $0x1;
	p0 =	seq.s32 s7, s2  }
0x1e: {  	s7 =	smul.u32 @!p0 $0xF7A, s2;
	p2 =	seq.s32 @!p0 s5, $0x0  }
0x1f: {  	s9 =	smul.u32 $0xF7A, s1;
	s8 =	simm.s32 @!p0 $0x1BF5;
	p2 =	por !p2, p0  }
0x20: {  	[sflag:s8] =	ssyncset.s32 @!p0 $0xFFFFF086;
	s6 =	sadd.s32 @!p0 s3, s7;
	s7 =	simm.s32 @!p0 $0x108  }
0x21: {  	s3 =	sadd.s32 s3, s9;
	s6 =	sadd.s32 @!p0 $0x88, s6;
	s7 =	simm.s32 @p2 $0x1082  }
0x22: {  	[simem:s7], [sflag:s8] =	dma.local @!p0 [hbm:s6], $0xF7A  }
0x23: {  	s9 =	sor.u32 $0xD0000000, s2;
	s6 =	simm.s32 $0x108;
	_ =	swait.ge @!p0 [sflag:s8], $0x0  }
0x24: {  	s3 =	sadd.s32 $0x88, s3;
	s6 =	simm.s32 @!p1 $0x1082;
	[sflag:s4] =	ssyncset.s32 $0xFFFFF086  }
0x25: {  	[simem:s6], [sflag:s4] =	dma.local [hbm:s3], $0xF7A  }
0x26: {  	[smem:$0x3F9E] =	sst s1;
	(tag) =	ssettag s2;
	_ =	strace s9  }
0x27: {  	s1 =	sld [smem:$0x3FAE]  }
0x28: {  	s2 =	sld [smem:$0x3FAF]  }
0x29: {  	s4 =	sld [smem:$0x3FB1]  }
0x2a: {  	p0 =	seq.s32 s5, $0x0;
	s5 =	sld [smem:$0x3FB2]  }
0x2b: {  	s6 =	sld [smem:$0x3FB3]  }
0x2c: {  	s7 =	sld [smem:$0x3FB4]  }
0x2d: {  	s3 =	simm.s32 $0x108;
	s8 =	sld [smem:$0x3FB5]  }
0x2e: {  	s3 =	simm.s32 @!p0 $0x1082;
	s9 =	sld [smem:$0x3FB6]  }
0x2f: {  	lr =	sadd.s32 s0, s3;
	s0 =	sld [smem:$0x3FAD]  }
0x30: {  	s3 =	sld [smem:$0x3FB0]  }
0x31: {  	[smem:$0x3FB9] =	sst s10  }
0x32: {  	s10 =	sld [smem:$0x3FB7];
	_ =	sdelay $0x3  }
0x33: {  	p0 =	seq.s32 s10, $0x1;
	s10 =	sld [smem:$0x3FB9];
	_ =	sdelay $0x3  }
0x34: {  	[smem:$0x3FB9] =	sst s10  }
0x35: {  	s10 =	sld [smem:$0x3FB8];
	_ =	sdelay $0x3  }
0x36: {  	p1 =	seq.s32 s10, $0x1;
	s10 =	sld [smem:$0x3FB9];
	_ =	sdelay $0x3  }
0x37: {  	[smem:$0x3FB9] =	sst s10  }
0x38: {  	s10 =	sld [smem:$0x3FBA]  }
0x39: {  	_ = 	snop;
	(pc) =	sbr.ind lr, $3  }
0x3a: {  	_ = 	snop  }
0x3b: {  	_ = 	snop  }
0x3c: {  	p2 =	seq.s32 s10, $0x1;
	s10 =	sld [smem:$0x3FB9]  }
0x3d: {  	_ =	shalt  }
0x3e: {  	_ =	shalt  }
0x3f: {  	_ =	shalt  }
0x40: {  	_ =	shalt  }
0x41: {  	_ =	shalt  }
0x42: {  	_ =	shalt  }
0x43: {  	_ =	shalt  }
0x44: {  	_ =	shalt  }
0x45: {  	_ =	shalt  }
0x46: {  	_ =	shalt  }
0x47: {  	_ =	shalt  }
0x48: {  	_ =	shalt  }
0x49: {  	_ =	shalt  }
0x4a: {  	_ =	shalt  }
0x4b: {  	_ =	shalt  }
0x4c: {  	_ =	shalt  }
0x4d: {  	_ =	shalt  }
0x4e: {  	_ =	shalt  }
0x4f: {  	_ =	shalt  }
0x50: {  	_ =	shalt  }
0x51: {  	_ =	shalt  }
0x52: {  	_ =	shalt  }
0x53: {  	_ =	shalt  }
0x54: {  	_ =	shalt  }
0x55: {  	_ =	shalt  }
0x56: {  	_ =	shalt  }
0x57: {  	_ =	shalt  }
0x58: {  	_ =	shalt  }
0x59: {  	_ =	shalt  }
0x5a: {  	_ =	shalt  }
0x5b: {  	_ =	shalt  }
0x5c: {  	_ =	shalt  }
0x5d: {  	_ =	shalt  }
0x5e: {  	_ =	shalt  }
0x5f: {  	_ =	shalt  }
0x60: {  	_ =	shalt  }
0x61: {  	_ =	shalt  }
0x62: {  	_ =	shalt  }
0x63: {  	_ =	shalt  }
0x64: {  	_ =	shalt  }
0x65: {  	_ =	shalt  }
0x66: {  	_ =	shalt  }
0x67: {  	_ =	shalt  }
0x68: {  	_ =	shalt  }
0x69: {  	_ =	shalt  }
0x6a: {  	_ =	shalt  }
0x6b: {  	_ =	shalt  }
0x6c: {  	_ =	shalt  }
0x6d: {  	_ =	shalt  }
0x6e: {  	_ =	shalt  }
0x6f: {  	_ =	shalt  }
0x70: {  	_ =	shalt  }
0x71: {  	_ =	shalt  }
0x72: {  	_ =	shalt  }
0x73: {  	_ =	shalt  }
0x74: {  	_ =	shalt  }
0x75: {  	_ =	shalt  }
0x76: {  	_ =	shalt  }
0x77: {  	_ =	shalt  }
0x78: {  	_ =	shalt  }
0x79: {  	_ =	shalt  }
0x7a: {  	_ =	shalt  }
0x7b: {  	_ =	shalt  }
0x7c: {  	_ =	shalt  }
0x7d: {  	_ =	shalt  }
0x7e: {  	_ =	shalt  }
0x7f: {  	_ =	shalt  }
0x80: {  	_ =	shalt  }
0x81: {  	_ =	shalt  }
0x82: {  	_ =	shalt  }
0x83: {  	_ =	shalt  }
0x84: {  	_ =	shalt  }
0x85: {  	_ =	shalt  }
0x86: {  	_ =	shalt  }
0x87: {  	_ =	shalt  }
.Lfunc_end0:
.L_simem_size_0:
called_computation_lowered:
.L_overlay_start_0:
0x88: {  	s2 =	sld [smem:$0x3FD9]  }
0x89: {  	s3 =	sld [smem:$0x3FFE];
	_ =	sdelay $0x1  }
0x8a: {  	s1 =	srdreg.scid  }
0x8b: {  	s0 =	sand.u32 $0x1, s1  }
0x8c: {  	s17 =	sshll.u32 s0, $0xA;
	s2 =	sadd.s32 s3, s2  }
0x8d: {  	s2 =	sadd.s32 s2, s17  }
0x8e: {  	[smem:$0x3FC5] =	sst s2  }
0x8f: {  	_ = 	snop  }
0x90: {  	s2 =	sld [smem:$0x3FC9]  }
0x91: {  	s18 =	sld [smem:$0x3FC8]  }
0x92: {  	s4 =	sld [smem:$0x3FD0];
	(tm) =	ssettm $0x1  }
0x93: {  	s5 =	sld [smem:$0x3FFB];
	_ =	sdelay $0x3  }
0x94: {  	_ =	strace s5  }
0x95: {  	s5 =	sld [smem:$0x3FFC];
	_ =	sdelay $0x3  }
0x96: {  	_ =	strace s5  }
0x97: {  	s5 =	sld [smem:$0x3FFD];
	_ =	sdelay $0x3  }
0x98: {  	_ =	strace s5  }
0x99: {  	_ =	strace $0x8FFFFFFF  }
0x9a: {  	s19 =	sld [smem:$0x3FDB];
	_ =	sdelay $0x1  }
0x9b: {  	s6 =	simm.s32 $_scs_section_size  }
0x9c: {  	s7 =	simm.s32 $_size__tile_overlayer_lowered;
	s8 =	simm.s32 $_tile_overlayer_lowered  }
0x9d: {  	s22 =	simm.s32 $0x1BFF;
	s21 =	sshll.u32 s8, $0x1;
	s5 =	sadd.s32 s6, s19  }
0x9e: {  	s9 =	simm.s32 $0x0;
	s20 =	sshll.u32 s7, $0x1;
	s7 =	sadd.s32 s21, s5  }
0x9f: {  	[timem:s9], [sflag:s22] =	dma.local [hbm:s7], s20  }
0xa0: {  	_ =	swait.ge [sflag:s22], s20  }
0xa1: {  	s6 =	ssub.s32 $0x0, s20;
	[sflag:s22] =	ssyncset.done $0x0  }
0xa2: {  	[sflag:s22] =	ssyncadd.s32 s6;
	_ =	sdelay $0x1  }
0xa3: {  	s23 =	simm.s32 $0x1B8B  }
0xa4: {  	_ =	swait.ge [sflag:s23], $0x1  }
0xa5: {  	[sflag:s23] =	ssyncset.done $0x0  }
0xa6: {  	s25 =	simm.s32 $0x1B8E;
	s24 =	sld [smem:$0x3FFE];
	[sflag:s23] =	ssyncadd.s32 $0xFFFFFFFF  }
0xa7: {  	s26 =	simm.s32 $execute0_lowered;
	[smem:$0x3FD2] =	sst s25  }
0xa8: {  	s7 =	sshll.u32 s26, $0x1;
	_ =	strace $0x80000046;
	[dreg:$0x1] =	wrdreg $0xFFFFFFFF  }
0xa9: {  	s28 =	simm.s32 $_size_execute0_lowered;
	s5 =	sadd.s32 s5, s7;
	[dreg:$0x0] =	wrdreg $0x0  }
0xaa: {  	s7 =	sshll.u32 s28, $0x1;
	[dreg:$0x2] =	wrdreg s5  }
0xab: {  	[dreg:$0x3] =	wrdreg s7  }
0xac: {  	[dreg:$0x4] =	wrdreg $0xC0  }
0xad: {  	_ =	task [dreg:s9], $0x5FFFF  }
0xae: {  	[dreg:$0x1] =	wrdreg $0xFFFFFFFF  }
0xaf: {  	[dreg:$0x0] =	wrdreg $0x60  }
0xb0: {  	[dreg:$0x2] =	wrdreg s18  }
0xb1: {  	[dreg:$0x3] =	wrdreg s24  }
0xb2: {  	[dreg:$0x4] =	wrdreg s2  }
0xb3: {  	[dreg:$0x5] =	wrdreg s4  }
0xb4: {  	[dreg:$0x6] =	wrdreg $0x9  }
0xb5: {  	_ =	task.clear_ibuf [dreg:s9], $0x7FFFF;
	_ =	strace $0x90000046  }
0xb6: {  	s29 =	simm.s32 $0x9;
	_ =	strace $0x80000048  }
0xb7: {  	_ =	swait.ge [sflag:s29], $0x1  }
0xb8: {  	[sflag:s29] =	ssyncadd.s32 $0xFFFFFFFF  }
0xb9: {  	_ =	strace $0x90000048  }
0xba: {  	_ =	sfence  }
0xbb: {  	s30 =	sld [smem:$0x0];
	_ =	sdelay $0x2  }
0xbc: {  	s31 =	sshll.u32 s1, $0xD;
	s1 =	sshrl.u32 s1, $0x2  }
0xbd: {  	s3 =	sand.u32 $0x4000, s31;
	s1 =	sadd.s32 s1, s30  }
0xbe: {  	s0 =	sor.u32 s3, s0;
	s1 =	sshll.u32 s1, $0x11  }
0xbf: {  	s0 =	sor.u32 s1, s0  }
0xc0: {  	s0 =	sadd.s32 $0x8F2B, s0  }
0xc1: {  	[sflag:s0] =	ssyncadd.remote.s32 $0x1  }
0xc2: {  	_ =	sfence.sel $0xFFFF  }
0xc3: {  	[dreg:$0x0] =	wrdreg $0xFFFFFFFF;
	(pc) =	sbr.abs _section_cstart, $3  }
0xc4: {  	[dreg:$0x1] =	wrdreg $0xFFFFFFFF  }
0xc5: {  	_ =	task.clear_ibuf [dreg:s9], $0x2FFFF;
	_ =	strace $0x9FFFFFFF  }
0xc6: {  	(tm) =	ssettm $0x7FFFFFFF  }
0xc7: {  	_ =	shalt  }
tec
execute0_lowered:
.L_overlay_start_1:
0x0: {  	(tag) =	ssettag $0x1  }
0x1: {  	s1 =	rddreg [dreg:$0x0]  }
0x2: {  	s4 =	rddreg [dreg:$0x1]  }
0x3: {  	s7 =	rddreg [dreg:$0x2]  }
0x4: {  	s9 =	rddreg [dreg:$0x3];
	s3 =	srdreg.scid  }
0x5: {  	s0 =	rddreg [dreg:$0x4];
	s2 =	stileid.u32;
	s12 =	simm.s32 $0x1000  }
0x6: {  	s13 =	simm.s32 $0x2000;
	s14 =	simm.s32 $0xC000;
	s15 =	simm.s32 $0xA000  }
0x7: {  	s16 =	simm.s32 $0xA800;
	s17 =	simm.s32 $0xB000;
	s18 =	simm.s32 $0xB800  }
0x8: {  	s19 =	simm.s32 $0x1;
	s20 =	simm.s32 $0x6000;
	s21 =	simm.s32 $0x0  }
0x9: {  	v4 =	vlaneseq.u32;
	v0 =	vimm.s32 $0x2;
	v2 =	vimm.s32 $0x7;
	s5 =	sand.u32 $0x1, s3;
	s3 =	simm.s32 $0x0;
	s6 =	sshll.u32 s2, $0x6  }
0xa: {  	vm0 =	vmmov $0xffff;
	v5 =	vimm.s32 $0x1;
	v6 =	vimm.s32 $0x3;
	s8 =	sshll.u32 s5, $0x5;
	[smem:$0x7FF] =	sst s3;
	s5 =	ssub.s32 $0x2, s5  }
0xb: {  	v7 =	vimm.s32 $0x4;
	v8 =	vimm.s32 $0x5;
	v9 =	vimm.s32 $0x6;
	s8 =	sor.u32 s8, s6;
	_ =	strace $0x80000047;
	s10 =	sshrl.u32 s5, $0x1  }
0xc: {  	v10 =	vimm.s32 $0x8;
	v11 =	vimm.s32 $0x9;
	v12 =	vimm.s32 $0xA;
	s6 =	sshll.u32 s8, $0x4;
	s10 =	ssub.s32 s5, s10;
	s11 =	sshll.u32 s8, $0x6  }
0xd: {  	v13 =	vimm.s32 $0xB;
	v14 =	vimm.s32 $0xC;
	v15 =	vimm.s32 $0xD;
	s8 =	sadd.s32 $0x100, s1;
	s6 =	sadd.s32 s6, s4;
	s4 =	sadd.s32 $0x8600, s4  }
0xe: {  	v16 =	vimm.s32 $0xE;
	v17 =	vimm.s32 $0xF;
	v3 =	vshrl.u32 v4, $0x3;
	s7 =	sadd.s32 s7, s11;
	s9 =	sadd.s32 s9, s11;
	s10 =	smax.u32 s10, $0x1  }
0xf: {  	v1 =	vand.u32 $0x7, v4;
	v4 =	vor.u32 $0x8, v4;
	v3 =	vmul.u32 $0x8, v3;
	s11 =	simm.s32 $0x2;
	s5 =	sadd.s32 $0x600, s6;
	s6 =	sadd.s32 $0x4600, s6  }
.LBB2_1:
0x10: {  	[tilespmem:s3], [sflag:$0x2] =	stream.linear.gather [hbm4b:s5+s3], $0x1000, $0x38;
	[tilespmem:$0xC080] =	vst v63  }
0x11: {  	_ =	swait.ge [sflag:s11], $0x1000  }
0x12: {  	[sflag:s11] =	ssyncset.done $0x0  }
0x13: {  	[sflag:s11] =	ssyncadd.s32 $0xFFFFF000  }
0x14: {  	[tilespmem:s12], [sflag:$0x2] =	stream.linear.gather [hbm4b:s6+s3], $0x1000, $0x38;
	[tilespmem:$0xC080] =	vst v63  }
0x15: {  	_ =	swait.ge [sflag:s11], $0x1000  }
0x16: {  	[sflag:s11] =	ssyncset.done $0x0  }
0x17: {  	[sflag:s11] =	ssyncadd.s32 $0xFFFFF000  }
0x18: {  	[tilespmem:s13], [sflag:$0x2] =	stream.linear.gather [hbm4b:s7+s3], $0x4000, $0x38;
	[tilespmem:$0xC080] =	vst v63  }
0x19: {  	_ =	swait.ge [sflag:s11], $0x4000  }
0x1a: {  	[sflag:s11] =	ssyncset.done $0x0  }
0x1b: {  	[sflag:s11] =	ssyncadd.s32 $0xFFFFC000  }
0x1c: {  	[tilespmem:s14], [sflag:$0x2] =	stream.linear.gather [hbm4b:s4+s3], $0x80, $0x38;
	[tilespmem:$0xC080] =	vst v63  }
0x1d: {  	_ =	swait.ge [sflag:s11], $0x80  }
0x1e: {  	[sflag:s11] =	ssyncset.done $0x0  }
0x1f: {  	[sflag:s11] =	ssyncadd.s32 $0xFFFFFF80  }
0x20: {  	v18 =	vld [tilespmem:$0xC000];
	_ =	sdelay $0x4  }
0x21: {  	v18 =	vsub.f32 $0.0e+00, v18;
	_ =	sdelay $0x1  }
0x22: {  	v18 =	vmul.f32 $1.442695020e+00, v18;
	_ =	sdelay $0x1  }
0x23: {  	(erf) = vpow2.f32 v18;
	_ =	sdelay $0x8  }
0x24: {  	v18 =	vpop (erf)  }
0x25: {  	v18 =	vadd.f32 $1.000000000e+00, v18;
	_ =	sdelay $0x1  }
0x26: {  	(erf) = vrcp.f32 v18;
	_ =	sdelay $0x8  }
0x27: {  	v18 =	vpop (erf)  }
0x28: {  	s22 =	simm.s32 $0x0;
	s23 =	simm.s32 $0x0;
	v19 =	vsub.f32 $1.000000000e+00, v18  }
.LBB2_2:
0x29: {  	s24 =	sshra.s32 s22, $0x2  }
0x2a: {  	v20 =	vld [tilespmem:s24+$0x0];
	_ =	sdelay $0x4  }
0x2b: {  	v21 =	vshll.u32 v20, $0x2  }
0x2c: {  	v20 =	vand.u32 $0x7, v20;
	v21 =	vand.u32 $0xFFFFFFE0, v21  }
0x2d: {  	v20 =	vor.u32 v20, v21  }
0x2e: {  	v21 =	vperm.xlane v20, v1;
	_ =	sdelay $0x1  }
0x2f: {  	v21 =	vadd.s32 v3, v21;
	_ =	sdelay $0x1  }
0x30: {  	v20 =	vperm.xlane v20, v4;
	_ =	sdelay $0x1  }
0x31: {  	v20 =	vadd.s32 v3, v20  }
0x32: {  	[tilespmem:s15], [sflag:$0x1] =	stream.indirect_vreg.gather [hbm4b:s1+s3], $0x80, v21, vm0, $0xb8;
	[tilespmem:$0xC080] =	vst v63  }
0x33: {  	_ = 	snop  }
0x34: {  	[tilespmem:s16], [sflag:$0x1] =	stream.indirect_vreg.gather [hbm4b:s8+s3], $0x80, v21, vm0, $0xb8;
	[tilespmem:$0xC080] =	vst v63  }
0x35: {  	_ = 	snop  }
0x36: {  	[tilespmem:s17], [sflag:$0x1] =	stream.indirect_vreg.gather [hbm4b:s1+s3], $0x80, v20, vm0, $0xb8;
	[tilespmem:$0xC080] =	vst v63  }
0x37: {  	_ = 	snop  }
0x38: {  	[tilespmem:s18], [sflag:$0x1] =	stream.indirect_vreg.gather [hbm4b:s8+s3], $0x80, v20, vm0, $0xb8;
	[tilespmem:$0xC080] =	vst v63  }
0x39: {  	_ =	swait.ge [sflag:s19], $0x2000  }
0x3a: {  	[sflag:s19] =	ssyncset.done $0x0  }
0x3b: {  	[sflag:s19] =	ssyncadd.s32 $0xFFFFE000  }
0x3c: {  	v23 =	vld.msk [tilespmem:s24+$0x1000], $0xffff  }
0x3d: {  	v24 =	vld.idx.msk [tilespmem:v5+s24+$0x1000], $0xffff  }
0x3e: {  	v22 =	vld [tilespmem:$0xA000]  }
0x3f: {  	v26 =	vld [tilespmem:$0xA080]  }
0x40: {  	v25 =	vld.idx.msk [tilespmem:v0+s24+$0x1000], $0xffff  }
0x41: {  	v27 =	vld [tilespmem:$0xA100]  }
0x42: {  	v21 =	vld.idx.msk [tilespmem:v6+s24+$0x1000], $0xffff  }
0x43: {  	v28 =	vld [tilespmem:$0xA180]  }
0x44: {  	v20 =	vld.idx.msk [tilespmem:v7+s24+$0x1000], $0xffff;
	v29 =	vmul.f32 v22, v23;
	v26 =	vmul.f32 v26, v24  }
0x45: {  	v30 =	vld [tilespmem:$0xA200]  }
0x46: {  	v31 =	vld [tilespmem:$0xA280];
	v27 =	vmul.f32 v27, v25;
	v29 =	vadd.f32 v26, v29  }
0x47: {  	v22 =	vld.idx.msk [tilespmem:v8+s24+$0x1000], $0xffff  }
0x48: {  	v32 =	vld [tilespmem:$0xA300];
	v28 =	vmul.f32 v28, v21;
	v29 =	vadd.f32 v27, v29  }
0x49: {  	v26 =	vld.idx.msk [tilespmem:v9+s24+$0x1000], $0xffff  }
0x4a: {  	v33 =	vld [tilespmem:$0xA380];
	v30 =	vmul.f32 v30, v20;
	v29 =	vadd.f32 v28, v29  }
0x4b: {  	v27 =	vld.idx.msk [tilespmem:v2+s24+$0x1000], $0xffff  }
0x4c: {  	v34 =	vld [tilespmem:$0xB000];
	v31 =	vmul.f32 v31, v22;
	v30 =	vadd.f32 v30, v29  }
0x4d: {  	v28 =	vld.idx.msk [tilespmem:v10+s24+$0x1000], $0xffff  }
0x4e: {  	v35 =	vld [tilespmem:$0xB080];
	v32 =	vmul.f32 v32, v26;
	v31 =	vadd.f32 v31, v30  }
0x4f: {  	v29 =	vld.idx.msk [tilespmem:v11+s24+$0x1000], $0xffff  }
0x50: {  	v36 =	vld [tilespmem:$0xB100];
	v33 =	vmul.f32 v33, v27;
	v32 =	vadd.f32 v32, v31  }
0x51: {  	v30 =	vld.idx.msk [tilespmem:v12+s24+$0x1000], $0xffff  }
0x52: {  	v37 =	vld [tilespmem:$0xB180];
	v34 =	vmul.f32 v34, v28;
	v33 =	vadd.f32 v33, v32  }
0x53: {  	v31 =	vld.idx.msk [tilespmem:v13+s24+$0x1000], $0xffff  }
0x54: {  	v38 =	vld [tilespmem:$0xB200];
	v35 =	vmul.f32 v35, v29;
	v34 =	vadd.f32 v34, v33  }
0x55: {  	v32 =	vld.idx.msk [tilespmem:v14+s24+$0x1000], $0xffff  }
0x56: {  	v39 =	vld [tilespmem:$0xB280];
	v36 =	vmul.f32 v36, v30;
	v35 =	vadd.f32 v35, v34  }
0x57: {  	v33 =	vld.idx.msk [tilespmem:v15+s24+$0x1000], $0xffff  }
0x58: {  	v40 =	vld [tilespmem:$0xB300];
	v37 =	vmul.f32 v37, v31;
	v36 =	vadd.f32 v36, v35  }
0x59: {  	v34 =	vld.idx.msk [tilespmem:v16+s24+$0x1000], $0xffff  }
0x5a: {  	v54 =	vld [tilespmem:$0xB380];
	v53 =	vmul.f32 v38, v32;
	v36 =	vadd.f32 v37, v36  }
0x5b: {  	v35 =	vld.idx.msk [tilespmem:v17+s24+$0x1000], $0xffff  }
0x5c: {  	v55 =	vmul.f32 v39, v33;
	v36 =	vadd.f32 v53, v36  }
0x5d: {  	s31 =	sand.u32 $0x3000, s22;
	s25 =	sand.u32 $0x380, s23  }
0x5e: {  	s24 =	sor.u32 s25, s31;
	v56 =	vmul.f32 v40, v34;
	v36 =	vadd.f32 v55, v36  }
0x5f: {  	v57 =	vld [tilespmem:s24+$0x2000]  }
0x60: {  	v58 =	vmul.f32 v54, v35;
	v36 =	vadd.f32 v56, v36;
	_ =	sdelay $0x1  }
0x61: {  	v36 =	vadd.f32 v58, v36;
	_ =	sdelay $0x1  }
0x62: {  	v59 =	vmul.f32 v57, v18;
	v36 =	vmul.f32 v36, v19;
	_ =	sdelay $0x1  }
0x63: {  	v36 =	vadd.f32 v36, v59;
	_ =	sdelay $0x1  }
0x64: {  	[tilespmem:s24+$0x6000] =	vst v36  }
0x65: {  	v36 =	vld [tilespmem:$0xA010]  }
0x66: {  	v60 =	vld [tilespmem:$0xA090];
	_ =	sdelay $0x1  }
0x67: {  	v61 =	vld [tilespmem:$0xA110];
	_ =	sdelay $0x1  }
0x68: {  	v62 =	vld [tilespmem:$0xA190]  }
0x69: {  	v36 =	vmul.f32 v36, v23;
	v37 =	vmul.f32 v60, v24  }
0x6a: {  	v63 =	vld [tilespmem:$0xA210]  }
0x6b: {  	v44 =	vmul.f32 v61, v25;
	v36 =	vadd.f32 v37, v36  }
0x6c: {  	v45 =	vld [tilespmem:$0xA290]  }
0x6d: {  	v46 =	vmul.f32 v62, v21;
	v36 =	vadd.f32 v44, v36  }
0x6e: {  	v47 =	vld [tilespmem:$0xA310]  }
0x6f: {  	v48 =	vmul.f32 v63, v20;
	v36 =	vadd.f32 v46, v36  }
0x70: {  	v49 =	vld [tilespmem:$0xA390]  }
0x71: {  	v50 =	vmul.f32 v45, v22;
	v36 =	vadd.f32 v48, v36  }
0x72: {  	v51 =	vld [tilespmem:$0xB010]  }
0x73: {  	v52 =	vmul.f32 v47, v26;
	v36 =	vadd.f32 v50, v36  }
0x74: {  	v53 =	vld [tilespmem:$0xB090]  }
0x75: {  	v54 =	vmul.f32 v49, v27;
	v36 =	vadd.f32 v52, v36  }
0x76: {  	v55 =	vld [tilespmem:$0xB110]  }
0x77: {  	v56 =	vmul.f32 v51, v28;
	v36 =	vadd.f32 v54, v36  }
0x78: {  	v57 =	vld [tilespmem:$0xB190]  }
0x79: {  	v58 =	vmul.f32 v53, v29;
	v36 =	vadd.f32 v56, v36  }
0x7a: {  	v59 =	vld [tilespmem:$0xB210]  }
0x7b: {  	v60 =	vmul.f32 v55, v30;
	v36 =	vadd.f32 v58, v36  }
0x7c: {  	v61 =	vld [tilespmem:$0xB290]  }
0x7d: {  	v62 =	vmul.f32 v57, v31;
	v36 =	vadd.f32 v60, v36  }
0x7e: {  	v63 =	vld [tilespmem:$0xB310]  }
0x7f: {  	v42 =	vmul.f32 v59, v32;
	v36 =	vadd.f32 v62, v36  }
0x80: {  	v43 =	vld [tilespmem:$0xB390]  }
0x81: {  	v44 =	vmul.f32 v61, v33;
	v36 =	vadd.f32 v42, v36;
	_ =	sdelay $0x1  }
0x82: {  	v45 =	vmul.f32 v63, v34;
	v36 =	vadd.f32 v44, v36  }
0x83: {  	v46 =	vld [tilespmem:s24+$0x2010]  }
0x84: {  	v47 =	vmul.f32 v43, v35;
	v36 =	vadd.f32 v45, v36;
	_ =	sdelay $0x1  }
0x85: {  	v36 =	vadd.f32 v47, v36;
	_ =	sdelay $0x1  }
0x86: {  	v48 =	vmul.f32 v46, v18;
	v36 =	vmul.f32 v36, v19;
	_ =	sdelay $0x1  }
0x87: {  	v36 =	vadd.f32 v36, v48;
	_ =	sdelay $0x1  }
0x88: {  	[tilespmem:s24+$0x6010] =	vst v36  }
0x89: {  	v36 =	vld [tilespmem:$0xA020]  }
0x8a: {  	v49 =	vld [tilespmem:$0xA0A0];
	_ =	sdelay $0x1  }
0x8b: {  	v50 =	vld [tilespmem:$0xA120];
	_ =	sdelay $0x1  }
0x8c: {  	v51 =	vld [tilespmem:$0xA1A0]  }
0x8d: {  	v36 =	vmul.f32 v36, v23;
	v37 =	vmul.f32 v49, v24  }
0x8e: {  	v52 =	vld [tilespmem:$0xA220]  }
0x8f: {  	v53 =	vmul.f32 v50, v25;
	v36 =	vadd.f32 v37, v36  }
0x90: {  	v54 =	vld [tilespmem:$0xA2A0]  }
0x91: {  	v55 =	vmul.f32 v51, v21;
	v36 =	vadd.f32 v53, v36  }
0x92: {  	v56 =	vld [tilespmem:$0xA320]  }
0x93: {  	v57 =	vmul.f32 v52, v20;
	v36 =	vadd.f32 v55, v36  }
0x94: {  	v58 =	vld [tilespmem:$0xA3A0]  }
0x95: {  	v59 =	vmul.f32 v54, v22;
	v36 =	vadd.f32 v57, v36  }
0x96: {  	v60 =	vld [tilespmem:$0xB020]  }
0x97: {  	v61 =	vmul.f32 v56, v26;
	v36 =	vadd.f32 v59, v36  }
0x98: {  	v62 =	vld [tilespmem:$0xB0A0]  }
0x99: {  	v63 =	vmul.f32 v58, v27;
	v36 =	vadd.f32 v61, v36  }
0x9a: {  	v44 =	vld [tilespmem:$0xB120]  }
0x9b: {  	v45 =	vmul.f32 v60, v28;
	v36 =	vadd.f32 v63, v36  }
0x9c: {  	v46 =	vld [tilespmem:$0xB1A0]  }
0x9d: {  	v47 =	vmul.f32 v62, v29;
	v36 =	vadd.f32 v45, v36  }
0x9e: {  	v48 =	vld [tilespmem:$0xB220]  }
0x9f: {  	v49 =	vmul.f32 v44, v30;
	v36 =	vadd.f32 v47, v36  }
0xa0: {  	v50 =	vld [tilespmem:$0xB2A0]  }
0xa1: {  	v51 =	vmul.f32 v46, v31;
	v36 =	vadd.f32 v49, v36  }
0xa2: {  	v52 =	vld [tilespmem:$0xB320]  }
0xa3: {  	v53 =	vmul.f32 v48, v32;
	v36 =	vadd.f32 v51, v36  }
0xa4: {  	v54 =	vld [tilespmem:$0xB3A0]  }
0xa5: {  	v55 =	vmul.f32 v50, v33;
	v36 =	vadd.f32 v53, v36;
	_ =	sdelay $0x1  }
0xa6: {  	v56 =	vmul.f32 v52, v34;
	v36 =	vadd.f32 v55, v36  }
0xa7: {  	v57 =	vld [tilespmem:s24+$0x2020]  }
0xa8: {  	v58 =	vmul.f32 v54, v35;
	v36 =	vadd.f32 v56, v36;
	_ =	sdelay $0x1  }
0xa9: {  	v36 =	vadd.f32 v58, v36;
	_ =	sdelay $0x1  }
0xaa: {  	v59 =	vmul.f32 v57, v18;
	v36 =	vmul.f32 v36, v19;
	_ =	sdelay $0x1  }
0xab: {  	v36 =	vadd.f32 v36, v59;
	_ =	sdelay $0x1  }
0xac: {  	[tilespmem:s24+$0x6020] =	vst v36  }
0xad: {  	v36 =	vld [tilespmem:$0xA030]  }
0xae: {  	v60 =	vld [tilespmem:$0xA0B0];
	_ =	sdelay $0x1  }
0xaf: {  	v61 =	vld [tilespmem:$0xA130];
	_ =	sdelay $0x1  }
0xb0: {  	v62 =	vld [tilespmem:$0xA1B0]  }
0xb1: {  	v36 =	vmul.f32 v36, v23;
	v37 =	vmul.f32 v60, v24  }
0xb2: {  	v63 =	vld [tilespmem:$0xA230]  }
0xb3: {  	v44 =	vmul.f32 v61, v25;
	v36 =	vadd.f32 v37, v36  }
0xb4: {  	v45 =	vld [tilespmem:$0xA2B0]  }
0xb5: {  	v46 =	vmul.f32 v62, v21;
	v36 =	vadd.f32 v44, v36  }
0xb6: {  	v47 =	vld [tilespmem:$0xA330]  }
0xb7: {  	v48 =	vmul.f32 v63, v20;
	v36 =	vadd.f32 v46, v36  }
0xb8: {  	v49 =	vld [tilespmem:$0xA3B0]  }
0xb9: {  	v50 =	vmul.f32 v45, v22;
	v36 =	vadd.f32 v48, v36  }
0xba: {  	v51 =	vld [tilespmem:$0xB030]  }
0xbb: {  	v52 =	vmul.f32 v47, v26;
	v36 =	vadd.f32 v50, v36  }
0xbc: {  	v53 =	vld [tilespmem:$0xB0B0]  }
0xbd: {  	v54 =	vmul.f32 v49, v27;
	v36 =	vadd.f32 v52, v36  }
0xbe: {  	v55 =	vld [tilespmem:$0xB130]  }
0xbf: {  	v56 =	vmul.f32 v51, v28;
	v36 =	vadd.f32 v54, v36  }
0xc0: {  	v57 =	vld [tilespmem:$0xB1B0]  }
0xc1: {  	v58 =	vmul.f32 v53, v29;
	v36 =	vadd.f32 v56, v36  }
0xc2: {  	v59 =	vld [tilespmem:$0xB230]  }
0xc3: {  	v60 =	vmul.f32 v55, v30;
	v36 =	vadd.f32 v58, v36  }
0xc4: {  	v61 =	vld [tilespmem:$0xB2B0]  }
0xc5: {  	v62 =	vmul.f32 v57, v31;
	v36 =	vadd.f32 v60, v36  }
0xc6: {  	v63 =	vld [tilespmem:$0xB330]  }
0xc7: {  	v42 =	vmul.f32 v59, v32;
	v36 =	vadd.f32 v62, v36  }
0xc8: {  	v43 =	vld [tilespmem:$0xB3B0]  }
0xc9: {  	v44 =	vmul.f32 v61, v33;
	v36 =	vadd.f32 v42, v36;
	_ =	sdelay $0x1  }
0xca: {  	v45 =	vmul.f32 v63, v34;
	v36 =	vadd.f32 v44, v36  }
0xcb: {  	v46 =	vld [tilespmem:s24+$0x2030]  }
0xcc: {  	v47 =	vmul.f32 v43, v35;
	v36 =	vadd.f32 v45, v36;
	_ =	sdelay $0x1  }
0xcd: {  	v36 =	vadd.f32 v47, v36;
	_ =	sdelay $0x1  }
0xce: {  	v48 =	vmul.f32 v46, v18;
	v36 =	vmul.f32 v36, v19;
	_ =	sdelay $0x1  }
0xcf: {  	v36 =	vadd.f32 v36, v48;
	_ =	sdelay $0x1  }
0xd0: {  	[tilespmem:s24+$0x6030] =	vst v36  }
0xd1: {  	v36 =	vld [tilespmem:$0xA040]  }
0xd2: {  	v49 =	vld [tilespmem:$0xA0C0];
	_ =	sdelay $0x1  }
0xd3: {  	v50 =	vld [tilespmem:$0xA140];
	_ =	sdelay $0x1  }
0xd4: {  	v51 =	vld [tilespmem:$0xA1C0]  }
0xd5: {  	v36 =	vmul.f32 v36, v23;
	v37 =	vmul.f32 v49, v24  }
0xd6: {  	v52 =	vld [tilespmem:$0xA240]  }
0xd7: {  	v53 =	vmul.f32 v50, v25;
	v36 =	vadd.f32 v37, v36  }
0xd8: {  	v54 =	vld [tilespmem:$0xA2C0]  }
0xd9: {  	v55 =	vmul.f32 v51, v21;
	v36 =	vadd.f32 v53, v36  }
0xda: {  	v56 =	vld [tilespmem:$0xA340]  }
0xdb: {  	v57 =	vmul.f32 v52, v20;
	v36 =	vadd.f32 v55, v36  }
0xdc: {  	v58 =	vld [tilespmem:$0xA3C0]  }
0xdd: {  	v59 =	vmul.f32 v54, v22;
	v36 =	vadd.f32 v57, v36  }
0xde: {  	v60 =	vld [tilespmem:$0xB040]  }
0xdf: {  	v61 =	vmul.f32 v56, v26;
	v36 =	vadd.f32 v59, v36  }
0xe0: {  	v62 =	vld [tilespmem:$0xB0C0]  }
0xe1: {  	v63 =	vmul.f32 v58, v27;
	v36 =	vadd.f32 v61, v36  }
0xe2: {  	v44 =	vld [tilespmem:$0xB140]  }
0xe3: {  	v45 =	vmul.f32 v60, v28;
	v36 =	vadd.f32 v63, v36  }
0xe4: {  	v46 =	vld [tilespmem:$0xB1C0]  }
0xe5: {  	v47 =	vmul.f32 v62, v29;
	v36 =	vadd.f32 v45, v36  }
0xe6: {  	v48 =	vld [tilespmem:$0xB240]  }
0xe7: {  	v49 =	vmul.f32 v44, v30;
	v36 =	vadd.f32 v47, v36  }
0xe8: {  	v50 =	vld [tilespmem:$0xB2C0]  }
0xe9: {  	v51 =	vmul.f32 v46, v31;
	v36 =	vadd.f32 v49, v36  }
0xea: {  	v52 =	vld [tilespmem:$0xB340]  }
0xeb: {  	v53 =	vmul.f32 v48, v32;
	v36 =	vadd.f32 v51, v36  }
0xec: {  	v54 =	vld [tilespmem:$0xB3C0]  }
0xed: {  	v55 =	vmul.f32 v50, v33;
	v36 =	vadd.f32 v53, v36;
	_ =	sdelay $0x1  }
0xee: {  	v56 =	vmul.f32 v52, v34;
	v36 =	vadd.f32 v55, v36  }
0xef: {  	v57 =	vld [tilespmem:s24+$0x2040]  }
0xf0: {  	v58 =	vmul.f32 v54, v35;
	v36 =	vadd.f32 v56, v36;
	_ =	sdelay $0x1  }
0xf1: {  	v36 =	vadd.f32 v58, v36;
	_ =	sdelay $0x1  }
0xf2: {  	v59 =	vmul.f32 v57, v18;
	v36 =	vmul.f32 v36, v19;
	_ =	sdelay $0x1  }
0xf3: {  	v36 =	vadd.f32 v36, v59;
	_ =	sdelay $0x1  }
0xf4: {  	[tilespmem:s24+$0x6040] =	vst v36  }
0xf5: {  	v36 =	vld [tilespmem:$0xA050]  }
0xf6: {  	v60 =	vld [tilespmem:$0xA0D0];
	_ =	sdelay $0x1  }
0xf7: {  	v61 =	vld [tilespmem:$0xA150];
	_ =	sdelay $0x1  }
0xf8: {  	v62 =	vld [tilespmem:$0xA1D0]  }
0xf9: {  	v36 =	vmul.f32 v36, v23;
	v37 =	vmul.f32 v60, v24  }
0xfa: {  	v63 =	vld [tilespmem:$0xA250]  }
0xfb: {  	v44 =	vmul.f32 v61, v25;
	v36 =	vadd.f32 v37, v36  }
0xfc: {  	v45 =	vld [tilespmem:$0xA2D0]  }
0xfd: {  	v46 =	vmul.f32 v62, v21;
	v36 =	vadd.f32 v44, v36  }
0xfe: {  	v47 =	vld [tilespmem:$0xA350]  }
0xff: {  	v48 =	vmul.f32 v63, v20;
	v36 =	vadd.f32 v46, v36  }
0x100: {  	v49 =	vld [tilespmem:$0xA3D0]  }
0x101: {  	v50 =	vmul.f32 v45, v22;
	v36 =	vadd.f32 v48, v36  }
0x102: {  	v51 =	vld [tilespmem:$0xB050]  }
0x103: {  	v52 =	vmul.f32 v47, v26;
	v36 =	vadd.f32 v50, v36  }
0x104: {  	v53 =	vld [tilespmem:$0xB0D0]  }
0x105: {  	v54 =	vmul.f32 v49, v27;
	v36 =	vadd.f32 v52, v36  }
0x106: {  	v55 =	vld [tilespmem:$0xB150]  }
0x107: {  	v56 =	vmul.f32 v51, v28;
	v36 =	vadd.f32 v54, v36  }
0x108: {  	v57 =	vld [tilespmem:$0xB1D0]  }
0x109: {  	v58 =	vmul.f32 v53, v29;
	v36 =	vadd.f32 v56, v36  }
0x10a: {  	v59 =	vld [tilespmem:$0xB250]  }
0x10b: {  	v60 =	vmul.f32 v55, v30;
	v36 =	vadd.f32 v58, v36  }
0x10c: {  	v61 =	vld [tilespmem:$0xB2D0]  }
0x10d: {  	v62 =	vmul.f32 v57, v31;
	v36 =	vadd.f32 v60, v36  }
0x10e: {  	v63 =	vld [tilespmem:$0xB350]  }
0x10f: {  	v42 =	vmul.f32 v59, v32;
	v36 =	vadd.f32 v62, v36  }
0x110: {  	v43 =	vld [tilespmem:$0xB3D0]  }
0x111: {  	v44 =	vmul.f32 v61, v33;
	v36 =	vadd.f32 v42, v36;
	_ =	sdelay $0x1  }
0x112: {  	v45 =	vmul.f32 v63, v34;
	v36 =	vadd.f32 v44, v36  }
0x113: {  	v46 =	vld [tilespmem:s24+$0x2050]  }
0x114: {  	v47 =	vmul.f32 v43, v35;
	v36 =	vadd.f32 v45, v36;
	_ =	sdelay $0x1  }
0x115: {  	v36 =	vadd.f32 v47, v36;
	_ =	sdelay $0x1  }
0x116: {  	v48 =	vmul.f32 v46, v18;
	v36 =	vmul.f32 v36, v19;
	_ =	sdelay $0x1  }
0x117: {  	v36 =	vadd.f32 v36, v48;
	_ =	sdelay $0x1  }
0x118: {  	[tilespmem:s24+$0x6050] =	vst v36  }
0x119: {  	v36 =	vld [tilespmem:$0xA060]  }
0x11a: {  	v49 =	vld [tilespmem:$0xA0E0];
	_ =	sdelay $0x1  }
0x11b: {  	v50 =	vld [tilespmem:$0xA160];
	_ =	sdelay $0x1  }
0x11c: {  	v51 =	vld [tilespmem:$0xA1E0]  }
0x11d: {  	v36 =	vmul.f32 v36, v23;
	v37 =	vmul.f32 v49, v24  }
0x11e: {  	v52 =	vld [tilespmem:$0xA260]  }
0x11f: {  	v53 =	vmul.f32 v50, v25;
	v36 =	vadd.f32 v37, v36  }
0x120: {  	v54 =	vld [tilespmem:$0xA2E0]  }
0x121: {  	v55 =	vmul.f32 v51, v21;
	v36 =	vadd.f32 v53, v36  }
0x122: {  	v56 =	vld [tilespmem:$0xA360]  }
0x123: {  	v57 =	vmul.f32 v52, v20;
	v36 =	vadd.f32 v55, v36  }
0x124: {  	v58 =	vld [tilespmem:$0xA3E0]  }
0x125: {  	v59 =	vmul.f32 v54, v22;
	v36 =	vadd.f32 v57, v36  }
0x126: {  	v60 =	vld [tilespmem:$0xB060]  }
0x127: {  	v61 =	vmul.f32 v56, v26;
	v36 =	vadd.f32 v59, v36  }
0x128: {  	v62 =	vld [tilespmem:$0xB0E0]  }
0x129: {  	v63 =	vmul.f32 v58, v27;
	v36 =	vadd.f32 v61, v36  }
0x12a: {  	v44 =	vld [tilespmem:$0xB160]  }
0x12b: {  	v45 =	vmul.f32 v60, v28;
	v36 =	vadd.f32 v63, v36  }
0x12c: {  	v46 =	vld [tilespmem:$0xB1E0]  }
0x12d: {  	v47 =	vmul.f32 v62, v29;
	v36 =	vadd.f32 v45, v36  }
0x12e: {  	v48 =	vld [tilespmem:$0xB260]  }
0x12f: {  	v49 =	vmul.f32 v44, v30;
	v36 =	vadd.f32 v47, v36  }
0x130: {  	v50 =	vld [tilespmem:$0xB2E0]  }
0x131: {  	v51 =	vmul.f32 v46, v31;
	v36 =	vadd.f32 v49, v36  }
0x132: {  	v52 =	vld [tilespmem:$0xB360]  }
0x133: {  	v53 =	vmul.f32 v48, v32;
	v36 =	vadd.f32 v51, v36  }
0x134: {  	v54 =	vld [tilespmem:$0xB3E0]  }
0x135: {  	v55 =	vmul.f32 v50, v33;
	v36 =	vadd.f32 v53, v36;
	_ =	sdelay $0x1  }
0x136: {  	v56 =	vmul.f32 v52, v34;
	v36 =	vadd.f32 v55, v36  }
0x137: {  	v57 =	vld [tilespmem:s24+$0x2060]  }
0x138: {  	v58 =	vmul.f32 v54, v35;
	v36 =	vadd.f32 v56, v36;
	_ =	sdelay $0x1  }
0x139: {  	v36 =	vadd.f32 v58, v36;
	_ =	sdelay $0x1  }
0x13a: {  	v59 =	vmul.f32 v57, v18;
	v36 =	vmul.f32 v36, v19;
	_ =	sdelay $0x1  }
0x13b: {  	v36 =	vadd.f32 v36, v59;
	_ =	sdelay $0x1  }
0x13c: {  	[tilespmem:s24+$0x6060] =	vst v36  }
0x13d: {  	v36 =	vld [tilespmem:$0xA070]  }
0x13e: {  	v60 =	vld [tilespmem:$0xA0F0];
	_ =	sdelay $0x1  }
0x13f: {  	v61 =	vld [tilespmem:$0xA170];
	_ =	sdelay $0x1  }
0x140: {  	v62 =	vld [tilespmem:$0xA1F0]  }
0x141: {  	v36 =	vmul.f32 v36, v23;
	v37 =	vmul.f32 v60, v24  }
0x142: {  	v63 =	vld [tilespmem:$0xA270]  }
0x143: {  	v44 =	vmul.f32 v61, v25;
	v36 =	vadd.f32 v37, v36  }
0x144: {  	v45 =	vld [tilespmem:$0xA2F0]  }
0x145: {  	v46 =	vmul.f32 v62, v21;
	v36 =	vadd.f32 v44, v36  }
0x146: {  	v47 =	vld [tilespmem:$0xA370]  }
0x147: {  	v48 =	vmul.f32 v63, v20;
	v36 =	vadd.f32 v46, v36  }
0x148: {  	v49 =	vld [tilespmem:$0xA3F0]  }
0x149: {  	v50 =	vmul.f32 v45, v22;
	v36 =	vadd.f32 v48, v36  }
0x14a: {  	v51 =	vld [tilespmem:$0xB070]  }
0x14b: {  	v52 =	vmul.f32 v47, v26;
	v36 =	vadd.f32 v50, v36  }
0x14c: {  	v53 =	vld [tilespmem:$0xB0F0]  }
0x14d: {  	v54 =	vmul.f32 v49, v27;
	v36 =	vadd.f32 v52, v36  }
0x14e: {  	v55 =	vld [tilespmem:$0xB170]  }
0x14f: {  	v56 =	vmul.f32 v51, v28;
	v36 =	vadd.f32 v54, v36  }
0x150: {  	v57 =	vld [tilespmem:$0xB1F0]  }
0x151: {  	v58 =	vmul.f32 v53, v29;
	v36 =	vadd.f32 v56, v36  }
0x152: {  	v59 =	vld [tilespmem:$0xB270]  }
0x153: {  	v60 =	vmul.f32 v55, v30;
	v36 =	vadd.f32 v58, v36  }
0x154: {  	v61 =	vld [tilespmem:$0xB2F0]  }
0x155: {  	v62 =	vmul.f32 v57, v31;
	v36 =	vadd.f32 v60, v36  }
0x156: {  	v63 =	vld [tilespmem:$0xB370]  }
0x157: {  	v42 =	vmul.f32 v59, v32;
	v36 =	vadd.f32 v62, v36  }
0x158: {  	v43 =	vld [tilespmem:$0xB3F0]  }
0x159: {  	v44 =	vmul.f32 v61, v33;
	v36 =	vadd.f32 v42, v36;
	_ =	sdelay $0x1  }
0x15a: {  	v45 =	vmul.f32 v63, v34;
	v36 =	vadd.f32 v44, v36  }
0x15b: {  	v46 =	vld [tilespmem:s24+$0x2070]  }
0x15c: {  	v47 =	vmul.f32 v43, v35;
	v36 =	vadd.f32 v45, v36;
	_ =	sdelay $0x1  }
0x15d: {  	v36 =	vadd.f32 v47, v36;
	_ =	sdelay $0x1  }
0x15e: {  	v48 =	vmul.f32 v46, v18;
	v36 =	vmul.f32 v36, v19;
	_ =	sdelay $0x1  }
0x15f: {  	v36 =	vadd.f32 v36, v48;
	_ =	sdelay $0x1  }
0x160: {  	[tilespmem:s24+$0x6070] =	vst v36  }
0x161: {  	v36 =	vld [tilespmem:$0xA400]  }
0x162: {  	v49 =	vld [tilespmem:$0xA480];
	_ =	sdelay $0x1  }
0x163: {  	v50 =	vld [tilespmem:$0xA500];
	_ =	sdelay $0x1  }
0x164: {  	v51 =	vld [tilespmem:$0xA580]  }
0x165: {  	v36 =	vmul.f32 v36, v23;
	v37 =	vmul.f32 v49, v24  }
0x166: {  	v52 =	vld [tilespmem:$0xA600]  }
0x167: {  	v53 =	vmul.f32 v50, v25;
	v36 =	vadd.f32 v37, v36  }
0x168: {  	v54 =	vld [tilespmem:$0xA680]  }
0x169: {  	v55 =	vmul.f32 v51, v21;
	v36 =	vadd.f32 v53, v36  }
0x16a: {  	v56 =	vld [tilespmem:$0xA700]  }
0x16b: {  	v57 =	vmul.f32 v52, v20;
	v36 =	vadd.f32 v55, v36  }
0x16c: {  	v58 =	vld [tilespmem:$0xA780]  }
0x16d: {  	v59 =	vmul.f32 v54, v22;
	v36 =	vadd.f32 v57, v36  }
0x16e: {  	v60 =	vld [tilespmem:$0xB400]  }
0x16f: {  	v61 =	vmul.f32 v56, v26;
	v36 =	vadd.f32 v59, v36  }
0x170: {  	v62 =	vld [tilespmem:$0xB480]  }
0x171: {  	v63 =	vmul.f32 v58, v27;
	v36 =	vadd.f32 v61, v36  }
0x172: {  	v44 =	vld [tilespmem:$0xB500]  }
0x173: {  	v45 =	vmul.f32 v60, v28;
	v36 =	vadd.f32 v63, v36  }
0x174: {  	v46 =	vld [tilespmem:$0xB580]  }
0x175: {  	v47 =	vmul.f32 v62, v29;
	v36 =	vadd.f32 v45, v36  }
0x176: {  	v48 =	vld [tilespmem:$0xB600]  }
0x177: {  	v49 =	vmul.f32 v44, v30;
	v36 =	vadd.f32 v47, v36  }
0x178: {  	v50 =	vld [tilespmem:$0xB680]  }
0x179: {  	v51 =	vmul.f32 v46, v31;
	v36 =	vadd.f32 v49, v36  }
0x17a: {  	v52 =	vld [tilespmem:$0xB700]  }
0x17b: {  	v53 =	vmul.f32 v48, v32;
	v36 =	vadd.f32 v51, v36  }
0x17c: {  	v54 =	vld [tilespmem:$0xB780]  }
0x17d: {  	v55 =	vmul.f32 v50, v33;
	v36 =	vadd.f32 v53, v36;
	_ =	sdelay $0x1  }
0x17e: {  	v56 =	vmul.f32 v52, v34;
	v36 =	vadd.f32 v55, v36  }
0x17f: {  	v57 =	vld [tilespmem:s24+$0x2400]  }
0x180: {  	v58 =	vmul.f32 v54, v35;
	v36 =	vadd.f32 v56, v36;
	_ =	sdelay $0x1  }
0x181: {  	v36 =	vadd.f32 v58, v36;
	_ =	sdelay $0x1  }
0x182: {  	v59 =	vmul.f32 v57, v18;
	v36 =	vmul.f32 v36, v19;
	_ =	sdelay $0x1  }
0x183: {  	v36 =	vadd.f32 v36, v59;
	_ =	sdelay $0x1  }
0x184: {  	[tilespmem:s24+$0x6400] =	vst v36  }
0x185: {  	v36 =	vld [tilespmem:$0xA410]  }
0x186: {  	v60 =	vld [tilespmem:$0xA490];
	_ =	sdelay $0x1  }
0x187: {  	v61 =	vld [tilespmem:$0xA510];
	_ =	sdelay $0x1  }
0x188: {  	v62 =	vld [tilespmem:$0xA590]  }
0x189: {  	v36 =	vmul.f32 v36, v23;
	v37 =	vmul.f32 v60, v24  }
0x18a: {  	v63 =	vld [tilespmem:$0xA610]  }
0x18b: {  	v44 =	vmul.f32 v61, v25;
	v36 =	vadd.f32 v37, v36  }
0x18c: {  	v45 =	vld [tilespmem:$0xA690]  }
0x18d: {  	v46 =	vmul.f32 v62, v21;
	v36 =	vadd.f32 v44, v36  }
0x18e: {  	v47 =	vld [tilespmem:$0xA710]  }
0x18f: {  	v48 =	vmul.f32 v63, v20;
	v36 =	vadd.f32 v46, v36  }
0x190: {  	v49 =	vld [tilespmem:$0xA790]  }
0x191: {  	v50 =	vmul.f32 v45, v22;
	v36 =	vadd.f32 v48, v36  }
0x192: {  	v51 =	vld [tilespmem:$0xB410]  }
0x193: {  	v52 =	vmul.f32 v47, v26;
	v36 =	vadd.f32 v50, v36  }
0x194: {  	v53 =	vld [tilespmem:$0xB490]  }
0x195: {  	v54 =	vmul.f32 v49, v27;
	v36 =	vadd.f32 v52, v36  }
0x196: {  	v55 =	vld [tilespmem:$0xB510]  }
0x197: {  	v56 =	vmul.f32 v51, v28;
	v36 =	vadd.f32 v54, v36  }
0x198: {  	v57 =	vld [tilespmem:$0xB590]  }
0x199: {  	v58 =	vmul.f32 v53, v29;
	v36 =	vadd.f32 v56, v36  }
0x19a: {  	v59 =	vld [tilespmem:$0xB610]  }
0x19b: {  	v60 =	vmul.f32 v55, v30;
	v36 =	vadd.f32 v58, v36  }
0x19c: {  	v61 =	vld [tilespmem:$0xB690]  }
0x19d: {  	v62 =	vmul.f32 v57, v31;
	v36 =	vadd.f32 v60, v36  }
0x19e: {  	v63 =	vld [tilespmem:$0xB710]  }
0x19f: {  	v42 =	vmul.f32 v59, v32;
	v36 =	vadd.f32 v62, v36  }
0x1a0: {  	v43 =	vld [tilespmem:$0xB790]  }
0x1a1: {  	v44 =	vmul.f32 v61, v33;
	v36 =	vadd.f32 v42, v36;
	_ =	sdelay $0x1  }
0x1a2: {  	v45 =	vmul.f32 v63, v34;
	v36 =	vadd.f32 v44, v36  }
0x1a3: {  	v46 =	vld [tilespmem:s24+$0x2410]  }
0x1a4: {  	v47 =	vmul.f32 v43, v35;
	v36 =	vadd.f32 v45, v36;
	_ =	sdelay $0x1  }
0x1a5: {  	v36 =	vadd.f32 v47, v36;
	_ =	sdelay $0x1  }
0x1a6: {  	v48 =	vmul.f32 v46, v18;
	v36 =	vmul.f32 v36, v19;
	_ =	sdelay $0x1  }
0x1a7: {  	v36 =	vadd.f32 v36, v48;
	_ =	sdelay $0x1  }
0x1a8: {  	[tilespmem:s24+$0x6410] =	vst v36  }
0x1a9: {  	v36 =	vld [tilespmem:$0xA420]  }
0x1aa: {  	v49 =	vld [tilespmem:$0xA4A0];
	_ =	sdelay $0x1  }
0x1ab: {  	v50 =	vld [tilespmem:$0xA520];
	_ =	sdelay $0x1  }
0x1ac: {  	v51 =	vld [tilespmem:$0xA5A0]  }
0x1ad: {  	v36 =	vmul.f32 v36, v23;
	v37 =	vmul.f32 v49, v24  }
0x1ae: {  	v52 =	vld [tilespmem:$0xA620]  }
0x1af: {  	v53 =	vmul.f32 v50, v25;
	v36 =	vadd.f32 v37, v36  }
0x1b0: {  	v54 =	vld [tilespmem:$0xA6A0]  }
0x1b1: {  	v55 =	vmul.f32 v51, v21;
	v36 =	vadd.f32 v53, v36  }
0x1b2: {  	v56 =	vld [tilespmem:$0xA720]  }
0x1b3: {  	v57 =	vmul.f32 v52, v20;
	v36 =	vadd.f32 v55, v36  }
0x1b4: {  	v58 =	vld [tilespmem:$0xA7A0]  }
0x1b5: {  	v59 =	vmul.f32 v54, v22;
	v36 =	vadd.f32 v57, v36  }
0x1b6: {  	v60 =	vld [tilespmem:$0xB420]  }
0x1b7: {  	v61 =	vmul.f32 v56, v26;
	v36 =	vadd.f32 v59, v36  }
0x1b8: {  	v62 =	vld [tilespmem:$0xB4A0]  }
0x1b9: {  	v63 =	vmul.f32 v58, v27;
	v36 =	vadd.f32 v61, v36  }
0x1ba: {  	v44 =	vld [tilespmem:$0xB520]  }
0x1bb: {  	v45 =	vmul.f32 v60, v28;
	v36 =	vadd.f32 v63, v36  }
0x1bc: {  	v46 =	vld [tilespmem:$0xB5A0]  }
0x1bd: {  	v47 =	vmul.f32 v62, v29;
	v36 =	vadd.f32 v45, v36  }
0x1be: {  	v48 =	vld [tilespmem:$0xB620]  }
0x1bf: {  	v49 =	vmul.f32 v44, v30;
	v36 =	vadd.f32 v47, v36  }
0x1c0: {  	v50 =	vld [tilespmem:$0xB6A0]  }
0x1c1: {  	v51 =	vmul.f32 v46, v31;
	v36 =	vadd.f32 v49, v36  }
0x1c2: {  	v52 =	vld [tilespmem:$0xB720]  }
0x1c3: {  	v53 =	vmul.f32 v48, v32;
	v36 =	vadd.f32 v51, v36  }
0x1c4: {  	v54 =	vld [tilespmem:$0xB7A0]  }
0x1c5: {  	v55 =	vmul.f32 v50, v33;
	v36 =	vadd.f32 v53, v36;
	_ =	sdelay $0x1  }
0x1c6: {  	v56 =	vmul.f32 v52, v34;
	v36 =	vadd.f32 v55, v36  }
0x1c7: {  	v57 =	vld [tilespmem:s24+$0x2420]  }
0x1c8: {  	v58 =	vmul.f32 v54, v35;
	v36 =	vadd.f32 v56, v36;
	_ =	sdelay $0x1  }
0x1c9: {  	v36 =	vadd.f32 v58, v36;
	_ =	sdelay $0x1  }
0x1ca: {  	v59 =	vmul.f32 v57, v18;
	v36 =	vmul.f32 v36, v19;
	_ =	sdelay $0x1  }
0x1cb: {  	v36 =	vadd.f32 v36, v59;
	_ =	sdelay $0x1  }
0x1cc: {  	[tilespmem:s24+$0x6420] =	vst v36  }
0x1cd: {  	v36 =	vld [tilespmem:$0xA430]  }
0x1ce: {  	v60 =	vld [tilespmem:$0xA4B0];
	_ =	sdelay $0x1  }
0x1cf: {  	v61 =	vld [tilespmem:$0xA530];
	_ =	sdelay $0x1  }
0x1d0: {  	v62 =	vld [tilespmem:$0xA5B0]  }
0x1d1: {  	v36 =	vmul.f32 v36, v23;
	v37 =	vmul.f32 v60, v24  }
0x1d2: {  	v63 =	vld [tilespmem:$0xA630]  }
0x1d3: {  	v44 =	vmul.f32 v61, v25;
	v36 =	vadd.f32 v37, v36  }
0x1d4: {  	v45 =	vld [tilespmem:$0xA6B0]  }
0x1d5: {  	v46 =	vmul.f32 v62, v21;
	v36 =	vadd.f32 v44, v36  }
0x1d6: {  	v47 =	vld [tilespmem:$0xA730]  }
0x1d7: {  	v48 =	vmul.f32 v63, v20;
	v36 =	vadd.f32 v46, v36  }
0x1d8: {  	v49 =	vld [tilespmem:$0xA7B0]  }
0x1d9: {  	v50 =	vmul.f32 v45, v22;
	v36 =	vadd.f32 v48, v36  }
0x1da: {  	v51 =	vld [tilespmem:$0xB430]  }
0x1db: {  	v52 =	vmul.f32 v47, v26;
	v36 =	vadd.f32 v50, v36  }
0x1dc: {  	v53 =	vld [tilespmem:$0xB4B0]  }
0x1dd: {  	v54 =	vmul.f32 v49, v27;
	v36 =	vadd.f32 v52, v36  }
0x1de: {  	v55 =	vld [tilespmem:$0xB530]  }
0x1df: {  	v56 =	vmul.f32 v51, v28;
	v36 =	vadd.f32 v54, v36  }
0x1e0: {  	v57 =	vld [tilespmem:$0xB5B0]  }
0x1e1: {  	v58 =	vmul.f32 v53, v29;
	v36 =	vadd.f32 v56, v36  }
0x1e2: {  	v59 =	vld [tilespmem:$0xB630]  }
0x1e3: {  	v60 =	vmul.f32 v55, v30;
	v36 =	vadd.f32 v58, v36  }
0x1e4: {  	v61 =	vld [tilespmem:$0xB6B0]  }
0x1e5: {  	v62 =	vmul.f32 v57, v31;
	v36 =	vadd.f32 v60, v36  }
0x1e6: {  	v63 =	vld [tilespmem:$0xB730]  }
0x1e7: {  	v42 =	vmul.f32 v59, v32;
	v36 =	vadd.f32 v62, v36  }
0x1e8: {  	v43 =	vld [tilespmem:$0xB7B0]  }
0x1e9: {  	v44 =	vmul.f32 v61, v33;
	v36 =	vadd.f32 v42, v36;
	_ =	sdelay $0x1  }
0x1ea: {  	v45 =	vmul.f32 v63, v34;
	v36 =	vadd.f32 v44, v36  }
0x1eb: {  	v46 =	vld [tilespmem:s24+$0x2430]  }
0x1ec: {  	v47 =	vmul.f32 v43, v35;
	v36 =	vadd.f32 v45, v36;
	_ =	sdelay $0x1  }
0x1ed: {  	v36 =	vadd.f32 v47, v36;
	_ =	sdelay $0x1  }
0x1ee: {  	v48 =	vmul.f32 v46, v18;
	v36 =	vmul.f32 v36, v19;
	_ =	sdelay $0x1  }
0x1ef: {  	v36 =	vadd.f32 v36, v48;
	_ =	sdelay $0x1  }
0x1f0: {  	[tilespmem:s24+$0x6430] =	vst v36  }
0x1f1: {  	v36 =	vld [tilespmem:$0xA440]  }
0x1f2: {  	v49 =	vld [tilespmem:$0xA4C0];
	_ =	sdelay $0x1  }
0x1f3: {  	v50 =	vld [tilespmem:$0xA540];
	_ =	sdelay $0x1  }
0x1f4: {  	v51 =	vld [tilespmem:$0xA5C0]  }
0x1f5: {  	v36 =	vmul.f32 v36, v23;
	v37 =	vmul.f32 v49, v24  }
0x1f6: {  	v52 =	vld [tilespmem:$0xA640]  }
0x1f7: {  	v53 =	vmul.f32 v50, v25;
	v36 =	vadd.f32 v37, v36  }
0x1f8: {  	v54 =	vld [tilespmem:$0xA6C0]  }
0x1f9: {  	v55 =	vmul.f32 v51, v21;
	v36 =	vadd.f32 v53, v36  }
0x1fa: {  	v56 =	vld [tilespmem:$0xA740]  }
0x1fb: {  	v57 =	vmul.f32 v52, v20;
	v36 =	vadd.f32 v55, v36  }
0x1fc: {  	v58 =	vld [tilespmem:$0xA7C0]  }
0x1fd: {  	v59 =	vmul.f32 v54, v22;
	v36 =	vadd.f32 v57, v36  }
0x1fe: {  	v60 =	vld [tilespmem:$0xB440]  }
0x1ff: {  	v61 =	vmul.f32 v56, v26;
	v36 =	vadd.f32 v59, v36  }
0x200: {  	v62 =	vld [tilespmem:$0xB4C0]  }
0x201: {  	v63 =	vmul.f32 v58, v27;
	v36 =	vadd.f32 v61, v36  }
0x202: {  	v44 =	vld [tilespmem:$0xB540]  }
0x203: {  	v45 =	vmul.f32 v60, v28;
	v36 =	vadd.f32 v63, v36  }
0x204: {  	v46 =	vld [tilespmem:$0xB5C0]  }
0x205: {  	v47 =	vmul.f32 v62, v29;
	v36 =	vadd.f32 v45, v36  }
0x206: {  	v48 =	vld [tilespmem:$0xB640]  }
0x207: {  	v49 =	vmul.f32 v44, v30;
	v36 =	vadd.f32 v47, v36  }
0x208: {  	v50 =	vld [tilespmem:$0xB6C0]  }
0x209: {  	v51 =	vmul.f32 v46, v31;
	v36 =	vadd.f32 v49, v36  }
0x20a: {  	v52 =	vld [tilespmem:$0xB740]  }
0x20b: {  	v53 =	vmul.f32 v48, v32;
	v36 =	vadd.f32 v51, v36  }
0x20c: {  	v54 =	vld [tilespmem:$0xB7C0]  }
0x20d: {  	v55 =	vmul.f32 v50, v33;
	v36 =	vadd.f32 v53, v36;
	_ =	sdelay $0x1  }
0x20e: {  	v56 =	vmul.f32 v52, v34;
	v36 =	vadd.f32 v55, v36  }
0x20f: {  	v57 =	vld [tilespmem:s24+$0x2440]  }
0x210: {  	v58 =	vmul.f32 v54, v35;
	v36 =	vadd.f32 v56, v36;
	_ =	sdelay $0x1  }
0x211: {  	v36 =	vadd.f32 v58, v36;
	_ =	sdelay $0x1  }
0x212: {  	v59 =	vmul.f32 v57, v18;
	v36 =	vmul.f32 v36, v19;
	_ =	sdelay $0x1  }
0x213: {  	v36 =	vadd.f32 v36, v59;
	_ =	sdelay $0x1  }
0x214: {  	[tilespmem:s24+$0x6440] =	vst v36  }
0x215: {  	v36 =	vld [tilespmem:$0xA450]  }
0x216: {  	v60 =	vld [tilespmem:$0xA4D0];
	_ =	sdelay $0x1  }
0x217: {  	v61 =	vld [tilespmem:$0xA550];
	_ =	sdelay $0x1  }
0x218: {  	v62 =	vld [tilespmem:$0xA5D0]  }
0x219: {  	v36 =	vmul.f32 v36, v23;
	v37 =	vmul.f32 v60, v24  }
0x21a: {  	v63 =	vld [tilespmem:$0xA650]  }
0x21b: {  	v44 =	vmul.f32 v61, v25;
	v36 =	vadd.f32 v37, v36  }
0x21c: {  	v45 =	vld [tilespmem:$0xA6D0]  }
0x21d: {  	v46 =	vmul.f32 v62, v21;
	v36 =	vadd.f32 v44, v36  }
0x21e: {  	v47 =	vld [tilespmem:$0xA750]  }
0x21f: {  	v48 =	vmul.f32 v63, v20;
	v36 =	vadd.f32 v46, v36  }
0x220: {  	v49 =	vld [tilespmem:$0xA7D0]  }
0x221: {  	v50 =	vmul.f32 v45, v22;
	v36 =	vadd.f32 v48, v36  }
0x222: {  	v51 =	vld [tilespmem:$0xB450]  }
0x223: {  	v52 =	vmul.f32 v47, v26;
	v36 =	vadd.f32 v50, v36  }
0x224: {  	v53 =	vld [tilespmem:$0xB4D0]  }
0x225: {  	v54 =	vmul.f32 v49, v27;
	v36 =	vadd.f32 v52, v36  }
0x226: {  	v55 =	vld [tilespmem:$0xB550]  }
0x227: {  	v56 =	vmul.f32 v51, v28;
	v36 =	vadd.f32 v54, v36  }
0x228: {  	v57 =	vld [tilespmem:$0xB5D0]  }
0x229: {  	v58 =	vmul.f32 v53, v29;
	v36 =	vadd.f32 v56, v36  }
0x22a: {  	v59 =	vld [tilespmem:$0xB650]  }
0x22b: {  	v60 =	vmul.f32 v55, v30;
	v36 =	vadd.f32 v58, v36  }
0x22c: {  	v61 =	vld [tilespmem:$0xB6D0]  }
0x22d: {  	v62 =	vmul.f32 v57, v31;
	v36 =	vadd.f32 v60, v36  }
0x22e: {  	v63 =	vld [tilespmem:$0xB750]  }
0x22f: {  	v42 =	vmul.f32 v59, v32;
	v36 =	vadd.f32 v62, v36  }
0x230: {  	v43 =	vld [tilespmem:$0xB7D0]  }
0x231: {  	v44 =	vmul.f32 v61, v33;
	v36 =	vadd.f32 v42, v36;
	_ =	sdelay $0x1  }
0x232: {  	v45 =	vmul.f32 v63, v34;
	v36 =	vadd.f32 v44, v36  }
0x233: {  	v46 =	vld [tilespmem:s24+$0x2450]  }
0x234: {  	v47 =	vmul.f32 v43, v35;
	v36 =	vadd.f32 v45, v36;
	_ =	sdelay $0x1  }
0x235: {  	v36 =	vadd.f32 v47, v36;
	_ =	sdelay $0x1  }
0x236: {  	v48 =	vmul.f32 v46, v18;
	v36 =	vmul.f32 v36, v19;
	_ =	sdelay $0x1  }
0x237: {  	v36 =	vadd.f32 v36, v48;
	_ =	sdelay $0x1  }
0x238: {  	[tilespmem:s24+$0x6450] =	vst v36  }
0x239: {  	v36 =	vld [tilespmem:$0xA460]  }
0x23a: {  	v49 =	vld [tilespmem:$0xA4E0];
	_ =	sdelay $0x1  }
0x23b: {  	v50 =	vld [tilespmem:$0xA560];
	_ =	sdelay $0x1  }
0x23c: {  	v51 =	vld [tilespmem:$0xA5E0]  }
0x23d: {  	v36 =	vmul.f32 v36, v23;
	v37 =	vmul.f32 v49, v24  }
0x23e: {  	v52 =	vld [tilespmem:$0xA660]  }
0x23f: {  	v53 =	vmul.f32 v50, v25;
	v36 =	vadd.f32 v37, v36  }
0x240: {  	v54 =	vld [tilespmem:$0xA6E0]  }
0x241: {  	v55 =	vmul.f32 v51, v21;
	v36 =	vadd.f32 v53, v36  }
0x242: {  	v56 =	vld [tilespmem:$0xA760]  }
0x243: {  	v57 =	vmul.f32 v52, v20;
	v36 =	vadd.f32 v55, v36  }
0x244: {  	v58 =	vld [tilespmem:$0xA7E0]  }
0x245: {  	v59 =	vmul.f32 v54, v22;
	v36 =	vadd.f32 v57, v36  }
0x246: {  	v60 =	vld [tilespmem:$0xB460]  }
0x247: {  	v61 =	vmul.f32 v56, v26;
	v36 =	vadd.f32 v59, v36  }
0x248: {  	v62 =	vld [tilespmem:$0xB4E0]  }
0x249: {  	v63 =	vmul.f32 v58, v27;
	v36 =	vadd.f32 v61, v36  }
0x24a: {  	v44 =	vld [tilespmem:$0xB560]  }
0x24b: {  	v45 =	vmul.f32 v60, v28;
	v36 =	vadd.f32 v63, v36  }
0x24c: {  	v46 =	vld [tilespmem:$0xB5E0]  }
0x24d: {  	v47 =	vmul.f32 v62, v29;
	v36 =	vadd.f32 v45, v36  }
0x24e: {  	v48 =	vld [tilespmem:$0xB660]  }
0x24f: {  	v49 =	vmul.f32 v44, v30;
	v36 =	vadd.f32 v47, v36  }
0x250: {  	v50 =	vld [tilespmem:$0xB6E0]  }
0x251: {  	v51 =	vmul.f32 v46, v31;
	v36 =	vadd.f32 v49, v36  }
0x252: {  	v52 =	vld [tilespmem:$0xB760]  }
0x253: {  	v53 =	vmul.f32 v48, v32;
	v36 =	vadd.f32 v51, v36  }
0x254: {  	v54 =	vld [tilespmem:$0xB7E0]  }
0x255: {  	v55 =	vmul.f32 v50, v33;
	v36 =	vadd.f32 v53, v36;
	_ =	sdelay $0x1  }
0x256: {  	v56 =	vmul.f32 v52, v34;
	v36 =	vadd.f32 v55, v36  }
0x257: {  	v57 =	vld [tilespmem:s24+$0x2460]  }
0x258: {  	v58 =	vmul.f32 v54, v35;
	v36 =	vadd.f32 v56, v36;
	_ =	sdelay $0x1  }
0x259: {  	v36 =	vadd.f32 v58, v36;
	_ =	sdelay $0x1  }
0x25a: {  	v59 =	vmul.f32 v57, v18;
	v36 =	vmul.f32 v36, v19;
	_ =	sdelay $0x1  }
0x25b: {  	v36 =	vadd.f32 v36, v59;
	_ =	sdelay $0x1  }
0x25c: {  	[tilespmem:s24+$0x6460] =	vst v36  }
0x25d: {  	v36 =	vld [tilespmem:$0xA470]  }
0x25e: {  	v60 =	vld [tilespmem:$0xA4F0];
	_ =	sdelay $0x1  }
0x25f: {  	v61 =	vld [tilespmem:$0xA570];
	_ =	sdelay $0x1  }
0x260: {  	v62 =	vld [tilespmem:$0xA5F0]  }
0x261: {  	v36 =	vmul.f32 v36, v23;
	v37 =	vmul.f32 v60, v24  }
0x262: {  	v63 =	vld [tilespmem:$0xA670]  }
0x263: {  	v44 =	vmul.f32 v61, v25;
	v36 =	vadd.f32 v37, v36  }
0x264: {  	v45 =	vld [tilespmem:$0xA6F0]  }
0x265: {  	v46 =	vmul.f32 v62, v21;
	v36 =	vadd.f32 v44, v36  }
0x266: {  	v47 =	vld [tilespmem:$0xA770]  }
0x267: {  	v48 =	vmul.f32 v63, v20;
	v36 =	vadd.f32 v46, v36  }
0x268: {  	v49 =	vld [tilespmem:$0xA7F0]  }
0x269: {  	v50 =	vmul.f32 v45, v22;
	v36 =	vadd.f32 v48, v36  }
0x26a: {  	v51 =	vld [tilespmem:$0xB470]  }
0x26b: {  	v52 =	vmul.f32 v47, v26;
	v36 =	vadd.f32 v50, v36  }
0x26c: {  	v53 =	vld [tilespmem:$0xB4F0]  }
0x26d: {  	v54 =	vmul.f32 v49, v27;
	v36 =	vadd.f32 v52, v36  }
0x26e: {  	v55 =	vld [tilespmem:$0xB570]  }
0x26f: {  	v56 =	vmul.f32 v51, v28;
	v36 =	vadd.f32 v54, v36  }
0x270: {  	v57 =	vld [tilespmem:$0xB5F0]  }
0x271: {  	v58 =	vmul.f32 v53, v29;
	v36 =	vadd.f32 v56, v36  }
0x272: {  	v59 =	vld [tilespmem:$0xB670]  }
0x273: {  	v60 =	vmul.f32 v55, v30;
	v36 =	vadd.f32 v58, v36  }
0x274: {  	v61 =	vld [tilespmem:$0xB6F0]  }
0x275: {  	v62 =	vmul.f32 v57, v31;
	v36 =	vadd.f32 v60, v36  }
0x276: {  	v63 =	vld [tilespmem:$0xB770]  }
0x277: {  	v42 =	vmul.f32 v59, v32;
	v36 =	vadd.f32 v62, v36  }
0x278: {  	v43 =	vld [tilespmem:$0xB7F0]  }
0x279: {  	v44 =	vmul.f32 v61, v33;
	v36 =	vadd.f32 v42, v36;
	_ =	sdelay $0x1  }
0x27a: {  	v45 =	vmul.f32 v63, v34;
	v36 =	vadd.f32 v44, v36  }
0x27b: {  	v46 =	vld [tilespmem:s24+$0x2470]  }
0x27c: {  	v47 =	vmul.f32 v43, v35;
	v36 =	vadd.f32 v45, v36;
	_ =	sdelay $0x1  }
0x27d: {  	v36 =	vadd.f32 v47, v36;
	_ =	sdelay $0x1  }
0x27e: {  	v48 =	vmul.f32 v46, v18;
	v36 =	vmul.f32 v36, v19;
	_ =	sdelay $0x1  }
0x27f: {  	v36 =	vadd.f32 v36, v48;
	_ =	sdelay $0x1  }
0x280: {  	[tilespmem:s24+$0x6470] =	vst v36  }
0x281: {  	v36 =	vld [tilespmem:$0xA800]  }
0x282: {  	v49 =	vld [tilespmem:$0xA880];
	_ =	sdelay $0x1  }
0x283: {  	v50 =	vld [tilespmem:$0xA900];
	_ =	sdelay $0x1  }
0x284: {  	v51 =	vld [tilespmem:$0xA980]  }
0x285: {  	v36 =	vmul.f32 v36, v23;
	v37 =	vmul.f32 v49, v24  }
0x286: {  	v52 =	vld [tilespmem:$0xAA00]  }
0x287: {  	v53 =	vmul.f32 v50, v25;
	v36 =	vadd.f32 v37, v36  }
0x288: {  	v54 =	vld [tilespmem:$0xAA80]  }
0x289: {  	v55 =	vmul.f32 v51, v21;
	v36 =	vadd.f32 v53, v36  }
0x28a: {  	v56 =	vld [tilespmem:$0xAB00]  }
0x28b: {  	v57 =	vmul.f32 v52, v20;
	v36 =	vadd.f32 v55, v36  }
0x28c: {  	v58 =	vld [tilespmem:$0xAB80]  }
0x28d: {  	v59 =	vmul.f32 v54, v22;
	v36 =	vadd.f32 v57, v36  }
0x28e: {  	v60 =	vld [tilespmem:$0xB800]  }
0x28f: {  	v61 =	vmul.f32 v56, v26;
	v36 =	vadd.f32 v59, v36  }
0x290: {  	v62 =	vld [tilespmem:$0xB880]  }
0x291: {  	v63 =	vmul.f32 v58, v27;
	v36 =	vadd.f32 v61, v36  }
0x292: {  	v44 =	vld [tilespmem:$0xB900]  }
0x293: {  	v45 =	vmul.f32 v60, v28;
	v36 =	vadd.f32 v63, v36  }
0x294: {  	v46 =	vld [tilespmem:$0xB980]  }
0x295: {  	v47 =	vmul.f32 v62, v29;
	v36 =	vadd.f32 v45, v36  }
0x296: {  	v48 =	vld [tilespmem:$0xBA00]  }
0x297: {  	v49 =	vmul.f32 v44, v30;
	v36 =	vadd.f32 v47, v36  }
0x298: {  	v50 =	vld [tilespmem:$0xBA80]  }
0x299: {  	v51 =	vmul.f32 v46, v31;
	v36 =	vadd.f32 v49, v36  }
0x29a: {  	v52 =	vld [tilespmem:$0xBB00]  }
0x29b: {  	v53 =	vmul.f32 v48, v32;
	v36 =	vadd.f32 v51, v36  }
0x29c: {  	v54 =	vld [tilespmem:$0xBB80]  }
0x29d: {  	v55 =	vmul.f32 v50, v33;
	v36 =	vadd.f32 v53, v36;
	_ =	sdelay $0x1  }
0x29e: {  	v56 =	vmul.f32 v52, v34;
	v36 =	vadd.f32 v55, v36  }
0x29f: {  	v57 =	vld [tilespmem:s24+$0x2800]  }
0x2a0: {  	v58 =	vmul.f32 v54, v35;
	v36 =	vadd.f32 v56, v36;
	_ =	sdelay $0x1  }
0x2a1: {  	v36 =	vadd.f32 v58, v36;
	_ =	sdelay $0x1  }
0x2a2: {  	v59 =	vmul.f32 v57, v18;
	v36 =	vmul.f32 v36, v19;
	_ =	sdelay $0x1  }
0x2a3: {  	v36 =	vadd.f32 v36, v59;
	_ =	sdelay $0x1  }
0x2a4: {  	[tilespmem:s24+$0x6800] =	vst v36  }
0x2a5: {  	v36 =	vld [tilespmem:$0xA810]  }
0x2a6: {  	v60 =	vld [tilespmem:$0xA890];
	_ =	sdelay $0x1  }
0x2a7: {  	v61 =	vld [tilespmem:$0xA910];
	_ =	sdelay $0x1  }
0x2a8: {  	v62 =	vld [tilespmem:$0xA990]  }
0x2a9: {  	v36 =	vmul.f32 v36, v23;
	v37 =	vmul.f32 v60, v24  }
0x2aa: {  	v63 =	vld [tilespmem:$0xAA10]  }
0x2ab: {  	v44 =	vmul.f32 v61, v25;
	v36 =	vadd.f32 v37, v36  }
0x2ac: {  	v45 =	vld [tilespmem:$0xAA90]  }
0x2ad: {  	v46 =	vmul.f32 v62, v21;
	v36 =	vadd.f32 v44, v36  }
0x2ae: {  	v47 =	vld [tilespmem:$0xAB10]  }
0x2af: {  	v48 =	vmul.f32 v63, v20;
	v36 =	vadd.f32 v46, v36  }
0x2b0: {  	v49 =	vld [tilespmem:$0xAB90]  }
0x2b1: {  	v50 =	vmul.f32 v45, v22;
	v36 =	vadd.f32 v48, v36  }
0x2b2: {  	v51 =	vld [tilespmem:$0xB810]  }
0x2b3: {  	v52 =	vmul.f32 v47, v26;
	v36 =	vadd.f32 v50, v36  }
0x2b4: {  	v53 =	vld [tilespmem:$0xB890]  }
0x2b5: {  	v54 =	vmul.f32 v49, v27;
	v36 =	vadd.f32 v52, v36  }
0x2b6: {  	v55 =	vld [tilespmem:$0xB910]  }
0x2b7: {  	v56 =	vmul.f32 v51, v28;
	v36 =	vadd.f32 v54, v36  }
0x2b8: {  	v57 =	vld [tilespmem:$0xB990]  }
0x2b9: {  	v58 =	vmul.f32 v53, v29;
	v36 =	vadd.f32 v56, v36  }
0x2ba: {  	v59 =	vld [tilespmem:$0xBA10]  }
0x2bb: {  	v60 =	vmul.f32 v55, v30;
	v36 =	vadd.f32 v58, v36  }
0x2bc: {  	v61 =	vld [tilespmem:$0xBA90]  }
0x2bd: {  	v62 =	vmul.f32 v57, v31;
	v36 =	vadd.f32 v60, v36  }
0x2be: {  	v63 =	vld [tilespmem:$0xBB10]  }
0x2bf: {  	v42 =	vmul.f32 v59, v32;
	v36 =	vadd.f32 v62, v36  }
0x2c0: {  	v43 =	vld [tilespmem:$0xBB90]  }
0x2c1: {  	v44 =	vmul.f32 v61, v33;
	v36 =	vadd.f32 v42, v36;
	_ =	sdelay $0x1  }
0x2c2: {  	v45 =	vmul.f32 v63, v34;
	v36 =	vadd.f32 v44, v36  }
0x2c3: {  	v46 =	vld [tilespmem:s24+$0x2810]  }
0x2c4: {  	v47 =	vmul.f32 v43, v35;
	v36 =	vadd.f32 v45, v36;
	_ =	sdelay $0x1  }
0x2c5: {  	v36 =	vadd.f32 v47, v36;
	_ =	sdelay $0x1  }
0x2c6: {  	v48 =	vmul.f32 v46, v18;
	v36 =	vmul.f32 v36, v19;
	_ =	sdelay $0x1  }
0x2c7: {  	v36 =	vadd.f32 v36, v48;
	_ =	sdelay $0x1  }
0x2c8: {  	[tilespmem:s24+$0x6810] =	vst v36  }
0x2c9: {  	v36 =	vld [tilespmem:$0xA820]  }
0x2ca: {  	v49 =	vld [tilespmem:$0xA8A0];
	_ =	sdelay $0x1  }
0x2cb: {  	v50 =	vld [tilespmem:$0xA920];
	_ =	sdelay $0x1  }
0x2cc: {  	v51 =	vld [tilespmem:$0xA9A0]  }
0x2cd: {  	v36 =	vmul.f32 v36, v23;
	v37 =	vmul.f32 v49, v24  }
0x2ce: {  	v52 =	vld [tilespmem:$0xAA20]  }
0x2cf: {  	v53 =	vmul.f32 v50, v25;
	v36 =	vadd.f32 v37, v36  }
0x2d0: {  	v54 =	vld [tilespmem:$0xAAA0]  }
0x2d1: {  	v55 =	vmul.f32 v51, v21;
	v36 =	vadd.f32 v53, v36  }
0x2d2: {  	v56 =	vld [tilespmem:$0xAB20]  }
0x2d3: {  	v57 =	vmul.f32 v52, v20;
	v36 =	vadd.f32 v55, v36  }
0x2d4: {  	v58 =	vld [tilespmem:$0xABA0]  }
0x2d5: {  	v59 =	vmul.f32 v54, v22;
	v36 =	vadd.f32 v57, v36  }
0x2d6: {  	v60 =	vld [tilespmem:$0xB820]  }
0x2d7: {  	v61 =	vmul.f32 v56, v26;
	v36 =	vadd.f32 v59, v36  }
0x2d8: {  	v62 =	vld [tilespmem:$0xB8A0]  }
0x2d9: {  	v63 =	vmul.f32 v58, v27;
	v36 =	vadd.f32 v61, v36  }
0x2da: {  	v44 =	vld [tilespmem:$0xB920]  }
0x2db: {  	v45 =	vmul.f32 v60, v28;
	v36 =	vadd.f32 v63, v36  }
0x2dc: {  	v46 =	vld [tilespmem:$0xB9A0]  }
0x2dd: {  	v47 =	vmul.f32 v62, v29;
	v36 =	vadd.f32 v45, v36  }
0x2de: {  	v48 =	vld [tilespmem:$0xBA20]  }
0x2df: {  	v49 =	vmul.f32 v44, v30;
	v36 =	vadd.f32 v47, v36  }
0x2e0: {  	v50 =	vld [tilespmem:$0xBAA0]  }
0x2e1: {  	v51 =	vmul.f32 v46, v31;
	v36 =	vadd.f32 v49, v36  }
0x2e2: {  	v52 =	vld [tilespmem:$0xBB20]  }
0x2e3: {  	v53 =	vmul.f32 v48, v32;
	v36 =	vadd.f32 v51, v36  }
0x2e4: {  	v54 =	vld [tilespmem:$0xBBA0]  }
0x2e5: {  	v55 =	vmul.f32 v50, v33;
	v36 =	vadd.f32 v53, v36;
	_ =	sdelay $0x1  }
0x2e6: {  	v56 =	vmul.f32 v52, v34;
	v36 =	vadd.f32 v55, v36  }
0x2e7: {  	v57 =	vld [tilespmem:s24+$0x2820]  }
0x2e8: {  	v58 =	vmul.f32 v54, v35;
	v36 =	vadd.f32 v56, v36;
	_ =	sdelay $0x1  }
0x2e9: {  	v36 =	vadd.f32 v58, v36;
	_ =	sdelay $0x1  }
0x2ea: {  	v59 =	vmul.f32 v57, v18;
	v36 =	vmul.f32 v36, v19;
	_ =	sdelay $0x1  }
0x2eb: {  	v36 =	vadd.f32 v36, v59;
	_ =	sdelay $0x1  }
0x2ec: {  	[tilespmem:s24+$0x6820] =	vst v36  }
0x2ed: {  	v36 =	vld [tilespmem:$0xA830]  }
0x2ee: {  	v60 =	vld [tilespmem:$0xA8B0];
	_ =	sdelay $0x1  }
0x2ef: {  	v61 =	vld [tilespmem:$0xA930];
	_ =	sdelay $0x1  }
0x2f0: {  	v62 =	vld [tilespmem:$0xA9B0]  }
0x2f1: {  	v36 =	vmul.f32 v36, v23;
	v37 =	vmul.f32 v60, v24  }
0x2f2: {  	v63 =	vld [tilespmem:$0xAA30]  }
0x2f3: {  	v44 =	vmul.f32 v61, v25;
	v36 =	vadd.f32 v37, v36  }
0x2f4: {  	v45 =	vld [tilespmem:$0xAAB0]  }
0x2f5: {  	v46 =	vmul.f32 v62, v21;
	v36 =	vadd.f32 v44, v36  }
0x2f6: {  	v47 =	vld [tilespmem:$0xAB30]  }
0x2f7: {  	v48 =	vmul.f32 v63, v20;
	v36 =	vadd.f32 v46, v36  }
0x2f8: {  	v49 =	vld [tilespmem:$0xABB0]  }
0x2f9: {  	v50 =	vmul.f32 v45, v22;
	v36 =	vadd.f32 v48, v36  }
0x2fa: {  	v51 =	vld [tilespmem:$0xB830]  }
0x2fb: {  	v52 =	vmul.f32 v47, v26;
	v36 =	vadd.f32 v50, v36  }
0x2fc: {  	v53 =	vld [tilespmem:$0xB8B0]  }
0x2fd: {  	v54 =	vmul.f32 v49, v27;
	v36 =	vadd.f32 v52, v36  }
0x2fe: {  	v55 =	vld [tilespmem:$0xB930]  }
0x2ff: {  	v56 =	vmul.f32 v51, v28;
	v36 =	vadd.f32 v54, v36  }
0x300: {  	v57 =	vld [tilespmem:$0xB9B0]  }
0x301: {  	v58 =	vmul.f32 v53, v29;
	v36 =	vadd.f32 v56, v36  }
0x302: {  	v59 =	vld [tilespmem:$0xBA30]  }
0x303: {  	v60 =	vmul.f32 v55, v30;
	v36 =	vadd.f32 v58, v36  }
0x304: {  	v61 =	vld [tilespmem:$0xBAB0]  }
0x305: {  	v62 =	vmul.f32 v57, v31;
	v36 =	vadd.f32 v60, v36  }
0x306: {  	v63 =	vld [tilespmem:$0xBB30]  }
0x307: {  	v42 =	vmul.f32 v59, v32;
	v36 =	vadd.f32 v62, v36  }
0x308: {  	v43 =	vld [tilespmem:$0xBBB0]  }
0x309: {  	v44 =	vmul.f32 v61, v33;
	v36 =	vadd.f32 v42, v36;
	_ =	sdelay $0x1  }
0x30a: {  	v45 =	vmul.f32 v63, v34;
	v36 =	vadd.f32 v44, v36  }
0x30b: {  	v46 =	vld [tilespmem:s24+$0x2830]  }
0x30c: {  	v47 =	vmul.f32 v43, v35;
	v36 =	vadd.f32 v45, v36;
	_ =	sdelay $0x1  }
0x30d: {  	v36 =	vadd.f32 v47, v36;
	_ =	sdelay $0x1  }
0x30e: {  	v48 =	vmul.f32 v46, v18;
	v36 =	vmul.f32 v36, v19;
	_ =	sdelay $0x1  }
0x30f: {  	v36 =	vadd.f32 v36, v48;
	_ =	sdelay $0x1  }
0x310: {  	[tilespmem:s24+$0x6830] =	vst v36  }
0x311: {  	v36 =	vld [tilespmem:$0xA840]  }
0x312: {  	v49 =	vld [tilespmem:$0xA8C0];
	_ =	sdelay $0x1  }
0x313: {  	v50 =	vld [tilespmem:$0xA940];
	_ =	sdelay $0x1  }
0x314: {  	v51 =	vld [tilespmem:$0xA9C0]  }
0x315: {  	v36 =	vmul.f32 v36, v23;
	v37 =	vmul.f32 v49, v24  }
0x316: {  	v52 =	vld [tilespmem:$0xAA40]  }
0x317: {  	v53 =	vmul.f32 v50, v25;
	v36 =	vadd.f32 v37, v36  }
0x318: {  	v54 =	vld [tilespmem:$0xAAC0]  }
0x319: {  	v55 =	vmul.f32 v51, v21;
	v36 =	vadd.f32 v53, v36  }
0x31a: {  	v56 =	vld [tilespmem:$0xAB40]  }
0x31b: {  	v57 =	vmul.f32 v52, v20;
	v36 =	vadd.f32 v55, v36  }
0x31c: {  	v58 =	vld [tilespmem:$0xABC0]  }
0x31d: {  	v59 =	vmul.f32 v54, v22;
	v36 =	vadd.f32 v57, v36  }
0x31e: {  	v60 =	vld [tilespmem:$0xB840]  }
0x31f: {  	v61 =	vmul.f32 v56, v26;
	v36 =	vadd.f32 v59, v36  }
0x320: {  	v62 =	vld [tilespmem:$0xB8C0]  }
0x321: {  	v63 =	vmul.f32 v58, v27;
	v36 =	vadd.f32 v61, v36  }
0x322: {  	v44 =	vld [tilespmem:$0xB940]  }
0x323: {  	v45 =	vmul.f32 v60, v28;
	v36 =	vadd.f32 v63, v36  }
0x324: {  	v46 =	vld [tilespmem:$0xB9C0]  }
0x325: {  	v47 =	vmul.f32 v62, v29;
	v36 =	vadd.f32 v45, v36  }
0x326: {  	v48 =	vld [tilespmem:$0xBA40]  }
0x327: {  	v49 =	vmul.f32 v44, v30;
	v36 =	vadd.f32 v47, v36  }
0x328: {  	v50 =	vld [tilespmem:$0xBAC0]  }
0x329: {  	v51 =	vmul.f32 v46, v31;
	v36 =	vadd.f32 v49, v36  }
0x32a: {  	v52 =	vld [tilespmem:$0xBB40]  }
0x32b: {  	v53 =	vmul.f32 v48, v32;
	v36 =	vadd.f32 v51, v36  }
0x32c: {  	v54 =	vld [tilespmem:$0xBBC0]  }
0x32d: {  	v55 =	vmul.f32 v50, v33;
	v36 =	vadd.f32 v53, v36;
	_ =	sdelay $0x1  }
0x32e: {  	v56 =	vmul.f32 v52, v34;
	v36 =	vadd.f32 v55, v36  }
0x32f: {  	v57 =	vld [tilespmem:s24+$0x2840]  }
0x330: {  	v58 =	vmul.f32 v54, v35;
	v36 =	vadd.f32 v56, v36;
	_ =	sdelay $0x1  }
0x331: {  	v36 =	vadd.f32 v58, v36;
	_ =	sdelay $0x1  }
0x332: {  	v59 =	vmul.f32 v57, v18;
	v36 =	vmul.f32 v36, v19;
	_ =	sdelay $0x1  }
0x333: {  	v36 =	vadd.f32 v36, v59;
	_ =	sdelay $0x1  }
0x334: {  	[tilespmem:s24+$0x6840] =	vst v36  }
0x335: {  	v36 =	vld [tilespmem:$0xA850]  }
0x336: {  	v60 =	vld [tilespmem:$0xA8D0];
	_ =	sdelay $0x1  }
0x337: {  	v61 =	vld [tilespmem:$0xA950];
	_ =	sdelay $0x1  }
0x338: {  	v62 =	vld [tilespmem:$0xA9D0]  }
0x339: {  	v36 =	vmul.f32 v36, v23;
	v37 =	vmul.f32 v60, v24  }
0x33a: {  	v63 =	vld [tilespmem:$0xAA50]  }
0x33b: {  	v44 =	vmul.f32 v61, v25;
	v36 =	vadd.f32 v37, v36  }
0x33c: {  	v45 =	vld [tilespmem:$0xAAD0]  }
0x33d: {  	v46 =	vmul.f32 v62, v21;
	v36 =	vadd.f32 v44, v36  }
0x33e: {  	v47 =	vld [tilespmem:$0xAB50]  }
0x33f: {  	v48 =	vmul.f32 v63, v20;
	v36 =	vadd.f32 v46, v36  }
0x340: {  	v49 =	vld [tilespmem:$0xABD0]  }
0x341: {  	v50 =	vmul.f32 v45, v22;
	v36 =	vadd.f32 v48, v36  }
0x342: {  	v51 =	vld [tilespmem:$0xB850]  }
0x343: {  	v52 =	vmul.f32 v47, v26;
	v36 =	vadd.f32 v50, v36  }
0x344: {  	v53 =	vld [tilespmem:$0xB8D0]  }
0x345: {  	v54 =	vmul.f32 v49, v27;
	v36 =	vadd.f32 v52, v36  }
0x346: {  	v55 =	vld [tilespmem:$0xB950]  }
0x347: {  	v56 =	vmul.f32 v51, v28;
	v36 =	vadd.f32 v54, v36  }
0x348: {  	v57 =	vld [tilespmem:$0xB9D0]  }
0x349: {  	v58 =	vmul.f32 v53, v29;
	v36 =	vadd.f32 v56, v36  }
0x34a: {  	v59 =	vld [tilespmem:$0xBA50]  }
0x34b: {  	v60 =	vmul.f32 v55, v30;
	v36 =	vadd.f32 v58, v36  }
0x34c: {  	v61 =	vld [tilespmem:$0xBAD0]  }
0x34d: {  	v62 =	vmul.f32 v57, v31;
	v36 =	vadd.f32 v60, v36  }
0x34e: {  	v63 =	vld [tilespmem:$0xBB50]  }
0x34f: {  	v42 =	vmul.f32 v59, v32;
	v36 =	vadd.f32 v62, v36  }
0x350: {  	v43 =	vld [tilespmem:$0xBBD0]  }
0x351: {  	v44 =	vmul.f32 v61, v33;
	v36 =	vadd.f32 v42, v36;
	_ =	sdelay $0x1  }
0x352: {  	v45 =	vmul.f32 v63, v34;
	v36 =	vadd.f32 v44, v36  }
0x353: {  	v46 =	vld [tilespmem:s24+$0x2850]  }
0x354: {  	v47 =	vmul.f32 v43, v35;
	v36 =	vadd.f32 v45, v36;
	_ =	sdelay $0x1  }
0x355: {  	v36 =	vadd.f32 v47, v36;
	_ =	sdelay $0x1  }
0x356: {  	v48 =	vmul.f32 v46, v18;
	v36 =	vmul.f32 v36, v19;
	_ =	sdelay $0x1  }
0x357: {  	v36 =	vadd.f32 v36, v48;
	_ =	sdelay $0x1  }
0x358: {  	[tilespmem:s24+$0x6850] =	vst v36  }
0x359: {  	v36 =	vld [tilespmem:$0xA860]  }
0x35a: {  	v49 =	vld [tilespmem:$0xA8E0];
	_ =	sdelay $0x1  }
0x35b: {  	v50 =	vld [tilespmem:$0xA960];
	_ =	sdelay $0x1  }
0x35c: {  	v51 =	vld [tilespmem:$0xA9E0]  }
0x35d: {  	v36 =	vmul.f32 v36, v23;
	v37 =	vmul.f32 v49, v24  }
0x35e: {  	v52 =	vld [tilespmem:$0xAA60]  }
0x35f: {  	v53 =	vmul.f32 v50, v25;
	v36 =	vadd.f32 v37, v36  }
0x360: {  	v54 =	vld [tilespmem:$0xAAE0]  }
0x361: {  	v55 =	vmul.f32 v51, v21;
	v36 =	vadd.f32 v53, v36  }
0x362: {  	v56 =	vld [tilespmem:$0xAB60]  }
0x363: {  	v57 =	vmul.f32 v52, v20;
	v36 =	vadd.f32 v55, v36  }
0x364: {  	v58 =	vld [tilespmem:$0xABE0]  }
0x365: {  	v59 =	vmul.f32 v54, v22;
	v36 =	vadd.f32 v57, v36  }
0x366: {  	v60 =	vld [tilespmem:$0xB860]  }
0x367: {  	v61 =	vmul.f32 v56, v26;
	v36 =	vadd.f32 v59, v36  }
0x368: {  	v62 =	vld [tilespmem:$0xB8E0]  }
0x369: {  	v63 =	vmul.f32 v58, v27;
	v36 =	vadd.f32 v61, v36  }
0x36a: {  	v44 =	vld [tilespmem:$0xB960]  }
0x36b: {  	v45 =	vmul.f32 v60, v28;
	v36 =	vadd.f32 v63, v36  }
0x36c: {  	v46 =	vld [tilespmem:$0xB9E0]  }
0x36d: {  	v47 =	vmul.f32 v62, v29;
	v36 =	vadd.f32 v45, v36  }
0x36e: {  	v48 =	vld [tilespmem:$0xBA60]  }
0x36f: {  	v49 =	vmul.f32 v44, v30;
	v36 =	vadd.f32 v47, v36  }
0x370: {  	v50 =	vld [tilespmem:$0xBAE0]  }
0x371: {  	v51 =	vmul.f32 v46, v31;
	v36 =	vadd.f32 v49, v36  }
0x372: {  	v52 =	vld [tilespmem:$0xBB60]  }
0x373: {  	v53 =	vmul.f32 v48, v32;
	v36 =	vadd.f32 v51, v36  }
0x374: {  	v54 =	vld [tilespmem:$0xBBE0]  }
0x375: {  	v55 =	vmul.f32 v50, v33;
	v36 =	vadd.f32 v53, v36;
	_ =	sdelay $0x1  }
0x376: {  	v56 =	vmul.f32 v52, v34;
	v36 =	vadd.f32 v55, v36  }
0x377: {  	v57 =	vld [tilespmem:s24+$0x2860]  }
0x378: {  	v58 =	vmul.f32 v54, v35;
	v36 =	vadd.f32 v56, v36;
	_ =	sdelay $0x1  }
0x379: {  	v36 =	vadd.f32 v58, v36;
	_ =	sdelay $0x1  }
0x37a: {  	v59 =	vmul.f32 v57, v18;
	v36 =	vmul.f32 v36, v19;
	_ =	sdelay $0x1  }
0x37b: {  	v36 =	vadd.f32 v36, v59;
	_ =	sdelay $0x1  }
0x37c: {  	[tilespmem:s24+$0x6860] =	vst v36  }
0x37d: {  	v36 =	vld [tilespmem:$0xA870]  }
0x37e: {  	v60 =	vld [tilespmem:$0xA8F0];
	_ =	sdelay $0x1  }
0x37f: {  	v61 =	vld [tilespmem:$0xA970];
	_ =	sdelay $0x1  }
0x380: {  	v62 =	vld [tilespmem:$0xA9F0]  }
0x381: {  	v36 =	vmul.f32 v36, v23;
	v37 =	vmul.f32 v60, v24  }
0x382: {  	v63 =	vld [tilespmem:$0xAA70]  }
0x383: {  	v44 =	vmul.f32 v61, v25;
	v36 =	vadd.f32 v37, v36  }
0x384: {  	v45 =	vld [tilespmem:$0xAAF0]  }
0x385: {  	v46 =	vmul.f32 v62, v21;
	v36 =	vadd.f32 v44, v36  }
0x386: {  	v47 =	vld [tilespmem:$0xAB70]  }
0x387: {  	v48 =	vmul.f32 v63, v20;
	v36 =	vadd.f32 v46, v36  }
0x388: {  	v49 =	vld [tilespmem:$0xABF0]  }
0x389: {  	v50 =	vmul.f32 v45, v22;
	v36 =	vadd.f32 v48, v36  }
0x38a: {  	v51 =	vld [tilespmem:$0xB870]  }
0x38b: {  	v52 =	vmul.f32 v47, v26;
	v36 =	vadd.f32 v50, v36  }
0x38c: {  	v53 =	vld [tilespmem:$0xB8F0]  }
0x38d: {  	v54 =	vmul.f32 v49, v27;
	v36 =	vadd.f32 v52, v36  }
0x38e: {  	v55 =	vld [tilespmem:$0xB970]  }
0x38f: {  	v56 =	vmul.f32 v51, v28;
	v36 =	vadd.f32 v54, v36  }
0x390: {  	v57 =	vld [tilespmem:$0xB9F0]  }
0x391: {  	v58 =	vmul.f32 v53, v29;
	v36 =	vadd.f32 v56, v36  }
0x392: {  	v59 =	vld [tilespmem:$0xBA70]  }
0x393: {  	v60 =	vmul.f32 v55, v30;
	v36 =	vadd.f32 v58, v36  }
0x394: {  	v61 =	vld [tilespmem:$0xBAF0]  }
0x395: {  	v62 =	vmul.f32 v57, v31;
	v36 =	vadd.f32 v60, v36  }
0x396: {  	v63 =	vld [tilespmem:$0xBB70]  }
0x397: {  	v42 =	vmul.f32 v59, v32;
	v36 =	vadd.f32 v62, v36  }
0x398: {  	v43 =	vld [tilespmem:$0xBBF0]  }
0x399: {  	v44 =	vmul.f32 v61, v33;
	v36 =	vadd.f32 v42, v36;
	_ =	sdelay $0x1  }
0x39a: {  	v45 =	vmul.f32 v63, v34;
	v36 =	vadd.f32 v44, v36  }
0x39b: {  	v46 =	vld [tilespmem:s24+$0x2870]  }
0x39c: {  	v47 =	vmul.f32 v43, v35;
	v36 =	vadd.f32 v45, v36;
	_ =	sdelay $0x1  }
0x39d: {  	v36 =	vadd.f32 v47, v36;
	_ =	sdelay $0x1  }
0x39e: {  	v48 =	vmul.f32 v46, v18;
	v36 =	vmul.f32 v36, v19;
	_ =	sdelay $0x1  }
0x39f: {  	v36 =	vadd.f32 v36, v48;
	_ =	sdelay $0x1  }
0x3a0: {  	[tilespmem:s24+$0x6870] =	vst v36  }
0x3a1: {  	v36 =	vld [tilespmem:$0xAC00]  }
0x3a2: {  	v49 =	vld [tilespmem:$0xAC80];
	_ =	sdelay $0x1  }
0x3a3: {  	v50 =	vld [tilespmem:$0xAD00];
	_ =	sdelay $0x1  }
0x3a4: {  	v51 =	vld [tilespmem:$0xAD80]  }
0x3a5: {  	v36 =	vmul.f32 v36, v23;
	v37 =	vmul.f32 v49, v24  }
0x3a6: {  	v52 =	vld [tilespmem:$0xAE00]  }
0x3a7: {  	v53 =	vmul.f32 v50, v25;
	v36 =	vadd.f32 v37, v36  }
0x3a8: {  	v54 =	vld [tilespmem:$0xAE80]  }
0x3a9: {  	v55 =	vmul.f32 v51, v21;
	v36 =	vadd.f32 v53, v36  }
0x3aa: {  	v56 =	vld [tilespmem:$0xAF00]  }
0x3ab: {  	v57 =	vmul.f32 v52, v20;
	v36 =	vadd.f32 v55, v36  }
0x3ac: {  	v58 =	vld [tilespmem:$0xAF80]  }
0x3ad: {  	v59 =	vmul.f32 v54, v22;
	v36 =	vadd.f32 v57, v36  }
0x3ae: {  	v60 =	vld [tilespmem:$0xBC00]  }
0x3af: {  	v61 =	vmul.f32 v56, v26;
	v36 =	vadd.f32 v59, v36  }
0x3b0: {  	v62 =	vld [tilespmem:$0xBC80]  }
0x3b1: {  	v63 =	vmul.f32 v58, v27;
	v36 =	vadd.f32 v61, v36  }
0x3b2: {  	v44 =	vld [tilespmem:$0xBD00]  }
0x3b3: {  	v45 =	vmul.f32 v60, v28;
	v36 =	vadd.f32 v63, v36  }
0x3b4: {  	v46 =	vld [tilespmem:$0xBD80]  }
0x3b5: {  	v47 =	vmul.f32 v62, v29;
	v36 =	vadd.f32 v45, v36  }
0x3b6: {  	v48 =	vld [tilespmem:$0xBE00]  }
0x3b7: {  	v49 =	vmul.f32 v44, v30;
	v36 =	vadd.f32 v47, v36  }
0x3b8: {  	v50 =	vld [tilespmem:$0xBE80]  }
0x3b9: {  	v51 =	vmul.f32 v46, v31;
	v36 =	vadd.f32 v49, v36  }
0x3ba: {  	v52 =	vld [tilespmem:$0xBF00]  }
0x3bb: {  	v53 =	vmul.f32 v48, v32;
	v36 =	vadd.f32 v51, v36  }
0x3bc: {  	v54 =	vld [tilespmem:$0xBF80]  }
0x3bd: {  	v55 =	vmul.f32 v50, v33;
	v36 =	vadd.f32 v53, v36;
	_ =	sdelay $0x1  }
0x3be: {  	v56 =	vmul.f32 v52, v34;
	v36 =	vadd.f32 v55, v36  }
0x3bf: {  	v57 =	vld [tilespmem:s24+$0x2C00]  }
0x3c0: {  	v58 =	vmul.f32 v54, v35;
	v36 =	vadd.f32 v56, v36;
	_ =	sdelay $0x1  }
0x3c1: {  	v36 =	vadd.f32 v58, v36;
	_ =	sdelay $0x1  }
0x3c2: {  	v59 =	vmul.f32 v57, v18;
	v36 =	vmul.f32 v36, v19;
	_ =	sdelay $0x1  }
0x3c3: {  	v36 =	vadd.f32 v36, v59;
	_ =	sdelay $0x1  }
0x3c4: {  	[tilespmem:s24+$0x6C00] =	vst v36  }
0x3c5: {  	v36 =	vld [tilespmem:$0xAC10]  }
0x3c6: {  	v60 =	vld [tilespmem:$0xAC90];
	_ =	sdelay $0x1  }
0x3c7: {  	v61 =	vld [tilespmem:$0xAD10];
	_ =	sdelay $0x1  }
0x3c8: {  	v62 =	vld [tilespmem:$0xAD90]  }
0x3c9: {  	v36 =	vmul.f32 v36, v23;
	v37 =	vmul.f32 v60, v24  }
0x3ca: {  	v63 =	vld [tilespmem:$0xAE10]  }
0x3cb: {  	v44 =	vmul.f32 v61, v25;
	v36 =	vadd.f32 v37, v36  }
0x3cc: {  	v45 =	vld [tilespmem:$0xAE90]  }
0x3cd: {  	v46 =	vmul.f32 v62, v21;
	v36 =	vadd.f32 v44, v36  }
0x3ce: {  	v47 =	vld [tilespmem:$0xAF10]  }
0x3cf: {  	v48 =	vmul.f32 v63, v20;
	v36 =	vadd.f32 v46, v36  }
0x3d0: {  	v49 =	vld [tilespmem:$0xAF90]  }
0x3d1: {  	v50 =	vmul.f32 v45, v22;
	v36 =	vadd.f32 v48, v36  }
0x3d2: {  	v51 =	vld [tilespmem:$0xBC10]  }
0x3d3: {  	v52 =	vmul.f32 v47, v26;
	v36 =	vadd.f32 v50, v36  }
0x3d4: {  	v53 =	vld [tilespmem:$0xBC90]  }
0x3d5: {  	v54 =	vmul.f32 v49, v27;
	v36 =	vadd.f32 v52, v36  }
0x3d6: {  	v55 =	vld [tilespmem:$0xBD10]  }
0x3d7: {  	v56 =	vmul.f32 v51, v28;
	v36 =	vadd.f32 v54, v36  }
0x3d8: {  	v57 =	vld [tilespmem:$0xBD90]  }
0x3d9: {  	v58 =	vmul.f32 v53, v29;
	v36 =	vadd.f32 v56, v36  }
0x3da: {  	v59 =	vld [tilespmem:$0xBE10]  }
0x3db: {  	v60 =	vmul.f32 v55, v30;
	v36 =	vadd.f32 v58, v36  }
0x3dc: {  	v61 =	vld [tilespmem:$0xBE90]  }
0x3dd: {  	v62 =	vmul.f32 v57, v31;
	v36 =	vadd.f32 v60, v36  }
0x3de: {  	v63 =	vld [tilespmem:$0xBF10]  }
0x3df: {  	v42 =	vmul.f32 v59, v32;
	v36 =	vadd.f32 v62, v36  }
0x3e0: {  	v43 =	vld [tilespmem:$0xBF90]  }
0x3e1: {  	v44 =	vmul.f32 v61, v33;
	v36 =	vadd.f32 v42, v36;
	_ =	sdelay $0x1  }
0x3e2: {  	v45 =	vmul.f32 v63, v34;
	v36 =	vadd.f32 v44, v36  }
0x3e3: {  	v46 =	vld [tilespmem:s24+$0x2C10]  }
0x3e4: {  	v47 =	vmul.f32 v43, v35;
	v36 =	vadd.f32 v45, v36;
	_ =	sdelay $0x1  }
0x3e5: {  	v36 =	vadd.f32 v47, v36;
	_ =	sdelay $0x1  }
0x3e6: {  	v48 =	vmul.f32 v46, v18;
	v36 =	vmul.f32 v36, v19;
	_ =	sdelay $0x1  }
0x3e7: {  	v36 =	vadd.f32 v36, v48;
	_ =	sdelay $0x1  }
0x3e8: {  	[tilespmem:s24+$0x6C10] =	vst v36  }
0x3e9: {  	v36 =	vld [tilespmem:$0xAC20]  }
0x3ea: {  	v49 =	vld [tilespmem:$0xACA0];
	_ =	sdelay $0x1  }
0x3eb: {  	v50 =	vld [tilespmem:$0xAD20];
	_ =	sdelay $0x1  }
0x3ec: {  	v51 =	vld [tilespmem:$0xADA0]  }
0x3ed: {  	v36 =	vmul.f32 v36, v23;
	v37 =	vmul.f32 v49, v24  }
0x3ee: {  	v52 =	vld [tilespmem:$0xAE20]  }
0x3ef: {  	v53 =	vmul.f32 v50, v25;
	v36 =	vadd.f32 v37, v36  }
0x3f0: {  	v54 =	vld [tilespmem:$0xAEA0]  }
0x3f1: {  	v55 =	vmul.f32 v51, v21;
	v36 =	vadd.f32 v53, v36  }
0x3f2: {  	v56 =	vld [tilespmem:$0xAF20]  }
0x3f3: {  	v57 =	vmul.f32 v52, v20;
	v36 =	vadd.f32 v55, v36  }
0x3f4: {  	v58 =	vld [tilespmem:$0xAFA0]  }
0x3f5: {  	v59 =	vmul.f32 v54, v22;
	v36 =	vadd.f32 v57, v36  }
0x3f6: {  	v60 =	vld [tilespmem:$0xBC20]  }
0x3f7: {  	v61 =	vmul.f32 v56, v26;
	v36 =	vadd.f32 v59, v36  }
0x3f8: {  	v62 =	vld [tilespmem:$0xBCA0]  }
0x3f9: {  	v63 =	vmul.f32 v58, v27;
	v36 =	vadd.f32 v61, v36  }
0x3fa: {  	v44 =	vld [tilespmem:$0xBD20]  }
0x3fb: {  	v45 =	vmul.f32 v60, v28;
	v36 =	vadd.f32 v63, v36  }
0x3fc: {  	v46 =	vld [tilespmem:$0xBDA0]  }
0x3fd: {  	v47 =	vmul.f32 v62, v29;
	v36 =	vadd.f32 v45, v36  }
0x3fe: {  	v48 =	vld [tilespmem:$0xBE20]  }
0x3ff: {  	v49 =	vmul.f32 v44, v30;
	v36 =	vadd.f32 v47, v36  }
0x400: {  	v50 =	vld [tilespmem:$0xBEA0]  }
0x401: {  	v51 =	vmul.f32 v46, v31;
	v36 =	vadd.f32 v49, v36  }
0x402: {  	v52 =	vld [tilespmem:$0xBF20]  }
0x403: {  	v53 =	vmul.f32 v48, v32;
	v36 =	vadd.f32 v51, v36  }
0x404: {  	v54 =	vld [tilespmem:$0xBFA0]  }
0x405: {  	v55 =	vmul.f32 v50, v33;
	v36 =	vadd.f32 v53, v36;
	_ =	sdelay $0x1  }
0x406: {  	v56 =	vmul.f32 v52, v34;
	v36 =	vadd.f32 v55, v36  }
0x407: {  	v57 =	vld [tilespmem:s24+$0x2C20]  }
0x408: {  	v58 =	vmul.f32 v54, v35;
	v36 =	vadd.f32 v56, v36;
	_ =	sdelay $0x1  }
0x409: {  	v36 =	vadd.f32 v58, v36;
	_ =	sdelay $0x1  }
0x40a: {  	v59 =	vmul.f32 v57, v18;
	v36 =	vmul.f32 v36, v19;
	_ =	sdelay $0x1  }
0x40b: {  	v36 =	vadd.f32 v36, v59;
	_ =	sdelay $0x1  }
0x40c: {  	[tilespmem:s24+$0x6C20] =	vst v36  }
0x40d: {  	v36 =	vld [tilespmem:$0xAC30]  }
0x40e: {  	v60 =	vld [tilespmem:$0xACB0];
	_ =	sdelay $0x1  }
0x40f: {  	v61 =	vld [tilespmem:$0xAD30];
	_ =	sdelay $0x1  }
0x410: {  	v62 =	vld [tilespmem:$0xADB0]  }
0x411: {  	v36 =	vmul.f32 v36, v23;
	v37 =	vmul.f32 v60, v24  }
0x412: {  	v63 =	vld [tilespmem:$0xAE30]  }
0x413: {  	v44 =	vmul.f32 v61, v25;
	v36 =	vadd.f32 v37, v36  }
0x414: {  	v45 =	vld [tilespmem:$0xAEB0]  }
0x415: {  	v46 =	vmul.f32 v62, v21;
	v36 =	vadd.f32 v44, v36  }
0x416: {  	v47 =	vld [tilespmem:$0xAF30]  }
0x417: {  	v48 =	vmul.f32 v63, v20;
	v36 =	vadd.f32 v46, v36  }
0x418: {  	v49 =	vld [tilespmem:$0xAFB0]  }
0x419: {  	v50 =	vmul.f32 v45, v22;
	v36 =	vadd.f32 v48, v36  }
0x41a: {  	v51 =	vld [tilespmem:$0xBC30]  }
0x41b: {  	v52 =	vmul.f32 v47, v26;
	v36 =	vadd.f32 v50, v36  }
0x41c: {  	v53 =	vld [tilespmem:$0xBCB0]  }
0x41d: {  	v54 =	vmul.f32 v49, v27;
	v36 =	vadd.f32 v52, v36  }
0x41e: {  	v55 =	vld [tilespmem:$0xBD30]  }
0x41f: {  	v56 =	vmul.f32 v51, v28;
	v36 =	vadd.f32 v54, v36  }
0x420: {  	v57 =	vld [tilespmem:$0xBDB0]  }
0x421: {  	v58 =	vmul.f32 v53, v29;
	v36 =	vadd.f32 v56, v36  }
0x422: {  	v59 =	vld [tilespmem:$0xBE30]  }
0x423: {  	v60 =	vmul.f32 v55, v30;
	v36 =	vadd.f32 v58, v36  }
0x424: {  	v61 =	vld [tilespmem:$0xBEB0]  }
0x425: {  	v62 =	vmul.f32 v57, v31;
	v36 =	vadd.f32 v60, v36  }
0x426: {  	v63 =	vld [tilespmem:$0xBF30]  }
0x427: {  	v42 =	vmul.f32 v59, v32;
	v36 =	vadd.f32 v62, v36  }
0x428: {  	v43 =	vld [tilespmem:$0xBFB0]  }
0x429: {  	v44 =	vmul.f32 v61, v33;
	v36 =	vadd.f32 v42, v36;
	_ =	sdelay $0x1  }
0x42a: {  	v45 =	vmul.f32 v63, v34;
	v36 =	vadd.f32 v44, v36  }
0x42b: {  	v46 =	vld [tilespmem:s24+$0x2C30]  }
0x42c: {  	v47 =	vmul.f32 v43, v35;
	v36 =	vadd.f32 v45, v36;
	_ =	sdelay $0x1  }
0x42d: {  	v36 =	vadd.f32 v47, v36;
	_ =	sdelay $0x1  }
0x42e: {  	v48 =	vmul.f32 v46, v18;
	v36 =	vmul.f32 v36, v19;
	_ =	sdelay $0x1  }
0x42f: {  	v36 =	vadd.f32 v36, v48;
	_ =	sdelay $0x1  }
0x430: {  	[tilespmem:s24+$0x6C30] =	vst v36  }
0x431: {  	v36 =	vld [tilespmem:$0xAC40]  }
0x432: {  	v49 =	vld [tilespmem:$0xACC0];
	_ =	sdelay $0x1  }
0x433: {  	v50 =	vld [tilespmem:$0xAD40];
	_ =	sdelay $0x1  }
0x434: {  	v51 =	vld [tilespmem:$0xADC0]  }
0x435: {  	v36 =	vmul.f32 v36, v23;
	v37 =	vmul.f32 v49, v24  }
0x436: {  	v52 =	vld [tilespmem:$0xAE40]  }
0x437: {  	v53 =	vmul.f32 v50, v25;
	v36 =	vadd.f32 v37, v36  }
0x438: {  	v54 =	vld [tilespmem:$0xAEC0]  }
0x439: {  	v55 =	vmul.f32 v51, v21;
	v36 =	vadd.f32 v53, v36  }
0x43a: {  	v56 =	vld [tilespmem:$0xAF40]  }
0x43b: {  	v57 =	vmul.f32 v52, v20;
	v36 =	vadd.f32 v55, v36  }
0x43c: {  	v58 =	vld [tilespmem:$0xAFC0]  }
0x43d: {  	v59 =	vmul.f32 v54, v22;
	v36 =	vadd.f32 v57, v36  }
0x43e: {  	v60 =	vld [tilespmem:$0xBC40]  }
0x43f: {  	v61 =	vmul.f32 v56, v26;
	v36 =	vadd.f32 v59, v36  }
0x440: {  	v62 =	vld [tilespmem:$0xBCC0]  }
0x441: {  	v63 =	vmul.f32 v58, v27;
	v36 =	vadd.f32 v61, v36  }
0x442: {  	v44 =	vld [tilespmem:$0xBD40]  }
0x443: {  	v45 =	vmul.f32 v60, v28;
	v36 =	vadd.f32 v63, v36  }
0x444: {  	v46 =	vld [tilespmem:$0xBDC0]  }
0x445: {  	v47 =	vmul.f32 v62, v29;
	v36 =	vadd.f32 v45, v36  }
0x446: {  	v48 =	vld [tilespmem:$0xBE40]  }
0x447: {  	v49 =	vmul.f32 v44, v30;
	v36 =	vadd.f32 v47, v36  }
0x448: {  	v50 =	vld [tilespmem:$0xBEC0]  }
0x449: {  	v51 =	vmul.f32 v46, v31;
	v36 =	vadd.f32 v49, v36  }
0x44a: {  	v52 =	vld [tilespmem:$0xBF40]  }
0x44b: {  	v53 =	vmul.f32 v48, v32;
	v36 =	vadd.f32 v51, v36  }
0x44c: {  	v54 =	vld [tilespmem:$0xBFC0]  }
0x44d: {  	v55 =	vmul.f32 v50, v33;
	v36 =	vadd.f32 v53, v36;
	_ =	sdelay $0x1  }
0x44e: {  	v56 =	vmul.f32 v52, v34;
	v36 =	vadd.f32 v55, v36  }
0x44f: {  	v57 =	vld [tilespmem:s24+$0x2C40]  }
0x450: {  	v58 =	vmul.f32 v54, v35;
	v36 =	vadd.f32 v56, v36;
	_ =	sdelay $0x1  }
0x451: {  	v36 =	vadd.f32 v58, v36;
	_ =	sdelay $0x1  }
0x452: {  	v59 =	vmul.f32 v57, v18;
	v36 =	vmul.f32 v36, v19;
	_ =	sdelay $0x1  }
0x453: {  	v36 =	vadd.f32 v36, v59;
	_ =	sdelay $0x1  }
0x454: {  	[tilespmem:s24+$0x6C40] =	vst v36  }
0x455: {  	v36 =	vld [tilespmem:$0xAC50]  }
0x456: {  	v60 =	vld [tilespmem:$0xACD0];
	_ =	sdelay $0x1  }
0x457: {  	v61 =	vld [tilespmem:$0xAD50];
	_ =	sdelay $0x1  }
0x458: {  	v62 =	vld [tilespmem:$0xADD0]  }
0x459: {  	v36 =	vmul.f32 v36, v23;
	v37 =	vmul.f32 v60, v24  }
0x45a: {  	v63 =	vld [tilespmem:$0xAE50]  }
0x45b: {  	v44 =	vmul.f32 v61, v25;
	v36 =	vadd.f32 v37, v36  }
0x45c: {  	v45 =	vld [tilespmem:$0xAED0]  }
0x45d: {  	v46 =	vmul.f32 v62, v21;
	v36 =	vadd.f32 v44, v36  }
0x45e: {  	v47 =	vld [tilespmem:$0xAF50]  }
0x45f: {  	v48 =	vmul.f32 v63, v20;
	v36 =	vadd.f32 v46, v36  }
0x460: {  	v49 =	vld [tilespmem:$0xAFD0]  }
0x461: {  	v50 =	vmul.f32 v45, v22;
	v36 =	vadd.f32 v48, v36  }
0x462: {  	v51 =	vld [tilespmem:$0xBC50]  }
0x463: {  	v52 =	vmul.f32 v47, v26;
	v36 =	vadd.f32 v50, v36  }
0x464: {  	v53 =	vld [tilespmem:$0xBCD0]  }
0x465: {  	v54 =	vmul.f32 v49, v27;
	v36 =	vadd.f32 v52, v36  }
0x466: {  	v55 =	vld [tilespmem:$0xBD50]  }
0x467: {  	v56 =	vmul.f32 v51, v28;
	v36 =	vadd.f32 v54, v36  }
0x468: {  	v57 =	vld [tilespmem:$0xBDD0]  }
0x469: {  	v58 =	vmul.f32 v53, v29;
	v36 =	vadd.f32 v56, v36  }
0x46a: {  	v59 =	vld [tilespmem:$0xBE50]  }
0x46b: {  	v60 =	vmul.f32 v55, v30;
	v36 =	vadd.f32 v58, v36  }
0x46c: {  	v61 =	vld [tilespmem:$0xBED0]  }
0x46d: {  	v62 =	vmul.f32 v57, v31;
	v36 =	vadd.f32 v60, v36  }
0x46e: {  	v63 =	vld [tilespmem:$0xBF50]  }
0x46f: {  	v42 =	vmul.f32 v59, v32;
	v36 =	vadd.f32 v62, v36  }
0x470: {  	v43 =	vld [tilespmem:$0xBFD0]  }
0x471: {  	v44 =	vmul.f32 v61, v33;
	v36 =	vadd.f32 v42, v36;
	_ =	sdelay $0x1  }
0x472: {  	v45 =	vmul.f32 v63, v34;
	v36 =	vadd.f32 v44, v36  }
0x473: {  	v46 =	vld [tilespmem:s24+$0x2C50]  }
0x474: {  	v47 =	vmul.f32 v43, v35;
	v36 =	vadd.f32 v45, v36;
	_ =	sdelay $0x1  }
0x475: {  	v36 =	vadd.f32 v47, v36;
	_ =	sdelay $0x1  }
0x476: {  	v48 =	vmul.f32 v46, v18;
	v36 =	vmul.f32 v36, v19;
	_ =	sdelay $0x1  }
0x477: {  	v36 =	vadd.f32 v36, v48;
	_ =	sdelay $0x1  }
0x478: {  	[tilespmem:s24+$0x6C50] =	vst v36  }
0x479: {  	v36 =	vld [tilespmem:$0xAC60]  }
0x47a: {  	v49 =	vld [tilespmem:$0xACE0];
	_ =	sdelay $0x1  }
0x47b: {  	v50 =	vld [tilespmem:$0xAD60];
	_ =	sdelay $0x1  }
0x47c: {  	v51 =	vld [tilespmem:$0xADE0]  }
0x47d: {  	v36 =	vmul.f32 v36, v23;
	v37 =	vmul.f32 v49, v24  }
0x47e: {  	v52 =	vld [tilespmem:$0xAE60]  }
0x47f: {  	v53 =	vmul.f32 v50, v25;
	v36 =	vadd.f32 v37, v36  }
0x480: {  	v54 =	vld [tilespmem:$0xAEE0]  }
0x481: {  	v55 =	vmul.f32 v51, v21;
	v36 =	vadd.f32 v53, v36  }
0x482: {  	v56 =	vld [tilespmem:$0xAF60]  }
0x483: {  	v57 =	vmul.f32 v52, v20;
	v36 =	vadd.f32 v55, v36  }
0x484: {  	v58 =	vld [tilespmem:$0xAFE0]  }
0x485: {  	v59 =	vmul.f32 v54, v22;
	v36 =	vadd.f32 v57, v36  }
0x486: {  	v60 =	vld [tilespmem:$0xBC60]  }
0x487: {  	v61 =	vmul.f32 v56, v26;
	v36 =	vadd.f32 v59, v36  }
0x488: {  	v62 =	vld [tilespmem:$0xBCE0]  }
0x489: {  	v63 =	vmul.f32 v58, v27;
	v36 =	vadd.f32 v61, v36  }
0x48a: {  	v44 =	vld [tilespmem:$0xBD60]  }
0x48b: {  	v45 =	vmul.f32 v60, v28;
	v36 =	vadd.f32 v63, v36  }
0x48c: {  	v46 =	vld [tilespmem:$0xBDE0]  }
0x48d: {  	v47 =	vmul.f32 v62, v29;
	v36 =	vadd.f32 v45, v36  }
0x48e: {  	v48 =	vld [tilespmem:$0xBE60]  }
0x48f: {  	v49 =	vmul.f32 v44, v30;
	v36 =	vadd.f32 v47, v36  }
0x490: {  	v50 =	vld [tilespmem:$0xBEE0]  }
0x491: {  	v51 =	vmul.f32 v46, v31;
	v36 =	vadd.f32 v49, v36  }
0x492: {  	v52 =	vld [tilespmem:$0xBF60]  }
0x493: {  	v53 =	vmul.f32 v48, v32;
	v36 =	vadd.f32 v51, v36  }
0x494: {  	v54 =	vld [tilespmem:$0xBFE0]  }
0x495: {  	v55 =	vmul.f32 v50, v33;
	v36 =	vadd.f32 v53, v36;
	_ =	sdelay $0x1  }
0x496: {  	v56 =	vmul.f32 v52, v34;
	v36 =	vadd.f32 v55, v36  }
0x497: {  	v57 =	vld [tilespmem:s24+$0x2C60]  }
0x498: {  	v58 =	vmul.f32 v54, v35;
	v36 =	vadd.f32 v56, v36;
	_ =	sdelay $0x1  }
0x499: {  	v36 =	vadd.f32 v58, v36;
	_ =	sdelay $0x1  }
0x49a: {  	v59 =	vmul.f32 v57, v18;
	v36 =	vmul.f32 v36, v19;
	_ =	sdelay $0x1  }
0x49b: {  	v36 =	vadd.f32 v36, v59;
	_ =	sdelay $0x1  }
0x49c: {  	[tilespmem:s24+$0x6C60] =	vst v36  }
0x49d: {  	v36 =	vld [tilespmem:$0xAC70]  }
0x49e: {  	v60 =	vld [tilespmem:$0xACF0];
	_ =	sdelay $0x1  }
0x49f: {  	v61 =	vld [tilespmem:$0xAD70];
	_ =	sdelay $0x1  }
0x4a0: {  	v62 =	vld [tilespmem:$0xADF0]  }
0x4a1: {  	v23 =	vmul.f32 v36, v23;
	v24 =	vmul.f32 v60, v24  }
0x4a2: {  	v63 =	vld [tilespmem:$0xAE70]  }
0x4a3: {  	v38 =	vmul.f32 v61, v25;
	v23 =	vadd.f32 v24, v23  }
0x4a4: {  	v40 =	vld [tilespmem:$0xAEF0]  }
0x4a5: {  	v21 =	vmul.f32 v62, v21;
	v23 =	vadd.f32 v38, v23  }
0x4a6: {  	v41 =	vld [tilespmem:$0xAF70]  }
0x4a7: {  	v20 =	vmul.f32 v63, v20;
	v21 =	vadd.f32 v21, v23  }
0x4a8: {  	v42 =	vld [tilespmem:$0xAFF0]  }
0x4a9: {  	v43 =	vmul.f32 v40, v22;
	v20 =	vadd.f32 v20, v21  }
0x4aa: {  	v44 =	vld [tilespmem:$0xBC70]  }
0x4ab: {  	v45 =	vmul.f32 v41, v26;
	v20 =	vadd.f32 v43, v20  }
0x4ac: {  	v46 =	vld [tilespmem:$0xBCF0]  }
0x4ad: {  	v47 =	vmul.f32 v42, v27;
	v20 =	vadd.f32 v45, v20  }
0x4ae: {  	v48 =	vld [tilespmem:$0xBD70]  }
0x4af: {  	v49 =	vmul.f32 v44, v28;
	v20 =	vadd.f32 v47, v20  }
0x4b0: {  	v50 =	vld [tilespmem:$0xBDF0]  }
0x4b1: {  	v51 =	vmul.f32 v46, v29;
	v20 =	vadd.f32 v49, v20  }
0x4b2: {  	v52 =	vld [tilespmem:$0xBE70]  }
0x4b3: {  	v53 =	vmul.f32 v48, v30;
	v20 =	vadd.f32 v51, v20  }
0x4b4: {  	v54 =	vld [tilespmem:$0xBEF0]  }
0x4b5: {  	v55 =	vmul.f32 v50, v31;
	v20 =	vadd.f32 v53, v20  }
0x4b6: {  	v56 =	vld [tilespmem:$0xBF70]  }
0x4b7: {  	v57 =	vmul.f32 v52, v32;
	v20 =	vadd.f32 v55, v20  }
0x4b8: {  	v58 =	vld [tilespmem:$0xBFF0]  }
0x4b9: {  	v59 =	vmul.f32 v54, v33;
	v20 =	vadd.f32 v57, v20;
	_ =	sdelay $0x1  }
0x4ba: {  	v60 =	vmul.f32 v56, v34;
	v20 =	vadd.f32 v59, v20  }
0x4bb: {  	v61 =	vld [tilespmem:s24+$0x2C70]  }
0x4bc: {  	v62 =	vmul.f32 v58, v35;
	v20 =	vadd.f32 v60, v20;
	_ =	sdelay $0x1  }
0x4bd: {  	v20 =	vadd.f32 v62, v20  }
0x4be: {  	p0 =	sne.s32 s23, $0xF80  }
.Ltmp0:
0x4bf: {  	v63 =	vmul.f32 v61, v18;
	v20 =	vmul.f32 v20, v19;
	(pc) =	sbr.rel @p0 .LBB2_2-.Ltmp0, $3  }
0x4c0: {  	_ = 	snop  }
0x4c1: {  	v20 =	vadd.f32 v20, v63;
	_ =	sdelay $0x1  }
0x4c2: {  	s22 =	sadd.s32 $0x200, s22;
	s23 =	sadd.s32 $0x80, s23;
	[tilespmem:s24+$0x6C70] =	vst v20  }
0x4c3: {  	s21 =	sadd.s32 $0x1, s21  }
0x4c4: {  	p0 =	sne.s32 s21, s10  }
.Ltmp1:
0x4c5: {  	_ = 	snop;
	(pc) =	sbr.rel @p0 .LBB2_1-.Ltmp1, $4  }
0x4c6: {  	[hbm4b:s9+s3] =	stream.linear.scatter [tilespmem:s20], [sflag:$0x2], $0x4000, $0x38;
	[tilespmem:$0xC080] =	vst v63  }
0x4c7: {  	_ =	swait.ge [sflag:s11], $0x4000  }
0x4c8: {  	[sflag:s11] =	ssyncset.done $0x0  }
0x4c9: {  	[sflag:s11] =	ssyncadd.s32 $0xFFFFC000  }
0x4ca: {  	_ =	sfence.sel $0x180000  }
0x4cb: {  	[bflag:$0x0] =	sbarrier.arrive $0xFFFF  }
0x4cc: {  	p0 =	sne.s32 s2, $0x0;
	_ =	strace $0x90000047  }
0x4cd: {  	s0 =	sadd.s32 @!p0 $0x100000, s0;
	[bflag:$0x2] =	sbarrier.arrive $0xFFFF  }
0x4ce: {  	[sflag:s0] =	ssyncadd.tile.s32 @!p0 $0x1;
	_ =	shalt  }
.Lfunc_end2:
_tile_overlayer_lowered:
.L_overlay_start_2:
0x4cf: {  	(tag) =	ssettag $0x2  }
0x4d0: {  	s0 =	rddreg [dreg:$0x0];
	s2 =	stileid.u32  }
0x4d1: {  	s1 =	rddreg [dreg:$0x1];
	p0 =	sne.s32 s2, $0x0  }
0x4d2: {  	s3 =	rddreg [dreg:$0x2];
	[bflag:$0x3] =	sbarrier.arrive $0xFFFF;
	s2 =	simm.s32 @!p0 $0x1C02  }
0x4d3: {  	[timem:s3], [sflag:s2] =	dma.local @!p0 [hbm:s0], s1  }
0x4d4: {  	s0 =	simm.s32 @!p0 $0x2  }
0x4d5: {  	_ =	swait.ge @!p0 [sflag:s0], s1  }
0x4d6: {  	s1 =	ssub.s32 @!p0 $0x0, s1;
	[sflag:s0] =	ssyncset.done @!p0 $0x0  }
0x4d7: {  	[sflag:s0] =	ssyncadd.s32 @!p0 s1  }
0x4d8: {  	[bflag:$0x3] =	sbarrier.arrive $0xFFFF  }
0x4d9: {  	_ =	shalt  }

</sc_bundles>
